<compile_context>
chip_gen: v7x
topology: tpu7x:2x2x1
jax: 0.10.2.dev20260603
libtpu: 0.0.44.dev20260713+nightly
codegen_flags: <defaults>
</compile_context>

<pallas_src>
import jax
import jax.numpy as jnp
from jax import lax
from jax.experimental import pallas as pl
from jax.experimental.pallas import tpu as pltpu
from jax.experimental.pallas import tpu_sc as plsc

SEQ_LEN = 2048
OUT_DIM = 1024
BATCH = 4

NUM_CORES = 2
NUM_SUBCORES = 16
NUM_LANES = 16
NUM_WORKERS = NUM_CORES * NUM_SUBCORES
ROWS = BATCH * SEQ_LEN
SPAN = SEQ_LEN // NUM_WORKERS
CHUNK = 16
SUBWIN = SPAN // CHUNK
NCHUNK = BATCH * SUBWIN
NBUF = 3

_MESH = plsc.VectorSubcoreMesh(
    core_axis_name="c", subcore_axis_name="s",
    num_cores=NUM_CORES, num_subcores=NUM_SUBCORES)


def _sc_body(feat_hbm, pos_hbm, out_hbm, buf, posbuf, *sems):
    wid = lax.axis_index("s") * NUM_CORES + lax.axis_index("c")
    l0 = wid * SPAN
    sem_f = sems[0:NBUF]
    sem_o = sems[NBUF:2 * NBUF]
    sem_p = sems[2 * NBUF:2 * NBUF + SUBWIN]

    feat_d = [None] * NCHUNK
    out_d = [None] * NCHUNK

    HALF = CHUNK // 2

    def add_pos_half(j, h, lo):
        @plsc.parallel_loop(lo, lo + HALF, 1)
        def _(r):
            row = buf.at[j, r]
            prow = posbuf.at[h * CHUNK + r]

            @plsc.parallel_loop(0, OUT_DIM, NUM_LANES, unroll=8)
            def _(ci):
                sl = pl.ds(ci, NUM_LANES)
                plsc.addupdate(row.at[sl], prow[sl])

    pos_d = [
        pltpu.async_copy(
            pos_hbm.at[pl.ds(l0 + h * CHUNK, CHUNK)],
            posbuf.at[pl.ds(h * CHUNK, CHUNK)], sem_p[h])
        for h in range(SUBWIN)
    ]

    for k in range(NCHUNK + 1):
        if k < NCHUNK:
            h, b = divmod(k, BATCH)
            j = k % NBUF
            if k >= NBUF:
                for d in out_d[k - NBUF]:
                    d.wait()
            rowbase = b * SEQ_LEN + l0 + h * CHUNK
            feat_d[k] = pltpu.async_copy(
                feat_hbm.at[pl.ds(rowbase, CHUNK)], buf.at[j], sem_f[j])
        if k >= 1:
            kk = k - 1
            hh, bb = divmod(kk, BATCH)
            jj = kk % NBUF
            if bb == 0:
                pos_d[hh].wait()
            feat_d[kk].wait()
            rowbase = bb * SEQ_LEN + l0 + hh * CHUNK
            add_pos_half(jj, hh, 0)
            o1 = pltpu.async_copy(
                buf.at[jj, pl.ds(0, HALF)],
                out_hbm.at[pl.ds(rowbase, HALF)], sem_o[jj])
            add_pos_half(jj, hh, HALF)
            o2 = pltpu.async_copy(
                buf.at[jj, pl.ds(HALF, HALF)],
                out_hbm.at[pl.ds(rowbase + HALF, HALF)], sem_o[jj])
            out_d[kk] = (o1, o2)

    for kk in range(NCHUNK - NBUF, NCHUNK):
        for d in out_d[kk]:
            d.wait()


def _build_sc(interpret=False):
    return pl.kernel(
        _sc_body,
        out_type=jax.ShapeDtypeStruct((ROWS, OUT_DIM), jnp.float32),
        mesh=_MESH,
        scratch_types=(
            [pltpu.VMEM((NBUF, CHUNK, OUT_DIM), jnp.float32),
             pltpu.VMEM((SPAN, OUT_DIM), jnp.float32)]
            + [pltpu.SemaphoreType.DMA] * (2 * NBUF + SUBWIN)
        ),
        interpret=interpret,
    )


_sc_pos_add = _build_sc()


def kernel(features, tokens, pos_table):
    del tokens
    B, L, D = features.shape
    out = _sc_pos_add(features.reshape(B * L, D), pos_table)
    return out.reshape(B, L, D)

# --- scband reference (transcript-rebuilt; emitter-appended) ---
"""Pipeline reference for scband-positional-embedding-7275674600061 (READ-ONLY COPY).

The authoritative reference and input builder live on the scoring server;
editing this copy changes nothing except your own understanding.
"""

import jax, jax.numpy as jnp
import numpy as np

SEQ_LEN = 2048
OUT_DIM = 1024
BATCH = 4

def setup_inputs(seed: int = 0) -> dict:
    key = jax.random.key(seed)
    k1, k2, k3 = jax.random.split(key, 3)
    features = jax.random.normal(k1, (BATCH, SEQ_LEN, OUT_DIM), dtype=jnp.float32)
    tokens = jax.random.randint(k2, (BATCH, SEQ_LEN), 0, 32000, dtype=jnp.int64)
    # Learned positional embedding table (layers.Embedding default: uniform init)
    pos_table = jax.random.uniform(k3, (SEQ_LEN, OUT_DIM), dtype=jnp.float32, minval=-0.05, maxval=0.05)
    return {"features": features, "tokens": tokens, "pos_table": pos_table}

def reference(features, tokens, pos_table):
    # call(self, inputs): features = inputs[0]; length = shape(features)[1]
    length = features.shape[1]
    positions = jnp.arange(0, length, 1)
    # embedding lookup: gather rows of the positional table
    embedded_positions = jnp.take(pos_table, positions, axis=0)
    # broadcast add: [B, L, D] + [L, D]
    out = features + embedded_positions[None, :, :]
    return out

if __name__ == "__main__":
    import jax
    _d = setup_inputs()
    print(jax.jit(kernel)(*tuple(_d.values())))

</pallas_src>

<mosaic_0001>
#map = affine_map<(d0, d1) -> (0, 0)>
module attributes {stable_mosaic.version = 14 : i64} {
  func.func @_sc_body(%arg0: i32, %arg1: i32, %arg2: memref<8192x1024xf32, #tpu.memory_space<hbm>>, %arg3: memref<2048x1024xf32, #tpu.memory_space<hbm>>, %arg4: memref<8192x1024xf32, #tpu.memory_space<hbm>>, %arg5: memref<3x16x1024xf32, #tpu.memory_space<vmem>>, %arg6: memref<64x1024xf32, #tpu.memory_space<vmem>>, %arg7: memref<!tpu.dma_semaphore, #tpu.memory_space<semaphore_mem>>, %arg8: memref<!tpu.dma_semaphore, #tpu.memory_space<semaphore_mem>>, %arg9: memref<!tpu.dma_semaphore, #tpu.memory_space<semaphore_mem>>, %arg10: memref<!tpu.dma_semaphore, #tpu.memory_space<semaphore_mem>>, %arg11: memref<!tpu.dma_semaphore, #tpu.memory_space<semaphore_mem>>, %arg12: memref<!tpu.dma_semaphore, #tpu.memory_space<semaphore_mem>>, %arg13: memref<!tpu.dma_semaphore, #tpu.memory_space<semaphore_mem>>, %arg14: memref<!tpu.dma_semaphore, #tpu.memory_space<semaphore_mem>>, %arg15: memref<!tpu.dma_semaphore, #tpu.memory_space<semaphore_mem>>, %arg16: memref<!tpu.dma_semaphore, #tpu.memory_space<semaphore_mem>>) attributes {dimension_semantics = [#tpu.dimension_semantics<core_parallel>, #tpu.dimension_semantics<subcore_parallel>], iteration_bounds = array<i64: 2, 16>, scalar_prefetch = 0 : i64, scratch_operands = 12 : i64, tpu.core_type = #tpu.core_type<sc_vector_subcore>, window_params = [{transform_indices = #map}, {transform_indices = #map}, {transform_indices = #map}]} {
    %mul3A = arith.constant 2 : i32
    %mul3A_0 = arith.muli %arg1, %mul3A : i32
    %add3A = arith.addi %mul3A_0, %arg0 : i32
    %mul3A_1 = arith.constant 64 : i32
    %mul3A_2 = arith.muli %add3A, %mul3A_1 : i32
    %add3A_3 = arith.constant 0 : i32
    %add3A_4 = arith.addi %mul3A_2, %add3A_3 : i32
    %dma_start3A = arith.constant 0 : i32
    %dma_start3A_5 = arith.constant 0 : i32
    %dma_start3A_6 = tpu.memref_slice %arg6[%dma_start3A, %dma_start3A_5] : memref<64x1024xf32, #tpu.memory_space<vmem>> -> memref<16x1024xf32, #tpu.memory_space<vmem>>
    %dma_start3A_7 = arith.constant 0 : i32
    %dma_start3A_8 = tpu.memref_slice %arg3[%add3A_4, %dma_start3A_7] : memref<2048x1024xf32, #tpu.memory_space<hbm>> -> memref<16x1024xf32, #tpu.memory_space<hbm>>
    %dma_start3A_9 = arith.constant 0 : i32
    %dma_start3A_10 = arith.constant 0 : i32
    %dma_start3A_11 = tpu.memref_slice %arg6[%dma_start3A_9, %dma_start3A_10] : memref<64x1024xf32, #tpu.memory_space<vmem>> -> memref<16x1024xf32, #tpu.memory_space<vmem>>
    %dma_start3A_12 = arith.constant 0 : i32
    %dma_start3A_13 = tpu.memref_slice %arg3[%add3A_4, %dma_start3A_12] : memref<2048x1024xf32, #tpu.memory_space<hbm>> -> memref<16x1024xf32, #tpu.memory_space<hbm>>
    tpu.enqueue_dma source(%dma_start3A_13 : memref<16x1024xf32, #tpu.memory_space<hbm>>) target(%dma_start3A_11 : memref<16x1024xf32, #tpu.memory_space<vmem>>) target_semaphore(%arg13 : memref<!tpu.dma_semaphore, #tpu.memory_space<semaphore_mem>>)
    %add3A_14 = arith.constant 16 : i32
    %add3A_15 = arith.addi %mul3A_2, %add3A_14 : i32
    %dma_start3A_16 = arith.constant 16 : i32
    %dma_start3A_17 = arith.constant 0 : i32
    %dma_start3A_18 = tpu.memref_slice %arg6[%dma_start3A_16, %dma_start3A_17] : memref<64x1024xf32, #tpu.memory_space<vmem>> -> memref<16x1024xf32, #tpu.memory_space<vmem>>
    %dma_start3A_19 = arith.constant 0 : i32
    %dma_start3A_20 = tpu.memref_slice %arg3[%add3A_15, %dma_start3A_19] : memref<2048x1024xf32, #tpu.memory_space<hbm>> -> memref<16x1024xf32, #tpu.memory_space<hbm>>
    %dma_start3A_21 = arith.constant 16 : i32
    %dma_start3A_22 = arith.constant 0 : i32
    %dma_start3A_23 = tpu.memref_slice %arg6[%dma_start3A_21, %dma_start3A_22] : memref<64x1024xf32, #tpu.memory_space<vmem>> -> memref<16x1024xf32, #tpu.memory_space<vmem>>
    %dma_start3A_24 = arith.constant 0 : i32
    %dma_start3A_25 = tpu.memref_slice %arg3[%add3A_15, %dma_start3A_24] : memref<2048x1024xf32, #tpu.memory_space<hbm>> -> memref<16x1024xf32, #tpu.memory_space<hbm>>
    tpu.enqueue_dma source(%dma_start3A_25 : memref<16x1024xf32, #tpu.memory_space<hbm>>) target(%dma_start3A_23 : memref<16x1024xf32, #tpu.memory_space<vmem>>) target_semaphore(%arg14 : memref<!tpu.dma_semaphore, #tpu.memory_space<semaphore_mem>>)
    %add3A_26 = arith.constant 32 : i32
    %add3A_27 = arith.addi %mul3A_2, %add3A_26 : i32
    %dma_start3A_28 = arith.constant 32 : i32
    %dma_start3A_29 = arith.constant 0 : i32
    %dma_start3A_30 = tpu.memref_slice %arg6[%dma_start3A_28, %dma_start3A_29] : memref<64x1024xf32, #tpu.memory_space<vmem>> -> memref<16x1024xf32, #tpu.memory_space<vmem>>
    %dma_start3A_31 = arith.constant 0 : i32
    %dma_start3A_32 = tpu.memref_slice %arg3[%add3A_27, %dma_start3A_31] : memref<2048x1024xf32, #tpu.memory_space<hbm>> -> memref<16x1024xf32, #tpu.memory_space<hbm>>
    %dma_start3A_33 = arith.constant 32 : i32
    %dma_start3A_34 = arith.constant 0 : i32
    %dma_start3A_35 = tpu.memref_slice %arg6[%dma_start3A_33, %dma_start3A_34] : memref<64x1024xf32, #tpu.memory_space<vmem>> -> memref<16x1024xf32, #tpu.memory_space<vmem>>
    %dma_start3A_36 = arith.constant 0 : i32
    %dma_start3A_37 = tpu.memref_slice %arg3[%add3A_27, %dma_start3A_36] : memref<2048x1024xf32, #tpu.memory_space<hbm>> -> memref<16x1024xf32, #tpu.memory_space<hbm>>
    tpu.enqueue_dma source(%dma_start3A_37 : memref<16x1024xf32, #tpu.memory_space<hbm>>) target(%dma_start3A_35 : memref<16x1024xf32, #tpu.memory_space<vmem>>) target_semaphore(%arg15 : memref<!tpu.dma_semaphore, #tpu.memory_space<semaphore_mem>>)
    %add3A_38 = arith.constant 48 : i32
    %add3A_39 = arith.addi %mul3A_2, %add3A_38 : i32
    %dma_start3A_40 = arith.constant 48 : i32
    %dma_start3A_41 = arith.constant 0 : i32
    %dma_start3A_42 = tpu.memref_slice %arg6[%dma_start3A_40, %dma_start3A_41] : memref<64x1024xf32, #tpu.memory_space<vmem>> -> memref<16x1024xf32, #tpu.memory_space<vmem>>
    %dma_start3A_43 = arith.constant 0 : i32
    %dma_start3A_44 = tpu.memref_slice %arg3[%add3A_39, %dma_start3A_43] : memref<2048x1024xf32, #tpu.memory_space<hbm>> -> memref<16x1024xf32, #tpu.memory_space<hbm>>
    %dma_start3A_45 = arith.constant 48 : i32
    %dma_start3A_46 = arith.constant 0 : i32
    %dma_start3A_47 = tpu.memref_slice %arg6[%dma_start3A_45, %dma_start3A_46] : memref<64x1024xf32, #tpu.memory_space<vmem>> -> memref<16x1024xf32, #tpu.memory_space<vmem>>
    %dma_start3A_48 = arith.constant 0 : i32
    %dma_start3A_49 = tpu.memref_slice %arg3[%add3A_39, %dma_start3A_48] : memref<2048x1024xf32, #tpu.memory_space<hbm>> -> memref<16x1024xf32, #tpu.memory_space<hbm>>
    tpu.enqueue_dma source(%dma_start3A_49 : memref<16x1024xf32, #tpu.memory_space<hbm>>) target(%dma_start3A_47 : memref<16x1024xf32, #tpu.memory_space<vmem>>) target_semaphore(%arg16 : memref<!tpu.dma_semaphore, #tpu.memory_space<semaphore_mem>>)
    %add3A_50 = arith.constant 0 : i32
    %add3A_51 = arith.addi %add3A_50, %mul3A_2 : i32
    %add3A_52 = arith.constant 0 : i32
    %add3A_53 = arith.addi %add3A_51, %add3A_52 : i32
    %dma_start3A_54 = arith.constant 0 : i32
    %dma_start3A_55 = arith.constant 0 : i32
    %dma_start3A_56 = arith.constant 0 : i32
    %dma_start3A_57 = tpu.memref_slice %arg5[%dma_start3A_54, %dma_start3A_55, %dma_start3A_56] : memref<3x16x1024xf32, #tpu.memory_space<vmem>> -> memref<1x16x1024xf32, #tpu.memory_space<vmem>>
    %dma_start3A_58 = tpu.memref_squeeze %dma_start3A_57 : memref<1x16x1024xf32, #tpu.memory_space<vmem>> -> memref<16x1024xf32, #tpu.memory_space<vmem>>
    %dma_start3A_59 = arith.constant 0 : i32
    %dma_start3A_60 = tpu.memref_slice %arg2[%add3A_53, %dma_start3A_59] : memref<8192x1024xf32, #tpu.memory_space<hbm>> -> memref<16x1024xf32, #tpu.memory_space<hbm>>
    %dma_start3A_61 = arith.constant 0 : i32
    %dma_start3A_62 = arith.constant 0 : i32
    %dma_start3A_63 = tpu.memref_slice %arg5[%dma_start3A_54, %dma_start3A_61, %dma_start3A_62] : memref<3x16x1024xf32, #tpu.memory_space<vmem>> -> memref<1x16x1024xf32, #tpu.memory_space<vmem>>
    %dma_start3A_64 = tpu.memref_squeeze %dma_start3A_63 : memref<1x16x1024xf32, #tpu.memory_space<vmem>> -> memref<16x1024xf32, #tpu.memory_space<vmem>>
    %dma_start3A_65 = arith.constant 0 : i32
    %dma_start3A_66 = tpu.memref_slice %arg2[%add3A_53, %dma_start3A_65] : memref<8192x1024xf32, #tpu.memory_space<hbm>> -> memref<16x1024xf32, #tpu.memory_space<hbm>>
    tpu.enqueue_dma source(%dma_start3A_66 : memref<16x1024xf32, #tpu.memory_space<hbm>>) target(%dma_start3A_64 : memref<16x1024xf32, #tpu.memory_space<vmem>>) target_semaphore(%arg7 : memref<!tpu.dma_semaphore, #tpu.memory_space<semaphore_mem>>)
    %add3A_67 = arith.constant 2048 : i32
    %add3A_68 = arith.addi %add3A_67, %mul3A_2 : i32
    %add3A_69 = arith.constant 0 : i32
    %add3A_70 = arith.addi %add3A_68, %add3A_69 : i32
    %dma_start3A_71 = arith.constant 1 : i32
    %dma_start3A_72 = arith.constant 0 : i32
    %dma_start3A_73 = arith.constant 0 : i32
    %dma_start3A_74 = tpu.memref_slice %arg5[%dma_start3A_71, %dma_start3A_72, %dma_start3A_73] : memref<3x16x1024xf32, #tpu.memory_space<vmem>> -> memref<1x16x1024xf32, #tpu.memory_space<vmem>>
    %dma_start3A_75 = tpu.memref_squeeze %dma_start3A_74 : memref<1x16x1024xf32, #tpu.memory_space<vmem>> -> memref<16x1024xf32, #tpu.memory_space<vmem>>
    %dma_start3A_76 = arith.constant 0 : i32
    %dma_start3A_77 = tpu.memref_slice %arg2[%add3A_70, %dma_start3A_76] : memref<8192x1024xf32, #tpu.memory_space<hbm>> -> memref<16x1024xf32, #tpu.memory_space<hbm>>
    %dma_start3A_78 = arith.constant 0 : i32
    %dma_start3A_79 = arith.constant 0 : i32
    %dma_start3A_80 = tpu.memref_slice %arg5[%dma_start3A_71, %dma_start3A_78, %dma_start3A_79] : memref<3x16x1024xf32, #tpu.memory_space<vmem>> -> memref<1x16x1024xf32, #tpu.memory_space<vmem>>
    %dma_start3A_81 = tpu.memref_squeeze %dma_start3A_80 : memref<1x16x1024xf32, #tpu.memory_space<vmem>> -> memref<16x1024xf32, #tpu.memory_space<vmem>>
    %dma_start3A_82 = arith.constant 0 : i32
    %dma_start3A_83 = tpu.memref_slice %arg2[%add3A_70, %dma_start3A_82] : memref<8192x1024xf32, #tpu.memory_space<hbm>> -> memref<16x1024xf32, #tpu.memory_space<hbm>>
    tpu.enqueue_dma source(%dma_start3A_83 : memref<16x1024xf32, #tpu.memory_space<hbm>>) target(%dma_start3A_81 : memref<16x1024xf32, #tpu.memory_space<vmem>>) target_semaphore(%arg8 : memref<!tpu.dma_semaphore, #tpu.memory_space<semaphore_mem>>)
    %dma_wait3A = arith.constant 0 : i32
    %dma_wait3A_84 = arith.constant 0 : i32
    %dma_wait3A_85 = tpu.memref_slice %arg6[%dma_wait3A, %dma_wait3A_84] : memref<64x1024xf32, #tpu.memory_space<vmem>> -> memref<16x1024xf32, #tpu.memory_space<vmem>>
    %dma_wait3A_86 = arith.constant 0 : i32
    %dma_wait3A_87 = tpu.memref_slice %arg3[%add3A_4, %dma_wait3A_86] : memref<2048x1024xf32, #tpu.memory_space<hbm>> -> memref<16x1024xf32, #tpu.memory_space<hbm>>
    %dma_wait3A_88 = arith.constant 0 : i32
    %dma_wait3A_89 = arith.constant 0 : i32
    %dma_wait3A_90 = tpu.memref_slice %arg6[%dma_wait3A_88, %dma_wait3A_89] : memref<64x1024xf32, #tpu.memory_space<vmem>> -> memref<16x1024xf32, #tpu.memory_space<vmem>>
    %dma_wait3A_91 = arith.constant 0 : i32
    %dma_wait3A_92 = tpu.memref_slice %arg3[%add3A_4, %dma_wait3A_91] : memref<2048x1024xf32, #tpu.memory_space<hbm>> -> memref<16x1024xf32, #tpu.memory_space<hbm>>
    tpu.wait_dma2 semaphore(%arg13 : memref<!tpu.dma_semaphore, #tpu.memory_space<semaphore_mem>>) src(%dma_wait3A_92 : memref<16x1024xf32, #tpu.memory_space<hbm>>) dst(%dma_wait3A_90 : memref<16x1024xf32, #tpu.memory_space<vmem>>)
    %dma_wait3A_93 = arith.constant 0 : i32
    %dma_wait3A_94 = arith.constant 0 : i32
    %dma_wait3A_95 = arith.constant 0 : i32
    %dma_wait3A_96 = tpu.memref_slice %arg5[%dma_wait3A_93, %dma_wait3A_94, %dma_wait3A_95] : memref<3x16x1024xf32, #tpu.memory_space<vmem>> -> memref<1x16x1024xf32, #tpu.memory_space<vmem>>
    %dma_wait3A_97 = tpu.memref_squeeze %dma_wait3A_96 : memref<1x16x1024xf32, #tpu.memory_space<vmem>> -> memref<16x1024xf32, #tpu.memory_space<vmem>>
    %dma_wait3A_98 = arith.constant 0 : i32
    %dma_wait3A_99 = tpu.memref_slice %arg2[%add3A_53, %dma_wait3A_98] : memref<8192x1024xf32, #tpu.memory_space<hbm>> -> memref<16x1024xf32, #tpu.memory_space<hbm>>
    %dma_wait3A_100 = arith.constant 0 : i32
    %dma_wait3A_101 = arith.constant 0 : i32
    %dma_wait3A_102 = tpu.memref_slice %arg5[%dma_wait3A_93, %dma_wait3A_100, %dma_wait3A_101] : memref<3x16x1024xf32, #tpu.memory_space<vmem>> -> memref<1x16x1024xf32, #tpu.memory_space<vmem>>
    %dma_wait3A_103 = tpu.memref_squeeze %dma_wait3A_102 : memref<1x16x1024xf32, #tpu.memory_space<vmem>> -> memref<16x1024xf32, #tpu.memory_space<vmem>>
    %dma_wait3A_104 = arith.constant 0 : i32
    %dma_wait3A_105 = tpu.memref_slice %arg2[%add3A_53, %dma_wait3A_104] : memref<8192x1024xf32, #tpu.memory_space<hbm>> -> memref<16x1024xf32, #tpu.memory_space<hbm>>
    tpu.wait_dma2 semaphore(%arg7 : memref<!tpu.dma_semaphore, #tpu.memory_space<semaphore_mem>>) src(%dma_wait3A_105 : memref<16x1024xf32, #tpu.memory_space<hbm>>) dst(%dma_wait3A_103 : memref<16x1024xf32, #tpu.memory_space<vmem>>)
    %add3A_106 = arith.constant 0 : i32
    %add3A_107 = arith.addi %add3A_106, %mul3A_2 : i32
    %add3A_108 = arith.constant 0 : i32
    %add3A_109 = arith.addi %add3A_107, %add3A_108 : i32
    %parallel_loop3A = arith.constant 0 : i32
    %parallel_loop3A_110 = arith.constant 8 : i32
    %parallel_loop3A_111 = arith.constant 1 : i32
    scf.for %parallel_loop3A_1592 = %parallel_loop3A to %parallel_loop3A_110 step %parallel_loop3A_111  : i32 {
      %parallel_loop3A_1593 = arith.constant 0 : i32
      %parallel_loop3A_1594 = arith.addi %parallel_loop3A_1593, %parallel_loop3A_1592 : i32
      %parallel_loop3A_1595 = arith.constant 0 : i32
      %parallel_loop3A_1596 = arith.constant 1024 : i32
      %parallel_loop3A_1597 = arith.constant 16 : i32
      %parallel_loop3A_1598 = arith.constant 0 : i32
      scf.for %parallel_loop3A_1599 = %parallel_loop3A_1595 to %parallel_loop3A_1596 step %parallel_loop3A_1597  : i32 {
        %parallel_loop3A_1600 = arith.constant 0 : i32
        %parallel_loop3A_1601 = tpu.memref_slice %arg6[%parallel_loop3A_1594, %parallel_loop3A_1600] : memref<64x1024xf32, #tpu.memory_space<vmem>> -> memref<1x1024xf32, #tpu.memory_space<vmem>>
        %parallel_loop3A_1602 = tpu.memref_squeeze %parallel_loop3A_1601 : memref<1x1024xf32, #tpu.memory_space<vmem>> -> memref<1024xf32, #tpu.memory_space<vmem>>
        %parallel_loop3A_1603 = arith.index_cast %parallel_loop3A_1599 : i32 to index
        %parallel_loop3A_1604 = tpu.vector_load %parallel_loop3A_1602[%parallel_loop3A_1603] {strides = array<i32>} : memref<1024xf32, #tpu.memory_space<vmem>>, vector<16xf32>,
        %parallel_loop3A_1605 = vector.shape_cast %parallel_loop3A_1604 : vector<16xf32> to vector<16xf32>
        %parallel_loop3A_1606 = arith.constant 0 : i32
        %parallel_loop3A_1607 = tpu.memref_slice %arg5[%parallel_loop3A_1598, %parallel_loop3A_1592, %parallel_loop3A_1606] : memref<3x16x1024xf32, #tpu.memory_space<vmem>> -> memref<1x1x1024xf32, #tpu.memory_space<vmem>>
        %parallel_loop3A_1608 = tpu.memref_squeeze %parallel_loop3A_1607 : memref<1x1x1024xf32, #tpu.memory_space<vmem>> -> memref<1024xf32, #tpu.memory_space<vmem>>
        %parallel_loop3A_1609 = arith.index_cast %parallel_loop3A_1599 : i32 to index
        %parallel_loop3A_1610 = tpu.vector_load %parallel_loop3A_1608[%parallel_loop3A_1609] {strides = array<i32>} : memref<1024xf32, #tpu.memory_space<vmem>>, vector<16xf32>,
        %parallel_loop3A_1611 = vector.shape_cast %parallel_loop3A_1610 : vector<16xf32> to vector<16xf32>
        %parallel_loop3A_1612 = vector.shape_cast %parallel_loop3A_1605 : vector<16xf32> to vector<16xf32>
        tpu.vector_store %parallel_loop3A_1608[%parallel_loop3A_1609], %parallel_loop3A_1612 {add = true, strides = array<i32>} : memref<1024xf32, #tpu.memory_space<vmem>>, vector<16xf32>,
      } {sc.loop_unroll_factor = 8 : i64, sc.parallel_access}
    } {sc.loop_unroll_factor = 1 : i64, sc.parallel_access}
    %dma_start3A_112 = arith.constant 0 : i32
    %dma_start3A_113 = arith.constant 0 : i32
    %dma_start3A_114 = arith.constant 0 : i32
    %dma_start3A_115 = tpu.memref_slice %arg5[%dma_start3A_112, %dma_start3A_113, %dma_start3A_114] : memref<3x16x1024xf32, #tpu.memory_space<vmem>> -> memref<1x8x1024xf32, #tpu.memory_space<vmem>>
    %dma_start3A_116 = tpu.memref_squeeze %dma_start3A_115 : memref<1x8x1024xf32, #tpu.memory_space<vmem>> -> memref<8x1024xf32, #tpu.memory_space<vmem>>
    %dma_start3A_117 = arith.constant 0 : i32
    %dma_start3A_118 = tpu.memref_slice %arg4[%add3A_109, %dma_start3A_117] : memref<8192x1024xf32, #tpu.memory_space<hbm>> -> memref<8x1024xf32, #tpu.memory_space<hbm>>
    %dma_start3A_119 = arith.constant 0 : i32
    %dma_start3A_120 = tpu.memref_slice %arg4[%add3A_109, %dma_start3A_119] : memref<8192x1024xf32, #tpu.memory_space<hbm>> -> memref<8x1024xf32, #tpu.memory_space<hbm>>
    %dma_start3A_121 = arith.constant 0 : i32
    %dma_start3A_122 = arith.constant 0 : i32
    %dma_start3A_123 = tpu.memref_slice %arg5[%dma_start3A_112, %dma_start3A_121, %dma_start3A_122] : memref<3x16x1024xf32, #tpu.memory_space<vmem>> -> memref<1x8x1024xf32, #tpu.memory_space<vmem>>
    %dma_start3A_124 = tpu.memref_squeeze %dma_start3A_123 : memref<1x8x1024xf32, #tpu.memory_space<vmem>> -> memref<8x1024xf32, #tpu.memory_space<vmem>>
    tpu.enqueue_dma source(%dma_start3A_124 : memref<8x1024xf32, #tpu.memory_space<vmem>>) target(%dma_start3A_120 : memref<8x1024xf32, #tpu.memory_space<hbm>>) target_semaphore(%arg10 : memref<!tpu.dma_semaphore, #tpu.memory_space<semaphore_mem>>)
    %parallel_loop3A_125 = arith.constant 8 : i32
    %parallel_loop3A_126 = arith.constant 16 : i32
    %parallel_loop3A_127 = arith.constant 1 : i32
    scf.for %parallel_loop3A_1592 = %parallel_loop3A_125 to %parallel_loop3A_126 step %parallel_loop3A_127  : i32 {
      %parallel_loop3A_1593 = arith.constant 0 : i32
      %parallel_loop3A_1594 = arith.addi %parallel_loop3A_1593, %parallel_loop3A_1592 : i32
      %parallel_loop3A_1595 = arith.constant 0 : i32
      %parallel_loop3A_1596 = arith.constant 1024 : i32
      %parallel_loop3A_1597 = arith.constant 16 : i32
      %parallel_loop3A_1598 = arith.constant 0 : i32
      scf.for %parallel_loop3A_1599 = %parallel_loop3A_1595 to %parallel_loop3A_1596 step %parallel_loop3A_1597  : i32 {
        %parallel_loop3A_1600 = arith.constant 0 : i32
        %parallel_loop3A_1601 = tpu.memref_slice %arg6[%parallel_loop3A_1594, %parallel_loop3A_1600] : memref<64x1024xf32, #tpu.memory_space<vmem>> -> memref<1x1024xf32, #tpu.memory_space<vmem>>
        %parallel_loop3A_1602 = tpu.memref_squeeze %parallel_loop3A_1601 : memref<1x1024xf32, #tpu.memory_space<vmem>> -> memref<1024xf32, #tpu.memory_space<vmem>>
        %parallel_loop3A_1603 = arith.index_cast %parallel_loop3A_1599 : i32 to index
        %parallel_loop3A_1604 = tpu.vector_load %parallel_loop3A_1602[%parallel_loop3A_1603] {strides = array<i32>} : memref<1024xf32, #tpu.memory_space<vmem>>, vector<16xf32>,
        %parallel_loop3A_1605 = vector.shape_cast %parallel_loop3A_1604 : vector<16xf32> to vector<16xf32>
        %parallel_loop3A_1606 = arith.constant 0 : i32
        %parallel_loop3A_1607 = tpu.memref_slice %arg5[%parallel_loop3A_1598, %parallel_loop3A_1592, %parallel_loop3A_1606] : memref<3x16x1024xf32, #tpu.memory_space<vmem>> -> memref<1x1x1024xf32, #tpu.memory_space<vmem>>
        %parallel_loop3A_1608 = tpu.memref_squeeze %parallel_loop3A_1607 : memref<1x1x1024xf32, #tpu.memory_space<vmem>> -> memref<1024xf32, #tpu.memory_space<vmem>>
        %parallel_loop3A_1609 = arith.index_cast %parallel_loop3A_1599 : i32 to index
        %parallel_loop3A_1610 = tpu.vector_load %parallel_loop3A_1608[%parallel_loop3A_1609] {strides = array<i32>} : memref<1024xf32, #tpu.memory_space<vmem>>, vector<16xf32>,
        %parallel_loop3A_1611 = vector.shape_cast %parallel_loop3A_1610 : vector<16xf32> to vector<16xf32>
        %parallel_loop3A_1612 = vector.shape_cast %parallel_loop3A_1605 : vector<16xf32> to vector<16xf32>
        tpu.vector_store %parallel_loop3A_1608[%parallel_loop3A_1609], %parallel_loop3A_1612 {add = true, strides = array<i32>} : memref<1024xf32, #tpu.memory_space<vmem>>, vector<16xf32>,
      } {sc.loop_unroll_factor = 8 : i64, sc.parallel_access}
    } {sc.loop_unroll_factor = 1 : i64, sc.parallel_access}
    %add3A_128 = arith.constant 8 : i32
    %add3A_129 = arith.addi %add3A_109, %add3A_128 : i32
    %dma_start3A_130 = arith.constant 0 : i32
    %dma_start3A_131 = arith.constant 8 : i32
    %dma_start3A_132 = arith.constant 0 : i32
    %dma_start3A_133 = tpu.memref_slice %arg5[%dma_start3A_130, %dma_start3A_131, %dma_start3A_132] : memref<3x16x1024xf32, #tpu.memory_space<vmem>> -> memref<1x8x1024xf32, #tpu.memory_space<vmem>>
    %dma_start3A_134 = tpu.memref_squeeze %dma_start3A_133 : memref<1x8x1024xf32, #tpu.memory_space<vmem>> -> memref<8x1024xf32, #tpu.memory_space<vmem>>
    %dma_start3A_135 = arith.constant 0 : i32
    %dma_start3A_136 = tpu.memref_slice %arg4[%add3A_129, %dma_start3A_135] : memref<8192x1024xf32, #tpu.memory_space<hbm>> -> memref<8x1024xf32, #tpu.memory_space<hbm>>
    %dma_start3A_137 = arith.constant 0 : i32
    %dma_start3A_138 = tpu.memref_slice %arg4[%add3A_129, %dma_start3A_137] : memref<8192x1024xf32, #tpu.memory_space<hbm>> -> memref<8x1024xf32, #tpu.memory_space<hbm>>
    %dma_start3A_139 = arith.constant 8 : i32
    %dma_start3A_140 = arith.constant 0 : i32
    %dma_start3A_141 = tpu.memref_slice %arg5[%dma_start3A_130, %dma_start3A_139, %dma_start3A_140] : memref<3x16x1024xf32, #tpu.memory_space<vmem>> -> memref<1x8x1024xf32, #tpu.memory_space<vmem>>
    %dma_start3A_142 = tpu.memref_squeeze %dma_start3A_141 : memref<1x8x1024xf32, #tpu.memory_space<vmem>> -> memref<8x1024xf32, #tpu.memory_space<vmem>>
    tpu.enqueue_dma source(%dma_start3A_142 : memref<8x1024xf32, #tpu.memory_space<vmem>>) target(%dma_start3A_138 : memref<8x1024xf32, #tpu.memory_space<hbm>>) target_semaphore(%arg10 : memref<!tpu.dma_semaphore, #tpu.memory_space<semaphore_mem>>)
    %add3A_143 = arith.constant 4096 : i32
    %add3A_144 = arith.addi %add3A_143, %mul3A_2 : i32
    %add3A_145 = arith.constant 0 : i32
    %add3A_146 = arith.addi %add3A_144, %add3A_145 : i32
    %dma_start3A_147 = arith.constant 2 : i32
    %dma_start3A_148 = arith.constant 0 : i32
    %dma_start3A_149 = arith.constant 0 : i32
    %dma_start3A_150 = tpu.memref_slice %arg5[%dma_start3A_147, %dma_start3A_148, %dma_start3A_149] : memref<3x16x1024xf32, #tpu.memory_space<vmem>> -> memref<1x16x1024xf32, #tpu.memory_space<vmem>>
    %dma_start3A_151 = tpu.memref_squeeze %dma_start3A_150 : memref<1x16x1024xf32, #tpu.memory_space<vmem>> -> memref<16x1024xf32, #tpu.memory_space<vmem>>
    %dma_start3A_152 = arith.constant 0 : i32
    %dma_start3A_153 = tpu.memref_slice %arg2[%add3A_146, %dma_start3A_152] : memref<8192x1024xf32, #tpu.memory_space<hbm>> -> memref<16x1024xf32, #tpu.memory_space<hbm>>
    %dma_start3A_154 = arith.constant 0 : i32
    %dma_start3A_155 = arith.constant 0 : i32
    %dma_start3A_156 = tpu.memref_slice %arg5[%dma_start3A_147, %dma_start3A_154, %dma_start3A_155] : memref<3x16x1024xf32, #tpu.memory_space<vmem>> -> memref<1x16x1024xf32, #tpu.memory_space<vmem>>
    %dma_start3A_157 = tpu.memref_squeeze %dma_start3A_156 : memref<1x16x1024xf32, #tpu.memory_space<vmem>> -> memref<16x1024xf32, #tpu.memory_space<vmem>>
    %dma_start3A_158 = arith.constant 0 : i32
    %dma_start3A_159 = tpu.memref_slice %arg2[%add3A_146, %dma_start3A_158] : memref<8192x1024xf32, #tpu.memory_space<hbm>> -> memref<16x1024xf32, #tpu.memory_space<hbm>>
    tpu.enqueue_dma source(%dma_start3A_159 : memref<16x1024xf32, #tpu.memory_space<hbm>>) target(%dma_start3A_157 : memref<16x1024xf32, #tpu.memory_space<vmem>>) target_semaphore(%arg9 : memref<!tpu.dma_semaphore, #tpu.memory_space<semaphore_mem>>)
    %dma_wait3A_160 = arith.constant 1 : i32
    %dma_wait3A_161 = arith.constant 0 : i32
    %dma_wait3A_162 = arith.constant 0 : i32
    %dma_wait3A_163 = tpu.memref_slice %arg5[%dma_wait3A_160, %dma_wait3A_161, %dma_wait3A_162] : memref<3x16x1024xf32, #tpu.memory_space<vmem>> -> memref<1x16x1024xf32, #tpu.memory_space<vmem>>
    %dma_wait3A_164 = tpu.memref_squeeze %dma_wait3A_163 : memref<1x16x1024xf32, #tpu.memory_space<vmem>> -> memref<16x1024xf32, #tpu.memory_space<vmem>>
    %dma_wait3A_165 = arith.constant 0 : i32
    %dma_wait3A_166 = tpu.memref_slice %arg2[%add3A_70, %dma_wait3A_165] : memref<8192x1024xf32, #tpu.memory_space<hbm>> -> memref<16x1024xf32, #tpu.memory_space<hbm>>
    %dma_wait3A_167 = arith.constant 0 : i32
    %dma_wait3A_168 = arith.constant 0 : i32
    %dma_wait3A_169 = tpu.memref_slice %arg5[%dma_wait3A_160, %dma_wait3A_167, %dma_wait3A_168] : memref<3x16x1024xf32, #tpu.memory_space<vmem>> -> memref<1x16x1024xf32, #tpu.memory_space<vmem>>
    %dma_wait3A_170 = tpu.memref_squeeze %dma_wait3A_169 : memref<1x16x1024xf32, #tpu.memory_space<vmem>> -> memref<16x1024xf32, #tpu.memory_space<vmem>>
    %dma_wait3A_171 = arith.constant 0 : i32
    %dma_wait3A_172 = tpu.memref_slice %arg2[%add3A_70, %dma_wait3A_171] : memref<8192x1024xf32, #tpu.memory_space<hbm>> -> memref<16x1024xf32, #tpu.memory_space<hbm>>
    tpu.wait_dma2 semaphore(%arg8 : memref<!tpu.dma_semaphore, #tpu.memory_space<semaphore_mem>>) src(%dma_wait3A_172 : memref<16x1024xf32, #tpu.memory_space<hbm>>) dst(%dma_wait3A_170 : memref<16x1024xf32, #tpu.memory_space<vmem>>)
    %add3A_173 = arith.constant 2048 : i32
    %add3A_174 = arith.addi %add3A_173, %mul3A_2 : i32
    %add3A_175 = arith.constant 0 : i32
    %add3A_176 = arith.addi %add3A_174, %add3A_175 : i32
    %parallel_loop3A_177 = arith.constant 0 : i32
    %parallel_loop3A_178 = arith.constant 8 : i32
    %parallel_loop3A_179 = arith.constant 1 : i32
    scf.for %parallel_loop3A_1592 = %parallel_loop3A_177 to %parallel_loop3A_178 step %parallel_loop3A_179  : i32 {
      %parallel_loop3A_1593 = arith.constant 0 : i32
      %parallel_loop3A_1594 = arith.addi %parallel_loop3A_1593, %parallel_loop3A_1592 : i32
      %parallel_loop3A_1595 = arith.constant 0 : i32
      %parallel_loop3A_1596 = arith.constant 1024 : i32
      %parallel_loop3A_1597 = arith.constant 16 : i32
      %parallel_loop3A_1598 = arith.constant 1 : i32
      scf.for %parallel_loop3A_1599 = %parallel_loop3A_1595 to %parallel_loop3A_1596 step %parallel_loop3A_1597  : i32 {
        %parallel_loop3A_1600 = arith.constant 0 : i32
        %parallel_loop3A_1601 = tpu.memref_slice %arg6[%parallel_loop3A_1594, %parallel_loop3A_1600] : memref<64x1024xf32, #tpu.memory_space<vmem>> -> memref<1x1024xf32, #tpu.memory_space<vmem>>
        %parallel_loop3A_1602 = tpu.memref_squeeze %parallel_loop3A_1601 : memref<1x1024xf32, #tpu.memory_space<vmem>> -> memref<1024xf32, #tpu.memory_space<vmem>>
        %parallel_loop3A_1603 = arith.index_cast %parallel_loop3A_1599 : i32 to index
        %parallel_loop3A_1604 = tpu.vector_load %parallel_loop3A_1602[%parallel_loop3A_1603] {strides = array<i32>} : memref<1024xf32, #tpu.memory_space<vmem>>, vector<16xf32>,
        %parallel_loop3A_1605 = vector.shape_cast %parallel_loop3A_1604 : vector<16xf32> to vector<16xf32>
        %parallel_loop3A_1606 = arith.constant 0 : i32
        %parallel_loop3A_1607 = tpu.memref_slice %arg5[%parallel_loop3A_1598, %parallel_loop3A_1592, %parallel_loop3A_1606] : memref<3x16x1024xf32, #tpu.memory_space<vmem>> -> memref<1x1x1024xf32, #tpu.memory_space<vmem>>
        %parallel_loop3A_1608 = tpu.memref_squeeze %parallel_loop3A_1607 : memref<1x1x1024xf32, #tpu.memory_space<vmem>> -> memref<1024xf32, #tpu.memory_space<vmem>>
        %parallel_loop3A_1609 = arith.index_cast %parallel_loop3A_1599 : i32 to index
        %parallel_loop3A_1610 = tpu.vector_load %parallel_loop3A_1608[%parallel_loop3A_1609] {strides = array<i32>} : memref<1024xf32, #tpu.memory_space<vmem>>, vector<16xf32>,
        %parallel_loop3A_1611 = vector.shape_cast %parallel_loop3A_1610 : vector<16xf32> to vector<16xf32>
        %parallel_loop3A_1612 = vector.shape_cast %parallel_loop3A_1605 : vector<16xf32> to vector<16xf32>
        tpu.vector_store %parallel_loop3A_1608[%parallel_loop3A_1609], %parallel_loop3A_1612 {add = true, strides = array<i32>} : memref<1024xf32, #tpu.memory_space<vmem>>, vector<16xf32>,
      } {sc.loop_unroll_factor = 8 : i64, sc.parallel_access}
    } {sc.loop_unroll_factor = 1 : i64, sc.parallel_access}
    %dma_start3A_180 = arith.constant 1 : i32
    %dma_start3A_181 = arith.constant 0 : i32
    %dma_start3A_182 = arith.constant 0 : i32
    %dma_start3A_183 = tpu.memref_slice %arg5[%dma_start3A_180, %dma_start3A_181, %dma_start3A_182] : memref<3x16x1024xf32, #tpu.memory_space<vmem>> -> memref<1x8x1024xf32, #tpu.memory_space<vmem>>
    %dma_start3A_184 = tpu.memref_squeeze %dma_start3A_183 : memref<1x8x1024xf32, #tpu.memory_space<vmem>> -> memref<8x1024xf32, #tpu.memory_space<vmem>>
    %dma_start3A_185 = arith.constant 0 : i32
    %dma_start3A_186 = tpu.memref_slice %arg4[%add3A_176, %dma_start3A_185] : memref<8192x1024xf32, #tpu.memory_space<hbm>> -> memref<8x1024xf32, #tpu.memory_space<hbm>>
    %dma_start3A_187 = arith.constant 0 : i32
    %dma_start3A_188 = tpu.memref_slice %arg4[%add3A_176, %dma_start3A_187] : memref<8192x1024xf32, #tpu.memory_space<hbm>> -> memref<8x1024xf32, #tpu.memory_space<hbm>>
    %dma_start3A_189 = arith.constant 0 : i32
    %dma_start3A_190 = arith.constant 0 : i32
    %dma_start3A_191 = tpu.memref_slice %arg5[%dma_start3A_180, %dma_start3A_189, %dma_start3A_190] : memref<3x16x1024xf32, #tpu.memory_space<vmem>> -> memref<1x8x1024xf32, #tpu.memory_space<vmem>>
    %dma_start3A_192 = tpu.memref_squeeze %dma_start3A_191 : memref<1x8x1024xf32, #tpu.memory_space<vmem>> -> memref<8x1024xf32, #tpu.memory_space<vmem>>
    tpu.enqueue_dma source(%dma_start3A_192 : memref<8x1024xf32, #tpu.memory_space<vmem>>) target(%dma_start3A_188 : memref<8x1024xf32, #tpu.memory_space<hbm>>) target_semaphore(%arg11 : memref<!tpu.dma_semaphore, #tpu.memory_space<semaphore_mem>>)
    %parallel_loop3A_193 = arith.constant 8 : i32
    %parallel_loop3A_194 = arith.constant 16 : i32
    %parallel_loop3A_195 = arith.constant 1 : i32
    scf.for %parallel_loop3A_1592 = %parallel_loop3A_193 to %parallel_loop3A_194 step %parallel_loop3A_195  : i32 {
      %parallel_loop3A_1593 = arith.constant 0 : i32
      %parallel_loop3A_1594 = arith.addi %parallel_loop3A_1593, %parallel_loop3A_1592 : i32
      %parallel_loop3A_1595 = arith.constant 0 : i32
      %parallel_loop3A_1596 = arith.constant 1024 : i32
      %parallel_loop3A_1597 = arith.constant 16 : i32
      %parallel_loop3A_1598 = arith.constant 1 : i32
      scf.for %parallel_loop3A_1599 = %parallel_loop3A_1595 to %parallel_loop3A_1596 step %parallel_loop3A_1597  : i32 {
        %parallel_loop3A_1600 = arith.constant 0 : i32
        %parallel_loop3A_1601 = tpu.memref_slice %arg6[%parallel_loop3A_1594, %parallel_loop3A_1600] : memref<64x1024xf32, #tpu.memory_space<vmem>> -> memref<1x1024xf32, #tpu.memory_space<vmem>>
        %parallel_loop3A_1602 = tpu.memref_squeeze %parallel_loop3A_1601 : memref<1x1024xf32, #tpu.memory_space<vmem>> -> memref<1024xf32, #tpu.memory_space<vmem>>
        %parallel_loop3A_1603 = arith.index_cast %parallel_loop3A_1599 : i32 to index
        %parallel_loop3A_1604 = tpu.vector_load %parallel_loop3A_1602[%parallel_loop3A_1603] {strides = array<i32>} : memref<1024xf32, #tpu.memory_space<vmem>>, vector<16xf32>,
        %parallel_loop3A_1605 = vector.shape_cast %parallel_loop3A_1604 : vector<16xf32> to vector<16xf32>
        %parallel_loop3A_1606 = arith.constant 0 : i32
        %parallel_loop3A_1607 = tpu.memref_slice %arg5[%parallel_loop3A_1598, %parallel_loop3A_1592, %parallel_loop3A_1606] : memref<3x16x1024xf32, #tpu.memory_space<vmem>> -> memref<1x1x1024xf32, #tpu.memory_space<vmem>>
        %parallel_loop3A_1608 = tpu.memref_squeeze %parallel_loop3A_1607 : memref<1x1x1024xf32, #tpu.memory_space<vmem>> -> memref<1024xf32, #tpu.memory_space<vmem>>
        %parallel_loop3A_1609 = arith.index_cast %parallel_loop3A_1599 : i32 to index
        %parallel_loop3A_1610 = tpu.vector_load %parallel_loop3A_1608[%parallel_loop3A_1609] {strides = array<i32>} : memref<1024xf32, #tpu.memory_space<vmem>>, vector<16xf32>,
        %parallel_loop3A_1611 = vector.shape_cast %parallel_loop3A_1610 : vector<16xf32> to vector<16xf32>
        %parallel_loop3A_1612 = vector.shape_cast %parallel_loop3A_1605 : vector<16xf32> to vector<16xf32>
        tpu.vector_store %parallel_loop3A_1608[%parallel_loop3A_1609], %parallel_loop3A_1612 {add = true, strides = array<i32>} : memref<1024xf32, #tpu.memory_space<vmem>>, vector<16xf32>,
      } {sc.loop_unroll_factor = 8 : i64, sc.parallel_access}
    } {sc.loop_unroll_factor = 1 : i64, sc.parallel_access}
    %add3A_196 = arith.constant 8 : i32
    %add3A_197 = arith.addi %add3A_176, %add3A_196 : i32
    %dma_start3A_198 = arith.constant 1 : i32
    %dma_start3A_199 = arith.constant 8 : i32
    %dma_start3A_200 = arith.constant 0 : i32
    %dma_start3A_201 = tpu.memref_slice %arg5[%dma_start3A_198, %dma_start3A_199, %dma_start3A_200] : memref<3x16x1024xf32, #tpu.memory_space<vmem>> -> memref<1x8x1024xf32, #tpu.memory_space<vmem>>
    %dma_start3A_202 = tpu.memref_squeeze %dma_start3A_201 : memref<1x8x1024xf32, #tpu.memory_space<vmem>> -> memref<8x1024xf32, #tpu.memory_space<vmem>>
    %dma_start3A_203 = arith.constant 0 : i32
    %dma_start3A_204 = tpu.memref_slice %arg4[%add3A_197, %dma_start3A_203] : memref<8192x1024xf32, #tpu.memory_space<hbm>> -> memref<8x1024xf32, #tpu.memory_space<hbm>>
    %dma_start3A_205 = arith.constant 0 : i32
    %dma_start3A_206 = tpu.memref_slice %arg4[%add3A_197, %dma_start3A_205] : memref<8192x1024xf32, #tpu.memory_space<hbm>> -> memref<8x1024xf32, #tpu.memory_space<hbm>>
    %dma_start3A_207 = arith.constant 8 : i32
    %dma_start3A_208 = arith.constant 0 : i32
    %dma_start3A_209 = tpu.memref_slice %arg5[%dma_start3A_198, %dma_start3A_207, %dma_start3A_208] : memref<3x16x1024xf32, #tpu.memory_space<vmem>> -> memref<1x8x1024xf32, #tpu.memory_space<vmem>>
    %dma_start3A_210 = tpu.memref_squeeze %dma_start3A_209 : memref<1x8x1024xf32, #tpu.memory_space<vmem>> -> memref<8x1024xf32, #tpu.memory_space<vmem>>
    tpu.enqueue_dma source(%dma_start3A_210 : memref<8x1024xf32, #tpu.memory_space<vmem>>) target(%dma_start3A_206 : memref<8x1024xf32, #tpu.memory_space<hbm>>) target_semaphore(%arg11 : memref<!tpu.dma_semaphore, #tpu.memory_space<semaphore_mem>>)
    %dma_wait3A_211 = arith.constant 0 : i32
    %dma_wait3A_212 = arith.constant 0 : i32
    %dma_wait3A_213 = arith.constant 0 : i32
    %dma_wait3A_214 = tpu.memref_slice %arg5[%dma_wait3A_211, %dma_wait3A_212, %dma_wait3A_213] : memref<3x16x1024xf32, #tpu.memory_space<vmem>> -> memref<1x8x1024xf32, #tpu.memory_space<vmem>>
    %dma_wait3A_215 = tpu.memref_squeeze %dma_wait3A_214 : memref<1x8x1024xf32, #tpu.memory_space<vmem>> -> memref<8x1024xf32, #tpu.memory_space<vmem>>
    %dma_wait3A_216 = arith.constant 0 : i32
    %dma_wait3A_217 = tpu.memref_slice %arg4[%add3A_109, %dma_wait3A_216] : memref<8192x1024xf32, #tpu.memory_space<hbm>> -> memref<8x1024xf32, #tpu.memory_space<hbm>>
    %dma_wait3A_218 = arith.constant 0 : i32
    %dma_wait3A_219 = tpu.memref_slice %arg4[%add3A_109, %dma_wait3A_218] : memref<8192x1024xf32, #tpu.memory_space<hbm>> -> memref<8x1024xf32, #tpu.memory_space<hbm>>
    %dma_wait3A_220 = arith.constant 0 : i32
    %dma_wait3A_221 = arith.constant 0 : i32
    %dma_wait3A_222 = tpu.memref_slice %arg5[%dma_wait3A_211, %dma_wait3A_220, %dma_wait3A_221] : memref<3x16x1024xf32, #tpu.memory_space<vmem>> -> memref<1x8x1024xf32, #tpu.memory_space<vmem>>
    %dma_wait3A_223 = tpu.memref_squeeze %dma_wait3A_222 : memref<1x8x1024xf32, #tpu.memory_space<vmem>> -> memref<8x1024xf32, #tpu.memory_space<vmem>>
    tpu.wait_dma2 semaphore(%arg10 : memref<!tpu.dma_semaphore, #tpu.memory_space<semaphore_mem>>) src(%dma_wait3A_223 : memref<8x1024xf32, #tpu.memory_space<vmem>>) dst(%dma_wait3A_219 : memref<8x1024xf32, #tpu.memory_space<hbm>>)
    %dma_wait3A_224 = arith.constant 0 : i32
    %dma_wait3A_225 = arith.constant 8 : i32
    %dma_wait3A_226 = arith.constant 0 : i32
    %dma_wait3A_227 = tpu.memref_slice %arg5[%dma_wait3A_224, %dma_wait3A_225, %dma_wait3A_226] : memref<3x16x1024xf32, #tpu.memory_space<vmem>> -> memref<1x8x1024xf32, #tpu.memory_space<vmem>>
    %dma_wait3A_228 = tpu.memref_squeeze %dma_wait3A_227 : memref<1x8x1024xf32, #tpu.memory_space<vmem>> -> memref<8x1024xf32, #tpu.memory_space<vmem>>
    %dma_wait3A_229 = arith.constant 0 : i32
    %dma_wait3A_230 = tpu.memref_slice %arg4[%add3A_129, %dma_wait3A_229] : memref<8192x1024xf32, #tpu.memory_space<hbm>> -> memref<8x1024xf32, #tpu.memory_space<hbm>>
    %dma_wait3A_231 = arith.constant 0 : i32
    %dma_wait3A_232 = tpu.memref_slice %arg4[%add3A_129, %dma_wait3A_231] : memref<8192x1024xf32, #tpu.memory_space<hbm>> -> memref<8x1024xf32, #tpu.memory_space<hbm>>
    %dma_wait3A_233 = arith.constant 8 : i32
    %dma_wait3A_234 = arith.constant 0 : i32
    %dma_wait3A_235 = tpu.memref_slice %arg5[%dma_wait3A_224, %dma_wait3A_233, %dma_wait3A_234] : memref<3x16x1024xf32, #tpu.memory_space<vmem>> -> memref<1x8x1024xf32, #tpu.memory_space<vmem>>
    %dma_wait3A_236 = tpu.memref_squeeze %dma_wait3A_235 : memref<1x8x1024xf32, #tpu.memory_space<vmem>> -> memref<8x1024xf32, #tpu.memory_space<vmem>>
    tpu.wait_dma2 semaphore(%arg10 : memref<!tpu.dma_semaphore, #tpu.memory_space<semaphore_mem>>) src(%dma_wait3A_236 : memref<8x1024xf32, #tpu.memory_space<vmem>>) dst(%dma_wait3A_232 : memref<8x1024xf32, #tpu.memory_space<hbm>>)
    %add3A_237 = arith.constant 6144 : i32
    %add3A_238 = arith.addi %add3A_237, %mul3A_2 : i32
    %add3A_239 = arith.constant 0 : i32
    %add3A_240 = arith.addi %add3A_238, %add3A_239 : i32
    %dma_start3A_241 = arith.constant 0 : i32
    %dma_start3A_242 = arith.constant 0 : i32
    %dma_start3A_243 = arith.constant 0 : i32
    %dma_start3A_244 = tpu.memref_slice %arg5[%dma_start3A_241, %dma_start3A_242, %dma_start3A_243] : memref<3x16x1024xf32, #tpu.memory_space<vmem>> -> memref<1x16x1024xf32, #tpu.memory_space<vmem>>
    %dma_start3A_245 = tpu.memref_squeeze %dma_start3A_244 : memref<1x16x1024xf32, #tpu.memory_space<vmem>> -> memref<16x1024xf32, #tpu.memory_space<vmem>>
    %dma_start3A_246 = arith.constant 0 : i32
    %dma_start3A_247 = tpu.memref_slice %arg2[%add3A_240, %dma_start3A_246] : memref<8192x1024xf32, #tpu.memory_space<hbm>> -> memref<16x1024xf32, #tpu.memory_space<hbm>>
    %dma_start3A_248 = arith.constant 0 : i32
    %dma_start3A_249 = arith.constant 0 : i32
    %dma_start3A_250 = tpu.memref_slice %arg5[%dma_start3A_241, %dma_start3A_248, %dma_start3A_249] : memref<3x16x1024xf32, #tpu.memory_space<vmem>> -> memref<1x16x1024xf32, #tpu.memory_space<vmem>>
    %dma_start3A_251 = tpu.memref_squeeze %dma_start3A_250 : memref<1x16x1024xf32, #tpu.memory_space<vmem>> -> memref<16x1024xf32, #tpu.memory_space<vmem>>
    %dma_start3A_252 = arith.constant 0 : i32
    %dma_start3A_253 = tpu.memref_slice %arg2[%add3A_240, %dma_start3A_252] : memref<8192x1024xf32, #tpu.memory_space<hbm>> -> memref<16x1024xf32, #tpu.memory_space<hbm>>
    tpu.enqueue_dma source(%dma_start3A_253 : memref<16x1024xf32, #tpu.memory_space<hbm>>) target(%dma_start3A_251 : memref<16x1024xf32, #tpu.memory_space<vmem>>) target_semaphore(%arg7 : memref<!tpu.dma_semaphore, #tpu.memory_space<semaphore_mem>>)
    %dma_wait3A_254 = arith.constant 2 : i32
    %dma_wait3A_255 = arith.constant 0 : i32
    %dma_wait3A_256 = arith.constant 0 : i32
    %dma_wait3A_257 = tpu.memref_slice %arg5[%dma_wait3A_254, %dma_wait3A_255, %dma_wait3A_256] : memref<3x16x1024xf32, #tpu.memory_space<vmem>> -> memref<1x16x1024xf32, #tpu.memory_space<vmem>>
    %dma_wait3A_258 = tpu.memref_squeeze %dma_wait3A_257 : memref<1x16x1024xf32, #tpu.memory_space<vmem>> -> memref<16x1024xf32, #tpu.memory_space<vmem>>
    %dma_wait3A_259 = arith.constant 0 : i32
    %dma_wait3A_260 = tpu.memref_slice %arg2[%add3A_146, %dma_wait3A_259] : memref<8192x1024xf32, #tpu.memory_space<hbm>> -> memref<16x1024xf32, #tpu.memory_space<hbm>>
    %dma_wait3A_261 = arith.constant 0 : i32
    %dma_wait3A_262 = arith.constant 0 : i32
    %dma_wait3A_263 = tpu.memref_slice %arg5[%dma_wait3A_254, %dma_wait3A_261, %dma_wait3A_262] : memref<3x16x1024xf32, #tpu.memory_space<vmem>> -> memref<1x16x1024xf32, #tpu.memory_space<vmem>>
    %dma_wait3A_264 = tpu.memref_squeeze %dma_wait3A_263 : memref<1x16x1024xf32, #tpu.memory_space<vmem>> -> memref<16x1024xf32, #tpu.memory_space<vmem>>
    %dma_wait3A_265 = arith.constant 0 : i32
    %dma_wait3A_266 = tpu.memref_slice %arg2[%add3A_146, %dma_wait3A_265] : memref<8192x1024xf32, #tpu.memory_space<hbm>> -> memref<16x1024xf32, #tpu.memory_space<hbm>>
    tpu.wait_dma2 semaphore(%arg9 : memref<!tpu.dma_semaphore, #tpu.memory_space<semaphore_mem>>) src(%dma_wait3A_266 : memref<16x1024xf32, #tpu.memory_space<hbm>>) dst(%dma_wait3A_264 : memref<16x1024xf32, #tpu.memory_space<vmem>>)
    %add3A_267 = arith.constant 4096 : i32
    %add3A_268 = arith.addi %add3A_267, %mul3A_2 : i32
    %add3A_269 = arith.constant 0 : i32
    %add3A_270 = arith.addi %add3A_268, %add3A_269 : i32
    %parallel_loop3A_271 = arith.constant 0 : i32
    %parallel_loop3A_272 = arith.constant 8 : i32
    %parallel_loop3A_273 = arith.constant 1 : i32
    scf.for %parallel_loop3A_1592 = %parallel_loop3A_271 to %parallel_loop3A_272 step %parallel_loop3A_273  : i32 {
      %parallel_loop3A_1593 = arith.constant 0 : i32
      %parallel_loop3A_1594 = arith.addi %parallel_loop3A_1593, %parallel_loop3A_1592 : i32
      %parallel_loop3A_1595 = arith.constant 0 : i32
      %parallel_loop3A_1596 = arith.constant 1024 : i32
      %parallel_loop3A_1597 = arith.constant 16 : i32
      %parallel_loop3A_1598 = arith.constant 2 : i32
      scf.for %parallel_loop3A_1599 = %parallel_loop3A_1595 to %parallel_loop3A_1596 step %parallel_loop3A_1597  : i32 {
        %parallel_loop3A_1600 = arith.constant 0 : i32
        %parallel_loop3A_1601 = tpu.memref_slice %arg6[%parallel_loop3A_1594, %parallel_loop3A_1600] : memref<64x1024xf32, #tpu.memory_space<vmem>> -> memref<1x1024xf32, #tpu.memory_space<vmem>>
        %parallel_loop3A_1602 = tpu.memref_squeeze %parallel_loop3A_1601 : memref<1x1024xf32, #tpu.memory_space<vmem>> -> memref<1024xf32, #tpu.memory_space<vmem>>
        %parallel_loop3A_1603 = arith.index_cast %parallel_loop3A_1599 : i32 to index
        %parallel_loop3A_1604 = tpu.vector_load %parallel_loop3A_1602[%parallel_loop3A_1603] {strides = array<i32>} : memref<1024xf32, #tpu.memory_space<vmem>>, vector<16xf32>,
        %parallel_loop3A_1605 = vector.shape_cast %parallel_loop3A_1604 : vector<16xf32> to vector<16xf32>
        %parallel_loop3A_1606 = arith.constant 0 : i32
        %parallel_loop3A_1607 = tpu.memref_slice %arg5[%parallel_loop3A_1598, %parallel_loop3A_1592, %parallel_loop3A_1606] : memref<3x16x1024xf32, #tpu.memory_space<vmem>> -> memref<1x1x1024xf32, #tpu.memory_space<vmem>>
        %parallel_loop3A_1608 = tpu.memref_squeeze %parallel_loop3A_1607 : memref<1x1x1024xf32, #tpu.memory_space<vmem>> -> memref<1024xf32, #tpu.memory_space<vmem>>
        %parallel_loop3A_1609 = arith.index_cast %parallel_loop3A_1599 : i32 to index
        %parallel_loop3A_1610 = tpu.vector_load %parallel_loop3A_1608[%parallel_loop3A_1609] {strides = array<i32>} : memref<1024xf32, #tpu.memory_space<vmem>>, vector<16xf32>,
        %parallel_loop3A_1611 = vector.shape_cast %parallel_loop3A_1610 : vector<16xf32> to vector<16xf32>
        %parallel_loop3A_1612 = vector.shape_cast %parallel_loop3A_1605 : vector<16xf32> to vector<16xf32>
        tpu.vector_store %parallel_loop3A_1608[%parallel_loop3A_1609], %parallel_loop3A_1612 {add = true, strides = array<i32>} : memref<1024xf32, #tpu.memory_space<vmem>>, vector<16xf32>,
      } {sc.loop_unroll_factor = 8 : i64, sc.parallel_access}
    } {sc.loop_unroll_factor = 1 : i64, sc.parallel_access}
    %dma_start3A_274 = arith.constant 2 : i32
    %dma_start3A_275 = arith.constant 0 : i32
    %dma_start3A_276 = arith.constant 0 : i32
    %dma_start3A_277 = tpu.memref_slice %arg5[%dma_start3A_274, %dma_start3A_275, %dma_start3A_276] : memref<3x16x1024xf32, #tpu.memory_space<vmem>> -> memref<1x8x1024xf32, #tpu.memory_space<vmem>>
    %dma_start3A_278 = tpu.memref_squeeze %dma_start3A_277 : memref<1x8x1024xf32, #tpu.memory_space<vmem>> -> memref<8x1024xf32, #tpu.memory_space<vmem>>
    %dma_start3A_279 = arith.constant 0 : i32
    %dma_start3A_280 = tpu.memref_slice %arg4[%add3A_270, %dma_start3A_279] : memref<8192x1024xf32, #tpu.memory_space<hbm>> -> memref<8x1024xf32, #tpu.memory_space<hbm>>
    %dma_start3A_281 = arith.constant 0 : i32
    %dma_start3A_282 = tpu.memref_slice %arg4[%add3A_270, %dma_start3A_281] : memref<8192x1024xf32, #tpu.memory_space<hbm>> -> memref<8x1024xf32, #tpu.memory_space<hbm>>
    %dma_start3A_283 = arith.constant 0 : i32
    %dma_start3A_284 = arith.constant 0 : i32
    %dma_start3A_285 = tpu.memref_slice %arg5[%dma_start3A_274, %dma_start3A_283, %dma_start3A_284] : memref<3x16x1024xf32, #tpu.memory_space<vmem>> -> memref<1x8x1024xf32, #tpu.memory_space<vmem>>
    %dma_start3A_286 = tpu.memref_squeeze %dma_start3A_285 : memref<1x8x1024xf32, #tpu.memory_space<vmem>> -> memref<8x1024xf32, #tpu.memory_space<vmem>>
    tpu.enqueue_dma source(%dma_start3A_286 : memref<8x1024xf32, #tpu.memory_space<vmem>>) target(%dma_start3A_282 : memref<8x1024xf32, #tpu.memory_space<hbm>>) target_semaphore(%arg12 : memref<!tpu.dma_semaphore, #tpu.memory_space<semaphore_mem>>)
    %parallel_loop3A_287 = arith.constant 8 : i32
    %parallel_loop3A_288 = arith.constant 16 : i32
    %parallel_loop3A_289 = arith.constant 1 : i32
    scf.for %parallel_loop3A_1592 = %parallel_loop3A_287 to %parallel_loop3A_288 step %parallel_loop3A_289  : i32 {
      %parallel_loop3A_1593 = arith.constant 0 : i32
      %parallel_loop3A_1594 = arith.addi %parallel_loop3A_1593, %parallel_loop3A_1592 : i32
      %parallel_loop3A_1595 = arith.constant 0 : i32
      %parallel_loop3A_1596 = arith.constant 1024 : i32
      %parallel_loop3A_1597 = arith.constant 16 : i32
      %parallel_loop3A_1598 = arith.constant 2 : i32
      scf.for %parallel_loop3A_1599 = %parallel_loop3A_1595 to %parallel_loop3A_1596 step %parallel_loop3A_1597  : i32 {
        %parallel_loop3A_1600 = arith.constant 0 : i32
        %parallel_loop3A_1601 = tpu.memref_slice %arg6[%parallel_loop3A_1594, %parallel_loop3A_1600] : memref<64x1024xf32, #tpu.memory_space<vmem>> -> memref<1x1024xf32, #tpu.memory_space<vmem>>
        %parallel_loop3A_1602 = tpu.memref_squeeze %parallel_loop3A_1601 : memref<1x1024xf32, #tpu.memory_space<vmem>> -> memref<1024xf32, #tpu.memory_space<vmem>>
        %parallel_loop3A_1603 = arith.index_cast %parallel_loop3A_1599 : i32 to index
        %parallel_loop3A_1604 = tpu.vector_load %parallel_loop3A_1602[%parallel_loop3A_1603] {strides = array<i32>} : memref<1024xf32, #tpu.memory_space<vmem>>, vector<16xf32>,
        %parallel_loop3A_1605 = vector.shape_cast %parallel_loop3A_1604 : vector<16xf32> to vector<16xf32>
        %parallel_loop3A_1606 = arith.constant 0 : i32
        %parallel_loop3A_1607 = tpu.memref_slice %arg5[%parallel_loop3A_1598, %parallel_loop3A_1592, %parallel_loop3A_1606] : memref<3x16x1024xf32, #tpu.memory_space<vmem>> -> memref<1x1x1024xf32, #tpu.memory_space<vmem>>
        %parallel_loop3A_1608 = tpu.memref_squeeze %parallel_loop3A_1607 : memref<1x1x1024xf32, #tpu.memory_space<vmem>> -> memref<1024xf32, #tpu.memory_space<vmem>>
        %parallel_loop3A_1609 = arith.index_cast %parallel_loop3A_1599 : i32 to index
        %parallel_loop3A_1610 = tpu.vector_load %parallel_loop3A_1608[%parallel_loop3A_1609] {strides = array<i32>} : memref<1024xf32, #tpu.memory_space<vmem>>, vector<16xf32>,
        %parallel_loop3A_1611 = vector.shape_cast %parallel_loop3A_1610 : vector<16xf32> to vector<16xf32>
        %parallel_loop3A_1612 = vector.shape_cast %parallel_loop3A_1605 : vector<16xf32> to vector<16xf32>
        tpu.vector_store %parallel_loop3A_1608[%parallel_loop3A_1609], %parallel_loop3A_1612 {add = true, strides = array<i32>} : memref<1024xf32, #tpu.memory_space<vmem>>, vector<16xf32>,
      } {sc.loop_unroll_factor = 8 : i64, sc.parallel_access}
    } {sc.loop_unroll_factor = 1 : i64, sc.parallel_access}
    %add3A_290 = arith.constant 8 : i32
    %add3A_291 = arith.addi %add3A_270, %add3A_290 : i32
    %dma_start3A_292 = arith.constant 2 : i32
    %dma_start3A_293 = arith.constant 8 : i32
    %dma_start3A_294 = arith.constant 0 : i32
    %dma_start3A_295 = tpu.memref_slice %arg5[%dma_start3A_292, %dma_start3A_293, %dma_start3A_294] : memref<3x16x1024xf32, #tpu.memory_space<vmem>> -> memref<1x8x1024xf32, #tpu.memory_space<vmem>>
    %dma_start3A_296 = tpu.memref_squeeze %dma_start3A_295 : memref<1x8x1024xf32, #tpu.memory_space<vmem>> -> memref<8x1024xf32, #tpu.memory_space<vmem>>
    %dma_start3A_297 = arith.constant 0 : i32
    %dma_start3A_298 = tpu.memref_slice %arg4[%add3A_291, %dma_start3A_297] : memref<8192x1024xf32, #tpu.memory_space<hbm>> -> memref<8x1024xf32, #tpu.memory_space<hbm>>
    %dma_start3A_299 = arith.constant 0 : i32
    %dma_start3A_300 = tpu.memref_slice %arg4[%add3A_291, %dma_start3A_299] : memref<8192x1024xf32, #tpu.memory_space<hbm>> -> memref<8x1024xf32, #tpu.memory_space<hbm>>
    %dma_start3A_301 = arith.constant 8 : i32
    %dma_start3A_302 = arith.constant 0 : i32
    %dma_start3A_303 = tpu.memref_slice %arg5[%dma_start3A_292, %dma_start3A_301, %dma_start3A_302] : memref<3x16x1024xf32, #tpu.memory_space<vmem>> -> memref<1x8x1024xf32, #tpu.memory_space<vmem>>
    %dma_start3A_304 = tpu.memref_squeeze %dma_start3A_303 : memref<1x8x1024xf32, #tpu.memory_space<vmem>> -> memref<8x1024xf32, #tpu.memory_space<vmem>>
    tpu.enqueue_dma source(%dma_start3A_304 : memref<8x1024xf32, #tpu.memory_space<vmem>>) target(%dma_start3A_300 : memref<8x1024xf32, #tpu.memory_space<hbm>>) target_semaphore(%arg12 : memref<!tpu.dma_semaphore, #tpu.memory_space<semaphore_mem>>)
    %dma_wait3A_305 = arith.constant 1 : i32
    %dma_wait3A_306 = arith.constant 0 : i32
    %dma_wait3A_307 = arith.constant 0 : i32
    %dma_wait3A_308 = tpu.memref_slice %arg5[%dma_wait3A_305, %dma_wait3A_306, %dma_wait3A_307] : memref<3x16x1024xf32, #tpu.memory_space<vmem>> -> memref<1x8x1024xf32, #tpu.memory_space<vmem>>
    %dma_wait3A_309 = tpu.memref_squeeze %dma_wait3A_308 : memref<1x8x1024xf32, #tpu.memory_space<vmem>> -> memref<8x1024xf32, #tpu.memory_space<vmem>>
    %dma_wait3A_310 = arith.constant 0 : i32
    %dma_wait3A_311 = tpu.memref_slice %arg4[%add3A_176, %dma_wait3A_310] : memref<8192x1024xf32, #tpu.memory_space<hbm>> -> memref<8x1024xf32, #tpu.memory_space<hbm>>
    %dma_wait3A_312 = arith.constant 0 : i32
    %dma_wait3A_313 = tpu.memref_slice %arg4[%add3A_176, %dma_wait3A_312] : memref<8192x1024xf32, #tpu.memory_space<hbm>> -> memref<8x1024xf32, #tpu.memory_space<hbm>>
    %dma_wait3A_314 = arith.constant 0 : i32
    %dma_wait3A_315 = arith.constant 0 : i32
    %dma_wait3A_316 = tpu.memref_slice %arg5[%dma_wait3A_305, %dma_wait3A_314, %dma_wait3A_315] : memref<3x16x1024xf32, #tpu.memory_space<vmem>> -> memref<1x8x1024xf32, #tpu.memory_space<vmem>>
    %dma_wait3A_317 = tpu.memref_squeeze %dma_wait3A_316 : memref<1x8x1024xf32, #tpu.memory_space<vmem>> -> memref<8x1024xf32, #tpu.memory_space<vmem>>
    tpu.wait_dma2 semaphore(%arg11 : memref<!tpu.dma_semaphore, #tpu.memory_space<semaphore_mem>>) src(%dma_wait3A_317 : memref<8x1024xf32, #tpu.memory_space<vmem>>) dst(%dma_wait3A_313 : memref<8x1024xf32, #tpu.memory_space<hbm>>)
    %dma_wait3A_318 = arith.constant 1 : i32
    %dma_wait3A_319 = arith.constant 8 : i32
    %dma_wait3A_320 = arith.constant 0 : i32
    %dma_wait3A_321 = tpu.memref_slice %arg5[%dma_wait3A_318, %dma_wait3A_319, %dma_wait3A_320] : memref<3x16x1024xf32, #tpu.memory_space<vmem>> -> memref<1x8x1024xf32, #tpu.memory_space<vmem>>
    %dma_wait3A_322 = tpu.memref_squeeze %dma_wait3A_321 : memref<1x8x1024xf32, #tpu.memory_space<vmem>> -> memref<8x1024xf32, #tpu.memory_space<vmem>>
    %dma_wait3A_323 = arith.constant 0 : i32
    %dma_wait3A_324 = tpu.memref_slice %arg4[%add3A_197, %dma_wait3A_323] : memref<8192x1024xf32, #tpu.memory_space<hbm>> -> memref<8x1024xf32, #tpu.memory_space<hbm>>
    %dma_wait3A_325 = arith.constant 0 : i32
    %dma_wait3A_326 = tpu.memref_slice %arg4[%add3A_197, %dma_wait3A_325] : memref<8192x1024xf32, #tpu.memory_space<hbm>> -> memref<8x1024xf32, #tpu.memory_space<hbm>>
    %dma_wait3A_327 = arith.constant 8 : i32
    %dma_wait3A_328 = arith.constant 0 : i32
    %dma_wait3A_329 = tpu.memref_slice %arg5[%dma_wait3A_318, %dma_wait3A_327, %dma_wait3A_328] : memref<3x16x1024xf32, #tpu.memory_space<vmem>> -> memref<1x8x1024xf32, #tpu.memory_space<vmem>>
    %dma_wait3A_330 = tpu.memref_squeeze %dma_wait3A_329 : memref<1x8x1024xf32, #tpu.memory_space<vmem>> -> memref<8x1024xf32, #tpu.memory_space<vmem>>
    tpu.wait_dma2 semaphore(%arg11 : memref<!tpu.dma_semaphore, #tpu.memory_space<semaphore_mem>>) src(%dma_wait3A_330 : memref<8x1024xf32, #tpu.memory_space<vmem>>) dst(%dma_wait3A_326 : memref<8x1024xf32, #tpu.memory_space<hbm>>)
    %add3A_331 = arith.constant 0 : i32
    %add3A_332 = arith.addi %add3A_331, %mul3A_2 : i32
    %add3A_333 = arith.constant 16 : i32
    %add3A_334 = arith.addi %add3A_332, %add3A_333 : i32
    %dma_start3A_335 = arith.constant 1 : i32
    %dma_start3A_336 = arith.constant 0 : i32
    %dma_start3A_337 = arith.constant 0 : i32
    %dma_start3A_338 = tpu.memref_slice %arg5[%dma_start3A_335, %dma_start3A_336, %dma_start3A_337] : memref<3x16x1024xf32, #tpu.memory_space<vmem>> -> memref<1x16x1024xf32, #tpu.memory_space<vmem>>
    %dma_start3A_339 = tpu.memref_squeeze %dma_start3A_338 : memref<1x16x1024xf32, #tpu.memory_space<vmem>> -> memref<16x1024xf32, #tpu.memory_space<vmem>>
    %dma_start3A_340 = arith.constant 0 : i32
    %dma_start3A_341 = tpu.memref_slice %arg2[%add3A_334, %dma_start3A_340] : memref<8192x1024xf32, #tpu.memory_space<hbm>> -> memref<16x1024xf32, #tpu.memory_space<hbm>>
    %dma_start3A_342 = arith.constant 0 : i32
    %dma_start3A_343 = arith.constant 0 : i32
    %dma_start3A_344 = tpu.memref_slice %arg5[%dma_start3A_335, %dma_start3A_342, %dma_start3A_343] : memref<3x16x1024xf32, #tpu.memory_space<vmem>> -> memref<1x16x1024xf32, #tpu.memory_space<vmem>>
    %dma_start3A_345 = tpu.memref_squeeze %dma_start3A_344 : memref<1x16x1024xf32, #tpu.memory_space<vmem>> -> memref<16x1024xf32, #tpu.memory_space<vmem>>
    %dma_start3A_346 = arith.constant 0 : i32
    %dma_start3A_347 = tpu.memref_slice %arg2[%add3A_334, %dma_start3A_346] : memref<8192x1024xf32, #tpu.memory_space<hbm>> -> memref<16x1024xf32, #tpu.memory_space<hbm>>
    tpu.enqueue_dma source(%dma_start3A_347 : memref<16x1024xf32, #tpu.memory_space<hbm>>) target(%dma_start3A_345 : memref<16x1024xf32, #tpu.memory_space<vmem>>) target_semaphore(%arg8 : memref<!tpu.dma_semaphore, #tpu.memory_space<semaphore_mem>>)
    %dma_wait3A_348 = arith.constant 0 : i32
    %dma_wait3A_349 = arith.constant 0 : i32
    %dma_wait3A_350 = arith.constant 0 : i32
    %dma_wait3A_351 = tpu.memref_slice %arg5[%dma_wait3A_348, %dma_wait3A_349, %dma_wait3A_350] : memref<3x16x1024xf32, #tpu.memory_space<vmem>> -> memref<1x16x1024xf32, #tpu.memory_space<vmem>>
    %dma_wait3A_352 = tpu.memref_squeeze %dma_wait3A_351 : memref<1x16x1024xf32, #tpu.memory_space<vmem>> -> memref<16x1024xf32, #tpu.memory_space<vmem>>
    %dma_wait3A_353 = arith.constant 0 : i32
    %dma_wait3A_354 = tpu.memref_slice %arg2[%add3A_240, %dma_wait3A_353] : memref<8192x1024xf32, #tpu.memory_space<hbm>> -> memref<16x1024xf32, #tpu.memory_space<hbm>>
    %dma_wait3A_355 = arith.constant 0 : i32
    %dma_wait3A_356 = arith.constant 0 : i32
    %dma_wait3A_357 = tpu.memref_slice %arg5[%dma_wait3A_348, %dma_wait3A_355, %dma_wait3A_356] : memref<3x16x1024xf32, #tpu.memory_space<vmem>> -> memref<1x16x1024xf32, #tpu.memory_space<vmem>>
    %dma_wait3A_358 = tpu.memref_squeeze %dma_wait3A_357 : memref<1x16x1024xf32, #tpu.memory_space<vmem>> -> memref<16x1024xf32, #tpu.memory_space<vmem>>
    %dma_wait3A_359 = arith.constant 0 : i32
    %dma_wait3A_360 = tpu.memref_slice %arg2[%add3A_240, %dma_wait3A_359] : memref<8192x1024xf32, #tpu.memory_space<hbm>> -> memref<16x1024xf32, #tpu.memory_space<hbm>>
    tpu.wait_dma2 semaphore(%arg7 : memref<!tpu.dma_semaphore, #tpu.memory_space<semaphore_mem>>) src(%dma_wait3A_360 : memref<16x1024xf32, #tpu.memory_space<hbm>>) dst(%dma_wait3A_358 : memref<16x1024xf32, #tpu.memory_space<vmem>>)
    %add3A_361 = arith.constant 6144 : i32
    %add3A_362 = arith.addi %add3A_361, %mul3A_2 : i32
    %add3A_363 = arith.constant 0 : i32
    %add3A_364 = arith.addi %add3A_362, %add3A_363 : i32
    %parallel_loop3A_365 = arith.constant 0 : i32
    %parallel_loop3A_366 = arith.constant 8 : i32
    %parallel_loop3A_367 = arith.constant 1 : i32
    scf.for %parallel_loop3A_1592 = %parallel_loop3A_365 to %parallel_loop3A_366 step %parallel_loop3A_367  : i32 {
      %parallel_loop3A_1593 = arith.constant 0 : i32
      %parallel_loop3A_1594 = arith.addi %parallel_loop3A_1593, %parallel_loop3A_1592 : i32
      %parallel_loop3A_1595 = arith.constant 0 : i32
      %parallel_loop3A_1596 = arith.constant 1024 : i32
      %parallel_loop3A_1597 = arith.constant 16 : i32
      %parallel_loop3A_1598 = arith.constant 0 : i32
      scf.for %parallel_loop3A_1599 = %parallel_loop3A_1595 to %parallel_loop3A_1596 step %parallel_loop3A_1597  : i32 {
        %parallel_loop3A_1600 = arith.constant 0 : i32
        %parallel_loop3A_1601 = tpu.memref_slice %arg6[%parallel_loop3A_1594, %parallel_loop3A_1600] : memref<64x1024xf32, #tpu.memory_space<vmem>> -> memref<1x1024xf32, #tpu.memory_space<vmem>>
        %parallel_loop3A_1602 = tpu.memref_squeeze %parallel_loop3A_1601 : memref<1x1024xf32, #tpu.memory_space<vmem>> -> memref<1024xf32, #tpu.memory_space<vmem>>
        %parallel_loop3A_1603 = arith.index_cast %parallel_loop3A_1599 : i32 to index
        %parallel_loop3A_1604 = tpu.vector_load %parallel_loop3A_1602[%parallel_loop3A_1603] {strides = array<i32>} : memref<1024xf32, #tpu.memory_space<vmem>>, vector<16xf32>,
        %parallel_loop3A_1605 = vector.shape_cast %parallel_loop3A_1604 : vector<16xf32> to vector<16xf32>
        %parallel_loop3A_1606 = arith.constant 0 : i32
        %parallel_loop3A_1607 = tpu.memref_slice %arg5[%parallel_loop3A_1598, %parallel_loop3A_1592, %parallel_loop3A_1606] : memref<3x16x1024xf32, #tpu.memory_space<vmem>> -> memref<1x1x1024xf32, #tpu.memory_space<vmem>>
        %parallel_loop3A_1608 = tpu.memref_squeeze %parallel_loop3A_1607 : memref<1x1x1024xf32, #tpu.memory_space<vmem>> -> memref<1024xf32, #tpu.memory_space<vmem>>
        %parallel_loop3A_1609 = arith.index_cast %parallel_loop3A_1599 : i32 to index
        %parallel_loop3A_1610 = tpu.vector_load %parallel_loop3A_1608[%parallel_loop3A_1609] {strides = array<i32>} : memref<1024xf32, #tpu.memory_space<vmem>>, vector<16xf32>,
        %parallel_loop3A_1611 = vector.shape_cast %parallel_loop3A_1610 : vector<16xf32> to vector<16xf32>
        %parallel_loop3A_1612 = vector.shape_cast %parallel_loop3A_1605 : vector<16xf32> to vector<16xf32>
        tpu.vector_store %parallel_loop3A_1608[%parallel_loop3A_1609], %parallel_loop3A_1612 {add = true, strides = array<i32>} : memref<1024xf32, #tpu.memory_space<vmem>>, vector<16xf32>,
      } {sc.loop_unroll_factor = 8 : i64, sc.parallel_access}
    } {sc.loop_unroll_factor = 1 : i64, sc.parallel_access}
    %dma_start3A_368 = arith.constant 0 : i32
    %dma_start3A_369 = arith.constant 0 : i32
    %dma_start3A_370 = arith.constant 0 : i32
    %dma_start3A_371 = tpu.memref_slice %arg5[%dma_start3A_368, %dma_start3A_369, %dma_start3A_370] : memref<3x16x1024xf32, #tpu.memory_space<vmem>> -> memref<1x8x1024xf32, #tpu.memory_space<vmem>>
    %dma_start3A_372 = tpu.memref_squeeze %dma_start3A_371 : memref<1x8x1024xf32, #tpu.memory_space<vmem>> -> memref<8x1024xf32, #tpu.memory_space<vmem>>
    %dma_start3A_373 = arith.constant 0 : i32
    %dma_start3A_374 = tpu.memref_slice %arg4[%add3A_364, %dma_start3A_373] : memref<8192x1024xf32, #tpu.memory_space<hbm>> -> memref<8x1024xf32, #tpu.memory_space<hbm>>
    %dma_start3A_375 = arith.constant 0 : i32
    %dma_start3A_376 = tpu.memref_slice %arg4[%add3A_364, %dma_start3A_375] : memref<8192x1024xf32, #tpu.memory_space<hbm>> -> memref<8x1024xf32, #tpu.memory_space<hbm>>
    %dma_start3A_377 = arith.constant 0 : i32
    %dma_start3A_378 = arith.constant 0 : i32
    %dma_start3A_379 = tpu.memref_slice %arg5[%dma_start3A_368, %dma_start3A_377, %dma_start3A_378] : memref<3x16x1024xf32, #tpu.memory_space<vmem>> -> memref<1x8x1024xf32, #tpu.memory_space<vmem>>
    %dma_start3A_380 = tpu.memref_squeeze %dma_start3A_379 : memref<1x8x1024xf32, #tpu.memory_space<vmem>> -> memref<8x1024xf32, #tpu.memory_space<vmem>>
    tpu.enqueue_dma source(%dma_start3A_380 : memref<8x1024xf32, #tpu.memory_space<vmem>>) target(%dma_start3A_376 : memref<8x1024xf32, #tpu.memory_space<hbm>>) target_semaphore(%arg10 : memref<!tpu.dma_semaphore, #tpu.memory_space<semaphore_mem>>)
    %parallel_loop3A_381 = arith.constant 8 : i32
    %parallel_loop3A_382 = arith.constant 16 : i32
    %parallel_loop3A_383 = arith.constant 1 : i32
    scf.for %parallel_loop3A_1592 = %parallel_loop3A_381 to %parallel_loop3A_382 step %parallel_loop3A_383  : i32 {
      %parallel_loop3A_1593 = arith.constant 0 : i32
      %parallel_loop3A_1594 = arith.addi %parallel_loop3A_1593, %parallel_loop3A_1592 : i32
      %parallel_loop3A_1595 = arith.constant 0 : i32
      %parallel_loop3A_1596 = arith.constant 1024 : i32
      %parallel_loop3A_1597 = arith.constant 16 : i32
      %parallel_loop3A_1598 = arith.constant 0 : i32
      scf.for %parallel_loop3A_1599 = %parallel_loop3A_1595 to %parallel_loop3A_1596 step %parallel_loop3A_1597  : i32 {
        %parallel_loop3A_1600 = arith.constant 0 : i32
        %parallel_loop3A_1601 = tpu.memref_slice %arg6[%parallel_loop3A_1594, %parallel_loop3A_1600] : memref<64x1024xf32, #tpu.memory_space<vmem>> -> memref<1x1024xf32, #tpu.memory_space<vmem>>
        %parallel_loop3A_1602 = tpu.memref_squeeze %parallel_loop3A_1601 : memref<1x1024xf32, #tpu.memory_space<vmem>> -> memref<1024xf32, #tpu.memory_space<vmem>>
        %parallel_loop3A_1603 = arith.index_cast %parallel_loop3A_1599 : i32 to index
        %parallel_loop3A_1604 = tpu.vector_load %parallel_loop3A_1602[%parallel_loop3A_1603] {strides = array<i32>} : memref<1024xf32, #tpu.memory_space<vmem>>, vector<16xf32>,
        %parallel_loop3A_1605 = vector.shape_cast %parallel_loop3A_1604 : vector<16xf32> to vector<16xf32>
        %parallel_loop3A_1606 = arith.constant 0 : i32
        %parallel_loop3A_1607 = tpu.memref_slice %arg5[%parallel_loop3A_1598, %parallel_loop3A_1592, %parallel_loop3A_1606] : memref<3x16x1024xf32, #tpu.memory_space<vmem>> -> memref<1x1x1024xf32, #tpu.memory_space<vmem>>
        %parallel_loop3A_1608 = tpu.memref_squeeze %parallel_loop3A_1607 : memref<1x1x1024xf32, #tpu.memory_space<vmem>> -> memref<1024xf32, #tpu.memory_space<vmem>>
        %parallel_loop3A_1609 = arith.index_cast %parallel_loop3A_1599 : i32 to index
        %parallel_loop3A_1610 = tpu.vector_load %parallel_loop3A_1608[%parallel_loop3A_1609] {strides = array<i32>} : memref<1024xf32, #tpu.memory_space<vmem>>, vector<16xf32>,
        %parallel_loop3A_1611 = vector.shape_cast %parallel_loop3A_1610 : vector<16xf32> to vector<16xf32>
        %parallel_loop3A_1612 = vector.shape_cast %parallel_loop3A_1605 : vector<16xf32> to vector<16xf32>
        tpu.vector_store %parallel_loop3A_1608[%parallel_loop3A_1609], %parallel_loop3A_1612 {add = true, strides = array<i32>} : memref<1024xf32, #tpu.memory_space<vmem>>, vector<16xf32>,
      } {sc.loop_unroll_factor = 8 : i64, sc.parallel_access}
    } {sc.loop_unroll_factor = 1 : i64, sc.parallel_access}
    %add3A_384 = arith.constant 8 : i32
    %add3A_385 = arith.addi %add3A_364, %add3A_384 : i32
    %dma_start3A_386 = arith.constant 0 : i32
    %dma_start3A_387 = arith.constant 8 : i32
    %dma_start3A_388 = arith.constant 0 : i32
    %dma_start3A_389 = tpu.memref_slice %arg5[%dma_start3A_386, %dma_start3A_387, %dma_start3A_388] : memref<3x16x1024xf32, #tpu.memory_space<vmem>> -> memref<1x8x1024xf32, #tpu.memory_space<vmem>>
    %dma_start3A_390 = tpu.memref_squeeze %dma_start3A_389 : memref<1x8x1024xf32, #tpu.memory_space<vmem>> -> memref<8x1024xf32, #tpu.memory_space<vmem>>
    %dma_start3A_391 = arith.constant 0 : i32
    %dma_start3A_392 = tpu.memref_slice %arg4[%add3A_385, %dma_start3A_391] : memref<8192x1024xf32, #tpu.memory_space<hbm>> -> memref<8x1024xf32, #tpu.memory_space<hbm>>
    %dma_start3A_393 = arith.constant 0 : i32
    %dma_start3A_394 = tpu.memref_slice %arg4[%add3A_385, %dma_start3A_393] : memref<8192x1024xf32, #tpu.memory_space<hbm>> -> memref<8x1024xf32, #tpu.memory_space<hbm>>
    %dma_start3A_395 = arith.constant 8 : i32
    %dma_start3A_396 = arith.constant 0 : i32
    %dma_start3A_397 = tpu.memref_slice %arg5[%dma_start3A_386, %dma_start3A_395, %dma_start3A_396] : memref<3x16x1024xf32, #tpu.memory_space<vmem>> -> memref<1x8x1024xf32, #tpu.memory_space<vmem>>
    %dma_start3A_398 = tpu.memref_squeeze %dma_start3A_397 : memref<1x8x1024xf32, #tpu.memory_space<vmem>> -> memref<8x1024xf32, #tpu.memory_space<vmem>>
    tpu.enqueue_dma source(%dma_start3A_398 : memref<8x1024xf32, #tpu.memory_space<vmem>>) target(%dma_start3A_394 : memref<8x1024xf32, #tpu.memory_space<hbm>>) target_semaphore(%arg10 : memref<!tpu.dma_semaphore, #tpu.memory_space<semaphore_mem>>)
    %dma_wait3A_399 = arith.constant 2 : i32
    %dma_wait3A_400 = arith.constant 0 : i32
    %dma_wait3A_401 = arith.constant 0 : i32
    %dma_wait3A_402 = tpu.memref_slice %arg5[%dma_wait3A_399, %dma_wait3A_400, %dma_wait3A_401] : memref<3x16x1024xf32, #tpu.memory_space<vmem>> -> memref<1x8x1024xf32, #tpu.memory_space<vmem>>
    %dma_wait3A_403 = tpu.memref_squeeze %dma_wait3A_402 : memref<1x8x1024xf32, #tpu.memory_space<vmem>> -> memref<8x1024xf32, #tpu.memory_space<vmem>>
    %dma_wait3A_404 = arith.constant 0 : i32
    %dma_wait3A_405 = tpu.memref_slice %arg4[%add3A_270, %dma_wait3A_404] : memref<8192x1024xf32, #tpu.memory_space<hbm>> -> memref<8x1024xf32, #tpu.memory_space<hbm>>
    %dma_wait3A_406 = arith.constant 0 : i32
    %dma_wait3A_407 = tpu.memref_slice %arg4[%add3A_270, %dma_wait3A_406] : memref<8192x1024xf32, #tpu.memory_space<hbm>> -> memref<8x1024xf32, #tpu.memory_space<hbm>>
    %dma_wait3A_408 = arith.constant 0 : i32
    %dma_wait3A_409 = arith.constant 0 : i32
    %dma_wait3A_410 = tpu.memref_slice %arg5[%dma_wait3A_399, %dma_wait3A_408, %dma_wait3A_409] : memref<3x16x1024xf32, #tpu.memory_space<vmem>> -> memref<1x8x1024xf32, #tpu.memory_space<vmem>>
    %dma_wait3A_411 = tpu.memref_squeeze %dma_wait3A_410 : memref<1x8x1024xf32, #tpu.memory_space<vmem>> -> memref<8x1024xf32, #tpu.memory_space<vmem>>
    tpu.wait_dma2 semaphore(%arg12 : memref<!tpu.dma_semaphore, #tpu.memory_space<semaphore_mem>>) src(%dma_wait3A_411 : memref<8x1024xf32, #tpu.memory_space<vmem>>) dst(%dma_wait3A_407 : memref<8x1024xf32, #tpu.memory_space<hbm>>)
    %dma_wait3A_412 = arith.constant 2 : i32
    %dma_wait3A_413 = arith.constant 8 : i32
    %dma_wait3A_414 = arith.constant 0 : i32
    %dma_wait3A_415 = tpu.memref_slice %arg5[%dma_wait3A_412, %dma_wait3A_413, %dma_wait3A_414] : memref<3x16x1024xf32, #tpu.memory_space<vmem>> -> memref<1x8x1024xf32, #tpu.memory_space<vmem>>
    %dma_wait3A_416 = tpu.memref_squeeze %dma_wait3A_415 : memref<1x8x1024xf32, #tpu.memory_space<vmem>> -> memref<8x1024xf32, #tpu.memory_space<vmem>>
    %dma_wait3A_417 = arith.constant 0 : i32
    %dma_wait3A_418 = tpu.memref_slice %arg4[%add3A_291, %dma_wait3A_417] : memref<8192x1024xf32, #tpu.memory_space<hbm>> -> memref<8x1024xf32, #tpu.memory_space<hbm>>
    %dma_wait3A_419 = arith.constant 0 : i32
    %dma_wait3A_420 = tpu.memref_slice %arg4[%add3A_291, %dma_wait3A_419] : memref<8192x1024xf32, #tpu.memory_space<hbm>> -> memref<8x1024xf32, #tpu.memory_space<hbm>>
    %dma_wait3A_421 = arith.constant 8 : i32
    %dma_wait3A_422 = arith.constant 0 : i32
    %dma_wait3A_423 = tpu.memref_slice %arg5[%dma_wait3A_412, %dma_wait3A_421, %dma_wait3A_422] : memref<3x16x1024xf32, #tpu.memory_space<vmem>> -> memref<1x8x1024xf32, #tpu.memory_space<vmem>>
    %dma_wait3A_424 = tpu.memref_squeeze %dma_wait3A_423 : memref<1x8x1024xf32, #tpu.memory_space<vmem>> -> memref<8x1024xf32, #tpu.memory_space<vmem>>
    tpu.wait_dma2 semaphore(%arg12 : memref<!tpu.dma_semaphore, #tpu.memory_space<semaphore_mem>>) src(%dma_wait3A_424 : memref<8x1024xf32, #tpu.memory_space<vmem>>) dst(%dma_wait3A_420 : memref<8x1024xf32, #tpu.memory_space<hbm>>)
    %add3A_425 = arith.constant 2048 : i32
    %add3A_426 = arith.addi %add3A_425, %mul3A_2 : i32
    %add3A_427 = arith.constant 16 : i32
    %add3A_428 = arith.addi %add3A_426, %add3A_427 : i32
    %dma_start3A_429 = arith.constant 2 : i32
    %dma_start3A_430 = arith.constant 0 : i32
    %dma_start3A_431 = arith.constant 0 : i32
    %dma_start3A_432 = tpu.memref_slice %arg5[%dma_start3A_429, %dma_start3A_430, %dma_start3A_431] : memref<3x16x1024xf32, #tpu.memory_space<vmem>> -> memref<1x16x1024xf32, #tpu.memory_space<vmem>>
    %dma_start3A_433 = tpu.memref_squeeze %dma_start3A_432 : memref<1x16x1024xf32, #tpu.memory_space<vmem>> -> memref<16x1024xf32, #tpu.memory_space<vmem>>
    %dma_start3A_434 = arith.constant 0 : i32
    %dma_start3A_435 = tpu.memref_slice %arg2[%add3A_428, %dma_start3A_434] : memref<8192x1024xf32, #tpu.memory_space<hbm>> -> memref<16x1024xf32, #tpu.memory_space<hbm>>
    %dma_start3A_436 = arith.constant 0 : i32
    %dma_start3A_437 = arith.constant 0 : i32
    %dma_start3A_438 = tpu.memref_slice %arg5[%dma_start3A_429, %dma_start3A_436, %dma_start3A_437] : memref<3x16x1024xf32, #tpu.memory_space<vmem>> -> memref<1x16x1024xf32, #tpu.memory_space<vmem>>
    %dma_start3A_439 = tpu.memref_squeeze %dma_start3A_438 : memref<1x16x1024xf32, #tpu.memory_space<vmem>> -> memref<16x1024xf32, #tpu.memory_space<vmem>>
    %dma_start3A_440 = arith.constant 0 : i32
    %dma_start3A_441 = tpu.memref_slice %arg2[%add3A_428, %dma_start3A_440] : memref<8192x1024xf32, #tpu.memory_space<hbm>> -> memref<16x1024xf32, #tpu.memory_space<hbm>>
    tpu.enqueue_dma source(%dma_start3A_441 : memref<16x1024xf32, #tpu.memory_space<hbm>>) target(%dma_start3A_439 : memref<16x1024xf32, #tpu.memory_space<vmem>>) target_semaphore(%arg9 : memref<!tpu.dma_semaphore, #tpu.memory_space<semaphore_mem>>)
    %dma_wait3A_442 = arith.constant 16 : i32
    %dma_wait3A_443 = arith.constant 0 : i32
    %dma_wait3A_444 = tpu.memref_slice %arg6[%dma_wait3A_442, %dma_wait3A_443] : memref<64x1024xf32, #tpu.memory_space<vmem>> -> memref<16x1024xf32, #tpu.memory_space<vmem>>
    %dma_wait3A_445 = arith.constant 0 : i32
    %dma_wait3A_446 = tpu.memref_slice %arg3[%add3A_15, %dma_wait3A_445] : memref<2048x1024xf32, #tpu.memory_space<hbm>> -> memref<16x1024xf32, #tpu.memory_space<hbm>>
    %dma_wait3A_447 = arith.constant 16 : i32
    %dma_wait3A_448 = arith.constant 0 : i32
    %dma_wait3A_449 = tpu.memref_slice %arg6[%dma_wait3A_447, %dma_wait3A_448] : memref<64x1024xf32, #tpu.memory_space<vmem>> -> memref<16x1024xf32, #tpu.memory_space<vmem>>
    %dma_wait3A_450 = arith.constant 0 : i32
    %dma_wait3A_451 = tpu.memref_slice %arg3[%add3A_15, %dma_wait3A_450] : memref<2048x1024xf32, #tpu.memory_space<hbm>> -> memref<16x1024xf32, #tpu.memory_space<hbm>>
    tpu.wait_dma2 semaphore(%arg14 : memref<!tpu.dma_semaphore, #tpu.memory_space<semaphore_mem>>) src(%dma_wait3A_451 : memref<16x1024xf32, #tpu.memory_space<hbm>>) dst(%dma_wait3A_449 : memref<16x1024xf32, #tpu.memory_space<vmem>>)
    %dma_wait3A_452 = arith.constant 1 : i32
    %dma_wait3A_453 = arith.constant 0 : i32
    %dma_wait3A_454 = arith.constant 0 : i32
    %dma_wait3A_455 = tpu.memref_slice %arg5[%dma_wait3A_452, %dma_wait3A_453, %dma_wait3A_454] : memref<3x16x1024xf32, #tpu.memory_space<vmem>> -> memref<1x16x1024xf32, #tpu.memory_space<vmem>>
    %dma_wait3A_456 = tpu.memref_squeeze %dma_wait3A_455 : memref<1x16x1024xf32, #tpu.memory_space<vmem>> -> memref<16x1024xf32, #tpu.memory_space<vmem>>
    %dma_wait3A_457 = arith.constant 0 : i32
    %dma_wait3A_458 = tpu.memref_slice %arg2[%add3A_334, %dma_wait3A_457] : memref<8192x1024xf32, #tpu.memory_space<hbm>> -> memref<16x1024xf32, #tpu.memory_space<hbm>>
    %dma_wait3A_459 = arith.constant 0 : i32
    %dma_wait3A_460 = arith.constant 0 : i32
    %dma_wait3A_461 = tpu.memref_slice %arg5[%dma_wait3A_452, %dma_wait3A_459, %dma_wait3A_460] : memref<3x16x1024xf32, #tpu.memory_space<vmem>> -> memref<1x16x1024xf32, #tpu.memory_space<vmem>>
    %dma_wait3A_462 = tpu.memref_squeeze %dma_wait3A_461 : memref<1x16x1024xf32, #tpu.memory_space<vmem>> -> memref<16x1024xf32, #tpu.memory_space<vmem>>
    %dma_wait3A_463 = arith.constant 0 : i32
    %dma_wait3A_464 = tpu.memref_slice %arg2[%add3A_334, %dma_wait3A_463] : memref<8192x1024xf32, #tpu.memory_space<hbm>> -> memref<16x1024xf32, #tpu.memory_space<hbm>>
    tpu.wait_dma2 semaphore(%arg8 : memref<!tpu.dma_semaphore, #tpu.memory_space<semaphore_mem>>) src(%dma_wait3A_464 : memref<16x1024xf32, #tpu.memory_space<hbm>>) dst(%dma_wait3A_462 : memref<16x1024xf32, #tpu.memory_space<vmem>>)
    %add3A_465 = arith.constant 0 : i32
    %add3A_466 = arith.addi %add3A_465, %mul3A_2 : i32
    %add3A_467 = arith.constant 16 : i32
    %add3A_468 = arith.addi %add3A_466, %add3A_467 : i32
    %parallel_loop3A_469 = arith.constant 0 : i32
    %parallel_loop3A_470 = arith.constant 8 : i32
    %parallel_loop3A_471 = arith.constant 1 : i32
    scf.for %parallel_loop3A_1592 = %parallel_loop3A_469 to %parallel_loop3A_470 step %parallel_loop3A_471  : i32 {
      %parallel_loop3A_1593 = arith.constant 16 : i32
      %parallel_loop3A_1594 = arith.addi %parallel_loop3A_1593, %parallel_loop3A_1592 : i32
      %parallel_loop3A_1595 = arith.constant 0 : i32
      %parallel_loop3A_1596 = arith.constant 1024 : i32
      %parallel_loop3A_1597 = arith.constant 16 : i32
      %parallel_loop3A_1598 = arith.constant 1 : i32
      scf.for %parallel_loop3A_1599 = %parallel_loop3A_1595 to %parallel_loop3A_1596 step %parallel_loop3A_1597  : i32 {
        %parallel_loop3A_1600 = arith.constant 0 : i32
        %parallel_loop3A_1601 = tpu.memref_slice %arg6[%parallel_loop3A_1594, %parallel_loop3A_1600] : memref<64x1024xf32, #tpu.memory_space<vmem>> -> memref<1x1024xf32, #tpu.memory_space<vmem>>
        %parallel_loop3A_1602 = tpu.memref_squeeze %parallel_loop3A_1601 : memref<1x1024xf32, #tpu.memory_space<vmem>> -> memref<1024xf32, #tpu.memory_space<vmem>>
        %parallel_loop3A_1603 = arith.index_cast %parallel_loop3A_1599 : i32 to index
        %parallel_loop3A_1604 = tpu.vector_load %parallel_loop3A_1602[%parallel_loop3A_1603] {strides = array<i32>} : memref<1024xf32, #tpu.memory_space<vmem>>, vector<16xf32>,
        %parallel_loop3A_1605 = vector.shape_cast %parallel_loop3A_1604 : vector<16xf32> to vector<16xf32>
        %parallel_loop3A_1606 = arith.constant 0 : i32
        %parallel_loop3A_1607 = tpu.memref_slice %arg5[%parallel_loop3A_1598, %parallel_loop3A_1592, %parallel_loop3A_1606] : memref<3x16x1024xf32, #tpu.memory_space<vmem>> -> memref<1x1x1024xf32, #tpu.memory_space<vmem>>
        %parallel_loop3A_1608 = tpu.memref_squeeze %parallel_loop3A_1607 : memref<1x1x1024xf32, #tpu.memory_space<vmem>> -> memref<1024xf32, #tpu.memory_space<vmem>>
        %parallel_loop3A_1609 = arith.index_cast %parallel_loop3A_1599 : i32 to index
        %parallel_loop3A_1610 = tpu.vector_load %parallel_loop3A_1608[%parallel_loop3A_1609] {strides = array<i32>} : memref<1024xf32, #tpu.memory_space<vmem>>, vector<16xf32>,
        %parallel_loop3A_1611 = vector.shape_cast %parallel_loop3A_1610 : vector<16xf32> to vector<16xf32>
        %parallel_loop3A_1612 = vector.shape_cast %parallel_loop3A_1605 : vector<16xf32> to vector<16xf32>
        tpu.vector_store %parallel_loop3A_1608[%parallel_loop3A_1609], %parallel_loop3A_1612 {add = true, strides = array<i32>} : memref<1024xf32, #tpu.memory_space<vmem>>, vector<16xf32>,
      } {sc.loop_unroll_factor = 8 : i64, sc.parallel_access}
    } {sc.loop_unroll_factor = 1 : i64, sc.parallel_access}
    %dma_start3A_472 = arith.constant 1 : i32
    %dma_start3A_473 = arith.constant 0 : i32
    %dma_start3A_474 = arith.constant 0 : i32
    %dma_start3A_475 = tpu.memref_slice %arg5[%dma_start3A_472, %dma_start3A_473, %dma_start3A_474] : memref<3x16x1024xf32, #tpu.memory_space<vmem>> -> memref<1x8x1024xf32, #tpu.memory_space<vmem>>
    %dma_start3A_476 = tpu.memref_squeeze %dma_start3A_475 : memref<1x8x1024xf32, #tpu.memory_space<vmem>> -> memref<8x1024xf32, #tpu.memory_space<vmem>>
    %dma_start3A_477 = arith.constant 0 : i32
    %dma_start3A_478 = tpu.memref_slice %arg4[%add3A_468, %dma_start3A_477] : memref<8192x1024xf32, #tpu.memory_space<hbm>> -> memref<8x1024xf32, #tpu.memory_space<hbm>>
    %dma_start3A_479 = arith.constant 0 : i32
    %dma_start3A_480 = tpu.memref_slice %arg4[%add3A_468, %dma_start3A_479] : memref<8192x1024xf32, #tpu.memory_space<hbm>> -> memref<8x1024xf32, #tpu.memory_space<hbm>>
    %dma_start3A_481 = arith.constant 0 : i32
    %dma_start3A_482 = arith.constant 0 : i32
    %dma_start3A_483 = tpu.memref_slice %arg5[%dma_start3A_472, %dma_start3A_481, %dma_start3A_482] : memref<3x16x1024xf32, #tpu.memory_space<vmem>> -> memref<1x8x1024xf32, #tpu.memory_space<vmem>>
    %dma_start3A_484 = tpu.memref_squeeze %dma_start3A_483 : memref<1x8x1024xf32, #tpu.memory_space<vmem>> -> memref<8x1024xf32, #tpu.memory_space<vmem>>
    tpu.enqueue_dma source(%dma_start3A_484 : memref<8x1024xf32, #tpu.memory_space<vmem>>) target(%dma_start3A_480 : memref<8x1024xf32, #tpu.memory_space<hbm>>) target_semaphore(%arg11 : memref<!tpu.dma_semaphore, #tpu.memory_space<semaphore_mem>>)
    %parallel_loop3A_485 = arith.constant 8 : i32
    %parallel_loop3A_486 = arith.constant 16 : i32
    %parallel_loop3A_487 = arith.constant 1 : i32
    scf.for %parallel_loop3A_1592 = %parallel_loop3A_485 to %parallel_loop3A_486 step %parallel_loop3A_487  : i32 {
      %parallel_loop3A_1593 = arith.constant 16 : i32
      %parallel_loop3A_1594 = arith.addi %parallel_loop3A_1593, %parallel_loop3A_1592 : i32
      %parallel_loop3A_1595 = arith.constant 0 : i32
      %parallel_loop3A_1596 = arith.constant 1024 : i32
      %parallel_loop3A_1597 = arith.constant 16 : i32
      %parallel_loop3A_1598 = arith.constant 1 : i32
      scf.for %parallel_loop3A_1599 = %parallel_loop3A_1595 to %parallel_loop3A_1596 step %parallel_loop3A_1597  : i32 {
        %parallel_loop3A_1600 = arith.constant 0 : i32
        %parallel_loop3A_1601 = tpu.memref_slice %arg6[%parallel_loop3A_1594, %parallel_loop3A_1600] : memref<64x1024xf32, #tpu.memory_space<vmem>> -> memref<1x1024xf32, #tpu.memory_space<vmem>>
        %parallel_loop3A_1602 = tpu.memref_squeeze %parallel_loop3A_1601 : memref<1x1024xf32, #tpu.memory_space<vmem>> -> memref<1024xf32, #tpu.memory_space<vmem>>
        %parallel_loop3A_1603 = arith.index_cast %parallel_loop3A_1599 : i32 to index
        %parallel_loop3A_1604 = tpu.vector_load %parallel_loop3A_1602[%parallel_loop3A_1603] {strides = array<i32>} : memref<1024xf32, #tpu.memory_space<vmem>>, vector<16xf32>,
        %parallel_loop3A_1605 = vector.shape_cast %parallel_loop3A_1604 : vector<16xf32> to vector<16xf32>
        %parallel_loop3A_1606 = arith.constant 0 : i32
        %parallel_loop3A_1607 = tpu.memref_slice %arg5[%parallel_loop3A_1598, %parallel_loop3A_1592, %parallel_loop3A_1606] : memref<3x16x1024xf32, #tpu.memory_space<vmem>> -> memref<1x1x1024xf32, #tpu.memory_space<vmem>>
        %parallel_loop3A_1608 = tpu.memref_squeeze %parallel_loop3A_1607 : memref<1x1x1024xf32, #tpu.memory_space<vmem>> -> memref<1024xf32, #tpu.memory_space<vmem>>
        %parallel_loop3A_1609 = arith.index_cast %parallel_loop3A_1599 : i32 to index
        %parallel_loop3A_1610 = tpu.vector_load %parallel_loop3A_1608[%parallel_loop3A_1609] {strides = array<i32>} : memref<1024xf32, #tpu.memory_space<vmem>>, vector<16xf32>,
        %parallel_loop3A_1611 = vector.shape_cast %parallel_loop3A_1610 : vector<16xf32> to vector<16xf32>
        %parallel_loop3A_1612 = vector.shape_cast %parallel_loop3A_1605 : vector<16xf32> to vector<16xf32>
        tpu.vector_store %parallel_loop3A_1608[%parallel_loop3A_1609], %parallel_loop3A_1612 {add = true, strides = array<i32>} : memref<1024xf32, #tpu.memory_space<vmem>>, vector<16xf32>,
      } {sc.loop_unroll_factor = 8 : i64, sc.parallel_access}
    } {sc.loop_unroll_factor = 1 : i64, sc.parallel_access}
    %add3A_488 = arith.constant 8 : i32
    %add3A_489 = arith.addi %add3A_468, %add3A_488 : i32
    %dma_start3A_490 = arith.constant 1 : i32
    %dma_start3A_491 = arith.constant 8 : i32
    %dma_start3A_492 = arith.constant 0 : i32
    %dma_start3A_493 = tpu.memref_slice %arg5[%dma_start3A_490, %dma_start3A_491, %dma_start3A_492] : memref<3x16x1024xf32, #tpu.memory_space<vmem>> -> memref<1x8x1024xf32, #tpu.memory_space<vmem>>
    %dma_start3A_494 = tpu.memref_squeeze %dma_start3A_493 : memref<1x8x1024xf32, #tpu.memory_space<vmem>> -> memref<8x1024xf32, #tpu.memory_space<vmem>>
    %dma_start3A_495 = arith.constant 0 : i32
    %dma_start3A_496 = tpu.memref_slice %arg4[%add3A_489, %dma_start3A_495] : memref<8192x1024xf32, #tpu.memory_space<hbm>> -> memref<8x1024xf32, #tpu.memory_space<hbm>>
    %dma_start3A_497 = arith.constant 0 : i32
    %dma_start3A_498 = tpu.memref_slice %arg4[%add3A_489, %dma_start3A_497] : memref<8192x1024xf32, #tpu.memory_space<hbm>> -> memref<8x1024xf32, #tpu.memory_space<hbm>>
    %dma_start3A_499 = arith.constant 8 : i32
    %dma_start3A_500 = arith.constant 0 : i32
    %dma_start3A_501 = tpu.memref_slice %arg5[%dma_start3A_490, %dma_start3A_499, %dma_start3A_500] : memref<3x16x1024xf32, #tpu.memory_space<vmem>> -> memref<1x8x1024xf32, #tpu.memory_space<vmem>>
    %dma_start3A_502 = tpu.memref_squeeze %dma_start3A_501 : memref<1x8x1024xf32, #tpu.memory_space<vmem>> -> memref<8x1024xf32, #tpu.memory_space<vmem>>
    tpu.enqueue_dma source(%dma_start3A_502 : memref<8x1024xf32, #tpu.memory_space<vmem>>) target(%dma_start3A_498 : memref<8x1024xf32, #tpu.memory_space<hbm>>) target_semaphore(%arg11 : memref<!tpu.dma_semaphore, #tpu.memory_space<semaphore_mem>>)
    %dma_wait3A_503 = arith.constant 0 : i32
    %dma_wait3A_504 = arith.constant 0 : i32
    %dma_wait3A_505 = arith.constant 0 : i32
    %dma_wait3A_506 = tpu.memref_slice %arg5[%dma_wait3A_503, %dma_wait3A_504, %dma_wait3A_505] : memref<3x16x1024xf32, #tpu.memory_space<vmem>> -> memref<1x8x1024xf32, #tpu.memory_space<vmem>>
    %dma_wait3A_507 = tpu.memref_squeeze %dma_wait3A_506 : memref<1x8x1024xf32, #tpu.memory_space<vmem>> -> memref<8x1024xf32, #tpu.memory_space<vmem>>
    %dma_wait3A_508 = arith.constant 0 : i32
    %dma_wait3A_509 = tpu.memref_slice %arg4[%add3A_364, %dma_wait3A_508] : memref<8192x1024xf32, #tpu.memory_space<hbm>> -> memref<8x1024xf32, #tpu.memory_space<hbm>>
    %dma_wait3A_510 = arith.constant 0 : i32
    %dma_wait3A_511 = tpu.memref_slice %arg4[%add3A_364, %dma_wait3A_510] : memref<8192x1024xf32, #tpu.memory_space<hbm>> -> memref<8x1024xf32, #tpu.memory_space<hbm>>
    %dma_wait3A_512 = arith.constant 0 : i32
    %dma_wait3A_513 = arith.constant 0 : i32
    %dma_wait3A_514 = tpu.memref_slice %arg5[%dma_wait3A_503, %dma_wait3A_512, %dma_wait3A_513] : memref<3x16x1024xf32, #tpu.memory_space<vmem>> -> memref<1x8x1024xf32, #tpu.memory_space<vmem>>
    %dma_wait3A_515 = tpu.memref_squeeze %dma_wait3A_514 : memref<1x8x1024xf32, #tpu.memory_space<vmem>> -> memref<8x1024xf32, #tpu.memory_space<vmem>>
    tpu.wait_dma2 semaphore(%arg10 : memref<!tpu.dma_semaphore, #tpu.memory_space<semaphore_mem>>) src(%dma_wait3A_515 : memref<8x1024xf32, #tpu.memory_space<vmem>>) dst(%dma_wait3A_511 : memref<8x1024xf32, #tpu.memory_space<hbm>>)
    %dma_wait3A_516 = arith.constant 0 : i32
    %dma_wait3A_517 = arith.constant 8 : i32
    %dma_wait3A_518 = arith.constant 0 : i32
    %dma_wait3A_519 = tpu.memref_slice %arg5[%dma_wait3A_516, %dma_wait3A_517, %dma_wait3A_518] : memref<3x16x1024xf32, #tpu.memory_space<vmem>> -> memref<1x8x1024xf32, #tpu.memory_space<vmem>>
    %dma_wait3A_520 = tpu.memref_squeeze %dma_wait3A_519 : memref<1x8x1024xf32, #tpu.memory_space<vmem>> -> memref<8x1024xf32, #tpu.memory_space<vmem>>
    %dma_wait3A_521 = arith.constant 0 : i32
    %dma_wait3A_522 = tpu.memref_slice %arg4[%add3A_385, %dma_wait3A_521] : memref<8192x1024xf32, #tpu.memory_space<hbm>> -> memref<8x1024xf32, #tpu.memory_space<hbm>>
    %dma_wait3A_523 = arith.constant 0 : i32
    %dma_wait3A_524 = tpu.memref_slice %arg4[%add3A_385, %dma_wait3A_523] : memref<8192x1024xf32, #tpu.memory_space<hbm>> -> memref<8x1024xf32, #tpu.memory_space<hbm>>
    %dma_wait3A_525 = arith.constant 8 : i32
    %dma_wait3A_526 = arith.constant 0 : i32
    %dma_wait3A_527 = tpu.memref_slice %arg5[%dma_wait3A_516, %dma_wait3A_525, %dma_wait3A_526] : memref<3x16x1024xf32, #tpu.memory_space<vmem>> -> memref<1x8x1024xf32, #tpu.memory_space<vmem>>
    %dma_wait3A_528 = tpu.memref_squeeze %dma_wait3A_527 : memref<1x8x1024xf32, #tpu.memory_space<vmem>> -> memref<8x1024xf32, #tpu.memory_space<vmem>>
    tpu.wait_dma2 semaphore(%arg10 : memref<!tpu.dma_semaphore, #tpu.memory_space<semaphore_mem>>) src(%dma_wait3A_528 : memref<8x1024xf32, #tpu.memory_space<vmem>>) dst(%dma_wait3A_524 : memref<8x1024xf32, #tpu.memory_space<hbm>>)
    %add3A_529 = arith.constant 4096 : i32
    %add3A_530 = arith.addi %add3A_529, %mul3A_2 : i32
    %add3A_531 = arith.constant 16 : i32
    %add3A_532 = arith.addi %add3A_530, %add3A_531 : i32
    %dma_start3A_533 = arith.constant 0 : i32
    %dma_start3A_534 = arith.constant 0 : i32
    %dma_start3A_535 = arith.constant 0 : i32
    %dma_start3A_536 = tpu.memref_slice %arg5[%dma_start3A_533, %dma_start3A_534, %dma_start3A_535] : memref<3x16x1024xf32, #tpu.memory_space<vmem>> -> memref<1x16x1024xf32, #tpu.memory_space<vmem>>
    %dma_start3A_537 = tpu.memref_squeeze %dma_start3A_536 : memref<1x16x1024xf32, #tpu.memory_space<vmem>> -> memref<16x1024xf32, #tpu.memory_space<vmem>>
    %dma_start3A_538 = arith.constant 0 : i32
    %dma_start3A_539 = tpu.memref_slice %arg2[%add3A_532, %dma_start3A_538] : memref<8192x1024xf32, #tpu.memory_space<hbm>> -> memref<16x1024xf32, #tpu.memory_space<hbm>>
    %dma_start3A_540 = arith.constant 0 : i32
    %dma_start3A_541 = arith.constant 0 : i32
    %dma_start3A_542 = tpu.memref_slice %arg5[%dma_start3A_533, %dma_start3A_540, %dma_start3A_541] : memref<3x16x1024xf32, #tpu.memory_space<vmem>> -> memref<1x16x1024xf32, #tpu.memory_space<vmem>>
    %dma_start3A_543 = tpu.memref_squeeze %dma_start3A_542 : memref<1x16x1024xf32, #tpu.memory_space<vmem>> -> memref<16x1024xf32, #tpu.memory_space<vmem>>
    %dma_start3A_544 = arith.constant 0 : i32
    %dma_start3A_545 = tpu.memref_slice %arg2[%add3A_532, %dma_start3A_544] : memref<8192x1024xf32, #tpu.memory_space<hbm>> -> memref<16x1024xf32, #tpu.memory_space<hbm>>
    tpu.enqueue_dma source(%dma_start3A_545 : memref<16x1024xf32, #tpu.memory_space<hbm>>) target(%dma_start3A_543 : memref<16x1024xf32, #tpu.memory_space<vmem>>) target_semaphore(%arg7 : memref<!tpu.dma_semaphore, #tpu.memory_space<semaphore_mem>>)
    %dma_wait3A_546 = arith.constant 2 : i32
    %dma_wait3A_547 = arith.constant 0 : i32
    %dma_wait3A_548 = arith.constant 0 : i32
    %dma_wait3A_549 = tpu.memref_slice %arg5[%dma_wait3A_546, %dma_wait3A_547, %dma_wait3A_548] : memref<3x16x1024xf32, #tpu.memory_space<vmem>> -> memref<1x16x1024xf32, #tpu.memory_space<vmem>>
    %dma_wait3A_550 = tpu.memref_squeeze %dma_wait3A_549 : memref<1x16x1024xf32, #tpu.memory_space<vmem>> -> memref<16x1024xf32, #tpu.memory_space<vmem>>
    %dma_wait3A_551 = arith.constant 0 : i32
    %dma_wait3A_552 = tpu.memref_slice %arg2[%add3A_428, %dma_wait3A_551] : memref<8192x1024xf32, #tpu.memory_space<hbm>> -> memref<16x1024xf32, #tpu.memory_space<hbm>>
    %dma_wait3A_553 = arith.constant 0 : i32
    %dma_wait3A_554 = arith.constant 0 : i32
    %dma_wait3A_555 = tpu.memref_slice %arg5[%dma_wait3A_546, %dma_wait3A_553, %dma_wait3A_554] : memref<3x16x1024xf32, #tpu.memory_space<vmem>> -> memref<1x16x1024xf32, #tpu.memory_space<vmem>>
    %dma_wait3A_556 = tpu.memref_squeeze %dma_wait3A_555 : memref<1x16x1024xf32, #tpu.memory_space<vmem>> -> memref<16x1024xf32, #tpu.memory_space<vmem>>
    %dma_wait3A_557 = arith.constant 0 : i32
    %dma_wait3A_558 = tpu.memref_slice %arg2[%add3A_428, %dma_wait3A_557] : memref<8192x1024xf32, #tpu.memory_space<hbm>> -> memref<16x1024xf32, #tpu.memory_space<hbm>>
    tpu.wait_dma2 semaphore(%arg9 : memref<!tpu.dma_semaphore, #tpu.memory_space<semaphore_mem>>) src(%dma_wait3A_558 : memref<16x1024xf32, #tpu.memory_space<hbm>>) dst(%dma_wait3A_556 : memref<16x1024xf32, #tpu.memory_space<vmem>>)
    %add3A_559 = arith.constant 2048 : i32
    %add3A_560 = arith.addi %add3A_559, %mul3A_2 : i32
    %add3A_561 = arith.constant 16 : i32
    %add3A_562 = arith.addi %add3A_560, %add3A_561 : i32
    %parallel_loop3A_563 = arith.constant 0 : i32
    %parallel_loop3A_564 = arith.constant 8 : i32
    %parallel_loop3A_565 = arith.constant 1 : i32
    scf.for %parallel_loop3A_1592 = %parallel_loop3A_563 to %parallel_loop3A_564 step %parallel_loop3A_565  : i32 {
      %parallel_loop3A_1593 = arith.constant 16 : i32
      %parallel_loop3A_1594 = arith.addi %parallel_loop3A_1593, %parallel_loop3A_1592 : i32
      %parallel_loop3A_1595 = arith.constant 0 : i32
      %parallel_loop3A_1596 = arith.constant 1024 : i32
      %parallel_loop3A_1597 = arith.constant 16 : i32
      %parallel_loop3A_1598 = arith.constant 2 : i32
      scf.for %parallel_loop3A_1599 = %parallel_loop3A_1595 to %parallel_loop3A_1596 step %parallel_loop3A_1597  : i32 {
        %parallel_loop3A_1600 = arith.constant 0 : i32
        %parallel_loop3A_1601 = tpu.memref_slice %arg6[%parallel_loop3A_1594, %parallel_loop3A_1600] : memref<64x1024xf32, #tpu.memory_space<vmem>> -> memref<1x1024xf32, #tpu.memory_space<vmem>>
        %parallel_loop3A_1602 = tpu.memref_squeeze %parallel_loop3A_1601 : memref<1x1024xf32, #tpu.memory_space<vmem>> -> memref<1024xf32, #tpu.memory_space<vmem>>
        %parallel_loop3A_1603 = arith.index_cast %parallel_loop3A_1599 : i32 to index
        %parallel_loop3A_1604 = tpu.vector_load %parallel_loop3A_1602[%parallel_loop3A_1603] {strides = array<i32>} : memref<1024xf32, #tpu.memory_space<vmem>>, vector<16xf32>,
        %parallel_loop3A_1605 = vector.shape_cast %parallel_loop3A_1604 : vector<16xf32> to vector<16xf32>
        %parallel_loop3A_1606 = arith.constant 0 : i32
        %parallel_loop3A_1607 = tpu.memref_slice %arg5[%parallel_loop3A_1598, %parallel_loop3A_1592, %parallel_loop3A_1606] : memref<3x16x1024xf32, #tpu.memory_space<vmem>> -> memref<1x1x1024xf32, #tpu.memory_space<vmem>>
        %parallel_loop3A_1608 = tpu.memref_squeeze %parallel_loop3A_1607 : memref<1x1x1024xf32, #tpu.memory_space<vmem>> -> memref<1024xf32, #tpu.memory_space<vmem>>
        %parallel_loop3A_1609 = arith.index_cast %parallel_loop3A_1599 : i32 to index
        %parallel_loop3A_1610 = tpu.vector_load %parallel_loop3A_1608[%parallel_loop3A_1609] {strides = array<i32>} : memref<1024xf32, #tpu.memory_space<vmem>>, vector<16xf32>,
        %parallel_loop3A_1611 = vector.shape_cast %parallel_loop3A_1610 : vector<16xf32> to vector<16xf32>
        %parallel_loop3A_1612 = vector.shape_cast %parallel_loop3A_1605 : vector<16xf32> to vector<16xf32>
        tpu.vector_store %parallel_loop3A_1608[%parallel_loop3A_1609], %parallel_loop3A_1612 {add = true, strides = array<i32>} : memref<1024xf32, #tpu.memory_space<vmem>>, vector<16xf32>,
      } {sc.loop_unroll_factor = 8 : i64, sc.parallel_access}
    } {sc.loop_unroll_factor = 1 : i64, sc.parallel_access}
    %dma_start3A_566 = arith.constant 2 : i32
    %dma_start3A_567 = arith.constant 0 : i32
    %dma_start3A_568 = arith.constant 0 : i32
    %dma_start3A_569 = tpu.memref_slice %arg5[%dma_start3A_566, %dma_start3A_567, %dma_start3A_568] : memref<3x16x1024xf32, #tpu.memory_space<vmem>> -> memref<1x8x1024xf32, #tpu.memory_space<vmem>>
    %dma_start3A_570 = tpu.memref_squeeze %dma_start3A_569 : memref<1x8x1024xf32, #tpu.memory_space<vmem>> -> memref<8x1024xf32, #tpu.memory_space<vmem>>
    %dma_start3A_571 = arith.constant 0 : i32
    %dma_start3A_572 = tpu.memref_slice %arg4[%add3A_562, %dma_start3A_571] : memref<8192x1024xf32, #tpu.memory_space<hbm>> -> memref<8x1024xf32, #tpu.memory_space<hbm>>
    %dma_start3A_573 = arith.constant 0 : i32
    %dma_start3A_574 = tpu.memref_slice %arg4[%add3A_562, %dma_start3A_573] : memref<8192x1024xf32, #tpu.memory_space<hbm>> -> memref<8x1024xf32, #tpu.memory_space<hbm>>
    %dma_start3A_575 = arith.constant 0 : i32
    %dma_start3A_576 = arith.constant 0 : i32
    %dma_start3A_577 = tpu.memref_slice %arg5[%dma_start3A_566, %dma_start3A_575, %dma_start3A_576] : memref<3x16x1024xf32, #tpu.memory_space<vmem>> -> memref<1x8x1024xf32, #tpu.memory_space<vmem>>
    %dma_start3A_578 = tpu.memref_squeeze %dma_start3A_577 : memref<1x8x1024xf32, #tpu.memory_space<vmem>> -> memref<8x1024xf32, #tpu.memory_space<vmem>>
    tpu.enqueue_dma source(%dma_start3A_578 : memref<8x1024xf32, #tpu.memory_space<vmem>>) target(%dma_start3A_574 : memref<8x1024xf32, #tpu.memory_space<hbm>>) target_semaphore(%arg12 : memref<!tpu.dma_semaphore, #tpu.memory_space<semaphore_mem>>)
    %parallel_loop3A_579 = arith.constant 8 : i32
    %parallel_loop3A_580 = arith.constant 16 : i32
    %parallel_loop3A_581 = arith.constant 1 : i32
    scf.for %parallel_loop3A_1592 = %parallel_loop3A_579 to %parallel_loop3A_580 step %parallel_loop3A_581  : i32 {
      %parallel_loop3A_1593 = arith.constant 16 : i32
      %parallel_loop3A_1594 = arith.addi %parallel_loop3A_1593, %parallel_loop3A_1592 : i32
      %parallel_loop3A_1595 = arith.constant 0 : i32
      %parallel_loop3A_1596 = arith.constant 1024 : i32
      %parallel_loop3A_1597 = arith.constant 16 : i32
      %parallel_loop3A_1598 = arith.constant 2 : i32
      scf.for %parallel_loop3A_1599 = %parallel_loop3A_1595 to %parallel_loop3A_1596 step %parallel_loop3A_1597  : i32 {
        %parallel_loop3A_1600 = arith.constant 0 : i32
        %parallel_loop3A_1601 = tpu.memref_slice %arg6[%parallel_loop3A_1594, %parallel_loop3A_1600] : memref<64x1024xf32, #tpu.memory_space<vmem>> -> memref<1x1024xf32, #tpu.memory_space<vmem>>
        %parallel_loop3A_1602 = tpu.memref_squeeze %parallel_loop3A_1601 : memref<1x1024xf32, #tpu.memory_space<vmem>> -> memref<1024xf32, #tpu.memory_space<vmem>>
        %parallel_loop3A_1603 = arith.index_cast %parallel_loop3A_1599 : i32 to index
        %parallel_loop3A_1604 = tpu.vector_load %parallel_loop3A_1602[%parallel_loop3A_1603] {strides = array<i32>} : memref<1024xf32, #tpu.memory_space<vmem>>, vector<16xf32>,
        %parallel_loop3A_1605 = vector.shape_cast %parallel_loop3A_1604 : vector<16xf32> to vector<16xf32>
        %parallel_loop3A_1606 = arith.constant 0 : i32
        %parallel_loop3A_1607 = tpu.memref_slice %arg5[%parallel_loop3A_1598, %parallel_loop3A_1592, %parallel_loop3A_1606] : memref<3x16x1024xf32, #tpu.memory_space<vmem>> -> memref<1x1x1024xf32, #tpu.memory_space<vmem>>
        %parallel_loop3A_1608 = tpu.memref_squeeze %parallel_loop3A_1607 : memref<1x1x1024xf32, #tpu.memory_space<vmem>> -> memref<1024xf32, #tpu.memory_space<vmem>>
        %parallel_loop3A_1609 = arith.index_cast %parallel_loop3A_1599 : i32 to index
        %parallel_loop3A_1610 = tpu.vector_load %parallel_loop3A_1608[%parallel_loop3A_1609] {strides = array<i32>} : memref<1024xf32, #tpu.memory_space<vmem>>, vector<16xf32>,
        %parallel_loop3A_1611 = vector.shape_cast %parallel_loop3A_1610 : vector<16xf32> to vector<16xf32>
        %parallel_loop3A_1612 = vector.shape_cast %parallel_loop3A_1605 : vector<16xf32> to vector<16xf32>
        tpu.vector_store %parallel_loop3A_1608[%parallel_loop3A_1609], %parallel_loop3A_1612 {add = true, strides = array<i32>} : memref<1024xf32, #tpu.memory_space<vmem>>, vector<16xf32>,
      } {sc.loop_unroll_factor = 8 : i64, sc.parallel_access}
    } {sc.loop_unroll_factor = 1 : i64, sc.parallel_access}
    %add3A_582 = arith.constant 8 : i32
    %add3A_583 = arith.addi %add3A_562, %add3A_582 : i32
    %dma_start3A_584 = arith.constant 2 : i32
    %dma_start3A_585 = arith.constant 8 : i32
    %dma_start3A_586 = arith.constant 0 : i32
    %dma_start3A_587 = tpu.memref_slice %arg5[%dma_start3A_584, %dma_start3A_585, %dma_start3A_586] : memref<3x16x1024xf32, #tpu.memory_space<vmem>> -> memref<1x8x1024xf32, #tpu.memory_space<vmem>>
    %dma_start3A_588 = tpu.memref_squeeze %dma_start3A_587 : memref<1x8x1024xf32, #tpu.memory_space<vmem>> -> memref<8x1024xf32, #tpu.memory_space<vmem>>
    %dma_start3A_589 = arith.constant 0 : i32
    %dma_start3A_590 = tpu.memref_slice %arg4[%add3A_583, %dma_start3A_589] : memref<8192x1024xf32, #tpu.memory_space<hbm>> -> memref<8x1024xf32, #tpu.memory_space<hbm>>
    %dma_start3A_591 = arith.constant 0 : i32
    %dma_start3A_592 = tpu.memref_slice %arg4[%add3A_583, %dma_start3A_591] : memref<8192x1024xf32, #tpu.memory_space<hbm>> -> memref<8x1024xf32, #tpu.memory_space<hbm>>
    %dma_start3A_593 = arith.constant 8 : i32
    %dma_start3A_594 = arith.constant 0 : i32
    %dma_start3A_595 = tpu.memref_slice %arg5[%dma_start3A_584, %dma_start3A_593, %dma_start3A_594] : memref<3x16x1024xf32, #tpu.memory_space<vmem>> -> memref<1x8x1024xf32, #tpu.memory_space<vmem>>
    %dma_start3A_596 = tpu.memref_squeeze %dma_start3A_595 : memref<1x8x1024xf32, #tpu.memory_space<vmem>> -> memref<8x1024xf32, #tpu.memory_space<vmem>>
    tpu.enqueue_dma source(%dma_start3A_596 : memref<8x1024xf32, #tpu.memory_space<vmem>>) target(%dma_start3A_592 : memref<8x1024xf32, #tpu.memory_space<hbm>>) target_semaphore(%arg12 : memref<!tpu.dma_semaphore, #tpu.memory_space<semaphore_mem>>)
    %dma_wait3A_597 = arith.constant 1 : i32
    %dma_wait3A_598 = arith.constant 0 : i32
    %dma_wait3A_599 = arith.constant 0 : i32
    %dma_wait3A_600 = tpu.memref_slice %arg5[%dma_wait3A_597, %dma_wait3A_598, %dma_wait3A_599] : memref<3x16x1024xf32, #tpu.memory_space<vmem>> -> memref<1x8x1024xf32, #tpu.memory_space<vmem>>
    %dma_wait3A_601 = tpu.memref_squeeze %dma_wait3A_600 : memref<1x8x1024xf32, #tpu.memory_space<vmem>> -> memref<8x1024xf32, #tpu.memory_space<vmem>>
    %dma_wait3A_602 = arith.constant 0 : i32
    %dma_wait3A_603 = tpu.memref_slice %arg4[%add3A_468, %dma_wait3A_602] : memref<8192x1024xf32, #tpu.memory_space<hbm>> -> memref<8x1024xf32, #tpu.memory_space<hbm>>
    %dma_wait3A_604 = arith.constant 0 : i32
    %dma_wait3A_605 = tpu.memref_slice %arg4[%add3A_468, %dma_wait3A_604] : memref<8192x1024xf32, #tpu.memory_space<hbm>> -> memref<8x1024xf32, #tpu.memory_space<hbm>>
    %dma_wait3A_606 = arith.constant 0 : i32
    %dma_wait3A_607 = arith.constant 0 : i32
    %dma_wait3A_608 = tpu.memref_slice %arg5[%dma_wait3A_597, %dma_wait3A_606, %dma_wait3A_607] : memref<3x16x1024xf32, #tpu.memory_space<vmem>> -> memref<1x8x1024xf32, #tpu.memory_space<vmem>>
    %dma_wait3A_609 = tpu.memref_squeeze %dma_wait3A_608 : memref<1x8x1024xf32, #tpu.memory_space<vmem>> -> memref<8x1024xf32, #tpu.memory_space<vmem>>
    tpu.wait_dma2 semaphore(%arg11 : memref<!tpu.dma_semaphore, #tpu.memory_space<semaphore_mem>>) src(%dma_wait3A_609 : memref<8x1024xf32, #tpu.memory_space<vmem>>) dst(%dma_wait3A_605 : memref<8x1024xf32, #tpu.memory_space<hbm>>)
    %dma_wait3A_610 = arith.constant 1 : i32
    %dma_wait3A_611 = arith.constant 8 : i32
    %dma_wait3A_612 = arith.constant 0 : i32
    %dma_wait3A_613 = tpu.memref_slice %arg5[%dma_wait3A_610, %dma_wait3A_611, %dma_wait3A_612] : memref<3x16x1024xf32, #tpu.memory_space<vmem>> -> memref<1x8x1024xf32, #tpu.memory_space<vmem>>
    %dma_wait3A_614 = tpu.memref_squeeze %dma_wait3A_613 : memref<1x8x1024xf32, #tpu.memory_space<vmem>> -> memref<8x1024xf32, #tpu.memory_space<vmem>>
    %dma_wait3A_615 = arith.constant 0 : i32
    %dma_wait3A_616 = tpu.memref_slice %arg4[%add3A_489, %dma_wait3A_615] : memref<8192x1024xf32, #tpu.memory_space<hbm>> -> memref<8x1024xf32, #tpu.memory_space<hbm>>
    %dma_wait3A_617 = arith.constant 0 : i32
    %dma_wait3A_618 = tpu.memref_slice %arg4[%add3A_489, %dma_wait3A_617] : memref<8192x1024xf32, #tpu.memory_space<hbm>> -> memref<8x1024xf32, #tpu.memory_space<hbm>>
    %dma_wait3A_619 = arith.constant 8 : i32
    %dma_wait3A_620 = arith.constant 0 : i32
    %dma_wait3A_621 = tpu.memref_slice %arg5[%dma_wait3A_610, %dma_wait3A_619, %dma_wait3A_620] : memref<3x16x1024xf32, #tpu.memory_space<vmem>> -> memref<1x8x1024xf32, #tpu.memory_space<vmem>>
    %dma_wait3A_622 = tpu.memref_squeeze %dma_wait3A_621 : memref<1x8x1024xf32, #tpu.memory_space<vmem>> -> memref<8x1024xf32, #tpu.memory_space<vmem>>
    tpu.wait_dma2 semaphore(%arg11 : memref<!tpu.dma_semaphore, #tpu.memory_space<semaphore_mem>>) src(%dma_wait3A_622 : memref<8x1024xf32, #tpu.memory_space<vmem>>) dst(%dma_wait3A_618 : memref<8x1024xf32, #tpu.memory_space<hbm>>)
    %add3A_623 = arith.constant 6144 : i32
    %add3A_624 = arith.addi %add3A_623, %mul3A_2 : i32
    %add3A_625 = arith.constant 16 : i32
    %add3A_626 = arith.addi %add3A_624, %add3A_625 : i32
    %dma_start3A_627 = arith.constant 1 : i32
    %dma_start3A_628 = arith.constant 0 : i32
    %dma_start3A_629 = arith.constant 0 : i32
    %dma_start3A_630 = tpu.memref_slice %arg5[%dma_start3A_627, %dma_start3A_628, %dma_start3A_629] : memref<3x16x1024xf32, #tpu.memory_space<vmem>> -> memref<1x16x1024xf32, #tpu.memory_space<vmem>>
    %dma_start3A_631 = tpu.memref_squeeze %dma_start3A_630 : memref<1x16x1024xf32, #tpu.memory_space<vmem>> -> memref<16x1024xf32, #tpu.memory_space<vmem>>
    %dma_start3A_632 = arith.constant 0 : i32
    %dma_start3A_633 = tpu.memref_slice %arg2[%add3A_626, %dma_start3A_632] : memref<8192x1024xf32, #tpu.memory_space<hbm>> -> memref<16x1024xf32, #tpu.memory_space<hbm>>
    %dma_start3A_634 = arith.constant 0 : i32
    %dma_start3A_635 = arith.constant 0 : i32
    %dma_start3A_636 = tpu.memref_slice %arg5[%dma_start3A_627, %dma_start3A_634, %dma_start3A_635] : memref<3x16x1024xf32, #tpu.memory_space<vmem>> -> memref<1x16x1024xf32, #tpu.memory_space<vmem>>
    %dma_start3A_637 = tpu.memref_squeeze %dma_start3A_636 : memref<1x16x1024xf32, #tpu.memory_space<vmem>> -> memref<16x1024xf32, #tpu.memory_space<vmem>>
    %dma_start3A_638 = arith.constant 0 : i32
    %dma_start3A_639 = tpu.memref_slice %arg2[%add3A_626, %dma_start3A_638] : memref<8192x1024xf32, #tpu.memory_space<hbm>> -> memref<16x1024xf32, #tpu.memory_space<hbm>>
    tpu.enqueue_dma source(%dma_start3A_639 : memref<16x1024xf32, #tpu.memory_space<hbm>>) target(%dma_start3A_637 : memref<16x1024xf32, #tpu.memory_space<vmem>>) target_semaphore(%arg8 : memref<!tpu.dma_semaphore, #tpu.memory_space<semaphore_mem>>)
    %dma_wait3A_640 = arith.constant 0 : i32
    %dma_wait3A_641 = arith.constant 0 : i32
    %dma_wait3A_642 = arith.constant 0 : i32
    %dma_wait3A_643 = tpu.memref_slice %arg5[%dma_wait3A_640, %dma_wait3A_641, %dma_wait3A_642] : memref<3x16x1024xf32, #tpu.memory_space<vmem>> -> memref<1x16x1024xf32, #tpu.memory_space<vmem>>
    %dma_wait3A_644 = tpu.memref_squeeze %dma_wait3A_643 : memref<1x16x1024xf32, #tpu.memory_space<vmem>> -> memref<16x1024xf32, #tpu.memory_space<vmem>>
    %dma_wait3A_645 = arith.constant 0 : i32
    %dma_wait3A_646 = tpu.memref_slice %arg2[%add3A_532, %dma_wait3A_645] : memref<8192x1024xf32, #tpu.memory_space<hbm>> -> memref<16x1024xf32, #tpu.memory_space<hbm>>
    %dma_wait3A_647 = arith.constant 0 : i32
    %dma_wait3A_648 = arith.constant 0 : i32
    %dma_wait3A_649 = tpu.memref_slice %arg5[%dma_wait3A_640, %dma_wait3A_647, %dma_wait3A_648] : memref<3x16x1024xf32, #tpu.memory_space<vmem>> -> memref<1x16x1024xf32, #tpu.memory_space<vmem>>
    %dma_wait3A_650 = tpu.memref_squeeze %dma_wait3A_649 : memref<1x16x1024xf32, #tpu.memory_space<vmem>> -> memref<16x1024xf32, #tpu.memory_space<vmem>>
    %dma_wait3A_651 = arith.constant 0 : i32
    %dma_wait3A_652 = tpu.memref_slice %arg2[%add3A_532, %dma_wait3A_651] : memref<8192x1024xf32, #tpu.memory_space<hbm>> -> memref<16x1024xf32, #tpu.memory_space<hbm>>
    tpu.wait_dma2 semaphore(%arg7 : memref<!tpu.dma_semaphore, #tpu.memory_space<semaphore_mem>>) src(%dma_wait3A_652 : memref<16x1024xf32, #tpu.memory_space<hbm>>) dst(%dma_wait3A_650 : memref<16x1024xf32, #tpu.memory_space<vmem>>)
    %add3A_653 = arith.constant 4096 : i32
    %add3A_654 = arith.addi %add3A_653, %mul3A_2 : i32
    %add3A_655 = arith.constant 16 : i32
    %add3A_656 = arith.addi %add3A_654, %add3A_655 : i32
    %parallel_loop3A_657 = arith.constant 0 : i32
    %parallel_loop3A_658 = arith.constant 8 : i32
    %parallel_loop3A_659 = arith.constant 1 : i32
    scf.for %parallel_loop3A_1592 = %parallel_loop3A_657 to %parallel_loop3A_658 step %parallel_loop3A_659  : i32 {
      %parallel_loop3A_1593 = arith.constant 16 : i32
      %parallel_loop3A_1594 = arith.addi %parallel_loop3A_1593, %parallel_loop3A_1592 : i32
      %parallel_loop3A_1595 = arith.constant 0 : i32
      %parallel_loop3A_1596 = arith.constant 1024 : i32
      %parallel_loop3A_1597 = arith.constant 16 : i32
      %parallel_loop3A_1598 = arith.constant 0 : i32
      scf.for %parallel_loop3A_1599 = %parallel_loop3A_1595 to %parallel_loop3A_1596 step %parallel_loop3A_1597  : i32 {
        %parallel_loop3A_1600 = arith.constant 0 : i32
        %parallel_loop3A_1601 = tpu.memref_slice %arg6[%parallel_loop3A_1594, %parallel_loop3A_1600] : memref<64x1024xf32, #tpu.memory_space<vmem>> -> memref<1x1024xf32, #tpu.memory_space<vmem>>
        %parallel_loop3A_1602 = tpu.memref_squeeze %parallel_loop3A_1601 : memref<1x1024xf32, #tpu.memory_space<vmem>> -> memref<1024xf32, #tpu.memory_space<vmem>>
        %parallel_loop3A_1603 = arith.index_cast %parallel_loop3A_1599 : i32 to index
        %parallel_loop3A_1604 = tpu.vector_load %parallel_loop3A_1602[%parallel_loop3A_1603] {strides = array<i32>} : memref<1024xf32, #tpu.memory_space<vmem>>, vector<16xf32>,
        %parallel_loop3A_1605 = vector.shape_cast %parallel_loop3A_1604 : vector<16xf32> to vector<16xf32>
        %parallel_loop3A_1606 = arith.constant 0 : i32
        %parallel_loop3A_1607 = tpu.memref_slice %arg5[%parallel_loop3A_1598, %parallel_loop3A_1592, %parallel_loop3A_1606] : memref<3x16x1024xf32, #tpu.memory_space<vmem>> -> memref<1x1x1024xf32, #tpu.memory_space<vmem>>
        %parallel_loop3A_1608 = tpu.memref_squeeze %parallel_loop3A_1607 : memref<1x1x1024xf32, #tpu.memory_space<vmem>> -> memref<1024xf32, #tpu.memory_space<vmem>>
        %parallel_loop3A_1609 = arith.index_cast %parallel_loop3A_1599 : i32 to index
        %parallel_loop3A_1610 = tpu.vector_load %parallel_loop3A_1608[%parallel_loop3A_1609] {strides = array<i32>} : memref<1024xf32, #tpu.memory_space<vmem>>, vector<16xf32>,
        %parallel_loop3A_1611 = vector.shape_cast %parallel_loop3A_1610 : vector<16xf32> to vector<16xf32>
        %parallel_loop3A_1612 = vector.shape_cast %parallel_loop3A_1605 : vector<16xf32> to vector<16xf32>
        tpu.vector_store %parallel_loop3A_1608[%parallel_loop3A_1609], %parallel_loop3A_1612 {add = true, strides = array<i32>} : memref<1024xf32, #tpu.memory_space<vmem>>, vector<16xf32>,
      } {sc.loop_unroll_factor = 8 : i64, sc.parallel_access}
    } {sc.loop_unroll_factor = 1 : i64, sc.parallel_access}
    %dma_start3A_660 = arith.constant 0 : i32
    %dma_start3A_661 = arith.constant 0 : i32
    %dma_start3A_662 = arith.constant 0 : i32
    %dma_start3A_663 = tpu.memref_slice %arg5[%dma_start3A_660, %dma_start3A_661, %dma_start3A_662] : memref<3x16x1024xf32, #tpu.memory_space<vmem>> -> memref<1x8x1024xf32, #tpu.memory_space<vmem>>
    %dma_start3A_664 = tpu.memref_squeeze %dma_start3A_663 : memref<1x8x1024xf32, #tpu.memory_space<vmem>> -> memref<8x1024xf32, #tpu.memory_space<vmem>>
    %dma_start3A_665 = arith.constant 0 : i32
    %dma_start3A_666 = tpu.memref_slice %arg4[%add3A_656, %dma_start3A_665] : memref<8192x1024xf32, #tpu.memory_space<hbm>> -> memref<8x1024xf32, #tpu.memory_space<hbm>>
    %dma_start3A_667 = arith.constant 0 : i32
    %dma_start3A_668 = tpu.memref_slice %arg4[%add3A_656, %dma_start3A_667] : memref<8192x1024xf32, #tpu.memory_space<hbm>> -> memref<8x1024xf32, #tpu.memory_space<hbm>>
    %dma_start3A_669 = arith.constant 0 : i32
    %dma_start3A_670 = arith.constant 0 : i32
    %dma_start3A_671 = tpu.memref_slice %arg5[%dma_start3A_660, %dma_start3A_669, %dma_start3A_670] : memref<3x16x1024xf32, #tpu.memory_space<vmem>> -> memref<1x8x1024xf32, #tpu.memory_space<vmem>>
    %dma_start3A_672 = tpu.memref_squeeze %dma_start3A_671 : memref<1x8x1024xf32, #tpu.memory_space<vmem>> -> memref<8x1024xf32, #tpu.memory_space<vmem>>
    tpu.enqueue_dma source(%dma_start3A_672 : memref<8x1024xf32, #tpu.memory_space<vmem>>) target(%dma_start3A_668 : memref<8x1024xf32, #tpu.memory_space<hbm>>) target_semaphore(%arg10 : memref<!tpu.dma_semaphore, #tpu.memory_space<semaphore_mem>>)
    %parallel_loop3A_673 = arith.constant 8 : i32
    %parallel_loop3A_674 = arith.constant 16 : i32
    %parallel_loop3A_675 = arith.constant 1 : i32
    scf.for %parallel_loop3A_1592 = %parallel_loop3A_673 to %parallel_loop3A_674 step %parallel_loop3A_675  : i32 {
      %parallel_loop3A_1593 = arith.constant 16 : i32
      %parallel_loop3A_1594 = arith.addi %parallel_loop3A_1593, %parallel_loop3A_1592 : i32
      %parallel_loop3A_1595 = arith.constant 0 : i32
      %parallel_loop3A_1596 = arith.constant 1024 : i32
      %parallel_loop3A_1597 = arith.constant 16 : i32
      %parallel_loop3A_1598 = arith.constant 0 : i32
      scf.for %parallel_loop3A_1599 = %parallel_loop3A_1595 to %parallel_loop3A_1596 step %parallel_loop3A_1597  : i32 {
        %parallel_loop3A_1600 = arith.constant 0 : i32
        %parallel_loop3A_1601 = tpu.memref_slice %arg6[%parallel_loop3A_1594, %parallel_loop3A_1600] : memref<64x1024xf32, #tpu.memory_space<vmem>> -> memref<1x1024xf32, #tpu.memory_space<vmem>>
        %parallel_loop3A_1602 = tpu.memref_squeeze %parallel_loop3A_1601 : memref<1x1024xf32, #tpu.memory_space<vmem>> -> memref<1024xf32, #tpu.memory_space<vmem>>
        %parallel_loop3A_1603 = arith.index_cast %parallel_loop3A_1599 : i32 to index
        %parallel_loop3A_1604 = tpu.vector_load %parallel_loop3A_1602[%parallel_loop3A_1603] {strides = array<i32>} : memref<1024xf32, #tpu.memory_space<vmem>>, vector<16xf32>,
        %parallel_loop3A_1605 = vector.shape_cast %parallel_loop3A_1604 : vector<16xf32> to vector<16xf32>
        %parallel_loop3A_1606 = arith.constant 0 : i32
        %parallel_loop3A_1607 = tpu.memref_slice %arg5[%parallel_loop3A_1598, %parallel_loop3A_1592, %parallel_loop3A_1606] : memref<3x16x1024xf32, #tpu.memory_space<vmem>> -> memref<1x1x1024xf32, #tpu.memory_space<vmem>>
        %parallel_loop3A_1608 = tpu.memref_squeeze %parallel_loop3A_1607 : memref<1x1x1024xf32, #tpu.memory_space<vmem>> -> memref<1024xf32, #tpu.memory_space<vmem>>
        %parallel_loop3A_1609 = arith.index_cast %parallel_loop3A_1599 : i32 to index
        %parallel_loop3A_1610 = tpu.vector_load %parallel_loop3A_1608[%parallel_loop3A_1609] {strides = array<i32>} : memref<1024xf32, #tpu.memory_space<vmem>>, vector<16xf32>,
        %parallel_loop3A_1611 = vector.shape_cast %parallel_loop3A_1610 : vector<16xf32> to vector<16xf32>
        %parallel_loop3A_1612 = vector.shape_cast %parallel_loop3A_1605 : vector<16xf32> to vector<16xf32>
        tpu.vector_store %parallel_loop3A_1608[%parallel_loop3A_1609], %parallel_loop3A_1612 {add = true, strides = array<i32>} : memref<1024xf32, #tpu.memory_space<vmem>>, vector<16xf32>,
      } {sc.loop_unroll_factor = 8 : i64, sc.parallel_access}
    } {sc.loop_unroll_factor = 1 : i64, sc.parallel_access}
    %add3A_676 = arith.constant 8 : i32
    %add3A_677 = arith.addi %add3A_656, %add3A_676 : i32
    %dma_start3A_678 = arith.constant 0 : i32
    %dma_start3A_679 = arith.constant 8 : i32
    %dma_start3A_680 = arith.constant 0 : i32
    %dma_start3A_681 = tpu.memref_slice %arg5[%dma_start3A_678, %dma_start3A_679, %dma_start3A_680] : memref<3x16x1024xf32, #tpu.memory_space<vmem>> -> memref<1x8x1024xf32, #tpu.memory_space<vmem>>
    %dma_start3A_682 = tpu.memref_squeeze %dma_start3A_681 : memref<1x8x1024xf32, #tpu.memory_space<vmem>> -> memref<8x1024xf32, #tpu.memory_space<vmem>>
    %dma_start3A_683 = arith.constant 0 : i32
    %dma_start3A_684 = tpu.memref_slice %arg4[%add3A_677, %dma_start3A_683] : memref<8192x1024xf32, #tpu.memory_space<hbm>> -> memref<8x1024xf32, #tpu.memory_space<hbm>>
    %dma_start3A_685 = arith.constant 0 : i32
    %dma_start3A_686 = tpu.memref_slice %arg4[%add3A_677, %dma_start3A_685] : memref<8192x1024xf32, #tpu.memory_space<hbm>> -> memref<8x1024xf32, #tpu.memory_space<hbm>>
    %dma_start3A_687 = arith.constant 8 : i32
    %dma_start3A_688 = arith.constant 0 : i32
    %dma_start3A_689 = tpu.memref_slice %arg5[%dma_start3A_678, %dma_start3A_687, %dma_start3A_688] : memref<3x16x1024xf32, #tpu.memory_space<vmem>> -> memref<1x8x1024xf32, #tpu.memory_space<vmem>>
    %dma_start3A_690 = tpu.memref_squeeze %dma_start3A_689 : memref<1x8x1024xf32, #tpu.memory_space<vmem>> -> memref<8x1024xf32, #tpu.memory_space<vmem>>
    tpu.enqueue_dma source(%dma_start3A_690 : memref<8x1024xf32, #tpu.memory_space<vmem>>) target(%dma_start3A_686 : memref<8x1024xf32, #tpu.memory_space<hbm>>) target_semaphore(%arg10 : memref<!tpu.dma_semaphore, #tpu.memory_space<semaphore_mem>>)
    %dma_wait3A_691 = arith.constant 2 : i32
    %dma_wait3A_692 = arith.constant 0 : i32
    %dma_wait3A_693 = arith.constant 0 : i32
    %dma_wait3A_694 = tpu.memref_slice %arg5[%dma_wait3A_691, %dma_wait3A_692, %dma_wait3A_693] : memref<3x16x1024xf32, #tpu.memory_space<vmem>> -> memref<1x8x1024xf32, #tpu.memory_space<vmem>>
    %dma_wait3A_695 = tpu.memref_squeeze %dma_wait3A_694 : memref<1x8x1024xf32, #tpu.memory_space<vmem>> -> memref<8x1024xf32, #tpu.memory_space<vmem>>
    %dma_wait3A_696 = arith.constant 0 : i32
    %dma_wait3A_697 = tpu.memref_slice %arg4[%add3A_562, %dma_wait3A_696] : memref<8192x1024xf32, #tpu.memory_space<hbm>> -> memref<8x1024xf32, #tpu.memory_space<hbm>>
    %dma_wait3A_698 = arith.constant 0 : i32
    %dma_wait3A_699 = tpu.memref_slice %arg4[%add3A_562, %dma_wait3A_698] : memref<8192x1024xf32, #tpu.memory_space<hbm>> -> memref<8x1024xf32, #tpu.memory_space<hbm>>
    %dma_wait3A_700 = arith.constant 0 : i32
    %dma_wait3A_701 = arith.constant 0 : i32
    %dma_wait3A_702 = tpu.memref_slice %arg5[%dma_wait3A_691, %dma_wait3A_700, %dma_wait3A_701] : memref<3x16x1024xf32, #tpu.memory_space<vmem>> -> memref<1x8x1024xf32, #tpu.memory_space<vmem>>
    %dma_wait3A_703 = tpu.memref_squeeze %dma_wait3A_702 : memref<1x8x1024xf32, #tpu.memory_space<vmem>> -> memref<8x1024xf32, #tpu.memory_space<vmem>>
    tpu.wait_dma2 semaphore(%arg12 : memref<!tpu.dma_semaphore, #tpu.memory_space<semaphore_mem>>) src(%dma_wait3A_703 : memref<8x1024xf32, #tpu.memory_space<vmem>>) dst(%dma_wait3A_699 : memref<8x1024xf32, #tpu.memory_space<hbm>>)
    %dma_wait3A_704 = arith.constant 2 : i32
    %dma_wait3A_705 = arith.constant 8 : i32
    %dma_wait3A_706 = arith.constant 0 : i32
    %dma_wait3A_707 = tpu.memref_slice %arg5[%dma_wait3A_704, %dma_wait3A_705, %dma_wait3A_706] : memref<3x16x1024xf32, #tpu.memory_space<vmem>> -> memref<1x8x1024xf32, #tpu.memory_space<vmem>>
    %dma_wait3A_708 = tpu.memref_squeeze %dma_wait3A_707 : memref<1x8x1024xf32, #tpu.memory_space<vmem>> -> memref<8x1024xf32, #tpu.memory_space<vmem>>
    %dma_wait3A_709 = arith.constant 0 : i32
    %dma_wait3A_710 = tpu.memref_slice %arg4[%add3A_583, %dma_wait3A_709] : memref<8192x1024xf32, #tpu.memory_space<hbm>> -> memref<8x1024xf32, #tpu.memory_space<hbm>>
    %dma_wait3A_711 = arith.constant 0 : i32
    %dma_wait3A_712 = tpu.memref_slice %arg4[%add3A_583, %dma_wait3A_711] : memref<8192x1024xf32, #tpu.memory_space<hbm>> -> memref<8x1024xf32, #tpu.memory_space<hbm>>
    %dma_wait3A_713 = arith.constant 8 : i32
    %dma_wait3A_714 = arith.constant 0 : i32
    %dma_wait3A_715 = tpu.memref_slice %arg5[%dma_wait3A_704, %dma_wait3A_713, %dma_wait3A_714] : memref<3x16x1024xf32, #tpu.memory_space<vmem>> -> memref<1x8x1024xf32, #tpu.memory_space<vmem>>
    %dma_wait3A_716 = tpu.memref_squeeze %dma_wait3A_715 : memref<1x8x1024xf32, #tpu.memory_space<vmem>> -> memref<8x1024xf32, #tpu.memory_space<vmem>>
    tpu.wait_dma2 semaphore(%arg12 : memref<!tpu.dma_semaphore, #tpu.memory_space<semaphore_mem>>) src(%dma_wait3A_716 : memref<8x1024xf32, #tpu.memory_space<vmem>>) dst(%dma_wait3A_712 : memref<8x1024xf32, #tpu.memory_space<hbm>>)
    %add3A_717 = arith.constant 0 : i32
    %add3A_718 = arith.addi %add3A_717, %mul3A_2 : i32
    %add3A_719 = arith.constant 32 : i32
    %add3A_720 = arith.addi %add3A_718, %add3A_719 : i32
    %dma_start3A_721 = arith.constant 2 : i32
    %dma_start3A_722 = arith.constant 0 : i32
    %dma_start3A_723 = arith.constant 0 : i32
    %dma_start3A_724 = tpu.memref_slice %arg5[%dma_start3A_721, %dma_start3A_722, %dma_start3A_723] : memref<3x16x1024xf32, #tpu.memory_space<vmem>> -> memref<1x16x1024xf32, #tpu.memory_space<vmem>>
    %dma_start3A_725 = tpu.memref_squeeze %dma_start3A_724 : memref<1x16x1024xf32, #tpu.memory_space<vmem>> -> memref<16x1024xf32, #tpu.memory_space<vmem>>
    %dma_start3A_726 = arith.constant 0 : i32
    %dma_start3A_727 = tpu.memref_slice %arg2[%add3A_720, %dma_start3A_726] : memref<8192x1024xf32, #tpu.memory_space<hbm>> -> memref<16x1024xf32, #tpu.memory_space<hbm>>
    %dma_start3A_728 = arith.constant 0 : i32
    %dma_start3A_729 = arith.constant 0 : i32
    %dma_start3A_730 = tpu.memref_slice %arg5[%dma_start3A_721, %dma_start3A_728, %dma_start3A_729] : memref<3x16x1024xf32, #tpu.memory_space<vmem>> -> memref<1x16x1024xf32, #tpu.memory_space<vmem>>
    %dma_start3A_731 = tpu.memref_squeeze %dma_start3A_730 : memref<1x16x1024xf32, #tpu.memory_space<vmem>> -> memref<16x1024xf32, #tpu.memory_space<vmem>>
    %dma_start3A_732 = arith.constant 0 : i32
    %dma_start3A_733 = tpu.memref_slice %arg2[%add3A_720, %dma_start3A_732] : memref<8192x1024xf32, #tpu.memory_space<hbm>> -> memref<16x1024xf32, #tpu.memory_space<hbm>>
    tpu.enqueue_dma source(%dma_start3A_733 : memref<16x1024xf32, #tpu.memory_space<hbm>>) target(%dma_start3A_731 : memref<16x1024xf32, #tpu.memory_space<vmem>>) target_semaphore(%arg9 : memref<!tpu.dma_semaphore, #tpu.memory_space<semaphore_mem>>)
    %dma_wait3A_734 = arith.constant 1 : i32
    %dma_wait3A_735 = arith.constant 0 : i32
    %dma_wait3A_736 = arith.constant 0 : i32
    %dma_wait3A_737 = tpu.memref_slice %arg5[%dma_wait3A_734, %dma_wait3A_735, %dma_wait3A_736] : memref<3x16x1024xf32, #tpu.memory_space<vmem>> -> memref<1x16x1024xf32, #tpu.memory_space<vmem>>
    %dma_wait3A_738 = tpu.memref_squeeze %dma_wait3A_737 : memref<1x16x1024xf32, #tpu.memory_space<vmem>> -> memref<16x1024xf32, #tpu.memory_space<vmem>>
    %dma_wait3A_739 = arith.constant 0 : i32
    %dma_wait3A_740 = tpu.memref_slice %arg2[%add3A_626, %dma_wait3A_739] : memref<8192x1024xf32, #tpu.memory_space<hbm>> -> memref<16x1024xf32, #tpu.memory_space<hbm>>
    %dma_wait3A_741 = arith.constant 0 : i32
    %dma_wait3A_742 = arith.constant 0 : i32
    %dma_wait3A_743 = tpu.memref_slice %arg5[%dma_wait3A_734, %dma_wait3A_741, %dma_wait3A_742] : memref<3x16x1024xf32, #tpu.memory_space<vmem>> -> memref<1x16x1024xf32, #tpu.memory_space<vmem>>
    %dma_wait3A_744 = tpu.memref_squeeze %dma_wait3A_743 : memref<1x16x1024xf32, #tpu.memory_space<vmem>> -> memref<16x1024xf32, #tpu.memory_space<vmem>>
    %dma_wait3A_745 = arith.constant 0 : i32
    %dma_wait3A_746 = tpu.memref_slice %arg2[%add3A_626, %dma_wait3A_745] : memref<8192x1024xf32, #tpu.memory_space<hbm>> -> memref<16x1024xf32, #tpu.memory_space<hbm>>
    tpu.wait_dma2 semaphore(%arg8 : memref<!tpu.dma_semaphore, #tpu.memory_space<semaphore_mem>>) src(%dma_wait3A_746 : memref<16x1024xf32, #tpu.memory_space<hbm>>) dst(%dma_wait3A_744 : memref<16x1024xf32, #tpu.memory_space<vmem>>)
    %add3A_747 = arith.constant 6144 : i32
    %add3A_748 = arith.addi %add3A_747, %mul3A_2 : i32
    %add3A_749 = arith.constant 16 : i32
    %add3A_750 = arith.addi %add3A_748, %add3A_749 : i32
    %parallel_loop3A_751 = arith.constant 0 : i32
    %parallel_loop3A_752 = arith.constant 8 : i32
    %parallel_loop3A_753 = arith.constant 1 : i32
    scf.for %parallel_loop3A_1592 = %parallel_loop3A_751 to %parallel_loop3A_752 step %parallel_loop3A_753  : i32 {
      %parallel_loop3A_1593 = arith.constant 16 : i32
      %parallel_loop3A_1594 = arith.addi %parallel_loop3A_1593, %parallel_loop3A_1592 : i32
      %parallel_loop3A_1595 = arith.constant 0 : i32
      %parallel_loop3A_1596 = arith.constant 1024 : i32
      %parallel_loop3A_1597 = arith.constant 16 : i32
      %parallel_loop3A_1598 = arith.constant 1 : i32
      scf.for %parallel_loop3A_1599 = %parallel_loop3A_1595 to %parallel_loop3A_1596 step %parallel_loop3A_1597  : i32 {
        %parallel_loop3A_1600 = arith.constant 0 : i32
        %parallel_loop3A_1601 = tpu.memref_slice %arg6[%parallel_loop3A_1594, %parallel_loop3A_1600] : memref<64x1024xf32, #tpu.memory_space<vmem>> -> memref<1x1024xf32, #tpu.memory_space<vmem>>
        %parallel_loop3A_1602 = tpu.memref_squeeze %parallel_loop3A_1601 : memref<1x1024xf32, #tpu.memory_space<vmem>> -> memref<1024xf32, #tpu.memory_space<vmem>>
        %parallel_loop3A_1603 = arith.index_cast %parallel_loop3A_1599 : i32 to index
        %parallel_loop3A_1604 = tpu.vector_load %parallel_loop3A_1602[%parallel_loop3A_1603] {strides = array<i32>} : memref<1024xf32, #tpu.memory_space<vmem>>, vector<16xf32>,
        %parallel_loop3A_1605 = vector.shape_cast %parallel_loop3A_1604 : vector<16xf32> to vector<16xf32>
        %parallel_loop3A_1606 = arith.constant 0 : i32
        %parallel_loop3A_1607 = tpu.memref_slice %arg5[%parallel_loop3A_1598, %parallel_loop3A_1592, %parallel_loop3A_1606] : memref<3x16x1024xf32, #tpu.memory_space<vmem>> -> memref<1x1x1024xf32, #tpu.memory_space<vmem>>
        %parallel_loop3A_1608 = tpu.memref_squeeze %parallel_loop3A_1607 : memref<1x1x1024xf32, #tpu.memory_space<vmem>> -> memref<1024xf32, #tpu.memory_space<vmem>>
        %parallel_loop3A_1609 = arith.index_cast %parallel_loop3A_1599 : i32 to index
        %parallel_loop3A_1610 = tpu.vector_load %parallel_loop3A_1608[%parallel_loop3A_1609] {strides = array<i32>} : memref<1024xf32, #tpu.memory_space<vmem>>, vector<16xf32>,
        %parallel_loop3A_1611 = vector.shape_cast %parallel_loop3A_1610 : vector<16xf32> to vector<16xf32>
        %parallel_loop3A_1612 = vector.shape_cast %parallel_loop3A_1605 : vector<16xf32> to vector<16xf32>
        tpu.vector_store %parallel_loop3A_1608[%parallel_loop3A_1609], %parallel_loop3A_1612 {add = true, strides = array<i32>} : memref<1024xf32, #tpu.memory_space<vmem>>, vector<16xf32>,
      } {sc.loop_unroll_factor = 8 : i64, sc.parallel_access}
    } {sc.loop_unroll_factor = 1 : i64, sc.parallel_access}
    %dma_start3A_754 = arith.constant 1 : i32
    %dma_start3A_755 = arith.constant 0 : i32
    %dma_start3A_756 = arith.constant 0 : i32
    %dma_start3A_757 = tpu.memref_slice %arg5[%dma_start3A_754, %dma_start3A_755, %dma_start3A_756] : memref<3x16x1024xf32, #tpu.memory_space<vmem>> -> memref<1x8x1024xf32, #tpu.memory_space<vmem>>
    %dma_start3A_758 = tpu.memref_squeeze %dma_start3A_757 : memref<1x8x1024xf32, #tpu.memory_space<vmem>> -> memref<8x1024xf32, #tpu.memory_space<vmem>>
    %dma_start3A_759 = arith.constant 0 : i32
    %dma_start3A_760 = tpu.memref_slice %arg4[%add3A_750, %dma_start3A_759] : memref<8192x1024xf32, #tpu.memory_space<hbm>> -> memref<8x1024xf32, #tpu.memory_space<hbm>>
    %dma_start3A_761 = arith.constant 0 : i32
    %dma_start3A_762 = tpu.memref_slice %arg4[%add3A_750, %dma_start3A_761] : memref<8192x1024xf32, #tpu.memory_space<hbm>> -> memref<8x1024xf32, #tpu.memory_space<hbm>>
    %dma_start3A_763 = arith.constant 0 : i32
    %dma_start3A_764 = arith.constant 0 : i32
    %dma_start3A_765 = tpu.memref_slice %arg5[%dma_start3A_754, %dma_start3A_763, %dma_start3A_764] : memref<3x16x1024xf32, #tpu.memory_space<vmem>> -> memref<1x8x1024xf32, #tpu.memory_space<vmem>>
    %dma_start3A_766 = tpu.memref_squeeze %dma_start3A_765 : memref<1x8x1024xf32, #tpu.memory_space<vmem>> -> memref<8x1024xf32, #tpu.memory_space<vmem>>
    tpu.enqueue_dma source(%dma_start3A_766 : memref<8x1024xf32, #tpu.memory_space<vmem>>) target(%dma_start3A_762 : memref<8x1024xf32, #tpu.memory_space<hbm>>) target_semaphore(%arg11 : memref<!tpu.dma_semaphore, #tpu.memory_space<semaphore_mem>>)
    %parallel_loop3A_767 = arith.constant 8 : i32
    %parallel_loop3A_768 = arith.constant 16 : i32
    %parallel_loop3A_769 = arith.constant 1 : i32
    scf.for %parallel_loop3A_1592 = %parallel_loop3A_767 to %parallel_loop3A_768 step %parallel_loop3A_769  : i32 {
      %parallel_loop3A_1593 = arith.constant 16 : i32
      %parallel_loop3A_1594 = arith.addi %parallel_loop3A_1593, %parallel_loop3A_1592 : i32
      %parallel_loop3A_1595 = arith.constant 0 : i32
      %parallel_loop3A_1596 = arith.constant 1024 : i32
      %parallel_loop3A_1597 = arith.constant 16 : i32
      %parallel_loop3A_1598 = arith.constant 1 : i32
      scf.for %parallel_loop3A_1599 = %parallel_loop3A_1595 to %parallel_loop3A_1596 step %parallel_loop3A_1597  : i32 {
        %parallel_loop3A_1600 = arith.constant 0 : i32
        %parallel_loop3A_1601 = tpu.memref_slice %arg6[%parallel_loop3A_1594, %parallel_loop3A_1600] : memref<64x1024xf32, #tpu.memory_space<vmem>> -> memref<1x1024xf32, #tpu.memory_space<vmem>>
        %parallel_loop3A_1602 = tpu.memref_squeeze %parallel_loop3A_1601 : memref<1x1024xf32, #tpu.memory_space<vmem>> -> memref<1024xf32, #tpu.memory_space<vmem>>
        %parallel_loop3A_1603 = arith.index_cast %parallel_loop3A_1599 : i32 to index
        %parallel_loop3A_1604 = tpu.vector_load %parallel_loop3A_1602[%parallel_loop3A_1603] {strides = array<i32>} : memref<1024xf32, #tpu.memory_space<vmem>>, vector<16xf32>,
        %parallel_loop3A_1605 = vector.shape_cast %parallel_loop3A_1604 : vector<16xf32> to vector<16xf32>
        %parallel_loop3A_1606 = arith.constant 0 : i32
        %parallel_loop3A_1607 = tpu.memref_slice %arg5[%parallel_loop3A_1598, %parallel_loop3A_1592, %parallel_loop3A_1606] : memref<3x16x1024xf32, #tpu.memory_space<vmem>> -> memref<1x1x1024xf32, #tpu.memory_space<vmem>>
        %parallel_loop3A_1608 = tpu.memref_squeeze %parallel_loop3A_1607 : memref<1x1x1024xf32, #tpu.memory_space<vmem>> -> memref<1024xf32, #tpu.memory_space<vmem>>
        %parallel_loop3A_1609 = arith.index_cast %parallel_loop3A_1599 : i32 to index
        %parallel_loop3A_1610 = tpu.vector_load %parallel_loop3A_1608[%parallel_loop3A_1609] {strides = array<i32>} : memref<1024xf32, #tpu.memory_space<vmem>>, vector<16xf32>,
        %parallel_loop3A_1611 = vector.shape_cast %parallel_loop3A_1610 : vector<16xf32> to vector<16xf32>
        %parallel_loop3A_1612 = vector.shape_cast %parallel_loop3A_1605 : vector<16xf32> to vector<16xf32>
        tpu.vector_store %parallel_loop3A_1608[%parallel_loop3A_1609], %parallel_loop3A_1612 {add = true, strides = array<i32>} : memref<1024xf32, #tpu.memory_space<vmem>>, vector<16xf32>,
      } {sc.loop_unroll_factor = 8 : i64, sc.parallel_access}
    } {sc.loop_unroll_factor = 1 : i64, sc.parallel_access}
    %add3A_770 = arith.constant 8 : i32
    %add3A_771 = arith.addi %add3A_750, %add3A_770 : i32
    %dma_start3A_772 = arith.constant 1 : i32
    %dma_start3A_773 = arith.constant 8 : i32
    %dma_start3A_774 = arith.constant 0 : i32
    %dma_start3A_775 = tpu.memref_slice %arg5[%dma_start3A_772, %dma_start3A_773, %dma_start3A_774] : memref<3x16x1024xf32, #tpu.memory_space<vmem>> -> memref<1x8x1024xf32, #tpu.memory_space<vmem>>
    %dma_start3A_776 = tpu.memref_squeeze %dma_start3A_775 : memref<1x8x1024xf32, #tpu.memory_space<vmem>> -> memref<8x1024xf32, #tpu.memory_space<vmem>>
    %dma_start3A_777 = arith.constant 0 : i32
    %dma_start3A_778 = tpu.memref_slice %arg4[%add3A_771, %dma_start3A_777] : memref<8192x1024xf32, #tpu.memory_space<hbm>> -> memref<8x1024xf32, #tpu.memory_space<hbm>>
    %dma_start3A_779 = arith.constant 0 : i32
    %dma_start3A_780 = tpu.memref_slice %arg4[%add3A_771, %dma_start3A_779] : memref<8192x1024xf32, #tpu.memory_space<hbm>> -> memref<8x1024xf32, #tpu.memory_space<hbm>>
    %dma_start3A_781 = arith.constant 8 : i32
    %dma_start3A_782 = arith.constant 0 : i32
    %dma_start3A_783 = tpu.memref_slice %arg5[%dma_start3A_772, %dma_start3A_781, %dma_start3A_782] : memref<3x16x1024xf32, #tpu.memory_space<vmem>> -> memref<1x8x1024xf32, #tpu.memory_space<vmem>>
    %dma_start3A_784 = tpu.memref_squeeze %dma_start3A_783 : memref<1x8x1024xf32, #tpu.memory_space<vmem>> -> memref<8x1024xf32, #tpu.memory_space<vmem>>
    tpu.enqueue_dma source(%dma_start3A_784 : memref<8x1024xf32, #tpu.memory_space<vmem>>) target(%dma_start3A_780 : memref<8x1024xf32, #tpu.memory_space<hbm>>) target_semaphore(%arg11 : memref<!tpu.dma_semaphore, #tpu.memory_space<semaphore_mem>>)
    %dma_wait3A_785 = arith.constant 0 : i32
    %dma_wait3A_786 = arith.constant 0 : i32
    %dma_wait3A_787 = arith.constant 0 : i32
    %dma_wait3A_788 = tpu.memref_slice %arg5[%dma_wait3A_785, %dma_wait3A_786, %dma_wait3A_787] : memref<3x16x1024xf32, #tpu.memory_space<vmem>> -> memref<1x8x1024xf32, #tpu.memory_space<vmem>>
    %dma_wait3A_789 = tpu.memref_squeeze %dma_wait3A_788 : memref<1x8x1024xf32, #tpu.memory_space<vmem>> -> memref<8x1024xf32, #tpu.memory_space<vmem>>
    %dma_wait3A_790 = arith.constant 0 : i32
    %dma_wait3A_791 = tpu.memref_slice %arg4[%add3A_656, %dma_wait3A_790] : memref<8192x1024xf32, #tpu.memory_space<hbm>> -> memref<8x1024xf32, #tpu.memory_space<hbm>>
    %dma_wait3A_792 = arith.constant 0 : i32
    %dma_wait3A_793 = tpu.memref_slice %arg4[%add3A_656, %dma_wait3A_792] : memref<8192x1024xf32, #tpu.memory_space<hbm>> -> memref<8x1024xf32, #tpu.memory_space<hbm>>
    %dma_wait3A_794 = arith.constant 0 : i32
    %dma_wait3A_795 = arith.constant 0 : i32
    %dma_wait3A_796 = tpu.memref_slice %arg5[%dma_wait3A_785, %dma_wait3A_794, %dma_wait3A_795] : memref<3x16x1024xf32, #tpu.memory_space<vmem>> -> memref<1x8x1024xf32, #tpu.memory_space<vmem>>
    %dma_wait3A_797 = tpu.memref_squeeze %dma_wait3A_796 : memref<1x8x1024xf32, #tpu.memory_space<vmem>> -> memref<8x1024xf32, #tpu.memory_space<vmem>>
    tpu.wait_dma2 semaphore(%arg10 : memref<!tpu.dma_semaphore, #tpu.memory_space<semaphore_mem>>) src(%dma_wait3A_797 : memref<8x1024xf32, #tpu.memory_space<vmem>>) dst(%dma_wait3A_793 : memref<8x1024xf32, #tpu.memory_space<hbm>>)
    %dma_wait3A_798 = arith.constant 0 : i32
    %dma_wait3A_799 = arith.constant 8 : i32
    %dma_wait3A_800 = arith.constant 0 : i32
    %dma_wait3A_801 = tpu.memref_slice %arg5[%dma_wait3A_798, %dma_wait3A_799, %dma_wait3A_800] : memref<3x16x1024xf32, #tpu.memory_space<vmem>> -> memref<1x8x1024xf32, #tpu.memory_space<vmem>>
    %dma_wait3A_802 = tpu.memref_squeeze %dma_wait3A_801 : memref<1x8x1024xf32, #tpu.memory_space<vmem>> -> memref<8x1024xf32, #tpu.memory_space<vmem>>
    %dma_wait3A_803 = arith.constant 0 : i32
    %dma_wait3A_804 = tpu.memref_slice %arg4[%add3A_677, %dma_wait3A_803] : memref<8192x1024xf32, #tpu.memory_space<hbm>> -> memref<8x1024xf32, #tpu.memory_space<hbm>>
    %dma_wait3A_805 = arith.constant 0 : i32
    %dma_wait3A_806 = tpu.memref_slice %arg4[%add3A_677, %dma_wait3A_805] : memref<8192x1024xf32, #tpu.memory_space<hbm>> -> memref<8x1024xf32, #tpu.memory_space<hbm>>
    %dma_wait3A_807 = arith.constant 8 : i32
    %dma_wait3A_808 = arith.constant 0 : i32
    %dma_wait3A_809 = tpu.memref_slice %arg5[%dma_wait3A_798, %dma_wait3A_807, %dma_wait3A_808] : memref<3x16x1024xf32, #tpu.memory_space<vmem>> -> memref<1x8x1024xf32, #tpu.memory_space<vmem>>
    %dma_wait3A_810 = tpu.memref_squeeze %dma_wait3A_809 : memref<1x8x1024xf32, #tpu.memory_space<vmem>> -> memref<8x1024xf32, #tpu.memory_space<vmem>>
    tpu.wait_dma2 semaphore(%arg10 : memref<!tpu.dma_semaphore, #tpu.memory_space<semaphore_mem>>) src(%dma_wait3A_810 : memref<8x1024xf32, #tpu.memory_space<vmem>>) dst(%dma_wait3A_806 : memref<8x1024xf32, #tpu.memory_space<hbm>>)
    %add3A_811 = arith.constant 2048 : i32
    %add3A_812 = arith.addi %add3A_811, %mul3A_2 : i32
    %add3A_813 = arith.constant 32 : i32
    %add3A_814 = arith.addi %add3A_812, %add3A_813 : i32
    %dma_start3A_815 = arith.constant 0 : i32
    %dma_start3A_816 = arith.constant 0 : i32
    %dma_start3A_817 = arith.constant 0 : i32
    %dma_start3A_818 = tpu.memref_slice %arg5[%dma_start3A_815, %dma_start3A_816, %dma_start3A_817] : memref<3x16x1024xf32, #tpu.memory_space<vmem>> -> memref<1x16x1024xf32, #tpu.memory_space<vmem>>
    %dma_start3A_819 = tpu.memref_squeeze %dma_start3A_818 : memref<1x16x1024xf32, #tpu.memory_space<vmem>> -> memref<16x1024xf32, #tpu.memory_space<vmem>>
    %dma_start3A_820 = arith.constant 0 : i32
    %dma_start3A_821 = tpu.memref_slice %arg2[%add3A_814, %dma_start3A_820] : memref<8192x1024xf32, #tpu.memory_space<hbm>> -> memref<16x1024xf32, #tpu.memory_space<hbm>>
    %dma_start3A_822 = arith.constant 0 : i32
    %dma_start3A_823 = arith.constant 0 : i32
    %dma_start3A_824 = tpu.memref_slice %arg5[%dma_start3A_815, %dma_start3A_822, %dma_start3A_823] : memref<3x16x1024xf32, #tpu.memory_space<vmem>> -> memref<1x16x1024xf32, #tpu.memory_space<vmem>>
    %dma_start3A_825 = tpu.memref_squeeze %dma_start3A_824 : memref<1x16x1024xf32, #tpu.memory_space<vmem>> -> memref<16x1024xf32, #tpu.memory_space<vmem>>
    %dma_start3A_826 = arith.constant 0 : i32
    %dma_start3A_827 = tpu.memref_slice %arg2[%add3A_814, %dma_start3A_826] : memref<8192x1024xf32, #tpu.memory_space<hbm>> -> memref<16x1024xf32, #tpu.memory_space<hbm>>
    tpu.enqueue_dma source(%dma_start3A_827 : memref<16x1024xf32, #tpu.memory_space<hbm>>) target(%dma_start3A_825 : memref<16x1024xf32, #tpu.memory_space<vmem>>) target_semaphore(%arg7 : memref<!tpu.dma_semaphore, #tpu.memory_space<semaphore_mem>>)
    %dma_wait3A_828 = arith.constant 32 : i32
    %dma_wait3A_829 = arith.constant 0 : i32
    %dma_wait3A_830 = tpu.memref_slice %arg6[%dma_wait3A_828, %dma_wait3A_829] : memref<64x1024xf32, #tpu.memory_space<vmem>> -> memref<16x1024xf32, #tpu.memory_space<vmem>>
    %dma_wait3A_831 = arith.constant 0 : i32
    %dma_wait3A_832 = tpu.memref_slice %arg3[%add3A_27, %dma_wait3A_831] : memref<2048x1024xf32, #tpu.memory_space<hbm>> -> memref<16x1024xf32, #tpu.memory_space<hbm>>
    %dma_wait3A_833 = arith.constant 32 : i32
    %dma_wait3A_834 = arith.constant 0 : i32
    %dma_wait3A_835 = tpu.memref_slice %arg6[%dma_wait3A_833, %dma_wait3A_834] : memref<64x1024xf32, #tpu.memory_space<vmem>> -> memref<16x1024xf32, #tpu.memory_space<vmem>>
    %dma_wait3A_836 = arith.constant 0 : i32
    %dma_wait3A_837 = tpu.memref_slice %arg3[%add3A_27, %dma_wait3A_836] : memref<2048x1024xf32, #tpu.memory_space<hbm>> -> memref<16x1024xf32, #tpu.memory_space<hbm>>
    tpu.wait_dma2 semaphore(%arg15 : memref<!tpu.dma_semaphore, #tpu.memory_space<semaphore_mem>>) src(%dma_wait3A_837 : memref<16x1024xf32, #tpu.memory_space<hbm>>) dst(%dma_wait3A_835 : memref<16x1024xf32, #tpu.memory_space<vmem>>)
    %dma_wait3A_838 = arith.constant 2 : i32
    %dma_wait3A_839 = arith.constant 0 : i32
    %dma_wait3A_840 = arith.constant 0 : i32
    %dma_wait3A_841 = tpu.memref_slice %arg5[%dma_wait3A_838, %dma_wait3A_839, %dma_wait3A_840] : memref<3x16x1024xf32, #tpu.memory_space<vmem>> -> memref<1x16x1024xf32, #tpu.memory_space<vmem>>
    %dma_wait3A_842 = tpu.memref_squeeze %dma_wait3A_841 : memref<1x16x1024xf32, #tpu.memory_space<vmem>> -> memref<16x1024xf32, #tpu.memory_space<vmem>>
    %dma_wait3A_843 = arith.constant 0 : i32
    %dma_wait3A_844 = tpu.memref_slice %arg2[%add3A_720, %dma_wait3A_843] : memref<8192x1024xf32, #tpu.memory_space<hbm>> -> memref<16x1024xf32, #tpu.memory_space<hbm>>
    %dma_wait3A_845 = arith.constant 0 : i32
    %dma_wait3A_846 = arith.constant 0 : i32
    %dma_wait3A_847 = tpu.memref_slice %arg5[%dma_wait3A_838, %dma_wait3A_845, %dma_wait3A_846] : memref<3x16x1024xf32, #tpu.memory_space<vmem>> -> memref<1x16x1024xf32, #tpu.memory_space<vmem>>
    %dma_wait3A_848 = tpu.memref_squeeze %dma_wait3A_847 : memref<1x16x1024xf32, #tpu.memory_space<vmem>> -> memref<16x1024xf32, #tpu.memory_space<vmem>>
    %dma_wait3A_849 = arith.constant 0 : i32
    %dma_wait3A_850 = tpu.memref_slice %arg2[%add3A_720, %dma_wait3A_849] : memref<8192x1024xf32, #tpu.memory_space<hbm>> -> memref<16x1024xf32, #tpu.memory_space<hbm>>
    tpu.wait_dma2 semaphore(%arg9 : memref<!tpu.dma_semaphore, #tpu.memory_space<semaphore_mem>>) src(%dma_wait3A_850 : memref<16x1024xf32, #tpu.memory_space<hbm>>) dst(%dma_wait3A_848 : memref<16x1024xf32, #tpu.memory_space<vmem>>)
    %add3A_851 = arith.constant 0 : i32
    %add3A_852 = arith.addi %add3A_851, %mul3A_2 : i32
    %add3A_853 = arith.constant 32 : i32
    %add3A_854 = arith.addi %add3A_852, %add3A_853 : i32
    %parallel_loop3A_855 = arith.constant 0 : i32
    %parallel_loop3A_856 = arith.constant 8 : i32
    %parallel_loop3A_857 = arith.constant 1 : i32
    scf.for %parallel_loop3A_1592 = %parallel_loop3A_855 to %parallel_loop3A_856 step %parallel_loop3A_857  : i32 {
      %parallel_loop3A_1593 = arith.constant 32 : i32
      %parallel_loop3A_1594 = arith.addi %parallel_loop3A_1593, %parallel_loop3A_1592 : i32
      %parallel_loop3A_1595 = arith.constant 0 : i32
      %parallel_loop3A_1596 = arith.constant 1024 : i32
      %parallel_loop3A_1597 = arith.constant 16 : i32
      %parallel_loop3A_1598 = arith.constant 2 : i32
      scf.for %parallel_loop3A_1599 = %parallel_loop3A_1595 to %parallel_loop3A_1596 step %parallel_loop3A_1597  : i32 {
        %parallel_loop3A_1600 = arith.constant 0 : i32
        %parallel_loop3A_1601 = tpu.memref_slice %arg6[%parallel_loop3A_1594, %parallel_loop3A_1600] : memref<64x1024xf32, #tpu.memory_space<vmem>> -> memref<1x1024xf32, #tpu.memory_space<vmem>>
        %parallel_loop3A_1602 = tpu.memref_squeeze %parallel_loop3A_1601 : memref<1x1024xf32, #tpu.memory_space<vmem>> -> memref<1024xf32, #tpu.memory_space<vmem>>
        %parallel_loop3A_1603 = arith.index_cast %parallel_loop3A_1599 : i32 to index
        %parallel_loop3A_1604 = tpu.vector_load %parallel_loop3A_1602[%parallel_loop3A_1603] {strides = array<i32>} : memref<1024xf32, #tpu.memory_space<vmem>>, vector<16xf32>,
        %parallel_loop3A_1605 = vector.shape_cast %parallel_loop3A_1604 : vector<16xf32> to vector<16xf32>
        %parallel_loop3A_1606 = arith.constant 0 : i32
        %parallel_loop3A_1607 = tpu.memref_slice %arg5[%parallel_loop3A_1598, %parallel_loop3A_1592, %parallel_loop3A_1606] : memref<3x16x1024xf32, #tpu.memory_space<vmem>> -> memref<1x1x1024xf32, #tpu.memory_space<vmem>>
        %parallel_loop3A_1608 = tpu.memref_squeeze %parallel_loop3A_1607 : memref<1x1x1024xf32, #tpu.memory_space<vmem>> -> memref<1024xf32, #tpu.memory_space<vmem>>
        %parallel_loop3A_1609 = arith.index_cast %parallel_loop3A_1599 : i32 to index
        %parallel_loop3A_1610 = tpu.vector_load %parallel_loop3A_1608[%parallel_loop3A_1609] {strides = array<i32>} : memref<1024xf32, #tpu.memory_space<vmem>>, vector<16xf32>,
        %parallel_loop3A_1611 = vector.shape_cast %parallel_loop3A_1610 : vector<16xf32> to vector<16xf32>
        %parallel_loop3A_1612 = vector.shape_cast %parallel_loop3A_1605 : vector<16xf32> to vector<16xf32>
        tpu.vector_store %parallel_loop3A_1608[%parallel_loop3A_1609], %parallel_loop3A_1612 {add = true, strides = array<i32>} : memref<1024xf32, #tpu.memory_space<vmem>>, vector<16xf32>,
      } {sc.loop_unroll_factor = 8 : i64, sc.parallel_access}
    } {sc.loop_unroll_factor = 1 : i64, sc.parallel_access}
    %dma_start3A_858 = arith.constant 2 : i32
    %dma_start3A_859 = arith.constant 0 : i32
    %dma_start3A_860 = arith.constant 0 : i32
    %dma_start3A_861 = tpu.memref_slice %arg5[%dma_start3A_858, %dma_start3A_859, %dma_start3A_860] : memref<3x16x1024xf32, #tpu.memory_space<vmem>> -> memref<1x8x1024xf32, #tpu.memory_space<vmem>>
    %dma_start3A_862 = tpu.memref_squeeze %dma_start3A_861 : memref<1x8x1024xf32, #tpu.memory_space<vmem>> -> memref<8x1024xf32, #tpu.memory_space<vmem>>
    %dma_start3A_863 = arith.constant 0 : i32
    %dma_start3A_864 = tpu.memref_slice %arg4[%add3A_854, %dma_start3A_863] : memref<8192x1024xf32, #tpu.memory_space<hbm>> -> memref<8x1024xf32, #tpu.memory_space<hbm>>
    %dma_start3A_865 = arith.constant 0 : i32
    %dma_start3A_866 = tpu.memref_slice %arg4[%add3A_854, %dma_start3A_865] : memref<8192x1024xf32, #tpu.memory_space<hbm>> -> memref<8x1024xf32, #tpu.memory_space<hbm>>
    %dma_start3A_867 = arith.constant 0 : i32
    %dma_start3A_868 = arith.constant 0 : i32
    %dma_start3A_869 = tpu.memref_slice %arg5[%dma_start3A_858, %dma_start3A_867, %dma_start3A_868] : memref<3x16x1024xf32, #tpu.memory_space<vmem>> -> memref<1x8x1024xf32, #tpu.memory_space<vmem>>
    %dma_start3A_870 = tpu.memref_squeeze %dma_start3A_869 : memref<1x8x1024xf32, #tpu.memory_space<vmem>> -> memref<8x1024xf32, #tpu.memory_space<vmem>>
    tpu.enqueue_dma source(%dma_start3A_870 : memref<8x1024xf32, #tpu.memory_space<vmem>>) target(%dma_start3A_866 : memref<8x1024xf32, #tpu.memory_space<hbm>>) target_semaphore(%arg12 : memref<!tpu.dma_semaphore, #tpu.memory_space<semaphore_mem>>)
    %parallel_loop3A_871 = arith.constant 8 : i32
    %parallel_loop3A_872 = arith.constant 16 : i32
    %parallel_loop3A_873 = arith.constant 1 : i32
    scf.for %parallel_loop3A_1592 = %parallel_loop3A_871 to %parallel_loop3A_872 step %parallel_loop3A_873  : i32 {
      %parallel_loop3A_1593 = arith.constant 32 : i32
      %parallel_loop3A_1594 = arith.addi %parallel_loop3A_1593, %parallel_loop3A_1592 : i32
      %parallel_loop3A_1595 = arith.constant 0 : i32
      %parallel_loop3A_1596 = arith.constant 1024 : i32
      %parallel_loop3A_1597 = arith.constant 16 : i32
      %parallel_loop3A_1598 = arith.constant 2 : i32
      scf.for %parallel_loop3A_1599 = %parallel_loop3A_1595 to %parallel_loop3A_1596 step %parallel_loop3A_1597  : i32 {
        %parallel_loop3A_1600 = arith.constant 0 : i32
        %parallel_loop3A_1601 = tpu.memref_slice %arg6[%parallel_loop3A_1594, %parallel_loop3A_1600] : memref<64x1024xf32, #tpu.memory_space<vmem>> -> memref<1x1024xf32, #tpu.memory_space<vmem>>
        %parallel_loop3A_1602 = tpu.memref_squeeze %parallel_loop3A_1601 : memref<1x1024xf32, #tpu.memory_space<vmem>> -> memref<1024xf32, #tpu.memory_space<vmem>>
        %parallel_loop3A_1603 = arith.index_cast %parallel_loop3A_1599 : i32 to index
        %parallel_loop3A_1604 = tpu.vector_load %parallel_loop3A_1602[%parallel_loop3A_1603] {strides = array<i32>} : memref<1024xf32, #tpu.memory_space<vmem>>, vector<16xf32>,
        %parallel_loop3A_1605 = vector.shape_cast %parallel_loop3A_1604 : vector<16xf32> to vector<16xf32>
        %parallel_loop3A_1606 = arith.constant 0 : i32
        %parallel_loop3A_1607 = tpu.memref_slice %arg5[%parallel_loop3A_1598, %parallel_loop3A_1592, %parallel_loop3A_1606] : memref<3x16x1024xf32, #tpu.memory_space<vmem>> -> memref<1x1x1024xf32, #tpu.memory_space<vmem>>
        %parallel_loop3A_1608 = tpu.memref_squeeze %parallel_loop3A_1607 : memref<1x1x1024xf32, #tpu.memory_space<vmem>> -> memref<1024xf32, #tpu.memory_space<vmem>>
        %parallel_loop3A_1609 = arith.index_cast %parallel_loop3A_1599 : i32 to index
        %parallel_loop3A_1610 = tpu.vector_load %parallel_loop3A_1608[%parallel_loop3A_1609] {strides = array<i32>} : memref<1024xf32, #tpu.memory_space<vmem>>, vector<16xf32>,
        %parallel_loop3A_1611 = vector.shape_cast %parallel_loop3A_1610 : vector<16xf32> to vector<16xf32>
        %parallel_loop3A_1612 = vector.shape_cast %parallel_loop3A_1605 : vector<16xf32> to vector<16xf32>
        tpu.vector_store %parallel_loop3A_1608[%parallel_loop3A_1609], %parallel_loop3A_1612 {add = true, strides = array<i32>} : memref<1024xf32, #tpu.memory_space<vmem>>, vector<16xf32>,
      } {sc.loop_unroll_factor = 8 : i64, sc.parallel_access}
    } {sc.loop_unroll_factor = 1 : i64, sc.parallel_access}
    %add3A_874 = arith.constant 8 : i32
    %add3A_875 = arith.addi %add3A_854, %add3A_874 : i32
    %dma_start3A_876 = arith.constant 2 : i32
    %dma_start3A_877 = arith.constant 8 : i32
    %dma_start3A_878 = arith.constant 0 : i32
    %dma_start3A_879 = tpu.memref_slice %arg5[%dma_start3A_876, %dma_start3A_877, %dma_start3A_878] : memref<3x16x1024xf32, #tpu.memory_space<vmem>> -> memref<1x8x1024xf32, #tpu.memory_space<vmem>>
    %dma_start3A_880 = tpu.memref_squeeze %dma_start3A_879 : memref<1x8x1024xf32, #tpu.memory_space<vmem>> -> memref<8x1024xf32, #tpu.memory_space<vmem>>
    %dma_start3A_881 = arith.constant 0 : i32
    %dma_start3A_882 = tpu.memref_slice %arg4[%add3A_875, %dma_start3A_881] : memref<8192x1024xf32, #tpu.memory_space<hbm>> -> memref<8x1024xf32, #tpu.memory_space<hbm>>
    %dma_start3A_883 = arith.constant 0 : i32
    %dma_start3A_884 = tpu.memref_slice %arg4[%add3A_875, %dma_start3A_883] : memref<8192x1024xf32, #tpu.memory_space<hbm>> -> memref<8x1024xf32, #tpu.memory_space<hbm>>
    %dma_start3A_885 = arith.constant 8 : i32
    %dma_start3A_886 = arith.constant 0 : i32
    %dma_start3A_887 = tpu.memref_slice %arg5[%dma_start3A_876, %dma_start3A_885, %dma_start3A_886] : memref<3x16x1024xf32, #tpu.memory_space<vmem>> -> memref<1x8x1024xf32, #tpu.memory_space<vmem>>
    %dma_start3A_888 = tpu.memref_squeeze %dma_start3A_887 : memref<1x8x1024xf32, #tpu.memory_space<vmem>> -> memref<8x1024xf32, #tpu.memory_space<vmem>>
    tpu.enqueue_dma source(%dma_start3A_888 : memref<8x1024xf32, #tpu.memory_space<vmem>>) target(%dma_start3A_884 : memref<8x1024xf32, #tpu.memory_space<hbm>>) target_semaphore(%arg12 : memref<!tpu.dma_semaphore, #tpu.memory_space<semaphore_mem>>)
    %dma_wait3A_889 = arith.constant 1 : i32
    %dma_wait3A_890 = arith.constant 0 : i32
    %dma_wait3A_891 = arith.constant 0 : i32
    %dma_wait3A_892 = tpu.memref_slice %arg5[%dma_wait3A_889, %dma_wait3A_890, %dma_wait3A_891] : memref<3x16x1024xf32, #tpu.memory_space<vmem>> -> memref<1x8x1024xf32, #tpu.memory_space<vmem>>
    %dma_wait3A_893 = tpu.memref_squeeze %dma_wait3A_892 : memref<1x8x1024xf32, #tpu.memory_space<vmem>> -> memref<8x1024xf32, #tpu.memory_space<vmem>>
    %dma_wait3A_894 = arith.constant 0 : i32
    %dma_wait3A_895 = tpu.memref_slice %arg4[%add3A_750, %dma_wait3A_894] : memref<8192x1024xf32, #tpu.memory_space<hbm>> -> memref<8x1024xf32, #tpu.memory_space<hbm>>
    %dma_wait3A_896 = arith.constant 0 : i32
    %dma_wait3A_897 = tpu.memref_slice %arg4[%add3A_750, %dma_wait3A_896] : memref<8192x1024xf32, #tpu.memory_space<hbm>> -> memref<8x1024xf32, #tpu.memory_space<hbm>>
    %dma_wait3A_898 = arith.constant 0 : i32
    %dma_wait3A_899 = arith.constant 0 : i32
    %dma_wait3A_900 = tpu.memref_slice %arg5[%dma_wait3A_889, %dma_wait3A_898, %dma_wait3A_899] : memref<3x16x1024xf32, #tpu.memory_space<vmem>> -> memref<1x8x1024xf32, #tpu.memory_space<vmem>>
    %dma_wait3A_901 = tpu.memref_squeeze %dma_wait3A_900 : memref<1x8x1024xf32, #tpu.memory_space<vmem>> -> memref<8x1024xf32, #tpu.memory_space<vmem>>
    tpu.wait_dma2 semaphore(%arg11 : memref<!tpu.dma_semaphore, #tpu.memory_space<semaphore_mem>>) src(%dma_wait3A_901 : memref<8x1024xf32, #tpu.memory_space<vmem>>) dst(%dma_wait3A_897 : memref<8x1024xf32, #tpu.memory_space<hbm>>)
    %dma_wait3A_902 = arith.constant 1 : i32
    %dma_wait3A_903 = arith.constant 8 : i32
    %dma_wait3A_904 = arith.constant 0 : i32
    %dma_wait3A_905 = tpu.memref_slice %arg5[%dma_wait3A_902, %dma_wait3A_903, %dma_wait3A_904] : memref<3x16x1024xf32, #tpu.memory_space<vmem>> -> memref<1x8x1024xf32, #tpu.memory_space<vmem>>
    %dma_wait3A_906 = tpu.memref_squeeze %dma_wait3A_905 : memref<1x8x1024xf32, #tpu.memory_space<vmem>> -> memref<8x1024xf32, #tpu.memory_space<vmem>>
    %dma_wait3A_907 = arith.constant 0 : i32
    %dma_wait3A_908 = tpu.memref_slice %arg4[%add3A_771, %dma_wait3A_907] : memref<8192x1024xf32, #tpu.memory_space<hbm>> -> memref<8x1024xf32, #tpu.memory_space<hbm>>
    %dma_wait3A_909 = arith.constant 0 : i32
    %dma_wait3A_910 = tpu.memref_slice %arg4[%add3A_771, %dma_wait3A_909] : memref<8192x1024xf32, #tpu.memory_space<hbm>> -> memref<8x1024xf32, #tpu.memory_space<hbm>>
    %dma_wait3A_911 = arith.constant 8 : i32
    %dma_wait3A_912 = arith.constant 0 : i32
    %dma_wait3A_913 = tpu.memref_slice %arg5[%dma_wait3A_902, %dma_wait3A_911, %dma_wait3A_912] : memref<3x16x1024xf32, #tpu.memory_space<vmem>> -> memref<1x8x1024xf32, #tpu.memory_space<vmem>>
    %dma_wait3A_914 = tpu.memref_squeeze %dma_wait3A_913 : memref<1x8x1024xf32, #tpu.memory_space<vmem>> -> memref<8x1024xf32, #tpu.memory_space<vmem>>
    tpu.wait_dma2 semaphore(%arg11 : memref<!tpu.dma_semaphore, #tpu.memory_space<semaphore_mem>>) src(%dma_wait3A_914 : memref<8x1024xf32, #tpu.memory_space<vmem>>) dst(%dma_wait3A_910 : memref<8x1024xf32, #tpu.memory_space<hbm>>)
    %add3A_915 = arith.constant 4096 : i32
    %add3A_916 = arith.addi %add3A_915, %mul3A_2 : i32
    %add3A_917 = arith.constant 32 : i32
    %add3A_918 = arith.addi %add3A_916, %add3A_917 : i32
    %dma_start3A_919 = arith.constant 1 : i32
    %dma_start3A_920 = arith.constant 0 : i32
    %dma_start3A_921 = arith.constant 0 : i32
    %dma_start3A_922 = tpu.memref_slice %arg5[%dma_start3A_919, %dma_start3A_920, %dma_start3A_921] : memref<3x16x1024xf32, #tpu.memory_space<vmem>> -> memref<1x16x1024xf32, #tpu.memory_space<vmem>>
    %dma_start3A_923 = tpu.memref_squeeze %dma_start3A_922 : memref<1x16x1024xf32, #tpu.memory_space<vmem>> -> memref<16x1024xf32, #tpu.memory_space<vmem>>
    %dma_start3A_924 = arith.constant 0 : i32
    %dma_start3A_925 = tpu.memref_slice %arg2[%add3A_918, %dma_start3A_924] : memref<8192x1024xf32, #tpu.memory_space<hbm>> -> memref<16x1024xf32, #tpu.memory_space<hbm>>
    %dma_start3A_926 = arith.constant 0 : i32
    %dma_start3A_927 = arith.constant 0 : i32
    %dma_start3A_928 = tpu.memref_slice %arg5[%dma_start3A_919, %dma_start3A_926, %dma_start3A_927] : memref<3x16x1024xf32, #tpu.memory_space<vmem>> -> memref<1x16x1024xf32, #tpu.memory_space<vmem>>
    %dma_start3A_929 = tpu.memref_squeeze %dma_start3A_928 : memref<1x16x1024xf32, #tpu.memory_space<vmem>> -> memref<16x1024xf32, #tpu.memory_space<vmem>>
    %dma_start3A_930 = arith.constant 0 : i32
    %dma_start3A_931 = tpu.memref_slice %arg2[%add3A_918, %dma_start3A_930] : memref<8192x1024xf32, #tpu.memory_space<hbm>> -> memref<16x1024xf32, #tpu.memory_space<hbm>>
    tpu.enqueue_dma source(%dma_start3A_931 : memref<16x1024xf32, #tpu.memory_space<hbm>>) target(%dma_start3A_929 : memref<16x1024xf32, #tpu.memory_space<vmem>>) target_semaphore(%arg8 : memref<!tpu.dma_semaphore, #tpu.memory_space<semaphore_mem>>)
    %dma_wait3A_932 = arith.constant 0 : i32
    %dma_wait3A_933 = arith.constant 0 : i32
    %dma_wait3A_934 = arith.constant 0 : i32
    %dma_wait3A_935 = tpu.memref_slice %arg5[%dma_wait3A_932, %dma_wait3A_933, %dma_wait3A_934] : memref<3x16x1024xf32, #tpu.memory_space<vmem>> -> memref<1x16x1024xf32, #tpu.memory_space<vmem>>
    %dma_wait3A_936 = tpu.memref_squeeze %dma_wait3A_935 : memref<1x16x1024xf32, #tpu.memory_space<vmem>> -> memref<16x1024xf32, #tpu.memory_space<vmem>>
    %dma_wait3A_937 = arith.constant 0 : i32
    %dma_wait3A_938 = tpu.memref_slice %arg2[%add3A_814, %dma_wait3A_937] : memref<8192x1024xf32, #tpu.memory_space<hbm>> -> memref<16x1024xf32, #tpu.memory_space<hbm>>
    %dma_wait3A_939 = arith.constant 0 : i32
    %dma_wait3A_940 = arith.constant 0 : i32
    %dma_wait3A_941 = tpu.memref_slice %arg5[%dma_wait3A_932, %dma_wait3A_939, %dma_wait3A_940] : memref<3x16x1024xf32, #tpu.memory_space<vmem>> -> memref<1x16x1024xf32, #tpu.memory_space<vmem>>
    %dma_wait3A_942 = tpu.memref_squeeze %dma_wait3A_941 : memref<1x16x1024xf32, #tpu.memory_space<vmem>> -> memref<16x1024xf32, #tpu.memory_space<vmem>>
    %dma_wait3A_943 = arith.constant 0 : i32
    %dma_wait3A_944 = tpu.memref_slice %arg2[%add3A_814, %dma_wait3A_943] : memref<8192x1024xf32, #tpu.memory_space<hbm>> -> memref<16x1024xf32, #tpu.memory_space<hbm>>
    tpu.wait_dma2 semaphore(%arg7 : memref<!tpu.dma_semaphore, #tpu.memory_space<semaphore_mem>>) src(%dma_wait3A_944 : memref<16x1024xf32, #tpu.memory_space<hbm>>) dst(%dma_wait3A_942 : memref<16x1024xf32, #tpu.memory_space<vmem>>)
    %add3A_945 = arith.constant 2048 : i32
    %add3A_946 = arith.addi %add3A_945, %mul3A_2 : i32
    %add3A_947 = arith.constant 32 : i32
    %add3A_948 = arith.addi %add3A_946, %add3A_947 : i32
    %parallel_loop3A_949 = arith.constant 0 : i32
    %parallel_loop3A_950 = arith.constant 8 : i32
    %parallel_loop3A_951 = arith.constant 1 : i32
    scf.for %parallel_loop3A_1592 = %parallel_loop3A_949 to %parallel_loop3A_950 step %parallel_loop3A_951  : i32 {
      %parallel_loop3A_1593 = arith.constant 32 : i32
      %parallel_loop3A_1594 = arith.addi %parallel_loop3A_1593, %parallel_loop3A_1592 : i32
      %parallel_loop3A_1595 = arith.constant 0 : i32
      %parallel_loop3A_1596 = arith.constant 1024 : i32
      %parallel_loop3A_1597 = arith.constant 16 : i32
      %parallel_loop3A_1598 = arith.constant 0 : i32
      scf.for %parallel_loop3A_1599 = %parallel_loop3A_1595 to %parallel_loop3A_1596 step %parallel_loop3A_1597  : i32 {
        %parallel_loop3A_1600 = arith.constant 0 : i32
        %parallel_loop3A_1601 = tpu.memref_slice %arg6[%parallel_loop3A_1594, %parallel_loop3A_1600] : memref<64x1024xf32, #tpu.memory_space<vmem>> -> memref<1x1024xf32, #tpu.memory_space<vmem>>
        %parallel_loop3A_1602 = tpu.memref_squeeze %parallel_loop3A_1601 : memref<1x1024xf32, #tpu.memory_space<vmem>> -> memref<1024xf32, #tpu.memory_space<vmem>>
        %parallel_loop3A_1603 = arith.index_cast %parallel_loop3A_1599 : i32 to index
        %parallel_loop3A_1604 = tpu.vector_load %parallel_loop3A_1602[%parallel_loop3A_1603] {strides = array<i32>} : memref<1024xf32, #tpu.memory_space<vmem>>, vector<16xf32>,
        %parallel_loop3A_1605 = vector.shape_cast %parallel_loop3A_1604 : vector<16xf32> to vector<16xf32>
        %parallel_loop3A_1606 = arith.constant 0 : i32
        %parallel_loop3A_1607 = tpu.memref_slice %arg5[%parallel_loop3A_1598, %parallel_loop3A_1592, %parallel_loop3A_1606] : memref<3x16x1024xf32, #tpu.memory_space<vmem>> -> memref<1x1x1024xf32, #tpu.memory_space<vmem>>
        %parallel_loop3A_1608 = tpu.memref_squeeze %parallel_loop3A_1607 : memref<1x1x1024xf32, #tpu.memory_space<vmem>> -> memref<1024xf32, #tpu.memory_space<vmem>>
        %parallel_loop3A_1609 = arith.index_cast %parallel_loop3A_1599 : i32 to index
        %parallel_loop3A_1610 = tpu.vector_load %parallel_loop3A_1608[%parallel_loop3A_1609] {strides = array<i32>} : memref<1024xf32, #tpu.memory_space<vmem>>, vector<16xf32>,
        %parallel_loop3A_1611 = vector.shape_cast %parallel_loop3A_1610 : vector<16xf32> to vector<16xf32>
        %parallel_loop3A_1612 = vector.shape_cast %parallel_loop3A_1605 : vector<16xf32> to vector<16xf32>
        tpu.vector_store %parallel_loop3A_1608[%parallel_loop3A_1609], %parallel_loop3A_1612 {add = true, strides = array<i32>} : memref<1024xf32, #tpu.memory_space<vmem>>, vector<16xf32>,
      } {sc.loop_unroll_factor = 8 : i64, sc.parallel_access}
    } {sc.loop_unroll_factor = 1 : i64, sc.parallel_access}
    %dma_start3A_952 = arith.constant 0 : i32
    %dma_start3A_953 = arith.constant 0 : i32
    %dma_start3A_954 = arith.constant 0 : i32
    %dma_start3A_955 = tpu.memref_slice %arg5[%dma_start3A_952, %dma_start3A_953, %dma_start3A_954] : memref<3x16x1024xf32, #tpu.memory_space<vmem>> -> memref<1x8x1024xf32, #tpu.memory_space<vmem>>
    %dma_start3A_956 = tpu.memref_squeeze %dma_start3A_955 : memref<1x8x1024xf32, #tpu.memory_space<vmem>> -> memref<8x1024xf32, #tpu.memory_space<vmem>>
    %dma_start3A_957 = arith.constant 0 : i32
    %dma_start3A_958 = tpu.memref_slice %arg4[%add3A_948, %dma_start3A_957] : memref<8192x1024xf32, #tpu.memory_space<hbm>> -> memref<8x1024xf32, #tpu.memory_space<hbm>>
    %dma_start3A_959 = arith.constant 0 : i32
    %dma_start3A_960 = tpu.memref_slice %arg4[%add3A_948, %dma_start3A_959] : memref<8192x1024xf32, #tpu.memory_space<hbm>> -> memref<8x1024xf32, #tpu.memory_space<hbm>>
    %dma_start3A_961 = arith.constant 0 : i32
    %dma_start3A_962 = arith.constant 0 : i32
    %dma_start3A_963 = tpu.memref_slice %arg5[%dma_start3A_952, %dma_start3A_961, %dma_start3A_962] : memref<3x16x1024xf32, #tpu.memory_space<vmem>> -> memref<1x8x1024xf32, #tpu.memory_space<vmem>>
    %dma_start3A_964 = tpu.memref_squeeze %dma_start3A_963 : memref<1x8x1024xf32, #tpu.memory_space<vmem>> -> memref<8x1024xf32, #tpu.memory_space<vmem>>
    tpu.enqueue_dma source(%dma_start3A_964 : memref<8x1024xf32, #tpu.memory_space<vmem>>) target(%dma_start3A_960 : memref<8x1024xf32, #tpu.memory_space<hbm>>) target_semaphore(%arg10 : memref<!tpu.dma_semaphore, #tpu.memory_space<semaphore_mem>>)
    %parallel_loop3A_965 = arith.constant 8 : i32
    %parallel_loop3A_966 = arith.constant 16 : i32
    %parallel_loop3A_967 = arith.constant 1 : i32
    scf.for %parallel_loop3A_1592 = %parallel_loop3A_965 to %parallel_loop3A_966 step %parallel_loop3A_967  : i32 {
      %parallel_loop3A_1593 = arith.constant 32 : i32
      %parallel_loop3A_1594 = arith.addi %parallel_loop3A_1593, %parallel_loop3A_1592 : i32
      %parallel_loop3A_1595 = arith.constant 0 : i32
      %parallel_loop3A_1596 = arith.constant 1024 : i32
      %parallel_loop3A_1597 = arith.constant 16 : i32
      %parallel_loop3A_1598 = arith.constant 0 : i32
      scf.for %parallel_loop3A_1599 = %parallel_loop3A_1595 to %parallel_loop3A_1596 step %parallel_loop3A_1597  : i32 {
        %parallel_loop3A_1600 = arith.constant 0 : i32
        %parallel_loop3A_1601 = tpu.memref_slice %arg6[%parallel_loop3A_1594, %parallel_loop3A_1600] : memref<64x1024xf32, #tpu.memory_space<vmem>> -> memref<1x1024xf32, #tpu.memory_space<vmem>>
        %parallel_loop3A_1602 = tpu.memref_squeeze %parallel_loop3A_1601 : memref<1x1024xf32, #tpu.memory_space<vmem>> -> memref<1024xf32, #tpu.memory_space<vmem>>
        %parallel_loop3A_1603 = arith.index_cast %parallel_loop3A_1599 : i32 to index
        %parallel_loop3A_1604 = tpu.vector_load %parallel_loop3A_1602[%parallel_loop3A_1603] {strides = array<i32>} : memref<1024xf32, #tpu.memory_space<vmem>>, vector<16xf32>,
        %parallel_loop3A_1605 = vector.shape_cast %parallel_loop3A_1604 : vector<16xf32> to vector<16xf32>
        %parallel_loop3A_1606 = arith.constant 0 : i32
        %parallel_loop3A_1607 = tpu.memref_slice %arg5[%parallel_loop3A_1598, %parallel_loop3A_1592, %parallel_loop3A_1606] : memref<3x16x1024xf32, #tpu.memory_space<vmem>> -> memref<1x1x1024xf32, #tpu.memory_space<vmem>>
        %parallel_loop3A_1608 = tpu.memref_squeeze %parallel_loop3A_1607 : memref<1x1x1024xf32, #tpu.memory_space<vmem>> -> memref<1024xf32, #tpu.memory_space<vmem>>
        %parallel_loop3A_1609 = arith.index_cast %parallel_loop3A_1599 : i32 to index
        %parallel_loop3A_1610 = tpu.vector_load %parallel_loop3A_1608[%parallel_loop3A_1609] {strides = array<i32>} : memref<1024xf32, #tpu.memory_space<vmem>>, vector<16xf32>,
        %parallel_loop3A_1611 = vector.shape_cast %parallel_loop3A_1610 : vector<16xf32> to vector<16xf32>
        %parallel_loop3A_1612 = vector.shape_cast %parallel_loop3A_1605 : vector<16xf32> to vector<16xf32>
        tpu.vector_store %parallel_loop3A_1608[%parallel_loop3A_1609], %parallel_loop3A_1612 {add = true, strides = array<i32>} : memref<1024xf32, #tpu.memory_space<vmem>>, vector<16xf32>,
      } {sc.loop_unroll_factor = 8 : i64, sc.parallel_access}
    } {sc.loop_unroll_factor = 1 : i64, sc.parallel_access}
    %add3A_968 = arith.constant 8 : i32
    %add3A_969 = arith.addi %add3A_948, %add3A_968 : i32
    %dma_start3A_970 = arith.constant 0 : i32
    %dma_start3A_971 = arith.constant 8 : i32
    %dma_start3A_972 = arith.constant 0 : i32
    %dma_start3A_973 = tpu.memref_slice %arg5[%dma_start3A_970, %dma_start3A_971, %dma_start3A_972] : memref<3x16x1024xf32, #tpu.memory_space<vmem>> -> memref<1x8x1024xf32, #tpu.memory_space<vmem>>
    %dma_start3A_974 = tpu.memref_squeeze %dma_start3A_973 : memref<1x8x1024xf32, #tpu.memory_space<vmem>> -> memref<8x1024xf32, #tpu.memory_space<vmem>>
    %dma_start3A_975 = arith.constant 0 : i32
    %dma_start3A_976 = tpu.memref_slice %arg4[%add3A_969, %dma_start3A_975] : memref<8192x1024xf32, #tpu.memory_space<hbm>> -> memref<8x1024xf32, #tpu.memory_space<hbm>>
    %dma_start3A_977 = arith.constant 0 : i32
    %dma_start3A_978 = tpu.memref_slice %arg4[%add3A_969, %dma_start3A_977] : memref<8192x1024xf32, #tpu.memory_space<hbm>> -> memref<8x1024xf32, #tpu.memory_space<hbm>>
    %dma_start3A_979 = arith.constant 8 : i32
    %dma_start3A_980 = arith.constant 0 : i32
    %dma_start3A_981 = tpu.memref_slice %arg5[%dma_start3A_970, %dma_start3A_979, %dma_start3A_980] : memref<3x16x1024xf32, #tpu.memory_space<vmem>> -> memref<1x8x1024xf32, #tpu.memory_space<vmem>>
    %dma_start3A_982 = tpu.memref_squeeze %dma_start3A_981 : memref<1x8x1024xf32, #tpu.memory_space<vmem>> -> memref<8x1024xf32, #tpu.memory_space<vmem>>
    tpu.enqueue_dma source(%dma_start3A_982 : memref<8x1024xf32, #tpu.memory_space<vmem>>) target(%dma_start3A_978 : memref<8x1024xf32, #tpu.memory_space<hbm>>) target_semaphore(%arg10 : memref<!tpu.dma_semaphore, #tpu.memory_space<semaphore_mem>>)
    %dma_wait3A_983 = arith.constant 2 : i32
    %dma_wait3A_984 = arith.constant 0 : i32
    %dma_wait3A_985 = arith.constant 0 : i32
    %dma_wait3A_986 = tpu.memref_slice %arg5[%dma_wait3A_983, %dma_wait3A_984, %dma_wait3A_985] : memref<3x16x1024xf32, #tpu.memory_space<vmem>> -> memref<1x8x1024xf32, #tpu.memory_space<vmem>>
    %dma_wait3A_987 = tpu.memref_squeeze %dma_wait3A_986 : memref<1x8x1024xf32, #tpu.memory_space<vmem>> -> memref<8x1024xf32, #tpu.memory_space<vmem>>
    %dma_wait3A_988 = arith.constant 0 : i32
    %dma_wait3A_989 = tpu.memref_slice %arg4[%add3A_854, %dma_wait3A_988] : memref<8192x1024xf32, #tpu.memory_space<hbm>> -> memref<8x1024xf32, #tpu.memory_space<hbm>>
    %dma_wait3A_990 = arith.constant 0 : i32
    %dma_wait3A_991 = tpu.memref_slice %arg4[%add3A_854, %dma_wait3A_990] : memref<8192x1024xf32, #tpu.memory_space<hbm>> -> memref<8x1024xf32, #tpu.memory_space<hbm>>
    %dma_wait3A_992 = arith.constant 0 : i32
    %dma_wait3A_993 = arith.constant 0 : i32
    %dma_wait3A_994 = tpu.memref_slice %arg5[%dma_wait3A_983, %dma_wait3A_992, %dma_wait3A_993] : memref<3x16x1024xf32, #tpu.memory_space<vmem>> -> memref<1x8x1024xf32, #tpu.memory_space<vmem>>
    %dma_wait3A_995 = tpu.memref_squeeze %dma_wait3A_994 : memref<1x8x1024xf32, #tpu.memory_space<vmem>> -> memref<8x1024xf32, #tpu.memory_space<vmem>>
    tpu.wait_dma2 semaphore(%arg12 : memref<!tpu.dma_semaphore, #tpu.memory_space<semaphore_mem>>) src(%dma_wait3A_995 : memref<8x1024xf32, #tpu.memory_space<vmem>>) dst(%dma_wait3A_991 : memref<8x1024xf32, #tpu.memory_space<hbm>>)
    %dma_wait3A_996 = arith.constant 2 : i32
    %dma_wait3A_997 = arith.constant 8 : i32
    %dma_wait3A_998 = arith.constant 0 : i32
    %dma_wait3A_999 = tpu.memref_slice %arg5[%dma_wait3A_996, %dma_wait3A_997, %dma_wait3A_998] : memref<3x16x1024xf32, #tpu.memory_space<vmem>> -> memref<1x8x1024xf32, #tpu.memory_space<vmem>>
    %dma_wait3A_1000 = tpu.memref_squeeze %dma_wait3A_999 : memref<1x8x1024xf32, #tpu.memory_space<vmem>> -> memref<8x1024xf32, #tpu.memory_space<vmem>>
    %dma_wait3A_1001 = arith.constant 0 : i32
    %dma_wait3A_1002 = tpu.memref_slice %arg4[%add3A_875, %dma_wait3A_1001] : memref<8192x1024xf32, #tpu.memory_space<hbm>> -> memref<8x1024xf32, #tpu.memory_space<hbm>>
    %dma_wait3A_1003 = arith.constant 0 : i32
    %dma_wait3A_1004 = tpu.memref_slice %arg4[%add3A_875, %dma_wait3A_1003] : memref<8192x1024xf32, #tpu.memory_space<hbm>> -> memref<8x1024xf32, #tpu.memory_space<hbm>>
    %dma_wait3A_1005 = arith.constant 8 : i32
    %dma_wait3A_1006 = arith.constant 0 : i32
    %dma_wait3A_1007 = tpu.memref_slice %arg5[%dma_wait3A_996, %dma_wait3A_1005, %dma_wait3A_1006] : memref<3x16x1024xf32, #tpu.memory_space<vmem>> -> memref<1x8x1024xf32, #tpu.memory_space<vmem>>
    %dma_wait3A_1008 = tpu.memref_squeeze %dma_wait3A_1007 : memref<1x8x1024xf32, #tpu.memory_space<vmem>> -> memref<8x1024xf32, #tpu.memory_space<vmem>>
    tpu.wait_dma2 semaphore(%arg12 : memref<!tpu.dma_semaphore, #tpu.memory_space<semaphore_mem>>) src(%dma_wait3A_1008 : memref<8x1024xf32, #tpu.memory_space<vmem>>) dst(%dma_wait3A_1004 : memref<8x1024xf32, #tpu.memory_space<hbm>>)
    %add3A_1009 = arith.constant 6144 : i32
    %add3A_1010 = arith.addi %add3A_1009, %mul3A_2 : i32
    %add3A_1011 = arith.constant 32 : i32
    %add3A_1012 = arith.addi %add3A_1010, %add3A_1011 : i32
    %dma_start3A_1013 = arith.constant 2 : i32
    %dma_start3A_1014 = arith.constant 0 : i32
    %dma_start3A_1015 = arith.constant 0 : i32
    %dma_start3A_1016 = tpu.memref_slice %arg5[%dma_start3A_1013, %dma_start3A_1014, %dma_start3A_1015] : memref<3x16x1024xf32, #tpu.memory_space<vmem>> -> memref<1x16x1024xf32, #tpu.memory_space<vmem>>
    %dma_start3A_1017 = tpu.memref_squeeze %dma_start3A_1016 : memref<1x16x1024xf32, #tpu.memory_space<vmem>> -> memref<16x1024xf32, #tpu.memory_space<vmem>>
    %dma_start3A_1018 = arith.constant 0 : i32
    %dma_start3A_1019 = tpu.memref_slice %arg2[%add3A_1012, %dma_start3A_1018] : memref<8192x1024xf32, #tpu.memory_space<hbm>> -> memref<16x1024xf32, #tpu.memory_space<hbm>>
    %dma_start3A_1020 = arith.constant 0 : i32
    %dma_start3A_1021 = arith.constant 0 : i32
    %dma_start3A_1022 = tpu.memref_slice %arg5[%dma_start3A_1013, %dma_start3A_1020, %dma_start3A_1021] : memref<3x16x1024xf32, #tpu.memory_space<vmem>> -> memref<1x16x1024xf32, #tpu.memory_space<vmem>>
    %dma_start3A_1023 = tpu.memref_squeeze %dma_start3A_1022 : memref<1x16x1024xf32, #tpu.memory_space<vmem>> -> memref<16x1024xf32, #tpu.memory_space<vmem>>
    %dma_start3A_1024 = arith.constant 0 : i32
    %dma_start3A_1025 = tpu.memref_slice %arg2[%add3A_1012, %dma_start3A_1024] : memref<8192x1024xf32, #tpu.memory_space<hbm>> -> memref<16x1024xf32, #tpu.memory_space<hbm>>
    tpu.enqueue_dma source(%dma_start3A_1025 : memref<16x1024xf32, #tpu.memory_space<hbm>>) target(%dma_start3A_1023 : memref<16x1024xf32, #tpu.memory_space<vmem>>) target_semaphore(%arg9 : memref<!tpu.dma_semaphore, #tpu.memory_space<semaphore_mem>>)
    %dma_wait3A_1026 = arith.constant 1 : i32
    %dma_wait3A_1027 = arith.constant 0 : i32
    %dma_wait3A_1028 = arith.constant 0 : i32
    %dma_wait3A_1029 = tpu.memref_slice %arg5[%dma_wait3A_1026, %dma_wait3A_1027, %dma_wait3A_1028] : memref<3x16x1024xf32, #tpu.memory_space<vmem>> -> memref<1x16x1024xf32, #tpu.memory_space<vmem>>
    %dma_wait3A_1030 = tpu.memref_squeeze %dma_wait3A_1029 : memref<1x16x1024xf32, #tpu.memory_space<vmem>> -> memref<16x1024xf32, #tpu.memory_space<vmem>>
    %dma_wait3A_1031 = arith.constant 0 : i32
    %dma_wait3A_1032 = tpu.memref_slice %arg2[%add3A_918, %dma_wait3A_1031] : memref<8192x1024xf32, #tpu.memory_space<hbm>> -> memref<16x1024xf32, #tpu.memory_space<hbm>>
    %dma_wait3A_1033 = arith.constant 0 : i32
    %dma_wait3A_1034 = arith.constant 0 : i32
    %dma_wait3A_1035 = tpu.memref_slice %arg5[%dma_wait3A_1026, %dma_wait3A_1033, %dma_wait3A_1034] : memref<3x16x1024xf32, #tpu.memory_space<vmem>> -> memref<1x16x1024xf32, #tpu.memory_space<vmem>>
    %dma_wait3A_1036 = tpu.memref_squeeze %dma_wait3A_1035 : memref<1x16x1024xf32, #tpu.memory_space<vmem>> -> memref<16x1024xf32, #tpu.memory_space<vmem>>
    %dma_wait3A_1037 = arith.constant 0 : i32
    %dma_wait3A_1038 = tpu.memref_slice %arg2[%add3A_918, %dma_wait3A_1037] : memref<8192x1024xf32, #tpu.memory_space<hbm>> -> memref<16x1024xf32, #tpu.memory_space<hbm>>
    tpu.wait_dma2 semaphore(%arg8 : memref<!tpu.dma_semaphore, #tpu.memory_space<semaphore_mem>>) src(%dma_wait3A_1038 : memref<16x1024xf32, #tpu.memory_space<hbm>>) dst(%dma_wait3A_1036 : memref<16x1024xf32, #tpu.memory_space<vmem>>)
    %add3A_1039 = arith.constant 4096 : i32
    %add3A_1040 = arith.addi %add3A_1039, %mul3A_2 : i32
    %add3A_1041 = arith.constant 32 : i32
    %add3A_1042 = arith.addi %add3A_1040, %add3A_1041 : i32
    %parallel_loop3A_1043 = arith.constant 0 : i32
    %parallel_loop3A_1044 = arith.constant 8 : i32
    %parallel_loop3A_1045 = arith.constant 1 : i32
    scf.for %parallel_loop3A_1592 = %parallel_loop3A_1043 to %parallel_loop3A_1044 step %parallel_loop3A_1045  : i32 {
      %parallel_loop3A_1593 = arith.constant 32 : i32
      %parallel_loop3A_1594 = arith.addi %parallel_loop3A_1593, %parallel_loop3A_1592 : i32
      %parallel_loop3A_1595 = arith.constant 0 : i32
      %parallel_loop3A_1596 = arith.constant 1024 : i32
      %parallel_loop3A_1597 = arith.constant 16 : i32
      %parallel_loop3A_1598 = arith.constant 1 : i32
      scf.for %parallel_loop3A_1599 = %parallel_loop3A_1595 to %parallel_loop3A_1596 step %parallel_loop3A_1597  : i32 {
        %parallel_loop3A_1600 = arith.constant 0 : i32
        %parallel_loop3A_1601 = tpu.memref_slice %arg6[%parallel_loop3A_1594, %parallel_loop3A_1600] : memref<64x1024xf32, #tpu.memory_space<vmem>> -> memref<1x1024xf32, #tpu.memory_space<vmem>>
        %parallel_loop3A_1602 = tpu.memref_squeeze %parallel_loop3A_1601 : memref<1x1024xf32, #tpu.memory_space<vmem>> -> memref<1024xf32, #tpu.memory_space<vmem>>
        %parallel_loop3A_1603 = arith.index_cast %parallel_loop3A_1599 : i32 to index
        %parallel_loop3A_1604 = tpu.vector_load %parallel_loop3A_1602[%parallel_loop3A_1603] {strides = array<i32>} : memref<1024xf32, #tpu.memory_space<vmem>>, vector<16xf32>,
        %parallel_loop3A_1605 = vector.shape_cast %parallel_loop3A_1604 : vector<16xf32> to vector<16xf32>
        %parallel_loop3A_1606 = arith.constant 0 : i32
        %parallel_loop3A_1607 = tpu.memref_slice %arg5[%parallel_loop3A_1598, %parallel_loop3A_1592, %parallel_loop3A_1606] : memref<3x16x1024xf32, #tpu.memory_space<vmem>> -> memref<1x1x1024xf32, #tpu.memory_space<vmem>>
        %parallel_loop3A_1608 = tpu.memref_squeeze %parallel_loop3A_1607 : memref<1x1x1024xf32, #tpu.memory_space<vmem>> -> memref<1024xf32, #tpu.memory_space<vmem>>
        %parallel_loop3A_1609 = arith.index_cast %parallel_loop3A_1599 : i32 to index
        %parallel_loop3A_1610 = tpu.vector_load %parallel_loop3A_1608[%parallel_loop3A_1609] {strides = array<i32>} : memref<1024xf32, #tpu.memory_space<vmem>>, vector<16xf32>,
        %parallel_loop3A_1611 = vector.shape_cast %parallel_loop3A_1610 : vector<16xf32> to vector<16xf32>
        %parallel_loop3A_1612 = vector.shape_cast %parallel_loop3A_1605 : vector<16xf32> to vector<16xf32>
        tpu.vector_store %parallel_loop3A_1608[%parallel_loop3A_1609], %parallel_loop3A_1612 {add = true, strides = array<i32>} : memref<1024xf32, #tpu.memory_space<vmem>>, vector<16xf32>,
      } {sc.loop_unroll_factor = 8 : i64, sc.parallel_access}
    } {sc.loop_unroll_factor = 1 : i64, sc.parallel_access}
    %dma_start3A_1046 = arith.constant 1 : i32
    %dma_start3A_1047 = arith.constant 0 : i32
    %dma_start3A_1048 = arith.constant 0 : i32
    %dma_start3A_1049 = tpu.memref_slice %arg5[%dma_start3A_1046, %dma_start3A_1047, %dma_start3A_1048] : memref<3x16x1024xf32, #tpu.memory_space<vmem>> -> memref<1x8x1024xf32, #tpu.memory_space<vmem>>
    %dma_start3A_1050 = tpu.memref_squeeze %dma_start3A_1049 : memref<1x8x1024xf32, #tpu.memory_space<vmem>> -> memref<8x1024xf32, #tpu.memory_space<vmem>>
    %dma_start3A_1051 = arith.constant 0 : i32
    %dma_start3A_1052 = tpu.memref_slice %arg4[%add3A_1042, %dma_start3A_1051] : memref<8192x1024xf32, #tpu.memory_space<hbm>> -> memref<8x1024xf32, #tpu.memory_space<hbm>>
    %dma_start3A_1053 = arith.constant 0 : i32
    %dma_start3A_1054 = tpu.memref_slice %arg4[%add3A_1042, %dma_start3A_1053] : memref<8192x1024xf32, #tpu.memory_space<hbm>> -> memref<8x1024xf32, #tpu.memory_space<hbm>>
    %dma_start3A_1055 = arith.constant 0 : i32
    %dma_start3A_1056 = arith.constant 0 : i32
    %dma_start3A_1057 = tpu.memref_slice %arg5[%dma_start3A_1046, %dma_start3A_1055, %dma_start3A_1056] : memref<3x16x1024xf32, #tpu.memory_space<vmem>> -> memref<1x8x1024xf32, #tpu.memory_space<vmem>>
    %dma_start3A_1058 = tpu.memref_squeeze %dma_start3A_1057 : memref<1x8x1024xf32, #tpu.memory_space<vmem>> -> memref<8x1024xf32, #tpu.memory_space<vmem>>
    tpu.enqueue_dma source(%dma_start3A_1058 : memref<8x1024xf32, #tpu.memory_space<vmem>>) target(%dma_start3A_1054 : memref<8x1024xf32, #tpu.memory_space<hbm>>) target_semaphore(%arg11 : memref<!tpu.dma_semaphore, #tpu.memory_space<semaphore_mem>>)
    %parallel_loop3A_1059 = arith.constant 8 : i32
    %parallel_loop3A_1060 = arith.constant 16 : i32
    %parallel_loop3A_1061 = arith.constant 1 : i32
    scf.for %parallel_loop3A_1592 = %parallel_loop3A_1059 to %parallel_loop3A_1060 step %parallel_loop3A_1061  : i32 {
      %parallel_loop3A_1593 = arith.constant 32 : i32
      %parallel_loop3A_1594 = arith.addi %parallel_loop3A_1593, %parallel_loop3A_1592 : i32
      %parallel_loop3A_1595 = arith.constant 0 : i32
      %parallel_loop3A_1596 = arith.constant 1024 : i32
      %parallel_loop3A_1597 = arith.constant 16 : i32
      %parallel_loop3A_1598 = arith.constant 1 : i32
      scf.for %parallel_loop3A_1599 = %parallel_loop3A_1595 to %parallel_loop3A_1596 step %parallel_loop3A_1597  : i32 {
        %parallel_loop3A_1600 = arith.constant 0 : i32
        %parallel_loop3A_1601 = tpu.memref_slice %arg6[%parallel_loop3A_1594, %parallel_loop3A_1600] : memref<64x1024xf32, #tpu.memory_space<vmem>> -> memref<1x1024xf32, #tpu.memory_space<vmem>>
        %parallel_loop3A_1602 = tpu.memref_squeeze %parallel_loop3A_1601 : memref<1x1024xf32, #tpu.memory_space<vmem>> -> memref<1024xf32, #tpu.memory_space<vmem>>
        %parallel_loop3A_1603 = arith.index_cast %parallel_loop3A_1599 : i32 to index
        %parallel_loop3A_1604 = tpu.vector_load %parallel_loop3A_1602[%parallel_loop3A_1603] {strides = array<i32>} : memref<1024xf32, #tpu.memory_space<vmem>>, vector<16xf32>,
        %parallel_loop3A_1605 = vector.shape_cast %parallel_loop3A_1604 : vector<16xf32> to vector<16xf32>
        %parallel_loop3A_1606 = arith.constant 0 : i32
        %parallel_loop3A_1607 = tpu.memref_slice %arg5[%parallel_loop3A_1598, %parallel_loop3A_1592, %parallel_loop3A_1606] : memref<3x16x1024xf32, #tpu.memory_space<vmem>> -> memref<1x1x1024xf32, #tpu.memory_space<vmem>>
        %parallel_loop3A_1608 = tpu.memref_squeeze %parallel_loop3A_1607 : memref<1x1x1024xf32, #tpu.memory_space<vmem>> -> memref<1024xf32, #tpu.memory_space<vmem>>
        %parallel_loop3A_1609 = arith.index_cast %parallel_loop3A_1599 : i32 to index
        %parallel_loop3A_1610 = tpu.vector_load %parallel_loop3A_1608[%parallel_loop3A_1609] {strides = array<i32>} : memref<1024xf32, #tpu.memory_space<vmem>>, vector<16xf32>,
        %parallel_loop3A_1611 = vector.shape_cast %parallel_loop3A_1610 : vector<16xf32> to vector<16xf32>
        %parallel_loop3A_1612 = vector.shape_cast %parallel_loop3A_1605 : vector<16xf32> to vector<16xf32>
        tpu.vector_store %parallel_loop3A_1608[%parallel_loop3A_1609], %parallel_loop3A_1612 {add = true, strides = array<i32>} : memref<1024xf32, #tpu.memory_space<vmem>>, vector<16xf32>,
      } {sc.loop_unroll_factor = 8 : i64, sc.parallel_access}
    } {sc.loop_unroll_factor = 1 : i64, sc.parallel_access}
    %add3A_1062 = arith.constant 8 : i32
    %add3A_1063 = arith.addi %add3A_1042, %add3A_1062 : i32
    %dma_start3A_1064 = arith.constant 1 : i32
    %dma_start3A_1065 = arith.constant 8 : i32
    %dma_start3A_1066 = arith.constant 0 : i32
    %dma_start3A_1067 = tpu.memref_slice %arg5[%dma_start3A_1064, %dma_start3A_1065, %dma_start3A_1066] : memref<3x16x1024xf32, #tpu.memory_space<vmem>> -> memref<1x8x1024xf32, #tpu.memory_space<vmem>>
    %dma_start3A_1068 = tpu.memref_squeeze %dma_start3A_1067 : memref<1x8x1024xf32, #tpu.memory_space<vmem>> -> memref<8x1024xf32, #tpu.memory_space<vmem>>
    %dma_start3A_1069 = arith.constant 0 : i32
    %dma_start3A_1070 = tpu.memref_slice %arg4[%add3A_1063, %dma_start3A_1069] : memref<8192x1024xf32, #tpu.memory_space<hbm>> -> memref<8x1024xf32, #tpu.memory_space<hbm>>
    %dma_start3A_1071 = arith.constant 0 : i32
    %dma_start3A_1072 = tpu.memref_slice %arg4[%add3A_1063, %dma_start3A_1071] : memref<8192x1024xf32, #tpu.memory_space<hbm>> -> memref<8x1024xf32, #tpu.memory_space<hbm>>
    %dma_start3A_1073 = arith.constant 8 : i32
    %dma_start3A_1074 = arith.constant 0 : i32
    %dma_start3A_1075 = tpu.memref_slice %arg5[%dma_start3A_1064, %dma_start3A_1073, %dma_start3A_1074] : memref<3x16x1024xf32, #tpu.memory_space<vmem>> -> memref<1x8x1024xf32, #tpu.memory_space<vmem>>
    %dma_start3A_1076 = tpu.memref_squeeze %dma_start3A_1075 : memref<1x8x1024xf32, #tpu.memory_space<vmem>> -> memref<8x1024xf32, #tpu.memory_space<vmem>>
    tpu.enqueue_dma source(%dma_start3A_1076 : memref<8x1024xf32, #tpu.memory_space<vmem>>) target(%dma_start3A_1072 : memref<8x1024xf32, #tpu.memory_space<hbm>>) target_semaphore(%arg11 : memref<!tpu.dma_semaphore, #tpu.memory_space<semaphore_mem>>)
    %dma_wait3A_1077 = arith.constant 0 : i32
    %dma_wait3A_1078 = arith.constant 0 : i32
    %dma_wait3A_1079 = arith.constant 0 : i32
    %dma_wait3A_1080 = tpu.memref_slice %arg5[%dma_wait3A_1077, %dma_wait3A_1078, %dma_wait3A_1079] : memref<3x16x1024xf32, #tpu.memory_space<vmem>> -> memref<1x8x1024xf32, #tpu.memory_space<vmem>>
    %dma_wait3A_1081 = tpu.memref_squeeze %dma_wait3A_1080 : memref<1x8x1024xf32, #tpu.memory_space<vmem>> -> memref<8x1024xf32, #tpu.memory_space<vmem>>
    %dma_wait3A_1082 = arith.constant 0 : i32
    %dma_wait3A_1083 = tpu.memref_slice %arg4[%add3A_948, %dma_wait3A_1082] : memref<8192x1024xf32, #tpu.memory_space<hbm>> -> memref<8x1024xf32, #tpu.memory_space<hbm>>
    %dma_wait3A_1084 = arith.constant 0 : i32
    %dma_wait3A_1085 = tpu.memref_slice %arg4[%add3A_948, %dma_wait3A_1084] : memref<8192x1024xf32, #tpu.memory_space<hbm>> -> memref<8x1024xf32, #tpu.memory_space<hbm>>
    %dma_wait3A_1086 = arith.constant 0 : i32
    %dma_wait3A_1087 = arith.constant 0 : i32
    %dma_wait3A_1088 = tpu.memref_slice %arg5[%dma_wait3A_1077, %dma_wait3A_1086, %dma_wait3A_1087] : memref<3x16x1024xf32, #tpu.memory_space<vmem>> -> memref<1x8x1024xf32, #tpu.memory_space<vmem>>
    %dma_wait3A_1089 = tpu.memref_squeeze %dma_wait3A_1088 : memref<1x8x1024xf32, #tpu.memory_space<vmem>> -> memref<8x1024xf32, #tpu.memory_space<vmem>>
    tpu.wait_dma2 semaphore(%arg10 : memref<!tpu.dma_semaphore, #tpu.memory_space<semaphore_mem>>) src(%dma_wait3A_1089 : memref<8x1024xf32, #tpu.memory_space<vmem>>) dst(%dma_wait3A_1085 : memref<8x1024xf32, #tpu.memory_space<hbm>>)
    %dma_wait3A_1090 = arith.constant 0 : i32
    %dma_wait3A_1091 = arith.constant 8 : i32
    %dma_wait3A_1092 = arith.constant 0 : i32
    %dma_wait3A_1093 = tpu.memref_slice %arg5[%dma_wait3A_1090, %dma_wait3A_1091, %dma_wait3A_1092] : memref<3x16x1024xf32, #tpu.memory_space<vmem>> -> memref<1x8x1024xf32, #tpu.memory_space<vmem>>
    %dma_wait3A_1094 = tpu.memref_squeeze %dma_wait3A_1093 : memref<1x8x1024xf32, #tpu.memory_space<vmem>> -> memref<8x1024xf32, #tpu.memory_space<vmem>>
    %dma_wait3A_1095 = arith.constant 0 : i32
    %dma_wait3A_1096 = tpu.memref_slice %arg4[%add3A_969, %dma_wait3A_1095] : memref<8192x1024xf32, #tpu.memory_space<hbm>> -> memref<8x1024xf32, #tpu.memory_space<hbm>>
    %dma_wait3A_1097 = arith.constant 0 : i32
    %dma_wait3A_1098 = tpu.memref_slice %arg4[%add3A_969, %dma_wait3A_1097] : memref<8192x1024xf32, #tpu.memory_space<hbm>> -> memref<8x1024xf32, #tpu.memory_space<hbm>>
    %dma_wait3A_1099 = arith.constant 8 : i32
    %dma_wait3A_1100 = arith.constant 0 : i32
    %dma_wait3A_1101 = tpu.memref_slice %arg5[%dma_wait3A_1090, %dma_wait3A_1099, %dma_wait3A_1100] : memref<3x16x1024xf32, #tpu.memory_space<vmem>> -> memref<1x8x1024xf32, #tpu.memory_space<vmem>>
    %dma_wait3A_1102 = tpu.memref_squeeze %dma_wait3A_1101 : memref<1x8x1024xf32, #tpu.memory_space<vmem>> -> memref<8x1024xf32, #tpu.memory_space<vmem>>
    tpu.wait_dma2 semaphore(%arg10 : memref<!tpu.dma_semaphore, #tpu.memory_space<semaphore_mem>>) src(%dma_wait3A_1102 : memref<8x1024xf32, #tpu.memory_space<vmem>>) dst(%dma_wait3A_1098 : memref<8x1024xf32, #tpu.memory_space<hbm>>)
    %add3A_1103 = arith.constant 0 : i32
    %add3A_1104 = arith.addi %add3A_1103, %mul3A_2 : i32
    %add3A_1105 = arith.constant 48 : i32
    %add3A_1106 = arith.addi %add3A_1104, %add3A_1105 : i32
    %dma_start3A_1107 = arith.constant 0 : i32
    %dma_start3A_1108 = arith.constant 0 : i32
    %dma_start3A_1109 = arith.constant 0 : i32
    %dma_start3A_1110 = tpu.memref_slice %arg5[%dma_start3A_1107, %dma_start3A_1108, %dma_start3A_1109] : memref<3x16x1024xf32, #tpu.memory_space<vmem>> -> memref<1x16x1024xf32, #tpu.memory_space<vmem>>
    %dma_start3A_1111 = tpu.memref_squeeze %dma_start3A_1110 : memref<1x16x1024xf32, #tpu.memory_space<vmem>> -> memref<16x1024xf32, #tpu.memory_space<vmem>>
    %dma_start3A_1112 = arith.constant 0 : i32
    %dma_start3A_1113 = tpu.memref_slice %arg2[%add3A_1106, %dma_start3A_1112] : memref<8192x1024xf32, #tpu.memory_space<hbm>> -> memref<16x1024xf32, #tpu.memory_space<hbm>>
    %dma_start3A_1114 = arith.constant 0 : i32
    %dma_start3A_1115 = arith.constant 0 : i32
    %dma_start3A_1116 = tpu.memref_slice %arg5[%dma_start3A_1107, %dma_start3A_1114, %dma_start3A_1115] : memref<3x16x1024xf32, #tpu.memory_space<vmem>> -> memref<1x16x1024xf32, #tpu.memory_space<vmem>>
    %dma_start3A_1117 = tpu.memref_squeeze %dma_start3A_1116 : memref<1x16x1024xf32, #tpu.memory_space<vmem>> -> memref<16x1024xf32, #tpu.memory_space<vmem>>
    %dma_start3A_1118 = arith.constant 0 : i32
    %dma_start3A_1119 = tpu.memref_slice %arg2[%add3A_1106, %dma_start3A_1118] : memref<8192x1024xf32, #tpu.memory_space<hbm>> -> memref<16x1024xf32, #tpu.memory_space<hbm>>
    tpu.enqueue_dma source(%dma_start3A_1119 : memref<16x1024xf32, #tpu.memory_space<hbm>>) target(%dma_start3A_1117 : memref<16x1024xf32, #tpu.memory_space<vmem>>) target_semaphore(%arg7 : memref<!tpu.dma_semaphore, #tpu.memory_space<semaphore_mem>>)
    %dma_wait3A_1120 = arith.constant 2 : i32
    %dma_wait3A_1121 = arith.constant 0 : i32
    %dma_wait3A_1122 = arith.constant 0 : i32
    %dma_wait3A_1123 = tpu.memref_slice %arg5[%dma_wait3A_1120, %dma_wait3A_1121, %dma_wait3A_1122] : memref<3x16x1024xf32, #tpu.memory_space<vmem>> -> memref<1x16x1024xf32, #tpu.memory_space<vmem>>
    %dma_wait3A_1124 = tpu.memref_squeeze %dma_wait3A_1123 : memref<1x16x1024xf32, #tpu.memory_space<vmem>> -> memref<16x1024xf32, #tpu.memory_space<vmem>>
    %dma_wait3A_1125 = arith.constant 0 : i32
    %dma_wait3A_1126 = tpu.memref_slice %arg2[%add3A_1012, %dma_wait3A_1125] : memref<8192x1024xf32, #tpu.memory_space<hbm>> -> memref<16x1024xf32, #tpu.memory_space<hbm>>
    %dma_wait3A_1127 = arith.constant 0 : i32
    %dma_wait3A_1128 = arith.constant 0 : i32
    %dma_wait3A_1129 = tpu.memref_slice %arg5[%dma_wait3A_1120, %dma_wait3A_1127, %dma_wait3A_1128] : memref<3x16x1024xf32, #tpu.memory_space<vmem>> -> memref<1x16x1024xf32, #tpu.memory_space<vmem>>
    %dma_wait3A_1130 = tpu.memref_squeeze %dma_wait3A_1129 : memref<1x16x1024xf32, #tpu.memory_space<vmem>> -> memref<16x1024xf32, #tpu.memory_space<vmem>>
    %dma_wait3A_1131 = arith.constant 0 : i32
    %dma_wait3A_1132 = tpu.memref_slice %arg2[%add3A_1012, %dma_wait3A_1131] : memref<8192x1024xf32, #tpu.memory_space<hbm>> -> memref<16x1024xf32, #tpu.memory_space<hbm>>
    tpu.wait_dma2 semaphore(%arg9 : memref<!tpu.dma_semaphore, #tpu.memory_space<semaphore_mem>>) src(%dma_wait3A_1132 : memref<16x1024xf32, #tpu.memory_space<hbm>>) dst(%dma_wait3A_1130 : memref<16x1024xf32, #tpu.memory_space<vmem>>)
    %add3A_1133 = arith.constant 6144 : i32
    %add3A_1134 = arith.addi %add3A_1133, %mul3A_2 : i32
    %add3A_1135 = arith.constant 32 : i32
    %add3A_1136 = arith.addi %add3A_1134, %add3A_1135 : i32
    %parallel_loop3A_1137 = arith.constant 0 : i32
    %parallel_loop3A_1138 = arith.constant 8 : i32
    %parallel_loop3A_1139 = arith.constant 1 : i32
    scf.for %parallel_loop3A_1592 = %parallel_loop3A_1137 to %parallel_loop3A_1138 step %parallel_loop3A_1139  : i32 {
      %parallel_loop3A_1593 = arith.constant 32 : i32
      %parallel_loop3A_1594 = arith.addi %parallel_loop3A_1593, %parallel_loop3A_1592 : i32
      %parallel_loop3A_1595 = arith.constant 0 : i32
      %parallel_loop3A_1596 = arith.constant 1024 : i32
      %parallel_loop3A_1597 = arith.constant 16 : i32
      %parallel_loop3A_1598 = arith.constant 2 : i32
      scf.for %parallel_loop3A_1599 = %parallel_loop3A_1595 to %parallel_loop3A_1596 step %parallel_loop3A_1597  : i32 {
        %parallel_loop3A_1600 = arith.constant 0 : i32
        %parallel_loop3A_1601 = tpu.memref_slice %arg6[%parallel_loop3A_1594, %parallel_loop3A_1600] : memref<64x1024xf32, #tpu.memory_space<vmem>> -> memref<1x1024xf32, #tpu.memory_space<vmem>>
        %parallel_loop3A_1602 = tpu.memref_squeeze %parallel_loop3A_1601 : memref<1x1024xf32, #tpu.memory_space<vmem>> -> memref<1024xf32, #tpu.memory_space<vmem>>
        %parallel_loop3A_1603 = arith.index_cast %parallel_loop3A_1599 : i32 to index
        %parallel_loop3A_1604 = tpu.vector_load %parallel_loop3A_1602[%parallel_loop3A_1603] {strides = array<i32>} : memref<1024xf32, #tpu.memory_space<vmem>>, vector<16xf32>,
        %parallel_loop3A_1605 = vector.shape_cast %parallel_loop3A_1604 : vector<16xf32> to vector<16xf32>
        %parallel_loop3A_1606 = arith.constant 0 : i32
        %parallel_loop3A_1607 = tpu.memref_slice %arg5[%parallel_loop3A_1598, %parallel_loop3A_1592, %parallel_loop3A_1606] : memref<3x16x1024xf32, #tpu.memory_space<vmem>> -> memref<1x1x1024xf32, #tpu.memory_space<vmem>>
        %parallel_loop3A_1608 = tpu.memref_squeeze %parallel_loop3A_1607 : memref<1x1x1024xf32, #tpu.memory_space<vmem>> -> memref<1024xf32, #tpu.memory_space<vmem>>
        %parallel_loop3A_1609 = arith.index_cast %parallel_loop3A_1599 : i32 to index
        %parallel_loop3A_1610 = tpu.vector_load %parallel_loop3A_1608[%parallel_loop3A_1609] {strides = array<i32>} : memref<1024xf32, #tpu.memory_space<vmem>>, vector<16xf32>,
        %parallel_loop3A_1611 = vector.shape_cast %parallel_loop3A_1610 : vector<16xf32> to vector<16xf32>
        %parallel_loop3A_1612 = vector.shape_cast %parallel_loop3A_1605 : vector<16xf32> to vector<16xf32>
        tpu.vector_store %parallel_loop3A_1608[%parallel_loop3A_1609], %parallel_loop3A_1612 {add = true, strides = array<i32>} : memref<1024xf32, #tpu.memory_space<vmem>>, vector<16xf32>,
      } {sc.loop_unroll_factor = 8 : i64, sc.parallel_access}
    } {sc.loop_unroll_factor = 1 : i64, sc.parallel_access}
    %dma_start3A_1140 = arith.constant 2 : i32
    %dma_start3A_1141 = arith.constant 0 : i32
    %dma_start3A_1142 = arith.constant 0 : i32
    %dma_start3A_1143 = tpu.memref_slice %arg5[%dma_start3A_1140, %dma_start3A_1141, %dma_start3A_1142] : memref<3x16x1024xf32, #tpu.memory_space<vmem>> -> memref<1x8x1024xf32, #tpu.memory_space<vmem>>
    %dma_start3A_1144 = tpu.memref_squeeze %dma_start3A_1143 : memref<1x8x1024xf32, #tpu.memory_space<vmem>> -> memref<8x1024xf32, #tpu.memory_space<vmem>>
    %dma_start3A_1145 = arith.constant 0 : i32
    %dma_start3A_1146 = tpu.memref_slice %arg4[%add3A_1136, %dma_start3A_1145] : memref<8192x1024xf32, #tpu.memory_space<hbm>> -> memref<8x1024xf32, #tpu.memory_space<hbm>>
    %dma_start3A_1147 = arith.constant 0 : i32
    %dma_start3A_1148 = tpu.memref_slice %arg4[%add3A_1136, %dma_start3A_1147] : memref<8192x1024xf32, #tpu.memory_space<hbm>> -> memref<8x1024xf32, #tpu.memory_space<hbm>>
    %dma_start3A_1149 = arith.constant 0 : i32
    %dma_start3A_1150 = arith.constant 0 : i32
    %dma_start3A_1151 = tpu.memref_slice %arg5[%dma_start3A_1140, %dma_start3A_1149, %dma_start3A_1150] : memref<3x16x1024xf32, #tpu.memory_space<vmem>> -> memref<1x8x1024xf32, #tpu.memory_space<vmem>>
    %dma_start3A_1152 = tpu.memref_squeeze %dma_start3A_1151 : memref<1x8x1024xf32, #tpu.memory_space<vmem>> -> memref<8x1024xf32, #tpu.memory_space<vmem>>
    tpu.enqueue_dma source(%dma_start3A_1152 : memref<8x1024xf32, #tpu.memory_space<vmem>>) target(%dma_start3A_1148 : memref<8x1024xf32, #tpu.memory_space<hbm>>) target_semaphore(%arg12 : memref<!tpu.dma_semaphore, #tpu.memory_space<semaphore_mem>>)
    %parallel_loop3A_1153 = arith.constant 8 : i32
    %parallel_loop3A_1154 = arith.constant 16 : i32
    %parallel_loop3A_1155 = arith.constant 1 : i32
    scf.for %parallel_loop3A_1592 = %parallel_loop3A_1153 to %parallel_loop3A_1154 step %parallel_loop3A_1155  : i32 {
      %parallel_loop3A_1593 = arith.constant 32 : i32
      %parallel_loop3A_1594 = arith.addi %parallel_loop3A_1593, %parallel_loop3A_1592 : i32
      %parallel_loop3A_1595 = arith.constant 0 : i32
      %parallel_loop3A_1596 = arith.constant 1024 : i32
      %parallel_loop3A_1597 = arith.constant 16 : i32
      %parallel_loop3A_1598 = arith.constant 2 : i32
      scf.for %parallel_loop3A_1599 = %parallel_loop3A_1595 to %parallel_loop3A_1596 step %parallel_loop3A_1597  : i32 {
        %parallel_loop3A_1600 = arith.constant 0 : i32
        %parallel_loop3A_1601 = tpu.memref_slice %arg6[%parallel_loop3A_1594, %parallel_loop3A_1600] : memref<64x1024xf32, #tpu.memory_space<vmem>> -> memref<1x1024xf32, #tpu.memory_space<vmem>>
        %parallel_loop3A_1602 = tpu.memref_squeeze %parallel_loop3A_1601 : memref<1x1024xf32, #tpu.memory_space<vmem>> -> memref<1024xf32, #tpu.memory_space<vmem>>
        %parallel_loop3A_1603 = arith.index_cast %parallel_loop3A_1599 : i32 to index
        %parallel_loop3A_1604 = tpu.vector_load %parallel_loop3A_1602[%parallel_loop3A_1603] {strides = array<i32>} : memref<1024xf32, #tpu.memory_space<vmem>>, vector<16xf32>,
        %parallel_loop3A_1605 = vector.shape_cast %parallel_loop3A_1604 : vector<16xf32> to vector<16xf32>
        %parallel_loop3A_1606 = arith.constant 0 : i32
        %parallel_loop3A_1607 = tpu.memref_slice %arg5[%parallel_loop3A_1598, %parallel_loop3A_1592, %parallel_loop3A_1606] : memref<3x16x1024xf32, #tpu.memory_space<vmem>> -> memref<1x1x1024xf32, #tpu.memory_space<vmem>>
        %parallel_loop3A_1608 = tpu.memref_squeeze %parallel_loop3A_1607 : memref<1x1x1024xf32, #tpu.memory_space<vmem>> -> memref<1024xf32, #tpu.memory_space<vmem>>
        %parallel_loop3A_1609 = arith.index_cast %parallel_loop3A_1599 : i32 to index
        %parallel_loop3A_1610 = tpu.vector_load %parallel_loop3A_1608[%parallel_loop3A_1609] {strides = array<i32>} : memref<1024xf32, #tpu.memory_space<vmem>>, vector<16xf32>,
        %parallel_loop3A_1611 = vector.shape_cast %parallel_loop3A_1610 : vector<16xf32> to vector<16xf32>
        %parallel_loop3A_1612 = vector.shape_cast %parallel_loop3A_1605 : vector<16xf32> to vector<16xf32>
        tpu.vector_store %parallel_loop3A_1608[%parallel_loop3A_1609], %parallel_loop3A_1612 {add = true, strides = array<i32>} : memref<1024xf32, #tpu.memory_space<vmem>>, vector<16xf32>,
      } {sc.loop_unroll_factor = 8 : i64, sc.parallel_access}
    } {sc.loop_unroll_factor = 1 : i64, sc.parallel_access}
    %add3A_1156 = arith.constant 8 : i32
    %add3A_1157 = arith.addi %add3A_1136, %add3A_1156 : i32
    %dma_start3A_1158 = arith.constant 2 : i32
    %dma_start3A_1159 = arith.constant 8 : i32
    %dma_start3A_1160 = arith.constant 0 : i32
    %dma_start3A_1161 = tpu.memref_slice %arg5[%dma_start3A_1158, %dma_start3A_1159, %dma_start3A_1160] : memref<3x16x1024xf32, #tpu.memory_space<vmem>> -> memref<1x8x1024xf32, #tpu.memory_space<vmem>>
    %dma_start3A_1162 = tpu.memref_squeeze %dma_start3A_1161 : memref<1x8x1024xf32, #tpu.memory_space<vmem>> -> memref<8x1024xf32, #tpu.memory_space<vmem>>
    %dma_start3A_1163 = arith.constant 0 : i32
    %dma_start3A_1164 = tpu.memref_slice %arg4[%add3A_1157, %dma_start3A_1163] : memref<8192x1024xf32, #tpu.memory_space<hbm>> -> memref<8x1024xf32, #tpu.memory_space<hbm>>
    %dma_start3A_1165 = arith.constant 0 : i32
    %dma_start3A_1166 = tpu.memref_slice %arg4[%add3A_1157, %dma_start3A_1165] : memref<8192x1024xf32, #tpu.memory_space<hbm>> -> memref<8x1024xf32, #tpu.memory_space<hbm>>
    %dma_start3A_1167 = arith.constant 8 : i32
    %dma_start3A_1168 = arith.constant 0 : i32
    %dma_start3A_1169 = tpu.memref_slice %arg5[%dma_start3A_1158, %dma_start3A_1167, %dma_start3A_1168] : memref<3x16x1024xf32, #tpu.memory_space<vmem>> -> memref<1x8x1024xf32, #tpu.memory_space<vmem>>
    %dma_start3A_1170 = tpu.memref_squeeze %dma_start3A_1169 : memref<1x8x1024xf32, #tpu.memory_space<vmem>> -> memref<8x1024xf32, #tpu.memory_space<vmem>>
    tpu.enqueue_dma source(%dma_start3A_1170 : memref<8x1024xf32, #tpu.memory_space<vmem>>) target(%dma_start3A_1166 : memref<8x1024xf32, #tpu.memory_space<hbm>>) target_semaphore(%arg12 : memref<!tpu.dma_semaphore, #tpu.memory_space<semaphore_mem>>)
    %dma_wait3A_1171 = arith.constant 1 : i32
    %dma_wait3A_1172 = arith.constant 0 : i32
    %dma_wait3A_1173 = arith.constant 0 : i32
    %dma_wait3A_1174 = tpu.memref_slice %arg5[%dma_wait3A_1171, %dma_wait3A_1172, %dma_wait3A_1173] : memref<3x16x1024xf32, #tpu.memory_space<vmem>> -> memref<1x8x1024xf32, #tpu.memory_space<vmem>>
    %dma_wait3A_1175 = tpu.memref_squeeze %dma_wait3A_1174 : memref<1x8x1024xf32, #tpu.memory_space<vmem>> -> memref<8x1024xf32, #tpu.memory_space<vmem>>
    %dma_wait3A_1176 = arith.constant 0 : i32
    %dma_wait3A_1177 = tpu.memref_slice %arg4[%add3A_1042, %dma_wait3A_1176] : memref<8192x1024xf32, #tpu.memory_space<hbm>> -> memref<8x1024xf32, #tpu.memory_space<hbm>>
    %dma_wait3A_1178 = arith.constant 0 : i32
    %dma_wait3A_1179 = tpu.memref_slice %arg4[%add3A_1042, %dma_wait3A_1178] : memref<8192x1024xf32, #tpu.memory_space<hbm>> -> memref<8x1024xf32, #tpu.memory_space<hbm>>
    %dma_wait3A_1180 = arith.constant 0 : i32
    %dma_wait3A_1181 = arith.constant 0 : i32
    %dma_wait3A_1182 = tpu.memref_slice %arg5[%dma_wait3A_1171, %dma_wait3A_1180, %dma_wait3A_1181] : memref<3x16x1024xf32, #tpu.memory_space<vmem>> -> memref<1x8x1024xf32, #tpu.memory_space<vmem>>
    %dma_wait3A_1183 = tpu.memref_squeeze %dma_wait3A_1182 : memref<1x8x1024xf32, #tpu.memory_space<vmem>> -> memref<8x1024xf32, #tpu.memory_space<vmem>>
    tpu.wait_dma2 semaphore(%arg11 : memref<!tpu.dma_semaphore, #tpu.memory_space<semaphore_mem>>) src(%dma_wait3A_1183 : memref<8x1024xf32, #tpu.memory_space<vmem>>) dst(%dma_wait3A_1179 : memref<8x1024xf32, #tpu.memory_space<hbm>>)
    %dma_wait3A_1184 = arith.constant 1 : i32
    %dma_wait3A_1185 = arith.constant 8 : i32
    %dma_wait3A_1186 = arith.constant 0 : i32
    %dma_wait3A_1187 = tpu.memref_slice %arg5[%dma_wait3A_1184, %dma_wait3A_1185, %dma_wait3A_1186] : memref<3x16x1024xf32, #tpu.memory_space<vmem>> -> memref<1x8x1024xf32, #tpu.memory_space<vmem>>
    %dma_wait3A_1188 = tpu.memref_squeeze %dma_wait3A_1187 : memref<1x8x1024xf32, #tpu.memory_space<vmem>> -> memref<8x1024xf32, #tpu.memory_space<vmem>>
    %dma_wait3A_1189 = arith.constant 0 : i32
    %dma_wait3A_1190 = tpu.memref_slice %arg4[%add3A_1063, %dma_wait3A_1189] : memref<8192x1024xf32, #tpu.memory_space<hbm>> -> memref<8x1024xf32, #tpu.memory_space<hbm>>
    %dma_wait3A_1191 = arith.constant 0 : i32
    %dma_wait3A_1192 = tpu.memref_slice %arg4[%add3A_1063, %dma_wait3A_1191] : memref<8192x1024xf32, #tpu.memory_space<hbm>> -> memref<8x1024xf32, #tpu.memory_space<hbm>>
    %dma_wait3A_1193 = arith.constant 8 : i32
    %dma_wait3A_1194 = arith.constant 0 : i32
    %dma_wait3A_1195 = tpu.memref_slice %arg5[%dma_wait3A_1184, %dma_wait3A_1193, %dma_wait3A_1194] : memref<3x16x1024xf32, #tpu.memory_space<vmem>> -> memref<1x8x1024xf32, #tpu.memory_space<vmem>>
    %dma_wait3A_1196 = tpu.memref_squeeze %dma_wait3A_1195 : memref<1x8x1024xf32, #tpu.memory_space<vmem>> -> memref<8x1024xf32, #tpu.memory_space<vmem>>
    tpu.wait_dma2 semaphore(%arg11 : memref<!tpu.dma_semaphore, #tpu.memory_space<semaphore_mem>>) src(%dma_wait3A_1196 : memref<8x1024xf32, #tpu.memory_space<vmem>>) dst(%dma_wait3A_1192 : memref<8x1024xf32, #tpu.memory_space<hbm>>)
    %add3A_1197 = arith.constant 2048 : i32
    %add3A_1198 = arith.addi %add3A_1197, %mul3A_2 : i32
    %add3A_1199 = arith.constant 48 : i32
    %add3A_1200 = arith.addi %add3A_1198, %add3A_1199 : i32
    %dma_start3A_1201 = arith.constant 1 : i32
    %dma_start3A_1202 = arith.constant 0 : i32
    %dma_start3A_1203 = arith.constant 0 : i32
    %dma_start3A_1204 = tpu.memref_slice %arg5[%dma_start3A_1201, %dma_start3A_1202, %dma_start3A_1203] : memref<3x16x1024xf32, #tpu.memory_space<vmem>> -> memref<1x16x1024xf32, #tpu.memory_space<vmem>>
    %dma_start3A_1205 = tpu.memref_squeeze %dma_start3A_1204 : memref<1x16x1024xf32, #tpu.memory_space<vmem>> -> memref<16x1024xf32, #tpu.memory_space<vmem>>
    %dma_start3A_1206 = arith.constant 0 : i32
    %dma_start3A_1207 = tpu.memref_slice %arg2[%add3A_1200, %dma_start3A_1206] : memref<8192x1024xf32, #tpu.memory_space<hbm>> -> memref<16x1024xf32, #tpu.memory_space<hbm>>
    %dma_start3A_1208 = arith.constant 0 : i32
    %dma_start3A_1209 = arith.constant 0 : i32
    %dma_start3A_1210 = tpu.memref_slice %arg5[%dma_start3A_1201, %dma_start3A_1208, %dma_start3A_1209] : memref<3x16x1024xf32, #tpu.memory_space<vmem>> -> memref<1x16x1024xf32, #tpu.memory_space<vmem>>
    %dma_start3A_1211 = tpu.memref_squeeze %dma_start3A_1210 : memref<1x16x1024xf32, #tpu.memory_space<vmem>> -> memref<16x1024xf32, #tpu.memory_space<vmem>>
    %dma_start3A_1212 = arith.constant 0 : i32
    %dma_start3A_1213 = tpu.memref_slice %arg2[%add3A_1200, %dma_start3A_1212] : memref<8192x1024xf32, #tpu.memory_space<hbm>> -> memref<16x1024xf32, #tpu.memory_space<hbm>>
    tpu.enqueue_dma source(%dma_start3A_1213 : memref<16x1024xf32, #tpu.memory_space<hbm>>) target(%dma_start3A_1211 : memref<16x1024xf32, #tpu.memory_space<vmem>>) target_semaphore(%arg8 : memref<!tpu.dma_semaphore, #tpu.memory_space<semaphore_mem>>)
    %dma_wait3A_1214 = arith.constant 48 : i32
    %dma_wait3A_1215 = arith.constant 0 : i32
    %dma_wait3A_1216 = tpu.memref_slice %arg6[%dma_wait3A_1214, %dma_wait3A_1215] : memref<64x1024xf32, #tpu.memory_space<vmem>> -> memref<16x1024xf32, #tpu.memory_space<vmem>>
    %dma_wait3A_1217 = arith.constant 0 : i32
    %dma_wait3A_1218 = tpu.memref_slice %arg3[%add3A_39, %dma_wait3A_1217] : memref<2048x1024xf32, #tpu.memory_space<hbm>> -> memref<16x1024xf32, #tpu.memory_space<hbm>>
    %dma_wait3A_1219 = arith.constant 48 : i32
    %dma_wait3A_1220 = arith.constant 0 : i32
    %dma_wait3A_1221 = tpu.memref_slice %arg6[%dma_wait3A_1219, %dma_wait3A_1220] : memref<64x1024xf32, #tpu.memory_space<vmem>> -> memref<16x1024xf32, #tpu.memory_space<vmem>>
    %dma_wait3A_1222 = arith.constant 0 : i32
    %dma_wait3A_1223 = tpu.memref_slice %arg3[%add3A_39, %dma_wait3A_1222] : memref<2048x1024xf32, #tpu.memory_space<hbm>> -> memref<16x1024xf32, #tpu.memory_space<hbm>>
    tpu.wait_dma2 semaphore(%arg16 : memref<!tpu.dma_semaphore, #tpu.memory_space<semaphore_mem>>) src(%dma_wait3A_1223 : memref<16x1024xf32, #tpu.memory_space<hbm>>) dst(%dma_wait3A_1221 : memref<16x1024xf32, #tpu.memory_space<vmem>>)
    %dma_wait3A_1224 = arith.constant 0 : i32
    %dma_wait3A_1225 = arith.constant 0 : i32
    %dma_wait3A_1226 = arith.constant 0 : i32
    %dma_wait3A_1227 = tpu.memref_slice %arg5[%dma_wait3A_1224, %dma_wait3A_1225, %dma_wait3A_1226] : memref<3x16x1024xf32, #tpu.memory_space<vmem>> -> memref<1x16x1024xf32, #tpu.memory_space<vmem>>
    %dma_wait3A_1228 = tpu.memref_squeeze %dma_wait3A_1227 : memref<1x16x1024xf32, #tpu.memory_space<vmem>> -> memref<16x1024xf32, #tpu.memory_space<vmem>>
    %dma_wait3A_1229 = arith.constant 0 : i32
    %dma_wait3A_1230 = tpu.memref_slice %arg2[%add3A_1106, %dma_wait3A_1229] : memref<8192x1024xf32, #tpu.memory_space<hbm>> -> memref<16x1024xf32, #tpu.memory_space<hbm>>
    %dma_wait3A_1231 = arith.constant 0 : i32
    %dma_wait3A_1232 = arith.constant 0 : i32
    %dma_wait3A_1233 = tpu.memref_slice %arg5[%dma_wait3A_1224, %dma_wait3A_1231, %dma_wait3A_1232] : memref<3x16x1024xf32, #tpu.memory_space<vmem>> -> memref<1x16x1024xf32, #tpu.memory_space<vmem>>
    %dma_wait3A_1234 = tpu.memref_squeeze %dma_wait3A_1233 : memref<1x16x1024xf32, #tpu.memory_space<vmem>> -> memref<16x1024xf32, #tpu.memory_space<vmem>>
    %dma_wait3A_1235 = arith.constant 0 : i32
    %dma_wait3A_1236 = tpu.memref_slice %arg2[%add3A_1106, %dma_wait3A_1235] : memref<8192x1024xf32, #tpu.memory_space<hbm>> -> memref<16x1024xf32, #tpu.memory_space<hbm>>
    tpu.wait_dma2 semaphore(%arg7 : memref<!tpu.dma_semaphore, #tpu.memory_space<semaphore_mem>>) src(%dma_wait3A_1236 : memref<16x1024xf32, #tpu.memory_space<hbm>>) dst(%dma_wait3A_1234 : memref<16x1024xf32, #tpu.memory_space<vmem>>)
    %add3A_1237 = arith.constant 0 : i32
    %add3A_1238 = arith.addi %add3A_1237, %mul3A_2 : i32
    %add3A_1239 = arith.constant 48 : i32
    %add3A_1240 = arith.addi %add3A_1238, %add3A_1239 : i32
    %parallel_loop3A_1241 = arith.constant 0 : i32
    %parallel_loop3A_1242 = arith.constant 8 : i32
    %parallel_loop3A_1243 = arith.constant 1 : i32
    scf.for %parallel_loop3A_1592 = %parallel_loop3A_1241 to %parallel_loop3A_1242 step %parallel_loop3A_1243  : i32 {
      %parallel_loop3A_1593 = arith.constant 48 : i32
      %parallel_loop3A_1594 = arith.addi %parallel_loop3A_1593, %parallel_loop3A_1592 : i32
      %parallel_loop3A_1595 = arith.constant 0 : i32
      %parallel_loop3A_1596 = arith.constant 1024 : i32
      %parallel_loop3A_1597 = arith.constant 16 : i32
      %parallel_loop3A_1598 = arith.constant 0 : i32
      scf.for %parallel_loop3A_1599 = %parallel_loop3A_1595 to %parallel_loop3A_1596 step %parallel_loop3A_1597  : i32 {
        %parallel_loop3A_1600 = arith.constant 0 : i32
        %parallel_loop3A_1601 = tpu.memref_slice %arg6[%parallel_loop3A_1594, %parallel_loop3A_1600] : memref<64x1024xf32, #tpu.memory_space<vmem>> -> memref<1x1024xf32, #tpu.memory_space<vmem>>
        %parallel_loop3A_1602 = tpu.memref_squeeze %parallel_loop3A_1601 : memref<1x1024xf32, #tpu.memory_space<vmem>> -> memref<1024xf32, #tpu.memory_space<vmem>>
        %parallel_loop3A_1603 = arith.index_cast %parallel_loop3A_1599 : i32 to index
        %parallel_loop3A_1604 = tpu.vector_load %parallel_loop3A_1602[%parallel_loop3A_1603] {strides = array<i32>} : memref<1024xf32, #tpu.memory_space<vmem>>, vector<16xf32>,
        %parallel_loop3A_1605 = vector.shape_cast %parallel_loop3A_1604 : vector<16xf32> to vector<16xf32>
        %parallel_loop3A_1606 = arith.constant 0 : i32
        %parallel_loop3A_1607 = tpu.memref_slice %arg5[%parallel_loop3A_1598, %parallel_loop3A_1592, %parallel_loop3A_1606] : memref<3x16x1024xf32, #tpu.memory_space<vmem>> -> memref<1x1x1024xf32, #tpu.memory_space<vmem>>
        %parallel_loop3A_1608 = tpu.memref_squeeze %parallel_loop3A_1607 : memref<1x1x1024xf32, #tpu.memory_space<vmem>> -> memref<1024xf32, #tpu.memory_space<vmem>>
        %parallel_loop3A_1609 = arith.index_cast %parallel_loop3A_1599 : i32 to index
        %parallel_loop3A_1610 = tpu.vector_load %parallel_loop3A_1608[%parallel_loop3A_1609] {strides = array<i32>} : memref<1024xf32, #tpu.memory_space<vmem>>, vector<16xf32>,
        %parallel_loop3A_1611 = vector.shape_cast %parallel_loop3A_1610 : vector<16xf32> to vector<16xf32>
        %parallel_loop3A_1612 = vector.shape_cast %parallel_loop3A_1605 : vector<16xf32> to vector<16xf32>
        tpu.vector_store %parallel_loop3A_1608[%parallel_loop3A_1609], %parallel_loop3A_1612 {add = true, strides = array<i32>} : memref<1024xf32, #tpu.memory_space<vmem>>, vector<16xf32>,
      } {sc.loop_unroll_factor = 8 : i64, sc.parallel_access}
    } {sc.loop_unroll_factor = 1 : i64, sc.parallel_access}
    %dma_start3A_1244 = arith.constant 0 : i32
    %dma_start3A_1245 = arith.constant 0 : i32
    %dma_start3A_1246 = arith.constant 0 : i32
    %dma_start3A_1247 = tpu.memref_slice %arg5[%dma_start3A_1244, %dma_start3A_1245, %dma_start3A_1246] : memref<3x16x1024xf32, #tpu.memory_space<vmem>> -> memref<1x8x1024xf32, #tpu.memory_space<vmem>>
    %dma_start3A_1248 = tpu.memref_squeeze %dma_start3A_1247 : memref<1x8x1024xf32, #tpu.memory_space<vmem>> -> memref<8x1024xf32, #tpu.memory_space<vmem>>
    %dma_start3A_1249 = arith.constant 0 : i32
    %dma_start3A_1250 = tpu.memref_slice %arg4[%add3A_1240, %dma_start3A_1249] : memref<8192x1024xf32, #tpu.memory_space<hbm>> -> memref<8x1024xf32, #tpu.memory_space<hbm>>
    %dma_start3A_1251 = arith.constant 0 : i32
    %dma_start3A_1252 = tpu.memref_slice %arg4[%add3A_1240, %dma_start3A_1251] : memref<8192x1024xf32, #tpu.memory_space<hbm>> -> memref<8x1024xf32, #tpu.memory_space<hbm>>
    %dma_start3A_1253 = arith.constant 0 : i32
    %dma_start3A_1254 = arith.constant 0 : i32
    %dma_start3A_1255 = tpu.memref_slice %arg5[%dma_start3A_1244, %dma_start3A_1253, %dma_start3A_1254] : memref<3x16x1024xf32, #tpu.memory_space<vmem>> -> memref<1x8x1024xf32, #tpu.memory_space<vmem>>
    %dma_start3A_1256 = tpu.memref_squeeze %dma_start3A_1255 : memref<1x8x1024xf32, #tpu.memory_space<vmem>> -> memref<8x1024xf32, #tpu.memory_space<vmem>>
    tpu.enqueue_dma source(%dma_start3A_1256 : memref<8x1024xf32, #tpu.memory_space<vmem>>) target(%dma_start3A_1252 : memref<8x1024xf32, #tpu.memory_space<hbm>>) target_semaphore(%arg10 : memref<!tpu.dma_semaphore, #tpu.memory_space<semaphore_mem>>)
    %parallel_loop3A_1257 = arith.constant 8 : i32
    %parallel_loop3A_1258 = arith.constant 16 : i32
    %parallel_loop3A_1259 = arith.constant 1 : i32
    scf.for %parallel_loop3A_1592 = %parallel_loop3A_1257 to %parallel_loop3A_1258 step %parallel_loop3A_1259  : i32 {
      %parallel_loop3A_1593 = arith.constant 48 : i32
      %parallel_loop3A_1594 = arith.addi %parallel_loop3A_1593, %parallel_loop3A_1592 : i32
      %parallel_loop3A_1595 = arith.constant 0 : i32
      %parallel_loop3A_1596 = arith.constant 1024 : i32
      %parallel_loop3A_1597 = arith.constant 16 : i32
      %parallel_loop3A_1598 = arith.constant 0 : i32
      scf.for %parallel_loop3A_1599 = %parallel_loop3A_1595 to %parallel_loop3A_1596 step %parallel_loop3A_1597  : i32 {
        %parallel_loop3A_1600 = arith.constant 0 : i32
        %parallel_loop3A_1601 = tpu.memref_slice %arg6[%parallel_loop3A_1594, %parallel_loop3A_1600] : memref<64x1024xf32, #tpu.memory_space<vmem>> -> memref<1x1024xf32, #tpu.memory_space<vmem>>
        %parallel_loop3A_1602 = tpu.memref_squeeze %parallel_loop3A_1601 : memref<1x1024xf32, #tpu.memory_space<vmem>> -> memref<1024xf32, #tpu.memory_space<vmem>>
        %parallel_loop3A_1603 = arith.index_cast %parallel_loop3A_1599 : i32 to index
        %parallel_loop3A_1604 = tpu.vector_load %parallel_loop3A_1602[%parallel_loop3A_1603] {strides = array<i32>} : memref<1024xf32, #tpu.memory_space<vmem>>, vector<16xf32>,
        %parallel_loop3A_1605 = vector.shape_cast %parallel_loop3A_1604 : vector<16xf32> to vector<16xf32>
        %parallel_loop3A_1606 = arith.constant 0 : i32
        %parallel_loop3A_1607 = tpu.memref_slice %arg5[%parallel_loop3A_1598, %parallel_loop3A_1592, %parallel_loop3A_1606] : memref<3x16x1024xf32, #tpu.memory_space<vmem>> -> memref<1x1x1024xf32, #tpu.memory_space<vmem>>
        %parallel_loop3A_1608 = tpu.memref_squeeze %parallel_loop3A_1607 : memref<1x1x1024xf32, #tpu.memory_space<vmem>> -> memref<1024xf32, #tpu.memory_space<vmem>>
        %parallel_loop3A_1609 = arith.index_cast %parallel_loop3A_1599 : i32 to index
        %parallel_loop3A_1610 = tpu.vector_load %parallel_loop3A_1608[%parallel_loop3A_1609] {strides = array<i32>} : memref<1024xf32, #tpu.memory_space<vmem>>, vector<16xf32>,
        %parallel_loop3A_1611 = vector.shape_cast %parallel_loop3A_1610 : vector<16xf32> to vector<16xf32>
        %parallel_loop3A_1612 = vector.shape_cast %parallel_loop3A_1605 : vector<16xf32> to vector<16xf32>
        tpu.vector_store %parallel_loop3A_1608[%parallel_loop3A_1609], %parallel_loop3A_1612 {add = true, strides = array<i32>} : memref<1024xf32, #tpu.memory_space<vmem>>, vector<16xf32>,
      } {sc.loop_unroll_factor = 8 : i64, sc.parallel_access}
    } {sc.loop_unroll_factor = 1 : i64, sc.parallel_access}
    %add3A_1260 = arith.constant 8 : i32
    %add3A_1261 = arith.addi %add3A_1240, %add3A_1260 : i32
    %dma_start3A_1262 = arith.constant 0 : i32
    %dma_start3A_1263 = arith.constant 8 : i32
    %dma_start3A_1264 = arith.constant 0 : i32
    %dma_start3A_1265 = tpu.memref_slice %arg5[%dma_start3A_1262, %dma_start3A_1263, %dma_start3A_1264] : memref<3x16x1024xf32, #tpu.memory_space<vmem>> -> memref<1x8x1024xf32, #tpu.memory_space<vmem>>
    %dma_start3A_1266 = tpu.memref_squeeze %dma_start3A_1265 : memref<1x8x1024xf32, #tpu.memory_space<vmem>> -> memref<8x1024xf32, #tpu.memory_space<vmem>>
    %dma_start3A_1267 = arith.constant 0 : i32
    %dma_start3A_1268 = tpu.memref_slice %arg4[%add3A_1261, %dma_start3A_1267] : memref<8192x1024xf32, #tpu.memory_space<hbm>> -> memref<8x1024xf32, #tpu.memory_space<hbm>>
    %dma_start3A_1269 = arith.constant 0 : i32
    %dma_start3A_1270 = tpu.memref_slice %arg4[%add3A_1261, %dma_start3A_1269] : memref<8192x1024xf32, #tpu.memory_space<hbm>> -> memref<8x1024xf32, #tpu.memory_space<hbm>>
    %dma_start3A_1271 = arith.constant 8 : i32
    %dma_start3A_1272 = arith.constant 0 : i32
    %dma_start3A_1273 = tpu.memref_slice %arg5[%dma_start3A_1262, %dma_start3A_1271, %dma_start3A_1272] : memref<3x16x1024xf32, #tpu.memory_space<vmem>> -> memref<1x8x1024xf32, #tpu.memory_space<vmem>>
    %dma_start3A_1274 = tpu.memref_squeeze %dma_start3A_1273 : memref<1x8x1024xf32, #tpu.memory_space<vmem>> -> memref<8x1024xf32, #tpu.memory_space<vmem>>
    tpu.enqueue_dma source(%dma_start3A_1274 : memref<8x1024xf32, #tpu.memory_space<vmem>>) target(%dma_start3A_1270 : memref<8x1024xf32, #tpu.memory_space<hbm>>) target_semaphore(%arg10 : memref<!tpu.dma_semaphore, #tpu.memory_space<semaphore_mem>>)
    %dma_wait3A_1275 = arith.constant 2 : i32
    %dma_wait3A_1276 = arith.constant 0 : i32
    %dma_wait3A_1277 = arith.constant 0 : i32
    %dma_wait3A_1278 = tpu.memref_slice %arg5[%dma_wait3A_1275, %dma_wait3A_1276, %dma_wait3A_1277] : memref<3x16x1024xf32, #tpu.memory_space<vmem>> -> memref<1x8x1024xf32, #tpu.memory_space<vmem>>
    %dma_wait3A_1279 = tpu.memref_squeeze %dma_wait3A_1278 : memref<1x8x1024xf32, #tpu.memory_space<vmem>> -> memref<8x1024xf32, #tpu.memory_space<vmem>>
    %dma_wait3A_1280 = arith.constant 0 : i32
    %dma_wait3A_1281 = tpu.memref_slice %arg4[%add3A_1136, %dma_wait3A_1280] : memref<8192x1024xf32, #tpu.memory_space<hbm>> -> memref<8x1024xf32, #tpu.memory_space<hbm>>
    %dma_wait3A_1282 = arith.constant 0 : i32
    %dma_wait3A_1283 = tpu.memref_slice %arg4[%add3A_1136, %dma_wait3A_1282] : memref<8192x1024xf32, #tpu.memory_space<hbm>> -> memref<8x1024xf32, #tpu.memory_space<hbm>>
    %dma_wait3A_1284 = arith.constant 0 : i32
    %dma_wait3A_1285 = arith.constant 0 : i32
    %dma_wait3A_1286 = tpu.memref_slice %arg5[%dma_wait3A_1275, %dma_wait3A_1284, %dma_wait3A_1285] : memref<3x16x1024xf32, #tpu.memory_space<vmem>> -> memref<1x8x1024xf32, #tpu.memory_space<vmem>>
    %dma_wait3A_1287 = tpu.memref_squeeze %dma_wait3A_1286 : memref<1x8x1024xf32, #tpu.memory_space<vmem>> -> memref<8x1024xf32, #tpu.memory_space<vmem>>
    tpu.wait_dma2 semaphore(%arg12 : memref<!tpu.dma_semaphore, #tpu.memory_space<semaphore_mem>>) src(%dma_wait3A_1287 : memref<8x1024xf32, #tpu.memory_space<vmem>>) dst(%dma_wait3A_1283 : memref<8x1024xf32, #tpu.memory_space<hbm>>)
    %dma_wait3A_1288 = arith.constant 2 : i32
    %dma_wait3A_1289 = arith.constant 8 : i32
    %dma_wait3A_1290 = arith.constant 0 : i32
    %dma_wait3A_1291 = tpu.memref_slice %arg5[%dma_wait3A_1288, %dma_wait3A_1289, %dma_wait3A_1290] : memref<3x16x1024xf32, #tpu.memory_space<vmem>> -> memref<1x8x1024xf32, #tpu.memory_space<vmem>>
    %dma_wait3A_1292 = tpu.memref_squeeze %dma_wait3A_1291 : memref<1x8x1024xf32, #tpu.memory_space<vmem>> -> memref<8x1024xf32, #tpu.memory_space<vmem>>
    %dma_wait3A_1293 = arith.constant 0 : i32
    %dma_wait3A_1294 = tpu.memref_slice %arg4[%add3A_1157, %dma_wait3A_1293] : memref<8192x1024xf32, #tpu.memory_space<hbm>> -> memref<8x1024xf32, #tpu.memory_space<hbm>>
    %dma_wait3A_1295 = arith.constant 0 : i32
    %dma_wait3A_1296 = tpu.memref_slice %arg4[%add3A_1157, %dma_wait3A_1295] : memref<8192x1024xf32, #tpu.memory_space<hbm>> -> memref<8x1024xf32, #tpu.memory_space<hbm>>
    %dma_wait3A_1297 = arith.constant 8 : i32
    %dma_wait3A_1298 = arith.constant 0 : i32
    %dma_wait3A_1299 = tpu.memref_slice %arg5[%dma_wait3A_1288, %dma_wait3A_1297, %dma_wait3A_1298] : memref<3x16x1024xf32, #tpu.memory_space<vmem>> -> memref<1x8x1024xf32, #tpu.memory_space<vmem>>
    %dma_wait3A_1300 = tpu.memref_squeeze %dma_wait3A_1299 : memref<1x8x1024xf32, #tpu.memory_space<vmem>> -> memref<8x1024xf32, #tpu.memory_space<vmem>>
    tpu.wait_dma2 semaphore(%arg12 : memref<!tpu.dma_semaphore, #tpu.memory_space<semaphore_mem>>) src(%dma_wait3A_1300 : memref<8x1024xf32, #tpu.memory_space<vmem>>) dst(%dma_wait3A_1296 : memref<8x1024xf32, #tpu.memory_space<hbm>>)
    %add3A_1301 = arith.constant 4096 : i32
    %add3A_1302 = arith.addi %add3A_1301, %mul3A_2 : i32
    %add3A_1303 = arith.constant 48 : i32
    %add3A_1304 = arith.addi %add3A_1302, %add3A_1303 : i32
    %dma_start3A_1305 = arith.constant 2 : i32
    %dma_start3A_1306 = arith.constant 0 : i32
    %dma_start3A_1307 = arith.constant 0 : i32
    %dma_start3A_1308 = tpu.memref_slice %arg5[%dma_start3A_1305, %dma_start3A_1306, %dma_start3A_1307] : memref<3x16x1024xf32, #tpu.memory_space<vmem>> -> memref<1x16x1024xf32, #tpu.memory_space<vmem>>
    %dma_start3A_1309 = tpu.memref_squeeze %dma_start3A_1308 : memref<1x16x1024xf32, #tpu.memory_space<vmem>> -> memref<16x1024xf32, #tpu.memory_space<vmem>>
    %dma_start3A_1310 = arith.constant 0 : i32
    %dma_start3A_1311 = tpu.memref_slice %arg2[%add3A_1304, %dma_start3A_1310] : memref<8192x1024xf32, #tpu.memory_space<hbm>> -> memref<16x1024xf32, #tpu.memory_space<hbm>>
    %dma_start3A_1312 = arith.constant 0 : i32
    %dma_start3A_1313 = arith.constant 0 : i32
    %dma_start3A_1314 = tpu.memref_slice %arg5[%dma_start3A_1305, %dma_start3A_1312, %dma_start3A_1313] : memref<3x16x1024xf32, #tpu.memory_space<vmem>> -> memref<1x16x1024xf32, #tpu.memory_space<vmem>>
    %dma_start3A_1315 = tpu.memref_squeeze %dma_start3A_1314 : memref<1x16x1024xf32, #tpu.memory_space<vmem>> -> memref<16x1024xf32, #tpu.memory_space<vmem>>
    %dma_start3A_1316 = arith.constant 0 : i32
    %dma_start3A_1317 = tpu.memref_slice %arg2[%add3A_1304, %dma_start3A_1316] : memref<8192x1024xf32, #tpu.memory_space<hbm>> -> memref<16x1024xf32, #tpu.memory_space<hbm>>
    tpu.enqueue_dma source(%dma_start3A_1317 : memref<16x1024xf32, #tpu.memory_space<hbm>>) target(%dma_start3A_1315 : memref<16x1024xf32, #tpu.memory_space<vmem>>) target_semaphore(%arg9 : memref<!tpu.dma_semaphore, #tpu.memory_space<semaphore_mem>>)
    %dma_wait3A_1318 = arith.constant 1 : i32
    %dma_wait3A_1319 = arith.constant 0 : i32
    %dma_wait3A_1320 = arith.constant 0 : i32
    %dma_wait3A_1321 = tpu.memref_slice %arg5[%dma_wait3A_1318, %dma_wait3A_1319, %dma_wait3A_1320] : memref<3x16x1024xf32, #tpu.memory_space<vmem>> -> memref<1x16x1024xf32, #tpu.memory_space<vmem>>
    %dma_wait3A_1322 = tpu.memref_squeeze %dma_wait3A_1321 : memref<1x16x1024xf32, #tpu.memory_space<vmem>> -> memref<16x1024xf32, #tpu.memory_space<vmem>>
    %dma_wait3A_1323 = arith.constant 0 : i32
    %dma_wait3A_1324 = tpu.memref_slice %arg2[%add3A_1200, %dma_wait3A_1323] : memref<8192x1024xf32, #tpu.memory_space<hbm>> -> memref<16x1024xf32, #tpu.memory_space<hbm>>
    %dma_wait3A_1325 = arith.constant 0 : i32
    %dma_wait3A_1326 = arith.constant 0 : i32
    %dma_wait3A_1327 = tpu.memref_slice %arg5[%dma_wait3A_1318, %dma_wait3A_1325, %dma_wait3A_1326] : memref<3x16x1024xf32, #tpu.memory_space<vmem>> -> memref<1x16x1024xf32, #tpu.memory_space<vmem>>
    %dma_wait3A_1328 = tpu.memref_squeeze %dma_wait3A_1327 : memref<1x16x1024xf32, #tpu.memory_space<vmem>> -> memref<16x1024xf32, #tpu.memory_space<vmem>>
    %dma_wait3A_1329 = arith.constant 0 : i32
    %dma_wait3A_1330 = tpu.memref_slice %arg2[%add3A_1200, %dma_wait3A_1329] : memref<8192x1024xf32, #tpu.memory_space<hbm>> -> memref<16x1024xf32, #tpu.memory_space<hbm>>
    tpu.wait_dma2 semaphore(%arg8 : memref<!tpu.dma_semaphore, #tpu.memory_space<semaphore_mem>>) src(%dma_wait3A_1330 : memref<16x1024xf32, #tpu.memory_space<hbm>>) dst(%dma_wait3A_1328 : memref<16x1024xf32, #tpu.memory_space<vmem>>)
    %add3A_1331 = arith.constant 2048 : i32
    %add3A_1332 = arith.addi %add3A_1331, %mul3A_2 : i32
    %add3A_1333 = arith.constant 48 : i32
    %add3A_1334 = arith.addi %add3A_1332, %add3A_1333 : i32
    %parallel_loop3A_1335 = arith.constant 0 : i32
    %parallel_loop3A_1336 = arith.constant 8 : i32
    %parallel_loop3A_1337 = arith.constant 1 : i32
    scf.for %parallel_loop3A_1592 = %parallel_loop3A_1335 to %parallel_loop3A_1336 step %parallel_loop3A_1337  : i32 {
      %parallel_loop3A_1593 = arith.constant 48 : i32
      %parallel_loop3A_1594 = arith.addi %parallel_loop3A_1593, %parallel_loop3A_1592 : i32
      %parallel_loop3A_1595 = arith.constant 0 : i32
      %parallel_loop3A_1596 = arith.constant 1024 : i32
      %parallel_loop3A_1597 = arith.constant 16 : i32
      %parallel_loop3A_1598 = arith.constant 1 : i32
      scf.for %parallel_loop3A_1599 = %parallel_loop3A_1595 to %parallel_loop3A_1596 step %parallel_loop3A_1597  : i32 {
        %parallel_loop3A_1600 = arith.constant 0 : i32
        %parallel_loop3A_1601 = tpu.memref_slice %arg6[%parallel_loop3A_1594, %parallel_loop3A_1600] : memref<64x1024xf32, #tpu.memory_space<vmem>> -> memref<1x1024xf32, #tpu.memory_space<vmem>>
        %parallel_loop3A_1602 = tpu.memref_squeeze %parallel_loop3A_1601 : memref<1x1024xf32, #tpu.memory_space<vmem>> -> memref<1024xf32, #tpu.memory_space<vmem>>
        %parallel_loop3A_1603 = arith.index_cast %parallel_loop3A_1599 : i32 to index
        %parallel_loop3A_1604 = tpu.vector_load %parallel_loop3A_1602[%parallel_loop3A_1603] {strides = array<i32>} : memref<1024xf32, #tpu.memory_space<vmem>>, vector<16xf32>,
        %parallel_loop3A_1605 = vector.shape_cast %parallel_loop3A_1604 : vector<16xf32> to vector<16xf32>
        %parallel_loop3A_1606 = arith.constant 0 : i32
        %parallel_loop3A_1607 = tpu.memref_slice %arg5[%parallel_loop3A_1598, %parallel_loop3A_1592, %parallel_loop3A_1606] : memref<3x16x1024xf32, #tpu.memory_space<vmem>> -> memref<1x1x1024xf32, #tpu.memory_space<vmem>>
        %parallel_loop3A_1608 = tpu.memref_squeeze %parallel_loop3A_1607 : memref<1x1x1024xf32, #tpu.memory_space<vmem>> -> memref<1024xf32, #tpu.memory_space<vmem>>
        %parallel_loop3A_1609 = arith.index_cast %parallel_loop3A_1599 : i32 to index
        %parallel_loop3A_1610 = tpu.vector_load %parallel_loop3A_1608[%parallel_loop3A_1609] {strides = array<i32>} : memref<1024xf32, #tpu.memory_space<vmem>>, vector<16xf32>,
        %parallel_loop3A_1611 = vector.shape_cast %parallel_loop3A_1610 : vector<16xf32> to vector<16xf32>
        %parallel_loop3A_1612 = vector.shape_cast %parallel_loop3A_1605 : vector<16xf32> to vector<16xf32>
        tpu.vector_store %parallel_loop3A_1608[%parallel_loop3A_1609], %parallel_loop3A_1612 {add = true, strides = array<i32>} : memref<1024xf32, #tpu.memory_space<vmem>>, vector<16xf32>,
      } {sc.loop_unroll_factor = 8 : i64, sc.parallel_access}
    } {sc.loop_unroll_factor = 1 : i64, sc.parallel_access}
    %dma_start3A_1338 = arith.constant 1 : i32
    %dma_start3A_1339 = arith.constant 0 : i32
    %dma_start3A_1340 = arith.constant 0 : i32
    %dma_start3A_1341 = tpu.memref_slice %arg5[%dma_start3A_1338, %dma_start3A_1339, %dma_start3A_1340] : memref<3x16x1024xf32, #tpu.memory_space<vmem>> -> memref<1x8x1024xf32, #tpu.memory_space<vmem>>
    %dma_start3A_1342 = tpu.memref_squeeze %dma_start3A_1341 : memref<1x8x1024xf32, #tpu.memory_space<vmem>> -> memref<8x1024xf32, #tpu.memory_space<vmem>>
    %dma_start3A_1343 = arith.constant 0 : i32
    %dma_start3A_1344 = tpu.memref_slice %arg4[%add3A_1334, %dma_start3A_1343] : memref<8192x1024xf32, #tpu.memory_space<hbm>> -> memref<8x1024xf32, #tpu.memory_space<hbm>>
    %dma_start3A_1345 = arith.constant 0 : i32
    %dma_start3A_1346 = tpu.memref_slice %arg4[%add3A_1334, %dma_start3A_1345] : memref<8192x1024xf32, #tpu.memory_space<hbm>> -> memref<8x1024xf32, #tpu.memory_space<hbm>>
    %dma_start3A_1347 = arith.constant 0 : i32
    %dma_start3A_1348 = arith.constant 0 : i32
    %dma_start3A_1349 = tpu.memref_slice %arg5[%dma_start3A_1338, %dma_start3A_1347, %dma_start3A_1348] : memref<3x16x1024xf32, #tpu.memory_space<vmem>> -> memref<1x8x1024xf32, #tpu.memory_space<vmem>>
    %dma_start3A_1350 = tpu.memref_squeeze %dma_start3A_1349 : memref<1x8x1024xf32, #tpu.memory_space<vmem>> -> memref<8x1024xf32, #tpu.memory_space<vmem>>
    tpu.enqueue_dma source(%dma_start3A_1350 : memref<8x1024xf32, #tpu.memory_space<vmem>>) target(%dma_start3A_1346 : memref<8x1024xf32, #tpu.memory_space<hbm>>) target_semaphore(%arg11 : memref<!tpu.dma_semaphore, #tpu.memory_space<semaphore_mem>>)
    %parallel_loop3A_1351 = arith.constant 8 : i32
    %parallel_loop3A_1352 = arith.constant 16 : i32
    %parallel_loop3A_1353 = arith.constant 1 : i32
    scf.for %parallel_loop3A_1592 = %parallel_loop3A_1351 to %parallel_loop3A_1352 step %parallel_loop3A_1353  : i32 {
      %parallel_loop3A_1593 = arith.constant 48 : i32
      %parallel_loop3A_1594 = arith.addi %parallel_loop3A_1593, %parallel_loop3A_1592 : i32
      %parallel_loop3A_1595 = arith.constant 0 : i32
      %parallel_loop3A_1596 = arith.constant 1024 : i32
      %parallel_loop3A_1597 = arith.constant 16 : i32
      %parallel_loop3A_1598 = arith.constant 1 : i32
      scf.for %parallel_loop3A_1599 = %parallel_loop3A_1595 to %parallel_loop3A_1596 step %parallel_loop3A_1597  : i32 {
        %parallel_loop3A_1600 = arith.constant 0 : i32
        %parallel_loop3A_1601 = tpu.memref_slice %arg6[%parallel_loop3A_1594, %parallel_loop3A_1600] : memref<64x1024xf32, #tpu.memory_space<vmem>> -> memref<1x1024xf32, #tpu.memory_space<vmem>>
        %parallel_loop3A_1602 = tpu.memref_squeeze %parallel_loop3A_1601 : memref<1x1024xf32, #tpu.memory_space<vmem>> -> memref<1024xf32, #tpu.memory_space<vmem>>
        %parallel_loop3A_1603 = arith.index_cast %parallel_loop3A_1599 : i32 to index
        %parallel_loop3A_1604 = tpu.vector_load %parallel_loop3A_1602[%parallel_loop3A_1603] {strides = array<i32>} : memref<1024xf32, #tpu.memory_space<vmem>>, vector<16xf32>,
        %parallel_loop3A_1605 = vector.shape_cast %parallel_loop3A_1604 : vector<16xf32> to vector<16xf32>
        %parallel_loop3A_1606 = arith.constant 0 : i32
        %parallel_loop3A_1607 = tpu.memref_slice %arg5[%parallel_loop3A_1598, %parallel_loop3A_1592, %parallel_loop3A_1606] : memref<3x16x1024xf32, #tpu.memory_space<vmem>> -> memref<1x1x1024xf32, #tpu.memory_space<vmem>>
        %parallel_loop3A_1608 = tpu.memref_squeeze %parallel_loop3A_1607 : memref<1x1x1024xf32, #tpu.memory_space<vmem>> -> memref<1024xf32, #tpu.memory_space<vmem>>
        %parallel_loop3A_1609 = arith.index_cast %parallel_loop3A_1599 : i32 to index
        %parallel_loop3A_1610 = tpu.vector_load %parallel_loop3A_1608[%parallel_loop3A_1609] {strides = array<i32>} : memref<1024xf32, #tpu.memory_space<vmem>>, vector<16xf32>,
        %parallel_loop3A_1611 = vector.shape_cast %parallel_loop3A_1610 : vector<16xf32> to vector<16xf32>
        %parallel_loop3A_1612 = vector.shape_cast %parallel_loop3A_1605 : vector<16xf32> to vector<16xf32>
        tpu.vector_store %parallel_loop3A_1608[%parallel_loop3A_1609], %parallel_loop3A_1612 {add = true, strides = array<i32>} : memref<1024xf32, #tpu.memory_space<vmem>>, vector<16xf32>,
      } {sc.loop_unroll_factor = 8 : i64, sc.parallel_access}
    } {sc.loop_unroll_factor = 1 : i64, sc.parallel_access}
    %add3A_1354 = arith.constant 8 : i32
    %add3A_1355 = arith.addi %add3A_1334, %add3A_1354 : i32
    %dma_start3A_1356 = arith.constant 1 : i32
    %dma_start3A_1357 = arith.constant 8 : i32
    %dma_start3A_1358 = arith.constant 0 : i32
    %dma_start3A_1359 = tpu.memref_slice %arg5[%dma_start3A_1356, %dma_start3A_1357, %dma_start3A_1358] : memref<3x16x1024xf32, #tpu.memory_space<vmem>> -> memref<1x8x1024xf32, #tpu.memory_space<vmem>>
    %dma_start3A_1360 = tpu.memref_squeeze %dma_start3A_1359 : memref<1x8x1024xf32, #tpu.memory_space<vmem>> -> memref<8x1024xf32, #tpu.memory_space<vmem>>
    %dma_start3A_1361 = arith.constant 0 : i32
    %dma_start3A_1362 = tpu.memref_slice %arg4[%add3A_1355, %dma_start3A_1361] : memref<8192x1024xf32, #tpu.memory_space<hbm>> -> memref<8x1024xf32, #tpu.memory_space<hbm>>
    %dma_start3A_1363 = arith.constant 0 : i32
    %dma_start3A_1364 = tpu.memref_slice %arg4[%add3A_1355, %dma_start3A_1363] : memref<8192x1024xf32, #tpu.memory_space<hbm>> -> memref<8x1024xf32, #tpu.memory_space<hbm>>
    %dma_start3A_1365 = arith.constant 8 : i32
    %dma_start3A_1366 = arith.constant 0 : i32
    %dma_start3A_1367 = tpu.memref_slice %arg5[%dma_start3A_1356, %dma_start3A_1365, %dma_start3A_1366] : memref<3x16x1024xf32, #tpu.memory_space<vmem>> -> memref<1x8x1024xf32, #tpu.memory_space<vmem>>
    %dma_start3A_1368 = tpu.memref_squeeze %dma_start3A_1367 : memref<1x8x1024xf32, #tpu.memory_space<vmem>> -> memref<8x1024xf32, #tpu.memory_space<vmem>>
    tpu.enqueue_dma source(%dma_start3A_1368 : memref<8x1024xf32, #tpu.memory_space<vmem>>) target(%dma_start3A_1364 : memref<8x1024xf32, #tpu.memory_space<hbm>>) target_semaphore(%arg11 : memref<!tpu.dma_semaphore, #tpu.memory_space<semaphore_mem>>)
    %dma_wait3A_1369 = arith.constant 0 : i32
    %dma_wait3A_1370 = arith.constant 0 : i32
    %dma_wait3A_1371 = arith.constant 0 : i32
    %dma_wait3A_1372 = tpu.memref_slice %arg5[%dma_wait3A_1369, %dma_wait3A_1370, %dma_wait3A_1371] : memref<3x16x1024xf32, #tpu.memory_space<vmem>> -> memref<1x8x1024xf32, #tpu.memory_space<vmem>>
    %dma_wait3A_1373 = tpu.memref_squeeze %dma_wait3A_1372 : memref<1x8x1024xf32, #tpu.memory_space<vmem>> -> memref<8x1024xf32, #tpu.memory_space<vmem>>
    %dma_wait3A_1374 = arith.constant 0 : i32
    %dma_wait3A_1375 = tpu.memref_slice %arg4[%add3A_1240, %dma_wait3A_1374] : memref<8192x1024xf32, #tpu.memory_space<hbm>> -> memref<8x1024xf32, #tpu.memory_space<hbm>>
    %dma_wait3A_1376 = arith.constant 0 : i32
    %dma_wait3A_1377 = tpu.memref_slice %arg4[%add3A_1240, %dma_wait3A_1376] : memref<8192x1024xf32, #tpu.memory_space<hbm>> -> memref<8x1024xf32, #tpu.memory_space<hbm>>
    %dma_wait3A_1378 = arith.constant 0 : i32
    %dma_wait3A_1379 = arith.constant 0 : i32
    %dma_wait3A_1380 = tpu.memref_slice %arg5[%dma_wait3A_1369, %dma_wait3A_1378, %dma_wait3A_1379] : memref<3x16x1024xf32, #tpu.memory_space<vmem>> -> memref<1x8x1024xf32, #tpu.memory_space<vmem>>
    %dma_wait3A_1381 = tpu.memref_squeeze %dma_wait3A_1380 : memref<1x8x1024xf32, #tpu.memory_space<vmem>> -> memref<8x1024xf32, #tpu.memory_space<vmem>>
    tpu.wait_dma2 semaphore(%arg10 : memref<!tpu.dma_semaphore, #tpu.memory_space<semaphore_mem>>) src(%dma_wait3A_1381 : memref<8x1024xf32, #tpu.memory_space<vmem>>) dst(%dma_wait3A_1377 : memref<8x1024xf32, #tpu.memory_space<hbm>>)
    %dma_wait3A_1382 = arith.constant 0 : i32
    %dma_wait3A_1383 = arith.constant 8 : i32
    %dma_wait3A_1384 = arith.constant 0 : i32
    %dma_wait3A_1385 = tpu.memref_slice %arg5[%dma_wait3A_1382, %dma_wait3A_1383, %dma_wait3A_1384] : memref<3x16x1024xf32, #tpu.memory_space<vmem>> -> memref<1x8x1024xf32, #tpu.memory_space<vmem>>
    %dma_wait3A_1386 = tpu.memref_squeeze %dma_wait3A_1385 : memref<1x8x1024xf32, #tpu.memory_space<vmem>> -> memref<8x1024xf32, #tpu.memory_space<vmem>>
    %dma_wait3A_1387 = arith.constant 0 : i32
    %dma_wait3A_1388 = tpu.memref_slice %arg4[%add3A_1261, %dma_wait3A_1387] : memref<8192x1024xf32, #tpu.memory_space<hbm>> -> memref<8x1024xf32, #tpu.memory_space<hbm>>
    %dma_wait3A_1389 = arith.constant 0 : i32
    %dma_wait3A_1390 = tpu.memref_slice %arg4[%add3A_1261, %dma_wait3A_1389] : memref<8192x1024xf32, #tpu.memory_space<hbm>> -> memref<8x1024xf32, #tpu.memory_space<hbm>>
    %dma_wait3A_1391 = arith.constant 8 : i32
    %dma_wait3A_1392 = arith.constant 0 : i32
    %dma_wait3A_1393 = tpu.memref_slice %arg5[%dma_wait3A_1382, %dma_wait3A_1391, %dma_wait3A_1392] : memref<3x16x1024xf32, #tpu.memory_space<vmem>> -> memref<1x8x1024xf32, #tpu.memory_space<vmem>>
    %dma_wait3A_1394 = tpu.memref_squeeze %dma_wait3A_1393 : memref<1x8x1024xf32, #tpu.memory_space<vmem>> -> memref<8x1024xf32, #tpu.memory_space<vmem>>
    tpu.wait_dma2 semaphore(%arg10 : memref<!tpu.dma_semaphore, #tpu.memory_space<semaphore_mem>>) src(%dma_wait3A_1394 : memref<8x1024xf32, #tpu.memory_space<vmem>>) dst(%dma_wait3A_1390 : memref<8x1024xf32, #tpu.memory_space<hbm>>)
    %add3A_1395 = arith.constant 6144 : i32
    %add3A_1396 = arith.addi %add3A_1395, %mul3A_2 : i32
    %add3A_1397 = arith.constant 48 : i32
    %add3A_1398 = arith.addi %add3A_1396, %add3A_1397 : i32
    %dma_start3A_1399 = arith.constant 0 : i32
    %dma_start3A_1400 = arith.constant 0 : i32
    %dma_start3A_1401 = arith.constant 0 : i32
    %dma_start3A_1402 = tpu.memref_slice %arg5[%dma_start3A_1399, %dma_start3A_1400, %dma_start3A_1401] : memref<3x16x1024xf32, #tpu.memory_space<vmem>> -> memref<1x16x1024xf32, #tpu.memory_space<vmem>>
    %dma_start3A_1403 = tpu.memref_squeeze %dma_start3A_1402 : memref<1x16x1024xf32, #tpu.memory_space<vmem>> -> memref<16x1024xf32, #tpu.memory_space<vmem>>
    %dma_start3A_1404 = arith.constant 0 : i32
    %dma_start3A_1405 = tpu.memref_slice %arg2[%add3A_1398, %dma_start3A_1404] : memref<8192x1024xf32, #tpu.memory_space<hbm>> -> memref<16x1024xf32, #tpu.memory_space<hbm>>
    %dma_start3A_1406 = arith.constant 0 : i32
    %dma_start3A_1407 = arith.constant 0 : i32
    %dma_start3A_1408 = tpu.memref_slice %arg5[%dma_start3A_1399, %dma_start3A_1406, %dma_start3A_1407] : memref<3x16x1024xf32, #tpu.memory_space<vmem>> -> memref<1x16x1024xf32, #tpu.memory_space<vmem>>
    %dma_start3A_1409 = tpu.memref_squeeze %dma_start3A_1408 : memref<1x16x1024xf32, #tpu.memory_space<vmem>> -> memref<16x1024xf32, #tpu.memory_space<vmem>>
    %dma_start3A_1410 = arith.constant 0 : i32
    %dma_start3A_1411 = tpu.memref_slice %arg2[%add3A_1398, %dma_start3A_1410] : memref<8192x1024xf32, #tpu.memory_space<hbm>> -> memref<16x1024xf32, #tpu.memory_space<hbm>>
    tpu.enqueue_dma source(%dma_start3A_1411 : memref<16x1024xf32, #tpu.memory_space<hbm>>) target(%dma_start3A_1409 : memref<16x1024xf32, #tpu.memory_space<vmem>>) target_semaphore(%arg7 : memref<!tpu.dma_semaphore, #tpu.memory_space<semaphore_mem>>)
    %dma_wait3A_1412 = arith.constant 2 : i32
    %dma_wait3A_1413 = arith.constant 0 : i32
    %dma_wait3A_1414 = arith.constant 0 : i32
    %dma_wait3A_1415 = tpu.memref_slice %arg5[%dma_wait3A_1412, %dma_wait3A_1413, %dma_wait3A_1414] : memref<3x16x1024xf32, #tpu.memory_space<vmem>> -> memref<1x16x1024xf32, #tpu.memory_space<vmem>>
    %dma_wait3A_1416 = tpu.memref_squeeze %dma_wait3A_1415 : memref<1x16x1024xf32, #tpu.memory_space<vmem>> -> memref<16x1024xf32, #tpu.memory_space<vmem>>
    %dma_wait3A_1417 = arith.constant 0 : i32
    %dma_wait3A_1418 = tpu.memref_slice %arg2[%add3A_1304, %dma_wait3A_1417] : memref<8192x1024xf32, #tpu.memory_space<hbm>> -> memref<16x1024xf32, #tpu.memory_space<hbm>>
    %dma_wait3A_1419 = arith.constant 0 : i32
    %dma_wait3A_1420 = arith.constant 0 : i32
    %dma_wait3A_1421 = tpu.memref_slice %arg5[%dma_wait3A_1412, %dma_wait3A_1419, %dma_wait3A_1420] : memref<3x16x1024xf32, #tpu.memory_space<vmem>> -> memref<1x16x1024xf32, #tpu.memory_space<vmem>>
    %dma_wait3A_1422 = tpu.memref_squeeze %dma_wait3A_1421 : memref<1x16x1024xf32, #tpu.memory_space<vmem>> -> memref<16x1024xf32, #tpu.memory_space<vmem>>
    %dma_wait3A_1423 = arith.constant 0 : i32
    %dma_wait3A_1424 = tpu.memref_slice %arg2[%add3A_1304, %dma_wait3A_1423] : memref<8192x1024xf32, #tpu.memory_space<hbm>> -> memref<16x1024xf32, #tpu.memory_space<hbm>>
    tpu.wait_dma2 semaphore(%arg9 : memref<!tpu.dma_semaphore, #tpu.memory_space<semaphore_mem>>) src(%dma_wait3A_1424 : memref<16x1024xf32, #tpu.memory_space<hbm>>) dst(%dma_wait3A_1422 : memref<16x1024xf32, #tpu.memory_space<vmem>>)
    %add3A_1425 = arith.constant 4096 : i32
    %add3A_1426 = arith.addi %add3A_1425, %mul3A_2 : i32
    %add3A_1427 = arith.constant 48 : i32
    %add3A_1428 = arith.addi %add3A_1426, %add3A_1427 : i32
    %parallel_loop3A_1429 = arith.constant 0 : i32
    %parallel_loop3A_1430 = arith.constant 8 : i32
    %parallel_loop3A_1431 = arith.constant 1 : i32
    scf.for %parallel_loop3A_1592 = %parallel_loop3A_1429 to %parallel_loop3A_1430 step %parallel_loop3A_1431  : i32 {
      %parallel_loop3A_1593 = arith.constant 48 : i32
      %parallel_loop3A_1594 = arith.addi %parallel_loop3A_1593, %parallel_loop3A_1592 : i32
      %parallel_loop3A_1595 = arith.constant 0 : i32
      %parallel_loop3A_1596 = arith.constant 1024 : i32
      %parallel_loop3A_1597 = arith.constant 16 : i32
      %parallel_loop3A_1598 = arith.constant 2 : i32
      scf.for %parallel_loop3A_1599 = %parallel_loop3A_1595 to %parallel_loop3A_1596 step %parallel_loop3A_1597  : i32 {
        %parallel_loop3A_1600 = arith.constant 0 : i32
        %parallel_loop3A_1601 = tpu.memref_slice %arg6[%parallel_loop3A_1594, %parallel_loop3A_1600] : memref<64x1024xf32, #tpu.memory_space<vmem>> -> memref<1x1024xf32, #tpu.memory_space<vmem>>
        %parallel_loop3A_1602 = tpu.memref_squeeze %parallel_loop3A_1601 : memref<1x1024xf32, #tpu.memory_space<vmem>> -> memref<1024xf32, #tpu.memory_space<vmem>>
        %parallel_loop3A_1603 = arith.index_cast %parallel_loop3A_1599 : i32 to index
        %parallel_loop3A_1604 = tpu.vector_load %parallel_loop3A_1602[%parallel_loop3A_1603] {strides = array<i32>} : memref<1024xf32, #tpu.memory_space<vmem>>, vector<16xf32>,
        %parallel_loop3A_1605 = vector.shape_cast %parallel_loop3A_1604 : vector<16xf32> to vector<16xf32>
        %parallel_loop3A_1606 = arith.constant 0 : i32
        %parallel_loop3A_1607 = tpu.memref_slice %arg5[%parallel_loop3A_1598, %parallel_loop3A_1592, %parallel_loop3A_1606] : memref<3x16x1024xf32, #tpu.memory_space<vmem>> -> memref<1x1x1024xf32, #tpu.memory_space<vmem>>
        %parallel_loop3A_1608 = tpu.memref_squeeze %parallel_loop3A_1607 : memref<1x1x1024xf32, #tpu.memory_space<vmem>> -> memref<1024xf32, #tpu.memory_space<vmem>>
        %parallel_loop3A_1609 = arith.index_cast %parallel_loop3A_1599 : i32 to index
        %parallel_loop3A_1610 = tpu.vector_load %parallel_loop3A_1608[%parallel_loop3A_1609] {strides = array<i32>} : memref<1024xf32, #tpu.memory_space<vmem>>, vector<16xf32>,
        %parallel_loop3A_1611 = vector.shape_cast %parallel_loop3A_1610 : vector<16xf32> to vector<16xf32>
        %parallel_loop3A_1612 = vector.shape_cast %parallel_loop3A_1605 : vector<16xf32> to vector<16xf32>
        tpu.vector_store %parallel_loop3A_1608[%parallel_loop3A_1609], %parallel_loop3A_1612 {add = true, strides = array<i32>} : memref<1024xf32, #tpu.memory_space<vmem>>, vector<16xf32>,
      } {sc.loop_unroll_factor = 8 : i64, sc.parallel_access}
    } {sc.loop_unroll_factor = 1 : i64, sc.parallel_access}
    %dma_start3A_1432 = arith.constant 2 : i32
    %dma_start3A_1433 = arith.constant 0 : i32
    %dma_start3A_1434 = arith.constant 0 : i32
    %dma_start3A_1435 = tpu.memref_slice %arg5[%dma_start3A_1432, %dma_start3A_1433, %dma_start3A_1434] : memref<3x16x1024xf32, #tpu.memory_space<vmem>> -> memref<1x8x1024xf32, #tpu.memory_space<vmem>>
    %dma_start3A_1436 = tpu.memref_squeeze %dma_start3A_1435 : memref<1x8x1024xf32, #tpu.memory_space<vmem>> -> memref<8x1024xf32, #tpu.memory_space<vmem>>
    %dma_start3A_1437 = arith.constant 0 : i32
    %dma_start3A_1438 = tpu.memref_slice %arg4[%add3A_1428, %dma_start3A_1437] : memref<8192x1024xf32, #tpu.memory_space<hbm>> -> memref<8x1024xf32, #tpu.memory_space<hbm>>
    %dma_start3A_1439 = arith.constant 0 : i32
    %dma_start3A_1440 = tpu.memref_slice %arg4[%add3A_1428, %dma_start3A_1439] : memref<8192x1024xf32, #tpu.memory_space<hbm>> -> memref<8x1024xf32, #tpu.memory_space<hbm>>
    %dma_start3A_1441 = arith.constant 0 : i32
    %dma_start3A_1442 = arith.constant 0 : i32
    %dma_start3A_1443 = tpu.memref_slice %arg5[%dma_start3A_1432, %dma_start3A_1441, %dma_start3A_1442] : memref<3x16x1024xf32, #tpu.memory_space<vmem>> -> memref<1x8x1024xf32, #tpu.memory_space<vmem>>
    %dma_start3A_1444 = tpu.memref_squeeze %dma_start3A_1443 : memref<1x8x1024xf32, #tpu.memory_space<vmem>> -> memref<8x1024xf32, #tpu.memory_space<vmem>>
    tpu.enqueue_dma source(%dma_start3A_1444 : memref<8x1024xf32, #tpu.memory_space<vmem>>) target(%dma_start3A_1440 : memref<8x1024xf32, #tpu.memory_space<hbm>>) target_semaphore(%arg12 : memref<!tpu.dma_semaphore, #tpu.memory_space<semaphore_mem>>)
    %parallel_loop3A_1445 = arith.constant 8 : i32
    %parallel_loop3A_1446 = arith.constant 16 : i32
    %parallel_loop3A_1447 = arith.constant 1 : i32
    scf.for %parallel_loop3A_1592 = %parallel_loop3A_1445 to %parallel_loop3A_1446 step %parallel_loop3A_1447  : i32 {
      %parallel_loop3A_1593 = arith.constant 48 : i32
      %parallel_loop3A_1594 = arith.addi %parallel_loop3A_1593, %parallel_loop3A_1592 : i32
      %parallel_loop3A_1595 = arith.constant 0 : i32
      %parallel_loop3A_1596 = arith.constant 1024 : i32
      %parallel_loop3A_1597 = arith.constant 16 : i32
      %parallel_loop3A_1598 = arith.constant 2 : i32
      scf.for %parallel_loop3A_1599 = %parallel_loop3A_1595 to %parallel_loop3A_1596 step %parallel_loop3A_1597  : i32 {
        %parallel_loop3A_1600 = arith.constant 0 : i32
        %parallel_loop3A_1601 = tpu.memref_slice %arg6[%parallel_loop3A_1594, %parallel_loop3A_1600] : memref<64x1024xf32, #tpu.memory_space<vmem>> -> memref<1x1024xf32, #tpu.memory_space<vmem>>
        %parallel_loop3A_1602 = tpu.memref_squeeze %parallel_loop3A_1601 : memref<1x1024xf32, #tpu.memory_space<vmem>> -> memref<1024xf32, #tpu.memory_space<vmem>>
        %parallel_loop3A_1603 = arith.index_cast %parallel_loop3A_1599 : i32 to index
        %parallel_loop3A_1604 = tpu.vector_load %parallel_loop3A_1602[%parallel_loop3A_1603] {strides = array<i32>} : memref<1024xf32, #tpu.memory_space<vmem>>, vector<16xf32>,
        %parallel_loop3A_1605 = vector.shape_cast %parallel_loop3A_1604 : vector<16xf32> to vector<16xf32>
        %parallel_loop3A_1606 = arith.constant 0 : i32
        %parallel_loop3A_1607 = tpu.memref_slice %arg5[%parallel_loop3A_1598, %parallel_loop3A_1592, %parallel_loop3A_1606] : memref<3x16x1024xf32, #tpu.memory_space<vmem>> -> memref<1x1x1024xf32, #tpu.memory_space<vmem>>
        %parallel_loop3A_1608 = tpu.memref_squeeze %parallel_loop3A_1607 : memref<1x1x1024xf32, #tpu.memory_space<vmem>> -> memref<1024xf32, #tpu.memory_space<vmem>>
        %parallel_loop3A_1609 = arith.index_cast %parallel_loop3A_1599 : i32 to index
        %parallel_loop3A_1610 = tpu.vector_load %parallel_loop3A_1608[%parallel_loop3A_1609] {strides = array<i32>} : memref<1024xf32, #tpu.memory_space<vmem>>, vector<16xf32>,
        %parallel_loop3A_1611 = vector.shape_cast %parallel_loop3A_1610 : vector<16xf32> to vector<16xf32>
        %parallel_loop3A_1612 = vector.shape_cast %parallel_loop3A_1605 : vector<16xf32> to vector<16xf32>
        tpu.vector_store %parallel_loop3A_1608[%parallel_loop3A_1609], %parallel_loop3A_1612 {add = true, strides = array<i32>} : memref<1024xf32, #tpu.memory_space<vmem>>, vector<16xf32>,
      } {sc.loop_unroll_factor = 8 : i64, sc.parallel_access}
    } {sc.loop_unroll_factor = 1 : i64, sc.parallel_access}
    %add3A_1448 = arith.constant 8 : i32
    %add3A_1449 = arith.addi %add3A_1428, %add3A_1448 : i32
    %dma_start3A_1450 = arith.constant 2 : i32
    %dma_start3A_1451 = arith.constant 8 : i32
    %dma_start3A_1452 = arith.constant 0 : i32
    %dma_start3A_1453 = tpu.memref_slice %arg5[%dma_start3A_1450, %dma_start3A_1451, %dma_start3A_1452] : memref<3x16x1024xf32, #tpu.memory_space<vmem>> -> memref<1x8x1024xf32, #tpu.memory_space<vmem>>
    %dma_start3A_1454 = tpu.memref_squeeze %dma_start3A_1453 : memref<1x8x1024xf32, #tpu.memory_space<vmem>> -> memref<8x1024xf32, #tpu.memory_space<vmem>>
    %dma_start3A_1455 = arith.constant 0 : i32
    %dma_start3A_1456 = tpu.memref_slice %arg4[%add3A_1449, %dma_start3A_1455] : memref<8192x1024xf32, #tpu.memory_space<hbm>> -> memref<8x1024xf32, #tpu.memory_space<hbm>>
    %dma_start3A_1457 = arith.constant 0 : i32
    %dma_start3A_1458 = tpu.memref_slice %arg4[%add3A_1449, %dma_start3A_1457] : memref<8192x1024xf32, #tpu.memory_space<hbm>> -> memref<8x1024xf32, #tpu.memory_space<hbm>>
    %dma_start3A_1459 = arith.constant 8 : i32
    %dma_start3A_1460 = arith.constant 0 : i32
    %dma_start3A_1461 = tpu.memref_slice %arg5[%dma_start3A_1450, %dma_start3A_1459, %dma_start3A_1460] : memref<3x16x1024xf32, #tpu.memory_space<vmem>> -> memref<1x8x1024xf32, #tpu.memory_space<vmem>>
    %dma_start3A_1462 = tpu.memref_squeeze %dma_start3A_1461 : memref<1x8x1024xf32, #tpu.memory_space<vmem>> -> memref<8x1024xf32, #tpu.memory_space<vmem>>
    tpu.enqueue_dma source(%dma_start3A_1462 : memref<8x1024xf32, #tpu.memory_space<vmem>>) target(%dma_start3A_1458 : memref<8x1024xf32, #tpu.memory_space<hbm>>) target_semaphore(%arg12 : memref<!tpu.dma_semaphore, #tpu.memory_space<semaphore_mem>>)
    %dma_wait3A_1463 = arith.constant 0 : i32
    %dma_wait3A_1464 = arith.constant 0 : i32
    %dma_wait3A_1465 = arith.constant 0 : i32
    %dma_wait3A_1466 = tpu.memref_slice %arg5[%dma_wait3A_1463, %dma_wait3A_1464, %dma_wait3A_1465] : memref<3x16x1024xf32, #tpu.memory_space<vmem>> -> memref<1x16x1024xf32, #tpu.memory_space<vmem>>
    %dma_wait3A_1467 = tpu.memref_squeeze %dma_wait3A_1466 : memref<1x16x1024xf32, #tpu.memory_space<vmem>> -> memref<16x1024xf32, #tpu.memory_space<vmem>>
    %dma_wait3A_1468 = arith.constant 0 : i32
    %dma_wait3A_1469 = tpu.memref_slice %arg2[%add3A_1398, %dma_wait3A_1468] : memref<8192x1024xf32, #tpu.memory_space<hbm>> -> memref<16x1024xf32, #tpu.memory_space<hbm>>
    %dma_wait3A_1470 = arith.constant 0 : i32
    %dma_wait3A_1471 = arith.constant 0 : i32
    %dma_wait3A_1472 = tpu.memref_slice %arg5[%dma_wait3A_1463, %dma_wait3A_1470, %dma_wait3A_1471] : memref<3x16x1024xf32, #tpu.memory_space<vmem>> -> memref<1x16x1024xf32, #tpu.memory_space<vmem>>
    %dma_wait3A_1473 = tpu.memref_squeeze %dma_wait3A_1472 : memref<1x16x1024xf32, #tpu.memory_space<vmem>> -> memref<16x1024xf32, #tpu.memory_space<vmem>>
    %dma_wait3A_1474 = arith.constant 0 : i32
    %dma_wait3A_1475 = tpu.memref_slice %arg2[%add3A_1398, %dma_wait3A_1474] : memref<8192x1024xf32, #tpu.memory_space<hbm>> -> memref<16x1024xf32, #tpu.memory_space<hbm>>
    tpu.wait_dma2 semaphore(%arg7 : memref<!tpu.dma_semaphore, #tpu.memory_space<semaphore_mem>>) src(%dma_wait3A_1475 : memref<16x1024xf32, #tpu.memory_space<hbm>>) dst(%dma_wait3A_1473 : memref<16x1024xf32, #tpu.memory_space<vmem>>)
    %add3A_1476 = arith.constant 6144 : i32
    %add3A_1477 = arith.addi %add3A_1476, %mul3A_2 : i32
    %add3A_1478 = arith.constant 48 : i32
    %add3A_1479 = arith.addi %add3A_1477, %add3A_1478 : i32
    %parallel_loop3A_1480 = arith.constant 0 : i32
    %parallel_loop3A_1481 = arith.constant 8 : i32
    %parallel_loop3A_1482 = arith.constant 1 : i32
    scf.for %parallel_loop3A_1592 = %parallel_loop3A_1480 to %parallel_loop3A_1481 step %parallel_loop3A_1482  : i32 {
      %parallel_loop3A_1593 = arith.constant 48 : i32
      %parallel_loop3A_1594 = arith.addi %parallel_loop3A_1593, %parallel_loop3A_1592 : i32
      %parallel_loop3A_1595 = arith.constant 0 : i32
      %parallel_loop3A_1596 = arith.constant 1024 : i32
      %parallel_loop3A_1597 = arith.constant 16 : i32
      %parallel_loop3A_1598 = arith.constant 0 : i32
      scf.for %parallel_loop3A_1599 = %parallel_loop3A_1595 to %parallel_loop3A_1596 step %parallel_loop3A_1597  : i32 {
        %parallel_loop3A_1600 = arith.constant 0 : i32
        %parallel_loop3A_1601 = tpu.memref_slice %arg6[%parallel_loop3A_1594, %parallel_loop3A_1600] : memref<64x1024xf32, #tpu.memory_space<vmem>> -> memref<1x1024xf32, #tpu.memory_space<vmem>>
        %parallel_loop3A_1602 = tpu.memref_squeeze %parallel_loop3A_1601 : memref<1x1024xf32, #tpu.memory_space<vmem>> -> memref<1024xf32, #tpu.memory_space<vmem>>
        %parallel_loop3A_1603 = arith.index_cast %parallel_loop3A_1599 : i32 to index
        %parallel_loop3A_1604 = tpu.vector_load %parallel_loop3A_1602[%parallel_loop3A_1603] {strides = array<i32>} : memref<1024xf32, #tpu.memory_space<vmem>>, vector<16xf32>,
        %parallel_loop3A_1605 = vector.shape_cast %parallel_loop3A_1604 : vector<16xf32> to vector<16xf32>
        %parallel_loop3A_1606 = arith.constant 0 : i32
        %parallel_loop3A_1607 = tpu.memref_slice %arg5[%parallel_loop3A_1598, %parallel_loop3A_1592, %parallel_loop3A_1606] : memref<3x16x1024xf32, #tpu.memory_space<vmem>> -> memref<1x1x1024xf32, #tpu.memory_space<vmem>>
        %parallel_loop3A_1608 = tpu.memref_squeeze %parallel_loop3A_1607 : memref<1x1x1024xf32, #tpu.memory_space<vmem>> -> memref<1024xf32, #tpu.memory_space<vmem>>
        %parallel_loop3A_1609 = arith.index_cast %parallel_loop3A_1599 : i32 to index
        %parallel_loop3A_1610 = tpu.vector_load %parallel_loop3A_1608[%parallel_loop3A_1609] {strides = array<i32>} : memref<1024xf32, #tpu.memory_space<vmem>>, vector<16xf32>,
        %parallel_loop3A_1611 = vector.shape_cast %parallel_loop3A_1610 : vector<16xf32> to vector<16xf32>
        %parallel_loop3A_1612 = vector.shape_cast %parallel_loop3A_1605 : vector<16xf32> to vector<16xf32>
        tpu.vector_store %parallel_loop3A_1608[%parallel_loop3A_1609], %parallel_loop3A_1612 {add = true, strides = array<i32>} : memref<1024xf32, #tpu.memory_space<vmem>>, vector<16xf32>,
      } {sc.loop_unroll_factor = 8 : i64, sc.parallel_access}
    } {sc.loop_unroll_factor = 1 : i64, sc.parallel_access}
    %dma_start3A_1483 = arith.constant 0 : i32
    %dma_start3A_1484 = arith.constant 0 : i32
    %dma_start3A_1485 = arith.constant 0 : i32
    %dma_start3A_1486 = tpu.memref_slice %arg5[%dma_start3A_1483, %dma_start3A_1484, %dma_start3A_1485] : memref<3x16x1024xf32, #tpu.memory_space<vmem>> -> memref<1x8x1024xf32, #tpu.memory_space<vmem>>
    %dma_start3A_1487 = tpu.memref_squeeze %dma_start3A_1486 : memref<1x8x1024xf32, #tpu.memory_space<vmem>> -> memref<8x1024xf32, #tpu.memory_space<vmem>>
    %dma_start3A_1488 = arith.constant 0 : i32
    %dma_start3A_1489 = tpu.memref_slice %arg4[%add3A_1479, %dma_start3A_1488] : memref<8192x1024xf32, #tpu.memory_space<hbm>> -> memref<8x1024xf32, #tpu.memory_space<hbm>>
    %dma_start3A_1490 = arith.constant 0 : i32
    %dma_start3A_1491 = tpu.memref_slice %arg4[%add3A_1479, %dma_start3A_1490] : memref<8192x1024xf32, #tpu.memory_space<hbm>> -> memref<8x1024xf32, #tpu.memory_space<hbm>>
    %dma_start3A_1492 = arith.constant 0 : i32
    %dma_start3A_1493 = arith.constant 0 : i32
    %dma_start3A_1494 = tpu.memref_slice %arg5[%dma_start3A_1483, %dma_start3A_1492, %dma_start3A_1493] : memref<3x16x1024xf32, #tpu.memory_space<vmem>> -> memref<1x8x1024xf32, #tpu.memory_space<vmem>>
    %dma_start3A_1495 = tpu.memref_squeeze %dma_start3A_1494 : memref<1x8x1024xf32, #tpu.memory_space<vmem>> -> memref<8x1024xf32, #tpu.memory_space<vmem>>
    tpu.enqueue_dma source(%dma_start3A_1495 : memref<8x1024xf32, #tpu.memory_space<vmem>>) target(%dma_start3A_1491 : memref<8x1024xf32, #tpu.memory_space<hbm>>) target_semaphore(%arg10 : memref<!tpu.dma_semaphore, #tpu.memory_space<semaphore_mem>>)
    %parallel_loop3A_1496 = arith.constant 8 : i32
    %parallel_loop3A_1497 = arith.constant 16 : i32
    %parallel_loop3A_1498 = arith.constant 1 : i32
    scf.for %parallel_loop3A_1592 = %parallel_loop3A_1496 to %parallel_loop3A_1497 step %parallel_loop3A_1498  : i32 {
      %parallel_loop3A_1593 = arith.constant 48 : i32
      %parallel_loop3A_1594 = arith.addi %parallel_loop3A_1593, %parallel_loop3A_1592 : i32
      %parallel_loop3A_1595 = arith.constant 0 : i32
      %parallel_loop3A_1596 = arith.constant 1024 : i32
      %parallel_loop3A_1597 = arith.constant 16 : i32
      %parallel_loop3A_1598 = arith.constant 0 : i32
      scf.for %parallel_loop3A_1599 = %parallel_loop3A_1595 to %parallel_loop3A_1596 step %parallel_loop3A_1597  : i32 {
        %parallel_loop3A_1600 = arith.constant 0 : i32
        %parallel_loop3A_1601 = tpu.memref_slice %arg6[%parallel_loop3A_1594, %parallel_loop3A_1600] : memref<64x1024xf32, #tpu.memory_space<vmem>> -> memref<1x1024xf32, #tpu.memory_space<vmem>>
        %parallel_loop3A_1602 = tpu.memref_squeeze %parallel_loop3A_1601 : memref<1x1024xf32, #tpu.memory_space<vmem>> -> memref<1024xf32, #tpu.memory_space<vmem>>
        %parallel_loop3A_1603 = arith.index_cast %parallel_loop3A_1599 : i32 to index
        %parallel_loop3A_1604 = tpu.vector_load %parallel_loop3A_1602[%parallel_loop3A_1603] {strides = array<i32>} : memref<1024xf32, #tpu.memory_space<vmem>>, vector<16xf32>,
        %parallel_loop3A_1605 = vector.shape_cast %parallel_loop3A_1604 : vector<16xf32> to vector<16xf32>
        %parallel_loop3A_1606 = arith.constant 0 : i32
        %parallel_loop3A_1607 = tpu.memref_slice %arg5[%parallel_loop3A_1598, %parallel_loop3A_1592, %parallel_loop3A_1606] : memref<3x16x1024xf32, #tpu.memory_space<vmem>> -> memref<1x1x1024xf32, #tpu.memory_space<vmem>>
        %parallel_loop3A_1608 = tpu.memref_squeeze %parallel_loop3A_1607 : memref<1x1x1024xf32, #tpu.memory_space<vmem>> -> memref<1024xf32, #tpu.memory_space<vmem>>
        %parallel_loop3A_1609 = arith.index_cast %parallel_loop3A_1599 : i32 to index
        %parallel_loop3A_1610 = tpu.vector_load %parallel_loop3A_1608[%parallel_loop3A_1609] {strides = array<i32>} : memref<1024xf32, #tpu.memory_space<vmem>>, vector<16xf32>,
        %parallel_loop3A_1611 = vector.shape_cast %parallel_loop3A_1610 : vector<16xf32> to vector<16xf32>
        %parallel_loop3A_1612 = vector.shape_cast %parallel_loop3A_1605 : vector<16xf32> to vector<16xf32>
        tpu.vector_store %parallel_loop3A_1608[%parallel_loop3A_1609], %parallel_loop3A_1612 {add = true, strides = array<i32>} : memref<1024xf32, #tpu.memory_space<vmem>>, vector<16xf32>,
      } {sc.loop_unroll_factor = 8 : i64, sc.parallel_access}
    } {sc.loop_unroll_factor = 1 : i64, sc.parallel_access}
    %add3A_1499 = arith.constant 8 : i32
    %add3A_1500 = arith.addi %add3A_1479, %add3A_1499 : i32
    %dma_start3A_1501 = arith.constant 0 : i32
    %dma_start3A_1502 = arith.constant 8 : i32
    %dma_start3A_1503 = arith.constant 0 : i32
    %dma_start3A_1504 = tpu.memref_slice %arg5[%dma_start3A_1501, %dma_start3A_1502, %dma_start3A_1503] : memref<3x16x1024xf32, #tpu.memory_space<vmem>> -> memref<1x8x1024xf32, #tpu.memory_space<vmem>>
    %dma_start3A_1505 = tpu.memref_squeeze %dma_start3A_1504 : memref<1x8x1024xf32, #tpu.memory_space<vmem>> -> memref<8x1024xf32, #tpu.memory_space<vmem>>
    %dma_start3A_1506 = arith.constant 0 : i32
    %dma_start3A_1507 = tpu.memref_slice %arg4[%add3A_1500, %dma_start3A_1506] : memref<8192x1024xf32, #tpu.memory_space<hbm>> -> memref<8x1024xf32, #tpu.memory_space<hbm>>
    %dma_start3A_1508 = arith.constant 0 : i32
    %dma_start3A_1509 = tpu.memref_slice %arg4[%add3A_1500, %dma_start3A_1508] : memref<8192x1024xf32, #tpu.memory_space<hbm>> -> memref<8x1024xf32, #tpu.memory_space<hbm>>
    %dma_start3A_1510 = arith.constant 8 : i32
    %dma_start3A_1511 = arith.constant 0 : i32
    %dma_start3A_1512 = tpu.memref_slice %arg5[%dma_start3A_1501, %dma_start3A_1510, %dma_start3A_1511] : memref<3x16x1024xf32, #tpu.memory_space<vmem>> -> memref<1x8x1024xf32, #tpu.memory_space<vmem>>
    %dma_start3A_1513 = tpu.memref_squeeze %dma_start3A_1512 : memref<1x8x1024xf32, #tpu.memory_space<vmem>> -> memref<8x1024xf32, #tpu.memory_space<vmem>>
    tpu.enqueue_dma source(%dma_start3A_1513 : memref<8x1024xf32, #tpu.memory_space<vmem>>) target(%dma_start3A_1509 : memref<8x1024xf32, #tpu.memory_space<hbm>>) target_semaphore(%arg10 : memref<!tpu.dma_semaphore, #tpu.memory_space<semaphore_mem>>)
    %dma_wait3A_1514 = arith.constant 1 : i32
    %dma_wait3A_1515 = arith.constant 0 : i32
    %dma_wait3A_1516 = arith.constant 0 : i32
    %dma_wait3A_1517 = tpu.memref_slice %arg5[%dma_wait3A_1514, %dma_wait3A_1515, %dma_wait3A_1516] : memref<3x16x1024xf32, #tpu.memory_space<vmem>> -> memref<1x8x1024xf32, #tpu.memory_space<vmem>>
    %dma_wait3A_1518 = tpu.memref_squeeze %dma_wait3A_1517 : memref<1x8x1024xf32, #tpu.memory_space<vmem>> -> memref<8x1024xf32, #tpu.memory_space<vmem>>
    %dma_wait3A_1519 = arith.constant 0 : i32
    %dma_wait3A_1520 = tpu.memref_slice %arg4[%add3A_1334, %dma_wait3A_1519] : memref<8192x1024xf32, #tpu.memory_space<hbm>> -> memref<8x1024xf32, #tpu.memory_space<hbm>>
    %dma_wait3A_1521 = arith.constant 0 : i32
    %dma_wait3A_1522 = tpu.memref_slice %arg4[%add3A_1334, %dma_wait3A_1521] : memref<8192x1024xf32, #tpu.memory_space<hbm>> -> memref<8x1024xf32, #tpu.memory_space<hbm>>
    %dma_wait3A_1523 = arith.constant 0 : i32
    %dma_wait3A_1524 = arith.constant 0 : i32
    %dma_wait3A_1525 = tpu.memref_slice %arg5[%dma_wait3A_1514, %dma_wait3A_1523, %dma_wait3A_1524] : memref<3x16x1024xf32, #tpu.memory_space<vmem>> -> memref<1x8x1024xf32, #tpu.memory_space<vmem>>
    %dma_wait3A_1526 = tpu.memref_squeeze %dma_wait3A_1525 : memref<1x8x1024xf32, #tpu.memory_space<vmem>> -> memref<8x1024xf32, #tpu.memory_space<vmem>>
    tpu.wait_dma2 semaphore(%arg11 : memref<!tpu.dma_semaphore, #tpu.memory_space<semaphore_mem>>) src(%dma_wait3A_1526 : memref<8x1024xf32, #tpu.memory_space<vmem>>) dst(%dma_wait3A_1522 : memref<8x1024xf32, #tpu.memory_space<hbm>>)
    %dma_wait3A_1527 = arith.constant 1 : i32
    %dma_wait3A_1528 = arith.constant 8 : i32
    %dma_wait3A_1529 = arith.constant 0 : i32
    %dma_wait3A_1530 = tpu.memref_slice %arg5[%dma_wait3A_1527, %dma_wait3A_1528, %dma_wait3A_1529] : memref<3x16x1024xf32, #tpu.memory_space<vmem>> -> memref<1x8x1024xf32, #tpu.memory_space<vmem>>
    %dma_wait3A_1531 = tpu.memref_squeeze %dma_wait3A_1530 : memref<1x8x1024xf32, #tpu.memory_space<vmem>> -> memref<8x1024xf32, #tpu.memory_space<vmem>>
    %dma_wait3A_1532 = arith.constant 0 : i32
    %dma_wait3A_1533 = tpu.memref_slice %arg4[%add3A_1355, %dma_wait3A_1532] : memref<8192x1024xf32, #tpu.memory_space<hbm>> -> memref<8x1024xf32, #tpu.memory_space<hbm>>
    %dma_wait3A_1534 = arith.constant 0 : i32
    %dma_wait3A_1535 = tpu.memref_slice %arg4[%add3A_1355, %dma_wait3A_1534] : memref<8192x1024xf32, #tpu.memory_space<hbm>> -> memref<8x1024xf32, #tpu.memory_space<hbm>>
    %dma_wait3A_1536 = arith.constant 8 : i32
    %dma_wait3A_1537 = arith.constant 0 : i32
    %dma_wait3A_1538 = tpu.memref_slice %arg5[%dma_wait3A_1527, %dma_wait3A_1536, %dma_wait3A_1537] : memref<3x16x1024xf32, #tpu.memory_space<vmem>> -> memref<1x8x1024xf32, #tpu.memory_space<vmem>>
    %dma_wait3A_1539 = tpu.memref_squeeze %dma_wait3A_1538 : memref<1x8x1024xf32, #tpu.memory_space<vmem>> -> memref<8x1024xf32, #tpu.memory_space<vmem>>
    tpu.wait_dma2 semaphore(%arg11 : memref<!tpu.dma_semaphore, #tpu.memory_space<semaphore_mem>>) src(%dma_wait3A_1539 : memref<8x1024xf32, #tpu.memory_space<vmem>>) dst(%dma_wait3A_1535 : memref<8x1024xf32, #tpu.memory_space<hbm>>)
    %dma_wait3A_1540 = arith.constant 2 : i32
    %dma_wait3A_1541 = arith.constant 0 : i32
    %dma_wait3A_1542 = arith.constant 0 : i32
    %dma_wait3A_1543 = tpu.memref_slice %arg5[%dma_wait3A_1540, %dma_wait3A_1541, %dma_wait3A_1542] : memref<3x16x1024xf32, #tpu.memory_space<vmem>> -> memref<1x8x1024xf32, #tpu.memory_space<vmem>>
    %dma_wait3A_1544 = tpu.memref_squeeze %dma_wait3A_1543 : memref<1x8x1024xf32, #tpu.memory_space<vmem>> -> memref<8x1024xf32, #tpu.memory_space<vmem>>
    %dma_wait3A_1545 = arith.constant 0 : i32
    %dma_wait3A_1546 = tpu.memref_slice %arg4[%add3A_1428, %dma_wait3A_1545] : memref<8192x1024xf32, #tpu.memory_space<hbm>> -> memref<8x1024xf32, #tpu.memory_space<hbm>>
    %dma_wait3A_1547 = arith.constant 0 : i32
    %dma_wait3A_1548 = tpu.memref_slice %arg4[%add3A_1428, %dma_wait3A_1547] : memref<8192x1024xf32, #tpu.memory_space<hbm>> -> memref<8x1024xf32, #tpu.memory_space<hbm>>
    %dma_wait3A_1549 = arith.constant 0 : i32
    %dma_wait3A_1550 = arith.constant 0 : i32
    %dma_wait3A_1551 = tpu.memref_slice %arg5[%dma_wait3A_1540, %dma_wait3A_1549, %dma_wait3A_1550] : memref<3x16x1024xf32, #tpu.memory_space<vmem>> -> memref<1x8x1024xf32, #tpu.memory_space<vmem>>
    %dma_wait3A_1552 = tpu.memref_squeeze %dma_wait3A_1551 : memref<1x8x1024xf32, #tpu.memory_space<vmem>> -> memref<8x1024xf32, #tpu.memory_space<vmem>>
    tpu.wait_dma2 semaphore(%arg12 : memref<!tpu.dma_semaphore, #tpu.memory_space<semaphore_mem>>) src(%dma_wait3A_1552 : memref<8x1024xf32, #tpu.memory_space<vmem>>) dst(%dma_wait3A_1548 : memref<8x1024xf32, #tpu.memory_space<hbm>>)
    %dma_wait3A_1553 = arith.constant 2 : i32
    %dma_wait3A_1554 = arith.constant 8 : i32
    %dma_wait3A_1555 = arith.constant 0 : i32
    %dma_wait3A_1556 = tpu.memref_slice %arg5[%dma_wait3A_1553, %dma_wait3A_1554, %dma_wait3A_1555] : memref<3x16x1024xf32, #tpu.memory_space<vmem>> -> memref<1x8x1024xf32, #tpu.memory_space<vmem>>
    %dma_wait3A_1557 = tpu.memref_squeeze %dma_wait3A_1556 : memref<1x8x1024xf32, #tpu.memory_space<vmem>> -> memref<8x1024xf32, #tpu.memory_space<vmem>>
    %dma_wait3A_1558 = arith.constant 0 : i32
    %dma_wait3A_1559 = tpu.memref_slice %arg4[%add3A_1449, %dma_wait3A_1558] : memref<8192x1024xf32, #tpu.memory_space<hbm>> -> memref<8x1024xf32, #tpu.memory_space<hbm>>
    %dma_wait3A_1560 = arith.constant 0 : i32
    %dma_wait3A_1561 = tpu.memref_slice %arg4[%add3A_1449, %dma_wait3A_1560] : memref<8192x1024xf32, #tpu.memory_space<hbm>> -> memref<8x1024xf32, #tpu.memory_space<hbm>>
    %dma_wait3A_1562 = arith.constant 8 : i32
    %dma_wait3A_1563 = arith.constant 0 : i32
    %dma_wait3A_1564 = tpu.memref_slice %arg5[%dma_wait3A_1553, %dma_wait3A_1562, %dma_wait3A_1563] : memref<3x16x1024xf32, #tpu.memory_space<vmem>> -> memref<1x8x1024xf32, #tpu.memory_space<vmem>>
    %dma_wait3A_1565 = tpu.memref_squeeze %dma_wait3A_1564 : memref<1x8x1024xf32, #tpu.memory_space<vmem>> -> memref<8x1024xf32, #tpu.memory_space<vmem>>
    tpu.wait_dma2 semaphore(%arg12 : memref<!tpu.dma_semaphore, #tpu.memory_space<semaphore_mem>>) src(%dma_wait3A_1565 : memref<8x1024xf32, #tpu.memory_space<vmem>>) dst(%dma_wait3A_1561 : memref<8x1024xf32, #tpu.memory_space<hbm>>)
    %dma_wait3A_1566 = arith.constant 0 : i32
    %dma_wait3A_1567 = arith.constant 0 : i32
    %dma_wait3A_1568 = arith.constant 0 : i32
    %dma_wait3A_1569 = tpu.memref_slice %arg5[%dma_wait3A_1566, %dma_wait3A_1567, %dma_wait3A_1568] : memref<3x16x1024xf32, #tpu.memory_space<vmem>> -> memref<1x8x1024xf32, #tpu.memory_space<vmem>>
    %dma_wait3A_1570 = tpu.memref_squeeze %dma_wait3A_1569 : memref<1x8x1024xf32, #tpu.memory_space<vmem>> -> memref<8x1024xf32, #tpu.memory_space<vmem>>
    %dma_wait3A_1571 = arith.constant 0 : i32
    %dma_wait3A_1572 = tpu.memref_slice %arg4[%add3A_1479, %dma_wait3A_1571] : memref<8192x1024xf32, #tpu.memory_space<hbm>> -> memref<8x1024xf32, #tpu.memory_space<hbm>>
    %dma_wait3A_1573 = arith.constant 0 : i32
    %dma_wait3A_1574 = tpu.memref_slice %arg4[%add3A_1479, %dma_wait3A_1573] : memref<8192x1024xf32, #tpu.memory_space<hbm>> -> memref<8x1024xf32, #tpu.memory_space<hbm>>
    %dma_wait3A_1575 = arith.constant 0 : i32
    %dma_wait3A_1576 = arith.constant 0 : i32
    %dma_wait3A_1577 = tpu.memref_slice %arg5[%dma_wait3A_1566, %dma_wait3A_1575, %dma_wait3A_1576] : memref<3x16x1024xf32, #tpu.memory_space<vmem>> -> memref<1x8x1024xf32, #tpu.memory_space<vmem>>
    %dma_wait3A_1578 = tpu.memref_squeeze %dma_wait3A_1577 : memref<1x8x1024xf32, #tpu.memory_space<vmem>> -> memref<8x1024xf32, #tpu.memory_space<vmem>>
    tpu.wait_dma2 semaphore(%arg10 : memref<!tpu.dma_semaphore, #tpu.memory_space<semaphore_mem>>) src(%dma_wait3A_1578 : memref<8x1024xf32, #tpu.memory_space<vmem>>) dst(%dma_wait3A_1574 : memref<8x1024xf32, #tpu.memory_space<hbm>>)
    %dma_wait3A_1579 = arith.constant 0 : i32
    %dma_wait3A_1580 = arith.constant 8 : i32
    %dma_wait3A_1581 = arith.constant 0 : i32
    %dma_wait3A_1582 = tpu.memref_slice %arg5[%dma_wait3A_1579, %dma_wait3A_1580, %dma_wait3A_1581] : memref<3x16x1024xf32, #tpu.memory_space<vmem>> -> memref<1x8x1024xf32, #tpu.memory_space<vmem>>
    %dma_wait3A_1583 = tpu.memref_squeeze %dma_wait3A_1582 : memref<1x8x1024xf32, #tpu.memory_space<vmem>> -> memref<8x1024xf32, #tpu.memory_space<vmem>>
    %dma_wait3A_1584 = arith.constant 0 : i32
    %dma_wait3A_1585 = tpu.memref_slice %arg4[%add3A_1500, %dma_wait3A_1584] : memref<8192x1024xf32, #tpu.memory_space<hbm>> -> memref<8x1024xf32, #tpu.memory_space<hbm>>
    %dma_wait3A_1586 = arith.constant 0 : i32
    %dma_wait3A_1587 = tpu.memref_slice %arg4[%add3A_1500, %dma_wait3A_1586] : memref<8192x1024xf32, #tpu.memory_space<hbm>> -> memref<8x1024xf32, #tpu.memory_space<hbm>>
    %dma_wait3A_1588 = arith.constant 8 : i32
    %dma_wait3A_1589 = arith.constant 0 : i32
    %dma_wait3A_1590 = tpu.memref_slice %arg5[%dma_wait3A_1579, %dma_wait3A_1588, %dma_wait3A_1589] : memref<3x16x1024xf32, #tpu.memory_space<vmem>> -> memref<1x8x1024xf32, #tpu.memory_space<vmem>>
    %dma_wait3A_1591 = tpu.memref_squeeze %dma_wait3A_1590 : memref<1x8x1024xf32, #tpu.memory_space<vmem>> -> memref<8x1024xf32, #tpu.memory_space<vmem>>
    tpu.wait_dma2 semaphore(%arg10 : memref<!tpu.dma_semaphore, #tpu.memory_space<semaphore_mem>>) src(%dma_wait3A_1591 : memref<8x1024xf32, #tpu.memory_space<vmem>>) dst(%dma_wait3A_1587 : memref<8x1024xf32, #tpu.memory_space<hbm>>)
    return
  }
}

</mosaic_0001>

<sc_bundles>
// kernel: kernel.3.cloned.1.call-start
scs
__scs_entry_jumppad:
0x0: {  	(pc) =	sbr.rel $0x88, $3  }
0x1: {  	(tag) =	ssettag $0x0;
	lr =	simm.s32 $0x1  }
0x2: {  	[smem:$0x3F9F] =	sst lr;
	_ =	strace $0xD0000000  }
0x3: {  	_ = 	snop  }
0x4: {  	_ = 	snop  }
0x5: {  	_ = 	snop  }
0x6: {  	_ = 	snop  }
0x7: {  	_ = 	snop  }
__scs_overlays_trampoline_lowered:
0x8: {  	[smem:$0x3FAE] =	sst s0  }
0x9: {  	[smem:$0x3FAF] =	sst s1  }
0xa: {  	[smem:$0x3FB0] =	sst s2  }
0xb: {  	[smem:$0x3FB1] =	sst s3  }
0xc: {  	[smem:$0x3FB2] =	sst s4  }
0xd: {  	[smem:$0x3FB3] =	sst s5  }
0xe: {  	[smem:$0x3FB4] =	sst s6  }
0xf: {  	[smem:$0x3FB5] =	sst s7  }
0x10: {  	[smem:$0x3FB6] =	sst s8  }
0x11: {  	[smem:$0x3FB7] =	sst s9;
	s0 =	simm.s32 @!p0 $0x0  }
0x12: {  	s1 =	sld [smem:$0x3F9D];
	s0 =	simm.s32 @p0 $0x1  }
0x13: {  	[smem:$0x3FB8] =	sst s0;
	s0 =	simm.s32 @!p1 $0x0  }
0x14: {  	s2 =	sld [smem:$0x3F9C];
	s0 =	simm.s32 @p1 $0x1  }
0x15: {  	[smem:$0x3FB9] =	sst s0;
	s0 =	simm.s32 @!p2 $0x0  }
0x16: {  	s3 =	sld [smem:$0x3FDB];
	s0 =	simm.s32 @p2 $0x1  }
0x17: {  	s4 =	simm.s32 $0x1BF5;
	[smem:$0x3FBB] =	sst s0  }
0x18: {  	s0 =	sld [smem:$0x3F9E];
	_ =	swait.ge [sflag:s4], $0x0  }
0x19: {  	s7 =	sld [smem:$0x3F9F]  }
0x1a: {  	s8 =	sadd.s32 $0xFFFFE003, lr  }
0x1b: {  	s9 =	sadd.s32 $0xFFFFFEF7, lr;
	s5 =	simm.s32 $0xFFFFFFFF;
	p2 =	slt.u32 s8, $0xFFFFF086  }
0x1c: {  	p1 =	slt.u32 s9, $0xF7A;
	s5 =	simm.s32 @!p2 $0x0  }
0x1d: {  	s5 =	simm.s32 @p1 $0x1;
	p0 =	seq.s32 s7, s2  }
0x1e: {  	s7 =	smul.u32 @!p0 $0xF7A, s2;
	p2 =	seq.s32 @!p0 s5, $0x0  }
0x1f: {  	s9 =	smul.u32 $0xF7A, s1;
	s8 =	simm.s32 @!p0 $0x1BF5;
	p2 =	por !p2, p0  }
0x20: {  	[sflag:s8] =	ssyncset.s32 @!p0 $0xFFFFF086;
	s6 =	sadd.s32 @!p0 s3, s7;
	s7 =	simm.s32 @!p0 $0x108  }
0x21: {  	s3 =	sadd.s32 s3, s9;
	s6 =	sadd.s32 @!p0 $0x88, s6;
	s7 =	simm.s32 @p2 $0x1082  }
0x22: {  	[simem:s7], [sflag:s8] =	dma.local @!p0 [hbm:s6], $0xF7A  }
0x23: {  	s9 =	sor.u32 $0xD0000000, s2;
	s6 =	simm.s32 $0x108;
	_ =	swait.ge @!p0 [sflag:s8], $0x0  }
0x24: {  	s3 =	sadd.s32 $0x88, s3;
	s6 =	simm.s32 @!p1 $0x1082;
	[sflag:s4] =	ssyncset.s32 $0xFFFFF086  }
0x25: {  	[simem:s6], [sflag:s4] =	dma.local [hbm:s3], $0xF7A  }
0x26: {  	[smem:$0x3F9F] =	sst s1;
	(tag) =	ssettag s2;
	_ =	strace s9  }
0x27: {  	s1 =	sld [smem:$0x3FAF]  }
0x28: {  	s2 =	sld [smem:$0x3FB0]  }
0x29: {  	s4 =	sld [smem:$0x3FB2]  }
0x2a: {  	p0 =	seq.s32 s5, $0x0;
	s5 =	sld [smem:$0x3FB3]  }
0x2b: {  	s6 =	sld [smem:$0x3FB4]  }
0x2c: {  	s7 =	sld [smem:$0x3FB5]  }
0x2d: {  	s3 =	simm.s32 $0x108;
	s8 =	sld [smem:$0x3FB6]  }
0x2e: {  	s3 =	simm.s32 @!p0 $0x1082;
	s9 =	sld [smem:$0x3FB7]  }
0x2f: {  	lr =	sadd.s32 s0, s3;
	s0 =	sld [smem:$0x3FAE]  }
0x30: {  	s3 =	sld [smem:$0x3FB1]  }
0x31: {  	[smem:$0x3FBA] =	sst s10  }
0x32: {  	s10 =	sld [smem:$0x3FB8];
	_ =	sdelay $0x3  }
0x33: {  	p0 =	seq.s32 s10, $0x1;
	s10 =	sld [smem:$0x3FBA];
	_ =	sdelay $0x3  }
0x34: {  	[smem:$0x3FBA] =	sst s10  }
0x35: {  	s10 =	sld [smem:$0x3FB9];
	_ =	sdelay $0x3  }
0x36: {  	p1 =	seq.s32 s10, $0x1;
	s10 =	sld [smem:$0x3FBA];
	_ =	sdelay $0x3  }
0x37: {  	[smem:$0x3FBA] =	sst s10  }
0x38: {  	s10 =	sld [smem:$0x3FBB]  }
0x39: {  	_ = 	snop;
	(pc) =	sbr.ind lr, $3  }
0x3a: {  	_ = 	snop  }
0x3b: {  	_ = 	snop  }
0x3c: {  	p2 =	seq.s32 s10, $0x1;
	s10 =	sld [smem:$0x3FBA]  }
0x3d: {  	_ =	shalt  }
0x3e: {  	_ =	shalt  }
0x3f: {  	_ =	shalt  }
0x40: {  	_ =	shalt  }
0x41: {  	_ =	shalt  }
0x42: {  	_ =	shalt  }
0x43: {  	_ =	shalt  }
0x44: {  	_ =	shalt  }
0x45: {  	_ =	shalt  }
0x46: {  	_ =	shalt  }
0x47: {  	_ =	shalt  }
0x48: {  	_ =	shalt  }
0x49: {  	_ =	shalt  }
0x4a: {  	_ =	shalt  }
0x4b: {  	_ =	shalt  }
0x4c: {  	_ =	shalt  }
0x4d: {  	_ =	shalt  }
0x4e: {  	_ =	shalt  }
0x4f: {  	_ =	shalt  }
0x50: {  	_ =	shalt  }
0x51: {  	_ =	shalt  }
0x52: {  	_ =	shalt  }
0x53: {  	_ =	shalt  }
0x54: {  	_ =	shalt  }
0x55: {  	_ =	shalt  }
0x56: {  	_ =	shalt  }
0x57: {  	_ =	shalt  }
0x58: {  	_ =	shalt  }
0x59: {  	_ =	shalt  }
0x5a: {  	_ =	shalt  }
0x5b: {  	_ =	shalt  }
0x5c: {  	_ =	shalt  }
0x5d: {  	_ =	shalt  }
0x5e: {  	_ =	shalt  }
0x5f: {  	_ =	shalt  }
0x60: {  	_ =	shalt  }
0x61: {  	_ =	shalt  }
0x62: {  	_ =	shalt  }
0x63: {  	_ =	shalt  }
0x64: {  	_ =	shalt  }
0x65: {  	_ =	shalt  }
0x66: {  	_ =	shalt  }
0x67: {  	_ =	shalt  }
0x68: {  	_ =	shalt  }
0x69: {  	_ =	shalt  }
0x6a: {  	_ =	shalt  }
0x6b: {  	_ =	shalt  }
0x6c: {  	_ =	shalt  }
0x6d: {  	_ =	shalt  }
0x6e: {  	_ =	shalt  }
0x6f: {  	_ =	shalt  }
0x70: {  	_ =	shalt  }
0x71: {  	_ =	shalt  }
0x72: {  	_ =	shalt  }
0x73: {  	_ =	shalt  }
0x74: {  	_ =	shalt  }
0x75: {  	_ =	shalt  }
0x76: {  	_ =	shalt  }
0x77: {  	_ =	shalt  }
0x78: {  	_ =	shalt  }
0x79: {  	_ =	shalt  }
0x7a: {  	_ =	shalt  }
0x7b: {  	_ =	shalt  }
0x7c: {  	_ =	shalt  }
0x7d: {  	_ =	shalt  }
0x7e: {  	_ =	shalt  }
0x7f: {  	_ =	shalt  }
0x80: {  	_ =	shalt  }
0x81: {  	_ =	shalt  }
0x82: {  	_ =	shalt  }
0x83: {  	_ =	shalt  }
0x84: {  	_ =	shalt  }
0x85: {  	_ =	shalt  }
0x86: {  	_ =	shalt  }
0x87: {  	_ =	shalt  }
.Lfunc_end0:
.L_simem_size_0:
called_computation_lowered:
.L_overlay_start_0:
0x88: {  	s2 =	sld [smem:$0x3FD9]  }
0x89: {  	s3 =	sld [smem:$0x3FFE];
	_ =	sdelay $0x1  }
0x8a: {  	s1 =	srdreg.scid  }
0x8b: {  	s0 =	sand.u32 $0x1, s1  }
0x8c: {  	s18 =	sshll.u32 s0, $0xA;
	s2 =	sadd.s32 s3, s2  }
0x8d: {  	s2 =	sadd.s32 s2, s18  }
0x8e: {  	[smem:$0x3FC6] =	sst s2  }
0x8f: {  	_ = 	snop  }
0x90: {  	s2 =	sld [smem:$0x3FC9]  }
0x91: {  	s19 =	sld [smem:$0x3FC8]  }
0x92: {  	s4 =	sld [smem:$0x3FD0];
	(tm) =	ssettm $0x1  }
0x93: {  	s5 =	sld [smem:$0x3FFB];
	_ =	sdelay $0x3  }
0x94: {  	_ =	strace s5  }
0x95: {  	s5 =	sld [smem:$0x3FFC];
	_ =	sdelay $0x3  }
0x96: {  	_ =	strace s5  }
0x97: {  	s5 =	sld [smem:$0x3FFD];
	_ =	sdelay $0x3  }
0x98: {  	_ =	strace s5  }
0x99: {  	_ =	strace $0x8FFFFFFF  }
0x9a: {  	s20 =	sld [smem:$0x3FDB];
	_ =	sdelay $0x1  }
0x9b: {  	s6 =	simm.s32 $_scs_section_size  }
0x9c: {  	s7 =	simm.s32 $_size__tile_overlayer_lowered;
	s8 =	simm.s32 $_tile_overlayer_lowered  }
0x9d: {  	s23 =	simm.s32 $0x1BFF;
	s22 =	sshll.u32 s8, $0x1;
	s5 =	sadd.s32 s6, s20  }
0x9e: {  	s9 =	simm.s32 $0x0;
	s21 =	sshll.u32 s7, $0x1;
	s7 =	sadd.s32 s22, s5  }
0x9f: {  	[timem:s9], [sflag:s23] =	dma.local [hbm:s7], s21  }
0xa0: {  	_ =	swait.ge [sflag:s23], s21  }
0xa1: {  	s6 =	ssub.s32 $0x0, s21;
	[sflag:s23] =	ssyncset.done $0x0  }
0xa2: {  	[sflag:s23] =	ssyncadd.s32 s6;
	_ =	sdelay $0x1  }
0xa3: {  	s24 =	simm.s32 $0x1B8B  }
0xa4: {  	_ =	swait.ge [sflag:s24], $0x1  }
0xa5: {  	[sflag:s24] =	ssyncset.done $0x0  }
0xa6: {  	s25 =	simm.s32 $0x1B8E;
	[sflag:s24] =	ssyncadd.s32 $0xFFFFFFFF  }
0xa7: {  	s26 =	simm.s32 $execute0_lowered;
	[smem:$0x3FD2] =	sst s25  }
0xa8: {  	s6 =	sshll.u32 s26, $0x1;
	_ =	strace $0x80000046;
	[dreg:$0x1] =	wrdreg $0xFFFFFFFF  }
0xa9: {  	s28 =	simm.s32 $_size_execute0_lowered;
	s5 =	sadd.s32 s5, s6;
	[dreg:$0x0] =	wrdreg $0x0  }
0xaa: {  	s6 =	sshll.u32 s28, $0x1;
	[dreg:$0x2] =	wrdreg s5  }
0xab: {  	[dreg:$0x3] =	wrdreg s6  }
0xac: {  	[dreg:$0x4] =	wrdreg $0xC0  }
0xad: {  	_ =	task [dreg:s9], $0x5FFFF  }
0xae: {  	[dreg:$0x1] =	wrdreg $0xFFFFFFFF  }
0xaf: {  	[dreg:$0x0] =	wrdreg $0x60  }
0xb0: {  	[dreg:$0x2] =	wrdreg s2  }
0xb1: {  	[dreg:$0x3] =	wrdreg s19  }
0xb2: {  	[dreg:$0x4] =	wrdreg s4  }
0xb3: {  	[dreg:$0x5] =	wrdreg $0x9  }
0xb4: {  	_ =	task.clear_ibuf [dreg:s9], $0x6FFFF;
	_ =	strace $0x90000046  }
0xb5: {  	s29 =	simm.s32 $0x9;
	_ =	strace $0x80000048  }
0xb6: {  	_ =	swait.ge [sflag:s29], $0x1  }
0xb7: {  	[sflag:s29] =	ssyncadd.s32 $0xFFFFFFFF  }
0xb8: {  	_ =	strace $0x90000048  }
0xb9: {  	_ =	sfence  }
0xba: {  	s30 =	sld [smem:$0x0];
	_ =	sdelay $0x2  }
0xbb: {  	s31 =	sshll.u32 s1, $0xD;
	s1 =	sshrl.u32 s1, $0x2  }
0xbc: {  	s3 =	sand.u32 $0x4000, s31;
	s1 =	sadd.s32 s1, s30  }
0xbd: {  	s0 =	sor.u32 s3, s0;
	s1 =	sshll.u32 s1, $0x11  }
0xbe: {  	s0 =	sor.u32 s1, s0  }
0xbf: {  	s0 =	sadd.s32 $0x8F2B, s0  }
0xc0: {  	[sflag:s0] =	ssyncadd.remote.s32 $0x1  }
0xc1: {  	_ =	sfence.sel $0xFFFF  }
0xc2: {  	[dreg:$0x0] =	wrdreg $0xFFFFFFFF;
	(pc) =	sbr.abs _section_cstart, $3  }
0xc3: {  	[dreg:$0x1] =	wrdreg $0xFFFFFFFF  }
0xc4: {  	_ =	task.clear_ibuf [dreg:s9], $0x2FFFF;
	_ =	strace $0x9FFFFFFF  }
0xc5: {  	(tm) =	ssettm $0x7FFFFFFF  }
tec
execute0_lowered:
.L_overlay_start_1:
0x0: {  	(tag) =	ssettag $0x1  }
0x1: {  	s0 =	rddreg [dreg:$0x0];
	s1 =	srdreg.scid  }
0x2: {  	s2 =	rddreg [dreg:$0x1];
	s3 =	sand.u32 $0x1, s1  }
0x3: {  	s4 =	rddreg [dreg:$0x2];
	s7 =	stileid.u32;
	s5 =	ssub.s32 $0x2, s3  }
0x4: {  	s7 =	sshll.u32 s7, $0xE;
	s3 =	sshll.u32 s3, $0xD;
	s6 =	sshrl.u32 s5, $0x1  }
0x5: {  	s1 =	simm.s32 $0x0;
	s5 =	ssub.s32 s5, s6;
	s6 =	sor.u32 s3, s7  }
0x6: {  	[smem:$0x7FF] =	sst s1;
	s3 =	sadd.s32 s2, s6;
	s15 =	sor.u32 $0x800, s6  }
0x7: {  	s7 =	sor.u32 $0x1000, s6;
	[dreg:$0x4] =	wrdreg s3;
	s8 =	sadd.s32 s2, s15  }
0x8: {  	s17 =	sor.u32 $0x40000, s6;
	s16 =	sadd.s32 s2, s7;
	[dreg:$0x5] =	wrdreg s8  }
0x9: {  	s9 =	sor.u32 $0x80000, s6;
	s10 =	sadd.s32 s0, s17;
	[dreg:$0x6] =	wrdreg s16  }
0xa: {  	s19 =	sor.u32 $0xC0000, s6;
	s18 =	sadd.s32 s0, s9;
	[dreg:$0x8] =	wrdreg s10  }
0xb: {  	s20 =	sadd.s32 s0, s19;
	[dreg:$0x9] =	wrdreg s18  }
0xc: {  	s21 =	sadd.s32 s4, s9;
	[dreg:$0xb] =	wrdreg s20  }
0xd: {  	s22 =	sadd.s32 s0, s15;
	[dreg:$0xc] =	wrdreg s21  }
0xe: {  	s24 =	sor.u32 $0x40800, s6;
	s23 =	sadd.s32 s4, s19;
	[dreg:$0xd] =	wrdreg s22  }
0xf: {  	s25 =	sadd.s32 s0, s24;
	[dreg:$0xe] =	wrdreg s23  }
0x10: {  	s11 =	sor.u32 $0xC0800, s6;
	s3 =	sadd.s32 s4, s15;
	[dreg:$0xf] =	wrdreg s25  }
0x11: {  	s12 =	sadd.s32 s0, s11;
	[dreg:$0x10] =	wrdreg s3  }
0x12: {  	s13 =	sadd.s32 s0, s7;
	[dreg:$0x13] =	wrdreg s12  }
0x13: {  	s26 =	sor.u32 $0x80800, s6;
	s14 =	sadd.s32 s4, s7;
	[dreg:$0x16] =	wrdreg s13  }
0x14: {  	s10 =	sadd.s32 s0, s26;
	[dreg:$0x17] =	wrdreg s14  }
0x15: {  	s15 =	sor.u32 $0x41000, s6;
	s3 =	sadd.s32 s4, s26;
	[dreg:$0x11] =	wrdreg s10  }
0x16: {  	s19 =	sor.u32 $0xC1000, s6;
	s16 =	sadd.s32 s0, s15;
	[dreg:$0x14] =	wrdreg s3  }
0x17: {  	s20 =	sadd.s32 s0, s19;
	[dreg:$0x18] =	wrdreg s16  }
0x18: {  	s8 =	sor.u32 $0x1800, s6;
	s25 =	sadd.s32 s0, s6;
	[dreg:$0x1c] =	wrdreg s20  }
0x19: {  	s2 =	sadd.s32 s2, s8;
	[smem:$0x7E9] =	sst s25  }
0x1a: {  	s22 =	sadd.s32 s0, s8;
	[dreg:$0x7] =	wrdreg s2  }
0x1b: {  	s26 =	sor.u32 $0x81800, s6;
	s23 =	sadd.s32 s4, s8;
	[dreg:$0x1e] =	wrdreg s22  }
0x1c: {  	s8 =	sadd.s32 s0, s26;
	[dreg:$0x1f] =	wrdreg s23  }
0x1d: {  	s9 =	sadd.s32 s4, s26;
	[smem:$0x7EA] =	sst s8  }
0x1e: {  	s21 =	sor.u32 $0x41800, s6;
	s2 =	sadd.s32 s4, s17;
	[smem:$0x7EC] =	sst s9  }
0x1f: {  	s17 =	sor.u32 $0x81000, s6;
	[dreg:$0xa] =	wrdreg s2;
	s2 =	sadd.s32 s4, s24  }
0x20: {  	s3 =	sadd.s32 s4, s6;
	s18 =	sadd.s32 s0, s17;
	[dreg:$0x12] =	wrdreg s2  }
0x21: {  	s6 =	sor.u32 $0xC1800, s6;
	s24 =	sadd.s32 s0, s21;
	[dreg:$0x1a] =	wrdreg s18  }
0x22: {  	s0 =	sadd.s32 s0, s6;
	[smem:$0x7E7] =	sst s24  }
0x23: {  	s10 =	sadd.s32 s4, s6;
	[smem:$0x7EB] =	sst s0  }
0x24: {  	s2 =	sadd.s32 s4, s11;
	[smem:$0x7ED] =	sst s10  }
0x25: {  	[dreg:$0x15] =	wrdreg s2;
	s2 =	sadd.s32 s4, s15  }
0x26: {  	[dreg:$0x19] =	wrdreg s2;
	s2 =	sadd.s32 s4, s17  }
0x27: {  	[dreg:$0x1b] =	wrdreg s2;
	s2 =	sadd.s32 s4, s19  }
0x28: {  	[dreg:$0x1d] =	wrdreg s2;
	s2 =	sadd.s32 s4, s21  }
0x29: {  	s11 =	smax.u32 s5, $0x1;
	[smem:$0x7E8] =	sst s2  }
0x2a: {  	s12 =	sadd.s32 $0x400, s3;
	_ =	strace $0x80000047;
	[smem:$0x7EE] =	sst s11  }
0x2b: {  	s13 =	sadd.s32 $0x40400, s3;
	[smem:$0x7EF] =	sst s12  }
0x2c: {  	s14 =	sadd.s32 $0x80400, s3;
	[smem:$0x7F0] =	sst s13  }
0x2d: {  	s28 =	simm.s32 $0x1;
	s15 =	sadd.s32 $0xC0400, s3;
	[smem:$0x7F1] =	sst s14  }
0x2e: {  	s29 =	simm.s32 $0x2000;
	s16 =	sadd.s32 $0xC00, s3;
	[smem:$0x7F2] =	sst s15  }
0x2f: {  	s30 =	simm.s32 $0x8000;
	s17 =	sadd.s32 $0x40C00, s3;
	[smem:$0x7F3] =	sst s16  }
0x30: {  	s31 =	simm.s32 $0x2;
	s18 =	sadd.s32 $0x80C00, s3;
	[smem:$0x7F4] =	sst s17  }
0x31: {  	s7 =	simm.s32 $0x6;
	s19 =	sadd.s32 $0xC0C00, s3;
	[smem:$0x7F5] =	sst s18  }
0x32: {  	s20 =	sadd.s32 $0x1400, s3;
	s22 =	sadd.s32 $0x81400, s3;
	[smem:$0x7F6] =	sst s19  }
0x33: {  	s23 =	sadd.s32 $0xC1400, s3;
	s21 =	sadd.s32 $0x41400, s3;
	[smem:$0x7F7] =	sst s20  }
0x34: {  	s25 =	sadd.s32 $0x41C00, s3;
	s26 =	sadd.s32 $0x81C00, s3;
	[smem:$0x7F8] =	sst s21  }
0x35: {  	s8 =	simm.s32 $0x8;
	s9 =	simm.s32 $0x9;
	[smem:$0x7F9] =	sst s22  }
0x36: {  	s6 =	simm.s32 $0x5;
	s24 =	sadd.s32 $0x1C00, s3;
	[smem:$0x7FA] =	sst s23  }
0x37: {  	s0 =	simm.s32 $0x6000;
	s5 =	simm.s32 $0xA000;
	[smem:$0x7FB] =	sst s24  }
0x38: {  	s10 =	simm.s32 $0xA;
	s4 =	simm.s32 $0x3;
	[smem:$0x7FC] =	sst s25  }
0x39: {  	s2 =	simm.s32 $0x4;
	[smem:$0x7FD] =	sst s26;
	s24 =	sadd.s32 $0xC1C00, s3  }
0x3a: {  	s25 =	simm.s32 $0x4000;
	s26 =	simm.s32 $0x7;
	s11 =	simm.s32 $0x0  }
.LBB2_1:
0x3b: {  	s12 =	rddreg [dreg:$0x4]  }
0x3c: {  	s13 =	simm.s32 $0xC000;
	s16 =	rddreg [dreg:$0x5]  }
0x3d: {  	[tilespmem:s13], [sflag:$0x7] =	stream.linear.gather [hbm4b:s12+s1], $0x4000, $0x38;
	[tilespmem:$0x1C000] =	vst v63  }
0x3e: {  	s17 =	simm.s32 $0x10000;
	s18 =	rddreg [dreg:$0x6]  }
0x3f: {  	[tilespmem:s17], [sflag:$0x8] =	stream.linear.gather [hbm4b:s16+s1], $0x4000, $0x38;
	[tilespmem:$0x1C000] =	vst v63  }
0x40: {  	s19 =	simm.s32 $0x14000;
	s20 =	rddreg [dreg:$0x7]  }
0x41: {  	[tilespmem:s19], [sflag:$0x9] =	stream.linear.gather [hbm4b:s18+s1], $0x4000, $0x38;
	[tilespmem:$0x1C000] =	vst v63  }
0x42: {  	s21 =	simm.s32 $0x18000;
	s22 =	sld [smem:$0x7E9]  }
0x43: {  	[tilespmem:s21], [sflag:$0xA] =	stream.linear.gather [hbm4b:s20+s1], $0x4000, $0x38;
	[tilespmem:$0x1C000] =	vst v63  }
0x44: {  	_ = 	snop  }
0x45: {  	[tilespmem:s1], [sflag:$0x1] =	stream.linear.gather [hbm4b:s22+s1], $0x4000, $0x38;
	[tilespmem:$0x1C000] =	vst v63  }
0x46: {  	s23 =	rddreg [dreg:$0x8]  }
0x47: {  	[tilespmem:s25], [sflag:$0x2] =	stream.linear.gather [hbm4b:s23+s1], $0x4000, $0x38;
	[tilespmem:$0x1C000] =	vst v63  }
0x48: {  	_ =	swait.ge [sflag:s26], $0x4000  }
0x49: {  	[sflag:s26] =	ssyncset.done $0x0  }
0x4a: {  	[sflag:s26] =	ssyncadd.s32 $0xFFFFC000  }
0x4b: {  	_ =	swait.ge [sflag:s28], $0x4000  }
0x4c: {  	[sflag:s28] =	ssyncset.done $0x0  }
0x4d: {  	s12 =	simm.s32 $0x0;
	s13 =	simm.s32 $0x0;
	[sflag:s28] =	ssyncadd.s32 $0xFFFFC000  }
.LBB2_2:
0x4e: {  	s14 =	sshra.s32 s12, $0x2  }
0x4f: {  	v0 =	vld [tilespmem:s14+$0xC070]  }
0x50: {  	v1 =	vld [tilespmem:s14+$0xC000]  }
0x51: {  	v2 =	vld [tilespmem:s14+$0xC010]  }
0x52: {  	v3 =	vld [tilespmem:s14+$0xC020]  }
0x53: {  	v4 =	vld [tilespmem:s14+$0xC030]  }
0x54: {  	v5 =	vld [tilespmem:s14+$0xC040]  }
0x55: {  	v6 =	vld [tilespmem:s14+$0xC050]  }
0x56: {  	[tilespmem:s14+$0x70] =	vst.add.f32.msk $0xffff, v0  }
0x57: {  	v0 =	vld [tilespmem:s14+$0xC060]  }
0x58: {  	[tilespmem:s14+$0x0] =	vst.add.f32.msk $0xffff, v1  }
0x59: {  	[tilespmem:s14+$0x10] =	vst.add.f32.msk $0xffff, v2  }
0x5a: {  	[tilespmem:s14+$0x20] =	vst.add.f32.msk $0xffff, v3  }
0x5b: {  	[tilespmem:s14+$0x30] =	vst.add.f32.msk $0xffff, v4  }
0x5c: {  	[tilespmem:s14+$0x40] =	vst.add.f32.msk $0xffff, v5  }
0x5d: {  	s15 =	simm.s32 $0x0;
	s16 =	sadd.s32 $0x1000, s12;
	[tilespmem:s14+$0x50] =	vst.add.f32.msk $0xffff, v6  }
.LBB2_3:
0x5e: {  	s15 =	sadd.s32 $0x80, s15;
	[tilespmem:s14+$0x60] =	vst.add.f32.msk $0xffff, v0;
	s14 =	sshra.s32 s16, $0x2  }
0x5f: {  	v0 =	vld [tilespmem:s14+$0xC070];
	p0 =	slt.u32 s15, $0x380  }
0x60: {  	v1 =	vld [tilespmem:s14+$0xC000]  }
0x61: {  	v2 =	vld [tilespmem:s14+$0xC010]  }
0x62: {  	v3 =	vld [tilespmem:s14+$0xC020]  }
0x63: {  	v4 =	vld [tilespmem:s14+$0xC030]  }
0x64: {  	[tilespmem:s14+$0x70] =	vst.add.f32.msk $0xffff, v0  }
0x65: {  	v5 =	vld [tilespmem:s14+$0xC040]  }
0x66: {  	v6 =	vld [tilespmem:s14+$0xC050]  }
0x67: {  	v0 =	vld [tilespmem:s14+$0xC060]  }
0x68: {  	[tilespmem:s14+$0x0] =	vst.add.f32.msk $0xffff, v1  }
.Ltmp0:
0x69: {  	[tilespmem:s14+$0x10] =	vst.add.f32.msk $0xffff, v2;
	(pc) =	sbr.rel @p0 .LBB2_3-.Ltmp0, $4  }
0x6a: {  	[tilespmem:s14+$0x20] =	vst.add.f32.msk $0xffff, v3  }
0x6b: {  	[tilespmem:s14+$0x30] =	vst.add.f32.msk $0xffff, v4  }
0x6c: {  	[tilespmem:s14+$0x40] =	vst.add.f32.msk $0xffff, v5  }
0x6d: {  	s16 =	sadd.s32 $0x1000, s16;
	[tilespmem:s14+$0x50] =	vst.add.f32.msk $0xffff, v6  }
0x6e: {  	s13 =	sadd.s32 $0x1, s13  }
0x6f: {  	p0 =	sne.s32 s13, $0x8  }
.Ltmp1:
0x70: {  	_ = 	snop;
	(pc) =	sbr.rel @p0 .LBB2_2-.Ltmp1, $2  }
0x71: {  	_ =	sdelay $0x2  }
0x72: {  	[tilespmem:s14+$0x60] =	vst.add.f32.msk $0xffff, v0;
	s12 =	sadd.s32 $0x200, s12  }
0x73: {  	s12 =	simm.s32 $0x0  }
0x74: {  	s13 =	simm.s32 $0x8;
	s14 =	simm.s32 $0x2000;
	s15 =	simm.s32 $0xC000  }
0x75: {  	[hbm4b:s3+s12] =	stream.linear.scatter [tilespmem:s12], [sflag:$0x4], $0x2000, $0x38;
	[tilespmem:$0x1C000] =	vst v63  }
.LBB2_6:
0x76: {  	s16 =	sshll.u32 s14, $0x2  }
0x77: {  	s16 =	sand.u32 $0xFFFF8000, s16  }
0x78: {  	s16 =	sshra.s32 s16, $0x2  }
0x79: {  	v0 =	vmov s16;
	_ =	sdelay $0x4  }
0x7a: {  	v1 =	vld.idx.msk [tilespmem:v0+s15+$0x70 ss:$0x1], $0xffff  }
0x7b: {  	v2 =	vld.idx.msk [tilespmem:v0+s15+$0x10 ss:$0x1], $0xffff  }
0x7c: {  	v3 =	vld.idx.msk [tilespmem:v0+s15+$0x20 ss:$0x1], $0xffff  }
0x7d: {  	v4 =	vld.idx.msk [tilespmem:v0+s15+$0x30 ss:$0x1], $0xffff  }
0x7e: {  	v5 =	vld.idx.msk [tilespmem:v0+s15+$0x40 ss:$0x1], $0xffff  }
0x7f: {  	v6 =	vld.idx.msk [tilespmem:v0+s15+$0x50 ss:$0x1], $0xffff  }
0x80: {  	s18 =	sadd.s32 s16, s12;
	v7 =	vld.idx.msk [tilespmem:v0+s15+$0x0 ss:$0x1], $0xffff  }
0x81: {  	[tilespmem:s18+$0x70] =	vst.add.f32.msk $0xffff, v1  }
0x82: {  	v1 =	vld.idx.msk [tilespmem:v0+s15+$0x60 ss:$0x1], $0xffff  }
0x83: {  	[tilespmem:s18+$0x10] =	vst.add.f32.msk $0xffff, v2  }
0x84: {  	[tilespmem:s18+$0x20] =	vst.add.f32.msk $0xffff, v3  }
0x85: {  	[tilespmem:s18+$0x30] =	vst.add.f32.msk $0xffff, v4  }
0x86: {  	[tilespmem:s18+$0x40] =	vst.add.f32.msk $0xffff, v5  }
0x87: {  	[tilespmem:s18+$0x50] =	vst.add.f32.msk $0xffff, v6  }
0x88: {  	[tilespmem:s18+$0x0] =	vst.add.f32.msk $0xffff, v7  }
0x89: {  	s17 =	simm.s32 $0x0;
	s19 =	smov.u32 s12;
	[tilespmem:s18+$0x60] =	vst.add.f32.msk $0xffff, v1;
	s18 =	sadd.s32 $0x400, s15  }
.LBB2_7:
0x8a: {  	v1 =	vld.idx.msk [tilespmem:v0+s18+$0x70 ss:$0x1], $0xffff;
	s17 =	sadd.s32 $0x80, s17  }
0x8b: {  	v2 =	vld.idx.msk [tilespmem:v0+s18+$0x10 ss:$0x1], $0xffff;
	p0 =	slt.u32 s17, $0x380  }
0x8c: {  	v3 =	vld.idx.msk [tilespmem:v0+s18+$0x20 ss:$0x1], $0xffff  }
0x8d: {  	v4 =	vld.idx.msk [tilespmem:v0+s18+$0x30 ss:$0x1], $0xffff  }
0x8e: {  	s19 =	sadd.s32 $0x400, s19;
	v5 =	vld.idx.msk [tilespmem:v0+s18+$0x40 ss:$0x1], $0xffff  }
0x8f: {  	s20 =	sadd.s32 s16, s19;
	v6 =	vld.idx.msk [tilespmem:v0+s18+$0x50 ss:$0x1], $0xffff  }
0x90: {  	[tilespmem:s20+$0x70] =	vst.add.f32.msk $0xffff, v1  }
0x91: {  	v1 =	vld.idx.msk [tilespmem:v0+s18+$0x60 ss:$0x1], $0xffff  }
0x92: {  	v7 =	vld.idx.msk [tilespmem:v0+s18+$0x0 ss:$0x1], $0xffff  }
0x93: {  	[tilespmem:s20+$0x10] =	vst.add.f32.msk $0xffff, v2  }
0x94: {  	[tilespmem:s20+$0x20] =	vst.add.f32.msk $0xffff, v3  }
.Ltmp2:
0x95: {  	[tilespmem:s20+$0x30] =	vst.add.f32.msk $0xffff, v4;
	(pc) =	sbr.rel @p0 .LBB2_7-.Ltmp2, $4  }
0x96: {  	[tilespmem:s20+$0x40] =	vst.add.f32.msk $0xffff, v5  }
0x97: {  	[tilespmem:s20+$0x50] =	vst.add.f32.msk $0xffff, v6  }
0x98: {  	[tilespmem:s20+$0x0] =	vst.add.f32.msk $0xffff, v7  }
0x99: {  	s18 =	sadd.s32 $0x400, s18;
	[tilespmem:s20+$0x60] =	vst.add.f32.msk $0xffff, v1  }
0x9a: {  	s13 =	sadd.s32 $0x1, s13  }
0x9b: {  	p0 =	sne.s32 s13, $0x10  }
.Ltmp3:
0x9c: {  	_ = 	snop;
	(pc) =	sbr.rel @p0 .LBB2_6-.Ltmp3, $2  }
0x9d: {  	_ =	sdelay $0x2  }
0x9e: {  	s14 =	sadd.s32 $0x400, s14;
	s12 =	sadd.s32 $0x80, s12;
	s15 =	sadd.s32 $0x80, s15  }
0x9f: {  	s13 =	sld [smem:$0x7EF];
	_ =	sdelay $0x1  }
0xa0: {  	s12 =	simm.s32 $0x0  }
0xa1: {  	[hbm4b:s13+s12] =	stream.linear.scatter [tilespmem:s29], [sflag:$0x4], $0x2000, $0x38;
	[tilespmem:$0x1C000] =	vst v63  }
0xa2: {  	s23 =	rddreg [dreg:$0x9]  }
0xa3: {  	[tilespmem:s30], [sflag:$0x3] =	stream.linear.gather [hbm4b:s23+s12], $0x4000, $0x38;
	[tilespmem:$0x1C000] =	vst v63  }
0xa4: {  	_ =	swait.ge [sflag:s31], $0x4000  }
0xa5: {  	[sflag:s31] =	ssyncset.done $0x0  }
0xa6: {  	s13 =	simm.s32 $0x0;
	[sflag:s31] =	ssyncadd.s32 $0xFFFFC000  }
.LBB2_10:
0xa7: {  	s14 =	sshra.s32 s12, $0x2  }
0xa8: {  	v0 =	vld [tilespmem:s14+$0xC070]  }
0xa9: {  	v1 =	vld [tilespmem:s14+$0xC000]  }
0xaa: {  	v2 =	vld [tilespmem:s14+$0xC010]  }
0xab: {  	v3 =	vld [tilespmem:s14+$0xC020]  }
0xac: {  	v4 =	vld [tilespmem:s14+$0xC030]  }
0xad: {  	v5 =	vld [tilespmem:s14+$0xC040]  }
0xae: {  	v6 =	vld [tilespmem:s14+$0xC050]  }
0xaf: {  	[tilespmem:s14+$0x4070] =	vst.add.f32.msk $0xffff, v0  }
0xb0: {  	v0 =	vld [tilespmem:s14+$0xC060]  }
0xb1: {  	[tilespmem:s14+$0x4000] =	vst.add.f32.msk $0xffff, v1  }
0xb2: {  	[tilespmem:s14+$0x4010] =	vst.add.f32.msk $0xffff, v2  }
0xb3: {  	[tilespmem:s14+$0x4020] =	vst.add.f32.msk $0xffff, v3  }
0xb4: {  	[tilespmem:s14+$0x4030] =	vst.add.f32.msk $0xffff, v4  }
0xb5: {  	[tilespmem:s14+$0x4040] =	vst.add.f32.msk $0xffff, v5  }
0xb6: {  	s15 =	simm.s32 $0x0;
	s16 =	sadd.s32 $0x1000, s12;
	[tilespmem:s14+$0x4050] =	vst.add.f32.msk $0xffff, v6  }
.LBB2_11:
0xb7: {  	s15 =	sadd.s32 $0x80, s15;
	[tilespmem:s14+$0x4060] =	vst.add.f32.msk $0xffff, v0;
	s14 =	sshra.s32 s16, $0x2  }
0xb8: {  	v0 =	vld [tilespmem:s14+$0xC070];
	p0 =	slt.u32 s15, $0x380  }
0xb9: {  	v1 =	vld [tilespmem:s14+$0xC000]  }
0xba: {  	v2 =	vld [tilespmem:s14+$0xC010]  }
0xbb: {  	v3 =	vld [tilespmem:s14+$0xC020]  }
0xbc: {  	v4 =	vld [tilespmem:s14+$0xC030]  }
0xbd: {  	[tilespmem:s14+$0x4070] =	vst.add.f32.msk $0xffff, v0  }
0xbe: {  	v5 =	vld [tilespmem:s14+$0xC040]  }
0xbf: {  	v6 =	vld [tilespmem:s14+$0xC050]  }
0xc0: {  	v0 =	vld [tilespmem:s14+$0xC060]  }
0xc1: {  	[tilespmem:s14+$0x4000] =	vst.add.f32.msk $0xffff, v1  }
.Ltmp4:
0xc2: {  	[tilespmem:s14+$0x4010] =	vst.add.f32.msk $0xffff, v2;
	(pc) =	sbr.rel @p0 .LBB2_11-.Ltmp4, $4  }
0xc3: {  	[tilespmem:s14+$0x4020] =	vst.add.f32.msk $0xffff, v3  }
0xc4: {  	[tilespmem:s14+$0x4030] =	vst.add.f32.msk $0xffff, v4  }
0xc5: {  	[tilespmem:s14+$0x4040] =	vst.add.f32.msk $0xffff, v5  }
0xc6: {  	s16 =	sadd.s32 $0x1000, s16;
	[tilespmem:s14+$0x4050] =	vst.add.f32.msk $0xffff, v6  }
0xc7: {  	s13 =	sadd.s32 $0x1, s13  }
0xc8: {  	p0 =	sne.s32 s13, $0x8  }
.Ltmp5:
0xc9: {  	_ = 	snop;
	(pc) =	sbr.rel @p0 .LBB2_10-.Ltmp5, $2  }
0xca: {  	_ =	sdelay $0x2  }
0xcb: {  	[tilespmem:s14+$0x4060] =	vst.add.f32.msk $0xffff, v0;
	s12 =	sadd.s32 $0x200, s12  }
0xcc: {  	s20 =	simm.s32 $0x0;
	s21 =	simm.s32 $0x4000;
	s12 =	rddreg [dreg:$0xa]  }
0xcd: {  	s14 =	simm.s32 $0x8;
	s15 =	simm.s32 $0x2000;
	s16 =	simm.s32 $0xC000  }
0xce: {  	[hbm4b:s12+s20] =	stream.linear.scatter [tilespmem:s21], [sflag:$0x5], $0x2000, $0x38;
	[tilespmem:$0x1C000] =	vst v63  }
.LBB2_14:
0xcf: {  	s12 =	sshll.u32 s15, $0x2  }
0xd0: {  	s12 =	sand.u32 $0xFFFF8000, s12  }
0xd1: {  	s17 =	sshra.s32 s12, $0x2  }
0xd2: {  	v0 =	vmov s17;
	_ =	sdelay $0x4  }
0xd3: {  	v1 =	vld.idx.msk [tilespmem:v0+s16+$0x70 ss:$0x1], $0xffff  }
0xd4: {  	v2 =	vld.idx.msk [tilespmem:v0+s16+$0x10 ss:$0x1], $0xffff  }
0xd5: {  	v3 =	vld.idx.msk [tilespmem:v0+s16+$0x20 ss:$0x1], $0xffff  }
0xd6: {  	v4 =	vld.idx.msk [tilespmem:v0+s16+$0x30 ss:$0x1], $0xffff  }
0xd7: {  	v5 =	vld.idx.msk [tilespmem:v0+s16+$0x40 ss:$0x1], $0xffff  }
0xd8: {  	v6 =	vld.idx.msk [tilespmem:v0+s16+$0x50 ss:$0x1], $0xffff  }
0xd9: {  	s12 =	sadd.s32 s17, s20;
	v7 =	vld.idx.msk [tilespmem:v0+s16+$0x0 ss:$0x1], $0xffff  }
0xda: {  	[tilespmem:s12+$0x4070] =	vst.add.f32.msk $0xffff, v1  }
0xdb: {  	v1 =	vld.idx.msk [tilespmem:v0+s16+$0x60 ss:$0x1], $0xffff  }
0xdc: {  	[tilespmem:s12+$0x4010] =	vst.add.f32.msk $0xffff, v2  }
0xdd: {  	[tilespmem:s12+$0x4020] =	vst.add.f32.msk $0xffff, v3  }
0xde: {  	[tilespmem:s12+$0x4030] =	vst.add.f32.msk $0xffff, v4  }
0xdf: {  	[tilespmem:s12+$0x4040] =	vst.add.f32.msk $0xffff, v5  }
0xe0: {  	s13 =	sadd.s32 s17, s21;
	[tilespmem:s12+$0x4050] =	vst.add.f32.msk $0xffff, v6  }
0xe1: {  	s18 =	simm.s32 $0x0;
	[tilespmem:s13+$0x0] =	vst.add.f32.msk $0xffff, v7  }
0xe2: {  	s19 =	sadd.s32 $0x400, s16;
	s13 =	smov.u32 s21;
	[tilespmem:s12+$0x4060] =	vst.add.f32.msk $0xffff, v1;
	s12 =	smov.u32 s20  }
.LBB2_15:
0xe3: {  	v1 =	vld.idx.msk [tilespmem:v0+s19+$0x70 ss:$0x1], $0xffff;
	s18 =	sadd.s32 $0x80, s18  }
0xe4: {  	v2 =	vld.idx.msk [tilespmem:v0+s19+$0x10 ss:$0x1], $0xffff;
	p0 =	slt.u32 s18, $0x380  }
0xe5: {  	v3 =	vld.idx.msk [tilespmem:v0+s19+$0x20 ss:$0x1], $0xffff  }
0xe6: {  	v4 =	vld.idx.msk [tilespmem:v0+s19+$0x30 ss:$0x1], $0xffff  }
0xe7: {  	s12 =	sadd.s32 $0x400, s12;
	v5 =	vld.idx.msk [tilespmem:v0+s19+$0x40 ss:$0x1], $0xffff  }
0xe8: {  	s22 =	sadd.s32 s17, s12;
	v6 =	vld.idx.msk [tilespmem:v0+s19+$0x50 ss:$0x1], $0xffff  }
0xe9: {  	[tilespmem:s22+$0x4070] =	vst.add.f32.msk $0xffff, v1  }
0xea: {  	v1 =	vld.idx.msk [tilespmem:v0+s19+$0x60 ss:$0x1], $0xffff  }
0xeb: {  	v7 =	vld.idx.msk [tilespmem:v0+s19+$0x0 ss:$0x1], $0xffff  }
0xec: {  	[tilespmem:s22+$0x4010] =	vst.add.f32.msk $0xffff, v2  }
0xed: {  	[tilespmem:s22+$0x4020] =	vst.add.f32.msk $0xffff, v3  }
.Ltmp6:
0xee: {  	[tilespmem:s22+$0x4030] =	vst.add.f32.msk $0xffff, v4;
	(pc) =	sbr.rel @p0 .LBB2_15-.Ltmp6, $4  }
0xef: {  	s13 =	sadd.s32 $0x400, s13;
	[tilespmem:s22+$0x4040] =	vst.add.f32.msk $0xffff, v5  }
0xf0: {  	s23 =	sadd.s32 s17, s13;
	[tilespmem:s22+$0x4050] =	vst.add.f32.msk $0xffff, v6  }
0xf1: {  	[tilespmem:s23+$0x0] =	vst.add.f32.msk $0xffff, v7  }
0xf2: {  	s19 =	sadd.s32 $0x400, s19;
	[tilespmem:s22+$0x4060] =	vst.add.f32.msk $0xffff, v1  }
0xf3: {  	s14 =	sadd.s32 $0x1, s14  }
0xf4: {  	p0 =	sne.s32 s14, $0x10  }
.Ltmp7:
0xf5: {  	_ = 	snop;
	(pc) =	sbr.rel @p0 .LBB2_14-.Ltmp7, $3  }
0xf6: {  	_ =	sdelay $0x1  }
0xf7: {  	s15 =	sadd.s32 $0x400, s15  }
0xf8: {  	s21 =	sadd.s32 $0x80, s21;
	s20 =	sadd.s32 $0x80, s20;
	s16 =	sadd.s32 $0x80, s16  }
0xf9: {  	s13 =	sld [smem:$0x7F0];
	_ =	sdelay $0x1  }
0xfa: {  	s12 =	simm.s32 $0x0  }
0xfb: {  	[hbm4b:s13+s12] =	stream.linear.scatter [tilespmem:s0], [sflag:$0x5], $0x2000, $0x38;
	[tilespmem:$0x1C000] =	vst v63  }
0xfc: {  	_ =	swait.ge [sflag:s2], $0x2000  }
0xfd: {  	[sflag:s2] =	ssyncset.done $0x0  }
0xfe: {  	[sflag:s2] =	ssyncadd.s32 $0xFFFFE000  }
0xff: {  	_ =	swait.ge [sflag:s2], $0x2000  }
0x100: {  	[sflag:s2] =	ssyncset.done $0x0  }
0x101: {  	s23 =	rddreg [dreg:$0xb];
	[sflag:s2] =	ssyncadd.s32 $0xFFFFE000  }
0x102: {  	[tilespmem:s12], [sflag:$0x1] =	stream.linear.gather [hbm4b:s23+s12], $0x4000, $0x38;
	[tilespmem:$0x1C000] =	vst v63  }
0x103: {  	_ =	swait.ge [sflag:s4], $0x4000  }
0x104: {  	[sflag:s4] =	ssyncset.done $0x0  }
0x105: {  	s13 =	simm.s32 $0x0;
	[sflag:s4] =	ssyncadd.s32 $0xFFFFC000  }
.LBB2_18:
0x106: {  	s14 =	sshra.s32 s12, $0x2  }
0x107: {  	v0 =	vld [tilespmem:s14+$0xC070]  }
0x108: {  	v1 =	vld [tilespmem:s14+$0xC000]  }
0x109: {  	v2 =	vld [tilespmem:s14+$0xC010]  }
0x10a: {  	v3 =	vld [tilespmem:s14+$0xC020]  }
0x10b: {  	v4 =	vld [tilespmem:s14+$0xC030]  }
0x10c: {  	v5 =	vld [tilespmem:s14+$0xC040]  }
0x10d: {  	v6 =	vld [tilespmem:s14+$0xC050]  }
0x10e: {  	[tilespmem:s14+$0x8070] =	vst.add.f32.msk $0xffff, v0  }
0x10f: {  	v0 =	vld [tilespmem:s14+$0xC060]  }
0x110: {  	[tilespmem:s14+$0x8000] =	vst.add.f32.msk $0xffff, v1  }
0x111: {  	[tilespmem:s14+$0x8010] =	vst.add.f32.msk $0xffff, v2  }
0x112: {  	[tilespmem:s14+$0x8020] =	vst.add.f32.msk $0xffff, v3  }
0x113: {  	[tilespmem:s14+$0x8030] =	vst.add.f32.msk $0xffff, v4  }
0x114: {  	[tilespmem:s14+$0x8040] =	vst.add.f32.msk $0xffff, v5  }
0x115: {  	s15 =	simm.s32 $0x0;
	s16 =	sadd.s32 $0x1000, s12;
	[tilespmem:s14+$0x8050] =	vst.add.f32.msk $0xffff, v6  }
.LBB2_19:
0x116: {  	s15 =	sadd.s32 $0x80, s15;
	[tilespmem:s14+$0x8060] =	vst.add.f32.msk $0xffff, v0;
	s14 =	sshra.s32 s16, $0x2  }
0x117: {  	v0 =	vld [tilespmem:s14+$0xC070];
	p0 =	slt.u32 s15, $0x380  }
0x118: {  	v1 =	vld [tilespmem:s14+$0xC000]  }
0x119: {  	v2 =	vld [tilespmem:s14+$0xC010]  }
0x11a: {  	v3 =	vld [tilespmem:s14+$0xC020]  }
0x11b: {  	v4 =	vld [tilespmem:s14+$0xC030]  }
0x11c: {  	[tilespmem:s14+$0x8070] =	vst.add.f32.msk $0xffff, v0  }
0x11d: {  	v5 =	vld [tilespmem:s14+$0xC040]  }
0x11e: {  	v6 =	vld [tilespmem:s14+$0xC050]  }
0x11f: {  	v0 =	vld [tilespmem:s14+$0xC060]  }
0x120: {  	[tilespmem:s14+$0x8000] =	vst.add.f32.msk $0xffff, v1  }
.Ltmp8:
0x121: {  	[tilespmem:s14+$0x8010] =	vst.add.f32.msk $0xffff, v2;
	(pc) =	sbr.rel @p0 .LBB2_19-.Ltmp8, $4  }
0x122: {  	[tilespmem:s14+$0x8020] =	vst.add.f32.msk $0xffff, v3  }
0x123: {  	[tilespmem:s14+$0x8030] =	vst.add.f32.msk $0xffff, v4  }
0x124: {  	[tilespmem:s14+$0x8040] =	vst.add.f32.msk $0xffff, v5  }
0x125: {  	s16 =	sadd.s32 $0x1000, s16;
	[tilespmem:s14+$0x8050] =	vst.add.f32.msk $0xffff, v6  }
0x126: {  	s13 =	sadd.s32 $0x1, s13  }
0x127: {  	p0 =	sne.s32 s13, $0x8  }
.Ltmp9:
0x128: {  	_ = 	snop;
	(pc) =	sbr.rel @p0 .LBB2_18-.Ltmp9, $2  }
0x129: {  	_ =	sdelay $0x2  }
0x12a: {  	[tilespmem:s14+$0x8060] =	vst.add.f32.msk $0xffff, v0;
	s12 =	sadd.s32 $0x200, s12  }
0x12b: {  	s12 =	simm.s32 $0x0;
	s13 =	simm.s32 $0x8000;
	s14 =	rddreg [dreg:$0xc]  }
0x12c: {  	[hbm4b:s14+s12] =	stream.linear.scatter [tilespmem:s13], [sflag:$0x6], $0x2000, $0x38;
	[tilespmem:$0x1C000] =	vst v63  }
0x12d: {  	s15 =	simm.s32 $0x2000;
	s16 =	simm.s32 $0xC000;
	s14 =	simm.s32 $0x8  }
.LBB2_22:
0x12e: {  	s17 =	sshll.u32 s15, $0x2  }
0x12f: {  	s17 =	sand.u32 $0xFFFF8000, s17  }
0x130: {  	s17 =	sshra.s32 s17, $0x2  }
0x131: {  	v0 =	vmov s17;
	_ =	sdelay $0x4  }
0x132: {  	v1 =	vld.idx.msk [tilespmem:v0+s16+$0x70 ss:$0x1], $0xffff  }
0x133: {  	v2 =	vld.idx.msk [tilespmem:v0+s16+$0x10 ss:$0x1], $0xffff  }
0x134: {  	v3 =	vld.idx.msk [tilespmem:v0+s16+$0x20 ss:$0x1], $0xffff  }
0x135: {  	v4 =	vld.idx.msk [tilespmem:v0+s16+$0x30 ss:$0x1], $0xffff  }
0x136: {  	v5 =	vld.idx.msk [tilespmem:v0+s16+$0x40 ss:$0x1], $0xffff  }
0x137: {  	v6 =	vld.idx.msk [tilespmem:v0+s16+$0x50 ss:$0x1], $0xffff  }
0x138: {  	s19 =	sadd.s32 s17, s12;
	v7 =	vld.idx.msk [tilespmem:v0+s16+$0x0 ss:$0x1], $0xffff  }
0x139: {  	[tilespmem:s19+$0x8070] =	vst.add.f32.msk $0xffff, v1  }
0x13a: {  	v1 =	vld.idx.msk [tilespmem:v0+s16+$0x60 ss:$0x1], $0xffff  }
0x13b: {  	[tilespmem:s19+$0x8010] =	vst.add.f32.msk $0xffff, v2  }
0x13c: {  	[tilespmem:s19+$0x8020] =	vst.add.f32.msk $0xffff, v3  }
0x13d: {  	[tilespmem:s19+$0x8030] =	vst.add.f32.msk $0xffff, v4  }
0x13e: {  	[tilespmem:s19+$0x8040] =	vst.add.f32.msk $0xffff, v5  }
0x13f: {  	s18 =	sadd.s32 s17, s13;
	[tilespmem:s19+$0x8050] =	vst.add.f32.msk $0xffff, v6  }
0x140: {  	s20 =	smov.u32 s12;
	[tilespmem:s18+$0x0] =	vst.add.f32.msk $0xffff, v7  }
0x141: {  	s21 =	smov.u32 s13;
	s18 =	simm.s32 $0x0;
	[tilespmem:s19+$0x8060] =	vst.add.f32.msk $0xffff, v1;
	s19 =	sadd.s32 $0x400, s16  }
.LBB2_23:
0x142: {  	v1 =	vld.idx.msk [tilespmem:v0+s19+$0x70 ss:$0x1], $0xffff;
	s18 =	sadd.s32 $0x80, s18  }
0x143: {  	v2 =	vld.idx.msk [tilespmem:v0+s19+$0x10 ss:$0x1], $0xffff;
	p0 =	slt.u32 s18, $0x380  }
0x144: {  	v3 =	vld.idx.msk [tilespmem:v0+s19+$0x20 ss:$0x1], $0xffff  }
0x145: {  	v4 =	vld.idx.msk [tilespmem:v0+s19+$0x30 ss:$0x1], $0xffff  }
0x146: {  	s20 =	sadd.s32 $0x400, s20;
	v5 =	vld.idx.msk [tilespmem:v0+s19+$0x40 ss:$0x1], $0xffff  }
0x147: {  	s22 =	sadd.s32 s17, s20;
	v6 =	vld.idx.msk [tilespmem:v0+s19+$0x50 ss:$0x1], $0xffff  }
0x148: {  	[tilespmem:s22+$0x8070] =	vst.add.f32.msk $0xffff, v1  }
0x149: {  	v1 =	vld.idx.msk [tilespmem:v0+s19+$0x60 ss:$0x1], $0xffff  }
0x14a: {  	v7 =	vld.idx.msk [tilespmem:v0+s19+$0x0 ss:$0x1], $0xffff  }
0x14b: {  	[tilespmem:s22+$0x8010] =	vst.add.f32.msk $0xffff, v2  }
0x14c: {  	[tilespmem:s22+$0x8020] =	vst.add.f32.msk $0xffff, v3  }
.Ltmp10:
0x14d: {  	[tilespmem:s22+$0x8030] =	vst.add.f32.msk $0xffff, v4;
	(pc) =	sbr.rel @p0 .LBB2_23-.Ltmp10, $4  }
0x14e: {  	s21 =	sadd.s32 $0x400, s21;
	[tilespmem:s22+$0x8040] =	vst.add.f32.msk $0xffff, v5  }
0x14f: {  	s23 =	sadd.s32 s17, s21;
	[tilespmem:s22+$0x8050] =	vst.add.f32.msk $0xffff, v6  }
0x150: {  	[tilespmem:s23+$0x0] =	vst.add.f32.msk $0xffff, v7  }
0x151: {  	s19 =	sadd.s32 $0x400, s19;
	[tilespmem:s22+$0x8060] =	vst.add.f32.msk $0xffff, v1  }
0x152: {  	s14 =	sadd.s32 $0x1, s14  }
0x153: {  	p0 =	sne.s32 s14, $0x10  }
.Ltmp11:
0x154: {  	_ = 	snop;
	(pc) =	sbr.rel @p0 .LBB2_22-.Ltmp11, $3  }
0x155: {  	_ =	sdelay $0x1  }
0x156: {  	s15 =	sadd.s32 $0x400, s15  }
0x157: {  	s13 =	sadd.s32 $0x80, s13;
	s12 =	sadd.s32 $0x80, s12;
	s16 =	sadd.s32 $0x80, s16  }
0x158: {  	s13 =	sld [smem:$0x7F1];
	_ =	sdelay $0x1  }
0x159: {  	s12 =	simm.s32 $0x0  }
0x15a: {  	[hbm4b:s13+s12] =	stream.linear.scatter [tilespmem:s5], [sflag:$0x6], $0x2000, $0x38;
	[tilespmem:$0x1C000] =	vst v63  }
0x15b: {  	_ =	swait.ge [sflag:s6], $0x2000  }
0x15c: {  	[sflag:s6] =	ssyncset.done $0x0  }
0x15d: {  	[sflag:s6] =	ssyncadd.s32 $0xFFFFE000  }
0x15e: {  	_ =	swait.ge [sflag:s6], $0x2000  }
0x15f: {  	[sflag:s6] =	ssyncset.done $0x0  }
0x160: {  	s23 =	rddreg [dreg:$0xd];
	[sflag:s6] =	ssyncadd.s32 $0xFFFFE000  }
0x161: {  	[tilespmem:s25], [sflag:$0x2] =	stream.linear.gather [hbm4b:s23+s12], $0x4000, $0x38;
	[tilespmem:$0x1C000] =	vst v63  }
0x162: {  	_ =	swait.ge [sflag:s28], $0x4000  }
0x163: {  	[sflag:s28] =	ssyncset.done $0x0  }
0x164: {  	s13 =	simm.s32 $0x0;
	[sflag:s28] =	ssyncadd.s32 $0xFFFFC000  }
.LBB2_26:
0x165: {  	s14 =	sshra.s32 s12, $0x2  }
0x166: {  	v0 =	vld [tilespmem:s14+$0xC070]  }
0x167: {  	v1 =	vld [tilespmem:s14+$0xC000]  }
0x168: {  	v2 =	vld [tilespmem:s14+$0xC010]  }
0x169: {  	v3 =	vld [tilespmem:s14+$0xC020]  }
0x16a: {  	v4 =	vld [tilespmem:s14+$0xC030]  }
0x16b: {  	v5 =	vld [tilespmem:s14+$0xC040]  }
0x16c: {  	v6 =	vld [tilespmem:s14+$0xC050]  }
0x16d: {  	[tilespmem:s14+$0x70] =	vst.add.f32.msk $0xffff, v0  }
0x16e: {  	v0 =	vld [tilespmem:s14+$0xC060]  }
0x16f: {  	[tilespmem:s14+$0x0] =	vst.add.f32.msk $0xffff, v1  }
0x170: {  	[tilespmem:s14+$0x10] =	vst.add.f32.msk $0xffff, v2  }
0x171: {  	[tilespmem:s14+$0x20] =	vst.add.f32.msk $0xffff, v3  }
0x172: {  	[tilespmem:s14+$0x30] =	vst.add.f32.msk $0xffff, v4  }
0x173: {  	[tilespmem:s14+$0x40] =	vst.add.f32.msk $0xffff, v5  }
0x174: {  	s15 =	simm.s32 $0x0;
	s16 =	sadd.s32 $0x1000, s12;
	[tilespmem:s14+$0x50] =	vst.add.f32.msk $0xffff, v6  }
.LBB2_27:
0x175: {  	s15 =	sadd.s32 $0x80, s15;
	[tilespmem:s14+$0x60] =	vst.add.f32.msk $0xffff, v0;
	s14 =	sshra.s32 s16, $0x2  }
0x176: {  	v0 =	vld [tilespmem:s14+$0xC070];
	p0 =	slt.u32 s15, $0x380  }
0x177: {  	v1 =	vld [tilespmem:s14+$0xC000]  }
0x178: {  	v2 =	vld [tilespmem:s14+$0xC010]  }
0x179: {  	v3 =	vld [tilespmem:s14+$0xC020]  }
0x17a: {  	v4 =	vld [tilespmem:s14+$0xC030]  }
0x17b: {  	[tilespmem:s14+$0x70] =	vst.add.f32.msk $0xffff, v0  }
0x17c: {  	v5 =	vld [tilespmem:s14+$0xC040]  }
0x17d: {  	v6 =	vld [tilespmem:s14+$0xC050]  }
0x17e: {  	v0 =	vld [tilespmem:s14+$0xC060]  }
0x17f: {  	[tilespmem:s14+$0x0] =	vst.add.f32.msk $0xffff, v1  }
.Ltmp12:
0x180: {  	[tilespmem:s14+$0x10] =	vst.add.f32.msk $0xffff, v2;
	(pc) =	sbr.rel @p0 .LBB2_27-.Ltmp12, $4  }
0x181: {  	[tilespmem:s14+$0x20] =	vst.add.f32.msk $0xffff, v3  }
0x182: {  	[tilespmem:s14+$0x30] =	vst.add.f32.msk $0xffff, v4  }
0x183: {  	[tilespmem:s14+$0x40] =	vst.add.f32.msk $0xffff, v5  }
0x184: {  	s16 =	sadd.s32 $0x1000, s16;
	[tilespmem:s14+$0x50] =	vst.add.f32.msk $0xffff, v6  }
0x185: {  	s13 =	sadd.s32 $0x1, s13  }
0x186: {  	p0 =	sne.s32 s13, $0x8  }
.Ltmp13:
0x187: {  	_ = 	snop;
	(pc) =	sbr.rel @p0 .LBB2_26-.Ltmp13, $2  }
0x188: {  	_ =	sdelay $0x2  }
0x189: {  	[tilespmem:s14+$0x60] =	vst.add.f32.msk $0xffff, v0;
	s12 =	sadd.s32 $0x200, s12  }
0x18a: {  	s12 =	simm.s32 $0x0;
	s13 =	rddreg [dreg:$0xe]  }
0x18b: {  	[hbm4b:s13+s12] =	stream.linear.scatter [tilespmem:s12], [sflag:$0x4], $0x2000, $0x38;
	[tilespmem:$0x1C000] =	vst v63  }
0x18c: {  	s14 =	simm.s32 $0x2000;
	s15 =	simm.s32 $0xC000;
	s13 =	simm.s32 $0x8  }
.LBB2_30:
0x18d: {  	s16 =	sshll.u32 s14, $0x2  }
0x18e: {  	s16 =	sand.u32 $0xFFFF8000, s16  }
0x18f: {  	s16 =	sshra.s32 s16, $0x2  }
0x190: {  	v0 =	vmov s16;
	_ =	sdelay $0x4  }
0x191: {  	v1 =	vld.idx.msk [tilespmem:v0+s15+$0x70 ss:$0x1], $0xffff  }
0x192: {  	v2 =	vld.idx.msk [tilespmem:v0+s15+$0x10 ss:$0x1], $0xffff  }
0x193: {  	v3 =	vld.idx.msk [tilespmem:v0+s15+$0x20 ss:$0x1], $0xffff  }
0x194: {  	v4 =	vld.idx.msk [tilespmem:v0+s15+$0x30 ss:$0x1], $0xffff  }
0x195: {  	v5 =	vld.idx.msk [tilespmem:v0+s15+$0x40 ss:$0x1], $0xffff  }
0x196: {  	v6 =	vld.idx.msk [tilespmem:v0+s15+$0x50 ss:$0x1], $0xffff  }
0x197: {  	s18 =	sadd.s32 s16, s12;
	v7 =	vld.idx.msk [tilespmem:v0+s15+$0x0 ss:$0x1], $0xffff  }
0x198: {  	[tilespmem:s18+$0x70] =	vst.add.f32.msk $0xffff, v1  }
0x199: {  	v1 =	vld.idx.msk [tilespmem:v0+s15+$0x60 ss:$0x1], $0xffff  }
0x19a: {  	[tilespmem:s18+$0x10] =	vst.add.f32.msk $0xffff, v2  }
0x19b: {  	[tilespmem:s18+$0x20] =	vst.add.f32.msk $0xffff, v3  }
0x19c: {  	[tilespmem:s18+$0x30] =	vst.add.f32.msk $0xffff, v4  }
0x19d: {  	[tilespmem:s18+$0x40] =	vst.add.f32.msk $0xffff, v5  }
0x19e: {  	[tilespmem:s18+$0x50] =	vst.add.f32.msk $0xffff, v6  }
0x19f: {  	[tilespmem:s18+$0x0] =	vst.add.f32.msk $0xffff, v7  }
0x1a0: {  	s17 =	simm.s32 $0x0;
	s19 =	smov.u32 s12;
	[tilespmem:s18+$0x60] =	vst.add.f32.msk $0xffff, v1;
	s18 =	sadd.s32 $0x400, s15  }
.LBB2_31:
0x1a1: {  	v1 =	vld.idx.msk [tilespmem:v0+s18+$0x70 ss:$0x1], $0xffff;
	s17 =	sadd.s32 $0x80, s17  }
0x1a2: {  	v2 =	vld.idx.msk [tilespmem:v0+s18+$0x10 ss:$0x1], $0xffff;
	p0 =	slt.u32 s17, $0x380  }
0x1a3: {  	v3 =	vld.idx.msk [tilespmem:v0+s18+$0x20 ss:$0x1], $0xffff  }
0x1a4: {  	v4 =	vld.idx.msk [tilespmem:v0+s18+$0x30 ss:$0x1], $0xffff  }
0x1a5: {  	s19 =	sadd.s32 $0x400, s19;
	v5 =	vld.idx.msk [tilespmem:v0+s18+$0x40 ss:$0x1], $0xffff  }
0x1a6: {  	s20 =	sadd.s32 s16, s19;
	v6 =	vld.idx.msk [tilespmem:v0+s18+$0x50 ss:$0x1], $0xffff  }
0x1a7: {  	[tilespmem:s20+$0x70] =	vst.add.f32.msk $0xffff, v1  }
0x1a8: {  	v1 =	vld.idx.msk [tilespmem:v0+s18+$0x60 ss:$0x1], $0xffff  }
0x1a9: {  	v7 =	vld.idx.msk [tilespmem:v0+s18+$0x0 ss:$0x1], $0xffff  }
0x1aa: {  	[tilespmem:s20+$0x10] =	vst.add.f32.msk $0xffff, v2  }
0x1ab: {  	[tilespmem:s20+$0x20] =	vst.add.f32.msk $0xffff, v3  }
.Ltmp14:
0x1ac: {  	[tilespmem:s20+$0x30] =	vst.add.f32.msk $0xffff, v4;
	(pc) =	sbr.rel @p0 .LBB2_31-.Ltmp14, $4  }
0x1ad: {  	[tilespmem:s20+$0x40] =	vst.add.f32.msk $0xffff, v5  }
0x1ae: {  	[tilespmem:s20+$0x50] =	vst.add.f32.msk $0xffff, v6  }
0x1af: {  	[tilespmem:s20+$0x0] =	vst.add.f32.msk $0xffff, v7  }
0x1b0: {  	s18 =	sadd.s32 $0x400, s18;
	[tilespmem:s20+$0x60] =	vst.add.f32.msk $0xffff, v1  }
0x1b1: {  	s13 =	sadd.s32 $0x1, s13  }
0x1b2: {  	p0 =	sne.s32 s13, $0x10  }
.Ltmp15:
0x1b3: {  	_ = 	snop;
	(pc) =	sbr.rel @p0 .LBB2_30-.Ltmp15, $2  }
0x1b4: {  	_ =	sdelay $0x2  }
0x1b5: {  	s14 =	sadd.s32 $0x400, s14;
	s12 =	sadd.s32 $0x80, s12;
	s15 =	sadd.s32 $0x80, s15  }
0x1b6: {  	s13 =	sld [smem:$0x7F2];
	_ =	sdelay $0x1  }
0x1b7: {  	s12 =	simm.s32 $0x0  }
0x1b8: {  	[hbm4b:s13+s12] =	stream.linear.scatter [tilespmem:s29], [sflag:$0x4], $0x2000, $0x38;
	[tilespmem:$0x1C000] =	vst v63  }
0x1b9: {  	_ =	swait.ge [sflag:s7], $0x2000  }
0x1ba: {  	[sflag:s7] =	ssyncset.done $0x0  }
0x1bb: {  	[sflag:s7] =	ssyncadd.s32 $0xFFFFE000  }
0x1bc: {  	_ =	swait.ge [sflag:s7], $0x2000  }
0x1bd: {  	[sflag:s7] =	ssyncset.done $0x0  }
0x1be: {  	s23 =	rddreg [dreg:$0xf];
	[sflag:s7] =	ssyncadd.s32 $0xFFFFE000  }
0x1bf: {  	[tilespmem:s30], [sflag:$0x3] =	stream.linear.gather [hbm4b:s23+s12], $0x4000, $0x38;
	[tilespmem:$0x1C000] =	vst v63  }
0x1c0: {  	_ =	swait.ge [sflag:s8], $0x4000  }
0x1c1: {  	[sflag:s8] =	ssyncset.done $0x0  }
0x1c2: {  	[sflag:s8] =	ssyncadd.s32 $0xFFFFC000  }
0x1c3: {  	_ =	swait.ge [sflag:s31], $0x4000  }
0x1c4: {  	[sflag:s31] =	ssyncset.done $0x0  }
0x1c5: {  	s13 =	simm.s32 $0x0;
	[sflag:s31] =	ssyncadd.s32 $0xFFFFC000  }
.LBB2_34:
0x1c6: {  	s14 =	sshra.s32 s12, $0x2  }
0x1c7: {  	v0 =	vld [tilespmem:s14+$0x10070]  }
0x1c8: {  	v1 =	vld [tilespmem:s14+$0x10000]  }
0x1c9: {  	v2 =	vld [tilespmem:s14+$0x10010]  }
0x1ca: {  	v3 =	vld [tilespmem:s14+$0x10020]  }
0x1cb: {  	v4 =	vld [tilespmem:s14+$0x10030]  }
0x1cc: {  	v5 =	vld [tilespmem:s14+$0x10040]  }
0x1cd: {  	v6 =	vld [tilespmem:s14+$0x10050]  }
0x1ce: {  	[tilespmem:s14+$0x4070] =	vst.add.f32.msk $0xffff, v0  }
0x1cf: {  	v0 =	vld [tilespmem:s14+$0x10060]  }
0x1d0: {  	[tilespmem:s14+$0x4000] =	vst.add.f32.msk $0xffff, v1  }
0x1d1: {  	[tilespmem:s14+$0x4010] =	vst.add.f32.msk $0xffff, v2  }
0x1d2: {  	[tilespmem:s14+$0x4020] =	vst.add.f32.msk $0xffff, v3  }
0x1d3: {  	[tilespmem:s14+$0x4030] =	vst.add.f32.msk $0xffff, v4  }
0x1d4: {  	[tilespmem:s14+$0x4040] =	vst.add.f32.msk $0xffff, v5  }
0x1d5: {  	s15 =	simm.s32 $0x0;
	s16 =	sadd.s32 $0x1000, s12;
	[tilespmem:s14+$0x4050] =	vst.add.f32.msk $0xffff, v6  }
.LBB2_35:
0x1d6: {  	s15 =	sadd.s32 $0x80, s15;
	[tilespmem:s14+$0x4060] =	vst.add.f32.msk $0xffff, v0;
	s14 =	sshra.s32 s16, $0x2  }
0x1d7: {  	v0 =	vld [tilespmem:s14+$0x10070];
	p0 =	slt.u32 s15, $0x380  }
0x1d8: {  	v1 =	vld [tilespmem:s14+$0x10000]  }
0x1d9: {  	v2 =	vld [tilespmem:s14+$0x10010]  }
0x1da: {  	v3 =	vld [tilespmem:s14+$0x10020]  }
0x1db: {  	v4 =	vld [tilespmem:s14+$0x10030]  }
0x1dc: {  	[tilespmem:s14+$0x4070] =	vst.add.f32.msk $0xffff, v0  }
0x1dd: {  	v5 =	vld [tilespmem:s14+$0x10040]  }
0x1de: {  	v6 =	vld [tilespmem:s14+$0x10050]  }
0x1df: {  	v0 =	vld [tilespmem:s14+$0x10060]  }
0x1e0: {  	[tilespmem:s14+$0x4000] =	vst.add.f32.msk $0xffff, v1  }
.Ltmp16:
0x1e1: {  	[tilespmem:s14+$0x4010] =	vst.add.f32.msk $0xffff, v2;
	(pc) =	sbr.rel @p0 .LBB2_35-.Ltmp16, $4  }
0x1e2: {  	[tilespmem:s14+$0x4020] =	vst.add.f32.msk $0xffff, v3  }
0x1e3: {  	[tilespmem:s14+$0x4030] =	vst.add.f32.msk $0xffff, v4  }
0x1e4: {  	[tilespmem:s14+$0x4040] =	vst.add.f32.msk $0xffff, v5  }
0x1e5: {  	s16 =	sadd.s32 $0x1000, s16;
	[tilespmem:s14+$0x4050] =	vst.add.f32.msk $0xffff, v6  }
0x1e6: {  	s13 =	sadd.s32 $0x1, s13  }
0x1e7: {  	p0 =	sne.s32 s13, $0x8  }
.Ltmp17:
0x1e8: {  	_ = 	snop;
	(pc) =	sbr.rel @p0 .LBB2_34-.Ltmp17, $2  }
0x1e9: {  	_ =	sdelay $0x2  }
0x1ea: {  	[tilespmem:s14+$0x4060] =	vst.add.f32.msk $0xffff, v0;
	s12 =	sadd.s32 $0x200, s12  }
0x1eb: {  	s12 =	simm.s32 $0x0;
	s13 =	rddreg [dreg:$0x10]  }
0x1ec: {  	[hbm4b:s13+s12] =	stream.linear.scatter [tilespmem:s25], [sflag:$0x5], $0x2000, $0x38;
	[tilespmem:$0x1C000] =	vst v63  }
0x1ed: {  	s14 =	simm.s32 $0x2000;
	s15 =	simm.s32 $0x10070;
	s13 =	simm.s32 $0x8  }
.LBB2_38:
0x1ee: {  	s16 =	sshll.u32 s14, $0x2  }
0x1ef: {  	s16 =	sand.u32 $0xFFFF8000, s16  }
0x1f0: {  	s16 =	sshra.s32 s16, $0x2  }
0x1f1: {  	v0 =	vmov s16;
	_ =	sdelay $0x4  }
0x1f2: {  	v1 =	vld.idx.msk [tilespmem:v0+s15+$0x0 ss:$0x1], $0xffff  }
0x1f3: {  	v2 =	vld.idx.msk [tilespmem:v0+s15+$0xFFFFFFA0 ss:$0x1], $0xffff  }
0x1f4: {  	v3 =	vld.idx.msk [tilespmem:v0+s15+$0xFFFFFFB0 ss:$0x1], $0xffff  }
0x1f5: {  	v4 =	vld.idx.msk [tilespmem:v0+s15+$0xFFFFFFC0 ss:$0x1], $0xffff  }
0x1f6: {  	v5 =	vld.idx.msk [tilespmem:v0+s15+$0xFFFFFFD0 ss:$0x1], $0xffff  }
0x1f7: {  	v6 =	vld.idx.msk [tilespmem:v0+s15+$0xFFFFFFE0 ss:$0x1], $0xffff  }
0x1f8: {  	s18 =	sadd.s32 s16, s12;
	v7 =	vld.idx.msk [tilespmem:v0+s15+$0xFFFFFF90 ss:$0x1], $0xffff  }
0x1f9: {  	[tilespmem:s18+$0x4070] =	vst.add.f32.msk $0xffff, v1  }
0x1fa: {  	v1 =	vld.idx.msk [tilespmem:v0+s15+$0xFFFFFFF0 ss:$0x1], $0xffff  }
0x1fb: {  	[tilespmem:s18+$0x4010] =	vst.add.f32.msk $0xffff, v2  }
0x1fc: {  	[tilespmem:s18+$0x4020] =	vst.add.f32.msk $0xffff, v3  }
0x1fd: {  	[tilespmem:s18+$0x4030] =	vst.add.f32.msk $0xffff, v4  }
0x1fe: {  	[tilespmem:s18+$0x4040] =	vst.add.f32.msk $0xffff, v5  }
0x1ff: {  	[tilespmem:s18+$0x4050] =	vst.add.f32.msk $0xffff, v6  }
0x200: {  	[tilespmem:s18+$0x4000] =	vst.add.f32.msk $0xffff, v7  }
0x201: {  	s17 =	simm.s32 $0x0;
	s19 =	smov.u32 s12;
	[tilespmem:s18+$0x4060] =	vst.add.f32.msk $0xffff, v1;
	s18 =	sadd.s32 $0x400, s15  }
.LBB2_39:
0x202: {  	v1 =	vld.idx.msk [tilespmem:v0+s18+$0x0 ss:$0x1], $0xffff;
	s17 =	sadd.s32 $0x80, s17  }
0x203: {  	v2 =	vld.idx.msk [tilespmem:v0+s18+$0xFFFFFFA0 ss:$0x1], $0xffff;
	p0 =	slt.u32 s17, $0x380  }
0x204: {  	v3 =	vld.idx.msk [tilespmem:v0+s18+$0xFFFFFFB0 ss:$0x1], $0xffff  }
0x205: {  	v4 =	vld.idx.msk [tilespmem:v0+s18+$0xFFFFFFC0 ss:$0x1], $0xffff  }
0x206: {  	s19 =	sadd.s32 $0x400, s19;
	v5 =	vld.idx.msk [tilespmem:v0+s18+$0xFFFFFFD0 ss:$0x1], $0xffff  }
0x207: {  	s20 =	sadd.s32 s16, s19;
	v6 =	vld.idx.msk [tilespmem:v0+s18+$0xFFFFFFE0 ss:$0x1], $0xffff  }
0x208: {  	[tilespmem:s20+$0x4070] =	vst.add.f32.msk $0xffff, v1  }
0x209: {  	v1 =	vld.idx.msk [tilespmem:v0+s18+$0xFFFFFFF0 ss:$0x1], $0xffff  }
0x20a: {  	v7 =	vld.idx.msk [tilespmem:v0+s18+$0xFFFFFF90 ss:$0x1], $0xffff  }
0x20b: {  	[tilespmem:s20+$0x4010] =	vst.add.f32.msk $0xffff, v2  }
0x20c: {  	[tilespmem:s20+$0x4020] =	vst.add.f32.msk $0xffff, v3  }
.Ltmp18:
0x20d: {  	[tilespmem:s20+$0x4030] =	vst.add.f32.msk $0xffff, v4;
	(pc) =	sbr.rel @p0 .LBB2_39-.Ltmp18, $4  }
0x20e: {  	[tilespmem:s20+$0x4040] =	vst.add.f32.msk $0xffff, v5  }
0x20f: {  	[tilespmem:s20+$0x4050] =	vst.add.f32.msk $0xffff, v6  }
0x210: {  	[tilespmem:s20+$0x4000] =	vst.add.f32.msk $0xffff, v7  }
0x211: {  	s18 =	sadd.s32 $0x400, s18;
	[tilespmem:s20+$0x4060] =	vst.add.f32.msk $0xffff, v1  }
0x212: {  	s13 =	sadd.s32 $0x1, s13  }
0x213: {  	p0 =	sne.s32 s13, $0x10  }
.Ltmp19:
0x214: {  	_ = 	snop;
	(pc) =	sbr.rel @p0 .LBB2_38-.Ltmp19, $2  }
0x215: {  	_ =	sdelay $0x2  }
0x216: {  	s14 =	sadd.s32 $0x400, s14;
	s15 =	sadd.s32 $0x80, s15;
	s12 =	sadd.s32 $0x80, s12  }
0x217: {  	s13 =	sld [smem:$0x7F3];
	_ =	sdelay $0x1  }
0x218: {  	s12 =	simm.s32 $0x0  }
0x219: {  	[hbm4b:s13+s12] =	stream.linear.scatter [tilespmem:s0], [sflag:$0x5], $0x2000, $0x38;
	[tilespmem:$0x1C000] =	vst v63  }
0x21a: {  	_ =	swait.ge [sflag:s2], $0x2000  }
0x21b: {  	[sflag:s2] =	ssyncset.done $0x0  }
0x21c: {  	[sflag:s2] =	ssyncadd.s32 $0xFFFFE000  }
0x21d: {  	_ =	swait.ge [sflag:s2], $0x2000  }
0x21e: {  	[sflag:s2] =	ssyncset.done $0x0  }
0x21f: {  	s23 =	rddreg [dreg:$0x11];
	[sflag:s2] =	ssyncadd.s32 $0xFFFFE000  }
0x220: {  	[tilespmem:s12], [sflag:$0x1] =	stream.linear.gather [hbm4b:s23+s12], $0x4000, $0x38;
	[tilespmem:$0x1C000] =	vst v63  }
0x221: {  	_ =	swait.ge [sflag:s4], $0x4000  }
0x222: {  	[sflag:s4] =	ssyncset.done $0x0  }
0x223: {  	s13 =	simm.s32 $0x0;
	[sflag:s4] =	ssyncadd.s32 $0xFFFFC000  }
.LBB2_42:
0x224: {  	s14 =	sshra.s32 s12, $0x2  }
0x225: {  	v0 =	vld [tilespmem:s14+$0x10070]  }
0x226: {  	v1 =	vld [tilespmem:s14+$0x10000]  }
0x227: {  	v2 =	vld [tilespmem:s14+$0x10010]  }
0x228: {  	v3 =	vld [tilespmem:s14+$0x10020]  }
0x229: {  	v4 =	vld [tilespmem:s14+$0x10030]  }
0x22a: {  	v5 =	vld [tilespmem:s14+$0x10040]  }
0x22b: {  	v6 =	vld [tilespmem:s14+$0x10050]  }
0x22c: {  	[tilespmem:s14+$0x8070] =	vst.add.f32.msk $0xffff, v0  }
0x22d: {  	v0 =	vld [tilespmem:s14+$0x10060]  }
0x22e: {  	[tilespmem:s14+$0x8000] =	vst.add.f32.msk $0xffff, v1  }
0x22f: {  	[tilespmem:s14+$0x8010] =	vst.add.f32.msk $0xffff, v2  }
0x230: {  	[tilespmem:s14+$0x8020] =	vst.add.f32.msk $0xffff, v3  }
0x231: {  	[tilespmem:s14+$0x8030] =	vst.add.f32.msk $0xffff, v4  }
0x232: {  	[tilespmem:s14+$0x8040] =	vst.add.f32.msk $0xffff, v5  }
0x233: {  	s15 =	simm.s32 $0x0;
	s16 =	sadd.s32 $0x1000, s12;
	[tilespmem:s14+$0x8050] =	vst.add.f32.msk $0xffff, v6  }
.LBB2_43:
0x234: {  	s15 =	sadd.s32 $0x80, s15;
	[tilespmem:s14+$0x8060] =	vst.add.f32.msk $0xffff, v0;
	s14 =	sshra.s32 s16, $0x2  }
0x235: {  	v0 =	vld [tilespmem:s14+$0x10070];
	p0 =	slt.u32 s15, $0x380  }
0x236: {  	v1 =	vld [tilespmem:s14+$0x10000]  }
0x237: {  	v2 =	vld [tilespmem:s14+$0x10010]  }
0x238: {  	v3 =	vld [tilespmem:s14+$0x10020]  }
0x239: {  	v4 =	vld [tilespmem:s14+$0x10030]  }
0x23a: {  	[tilespmem:s14+$0x8070] =	vst.add.f32.msk $0xffff, v0  }
0x23b: {  	v5 =	vld [tilespmem:s14+$0x10040]  }
0x23c: {  	v6 =	vld [tilespmem:s14+$0x10050]  }
0x23d: {  	v0 =	vld [tilespmem:s14+$0x10060]  }
0x23e: {  	[tilespmem:s14+$0x8000] =	vst.add.f32.msk $0xffff, v1  }
.Ltmp20:
0x23f: {  	[tilespmem:s14+$0x8010] =	vst.add.f32.msk $0xffff, v2;
	(pc) =	sbr.rel @p0 .LBB2_43-.Ltmp20, $4  }
0x240: {  	[tilespmem:s14+$0x8020] =	vst.add.f32.msk $0xffff, v3  }
0x241: {  	[tilespmem:s14+$0x8030] =	vst.add.f32.msk $0xffff, v4  }
0x242: {  	[tilespmem:s14+$0x8040] =	vst.add.f32.msk $0xffff, v5  }
0x243: {  	s16 =	sadd.s32 $0x1000, s16;
	[tilespmem:s14+$0x8050] =	vst.add.f32.msk $0xffff, v6  }
0x244: {  	s13 =	sadd.s32 $0x1, s13  }
0x245: {  	p0 =	sne.s32 s13, $0x8  }
.Ltmp21:
0x246: {  	_ = 	snop;
	(pc) =	sbr.rel @p0 .LBB2_42-.Ltmp21, $2  }
0x247: {  	_ =	sdelay $0x2  }
0x248: {  	[tilespmem:s14+$0x8060] =	vst.add.f32.msk $0xffff, v0;
	s12 =	sadd.s32 $0x200, s12  }
0x249: {  	s12 =	simm.s32 $0x8000;
	s13 =	rddreg [dreg:$0x12]  }
0x24a: {  	[hbm4b:s13+s1] =	stream.linear.scatter [tilespmem:s12], [sflag:$0x6], $0x2000, $0x38;
	[tilespmem:$0x1C000] =	vst v63  }
0x24b: {  	s14 =	simm.s32 $0x2000;
	s15 =	simm.s32 $0x10040;
	s13 =	simm.s32 $0x8  }
.LBB2_46:
0x24c: {  	s16 =	sshll.u32 s14, $0x2  }
0x24d: {  	s16 =	sand.u32 $0xFFFF8000, s16  }
0x24e: {  	s16 =	sshra.s32 s16, $0x2  }
0x24f: {  	v0 =	vmov s16;
	_ =	sdelay $0x4  }
0x250: {  	v1 =	vld.idx.msk [tilespmem:v0+s15+$0x30 ss:$0x1], $0xffff  }
0x251: {  	v2 =	vld.idx.msk [tilespmem:v0+s15+$0xFFFFFFD0 ss:$0x1], $0xffff  }
0x252: {  	v3 =	vld.idx.msk [tilespmem:v0+s15+$0xFFFFFFE0 ss:$0x1], $0xffff  }
0x253: {  	v4 =	vld.idx.msk [tilespmem:v0+s15+$0xFFFFFFF0 ss:$0x1], $0xffff  }
0x254: {  	v5 =	vld.idx.msk [tilespmem:v0+s15+$0x0 ss:$0x1], $0xffff  }
0x255: {  	v6 =	vld.idx.msk [tilespmem:v0+s15+$0x10 ss:$0x1], $0xffff  }
0x256: {  	s18 =	sadd.s32 s16, s12;
	v7 =	vld.idx.msk [tilespmem:v0+s15+$0xFFFFFFC0 ss:$0x1], $0xffff  }
0x257: {  	[tilespmem:s18+$0x70] =	vst.add.f32.msk $0xffff, v1  }
0x258: {  	v1 =	vld.idx.msk [tilespmem:v0+s15+$0x20 ss:$0x1], $0xffff  }
0x259: {  	[tilespmem:s18+$0x10] =	vst.add.f32.msk $0xffff, v2  }
0x25a: {  	[tilespmem:s18+$0x20] =	vst.add.f32.msk $0xffff, v3  }
0x25b: {  	[tilespmem:s18+$0x30] =	vst.add.f32.msk $0xffff, v4  }
0x25c: {  	[tilespmem:s18+$0x40] =	vst.add.f32.msk $0xffff, v5  }
0x25d: {  	[tilespmem:s18+$0x50] =	vst.add.f32.msk $0xffff, v6  }
0x25e: {  	[tilespmem:s18+$0x0] =	vst.add.f32.msk $0xffff, v7  }
0x25f: {  	s17 =	simm.s32 $0x0;
	s19 =	smov.u32 s12;
	[tilespmem:s18+$0x60] =	vst.add.f32.msk $0xffff, v1;
	s18 =	sadd.s32 $0x400, s15  }
.LBB2_47:
0x260: {  	v1 =	vld.idx.msk [tilespmem:v0+s18+$0x30 ss:$0x1], $0xffff;
	s17 =	sadd.s32 $0x80, s17  }
0x261: {  	v2 =	vld.idx.msk [tilespmem:v0+s18+$0xFFFFFFD0 ss:$0x1], $0xffff;
	p0 =	slt.u32 s17, $0x380  }
0x262: {  	v3 =	vld.idx.msk [tilespmem:v0+s18+$0xFFFFFFE0 ss:$0x1], $0xffff  }
0x263: {  	v4 =	vld.idx.msk [tilespmem:v0+s18+$0xFFFFFFF0 ss:$0x1], $0xffff  }
0x264: {  	s19 =	sadd.s32 $0x400, s19;
	v5 =	vld.idx.msk [tilespmem:v0+s18+$0x0 ss:$0x1], $0xffff  }
0x265: {  	s20 =	sadd.s32 s16, s19;
	v6 =	vld.idx.msk [tilespmem:v0+s18+$0x10 ss:$0x1], $0xffff  }
0x266: {  	[tilespmem:s20+$0x70] =	vst.add.f32.msk $0xffff, v1  }
0x267: {  	v1 =	vld.idx.msk [tilespmem:v0+s18+$0x20 ss:$0x1], $0xffff  }
0x268: {  	v7 =	vld.idx.msk [tilespmem:v0+s18+$0xFFFFFFC0 ss:$0x1], $0xffff  }
0x269: {  	[tilespmem:s20+$0x10] =	vst.add.f32.msk $0xffff, v2  }
0x26a: {  	[tilespmem:s20+$0x20] =	vst.add.f32.msk $0xffff, v3  }
.Ltmp22:
0x26b: {  	[tilespmem:s20+$0x30] =	vst.add.f32.msk $0xffff, v4;
	(pc) =	sbr.rel @p0 .LBB2_47-.Ltmp22, $4  }
0x26c: {  	[tilespmem:s20+$0x40] =	vst.add.f32.msk $0xffff, v5  }
0x26d: {  	[tilespmem:s20+$0x50] =	vst.add.f32.msk $0xffff, v6  }
0x26e: {  	[tilespmem:s20+$0x0] =	vst.add.f32.msk $0xffff, v7  }
0x26f: {  	s18 =	sadd.s32 $0x400, s18;
	[tilespmem:s20+$0x60] =	vst.add.f32.msk $0xffff, v1  }
0x270: {  	s13 =	sadd.s32 $0x1, s13  }
0x271: {  	p0 =	sne.s32 s13, $0x10  }
.Ltmp23:
0x272: {  	_ = 	snop;
	(pc) =	sbr.rel @p0 .LBB2_46-.Ltmp23, $2  }
0x273: {  	_ =	sdelay $0x2  }
0x274: {  	s14 =	sadd.s32 $0x400, s14;
	s12 =	sadd.s32 $0x80, s12;
	s15 =	sadd.s32 $0x80, s15  }
0x275: {  	s13 =	sld [smem:$0x7F4];
	_ =	sdelay $0x1  }
0x276: {  	s12 =	simm.s32 $0x0  }
0x277: {  	[hbm4b:s13+s12] =	stream.linear.scatter [tilespmem:s5], [sflag:$0x6], $0x2000, $0x38;
	[tilespmem:$0x1C000] =	vst v63  }
0x278: {  	_ =	swait.ge [sflag:s6], $0x2000  }
0x279: {  	[sflag:s6] =	ssyncset.done $0x0  }
0x27a: {  	[sflag:s6] =	ssyncadd.s32 $0xFFFFE000  }
0x27b: {  	_ =	swait.ge [sflag:s6], $0x2000  }
0x27c: {  	[sflag:s6] =	ssyncset.done $0x0  }
0x27d: {  	s23 =	rddreg [dreg:$0x13];
	[sflag:s6] =	ssyncadd.s32 $0xFFFFE000  }
0x27e: {  	[tilespmem:s25], [sflag:$0x2] =	stream.linear.gather [hbm4b:s23+s12], $0x4000, $0x38;
	[tilespmem:$0x1C000] =	vst v63  }
0x27f: {  	_ =	swait.ge [sflag:s28], $0x4000  }
0x280: {  	[sflag:s28] =	ssyncset.done $0x0  }
0x281: {  	s13 =	simm.s32 $0x0;
	[sflag:s28] =	ssyncadd.s32 $0xFFFFC000  }
.LBB2_50:
0x282: {  	s14 =	sshra.s32 s12, $0x2  }
0x283: {  	v0 =	vld [tilespmem:s14+$0x10070]  }
0x284: {  	v1 =	vld [tilespmem:s14+$0x10000]  }
0x285: {  	v2 =	vld [tilespmem:s14+$0x10010]  }
0x286: {  	v3 =	vld [tilespmem:s14+$0x10020]  }
0x287: {  	v4 =	vld [tilespmem:s14+$0x10030]  }
0x288: {  	v5 =	vld [tilespmem:s14+$0x10040]  }
0x289: {  	v6 =	vld [tilespmem:s14+$0x10050]  }
0x28a: {  	[tilespmem:s14+$0x70] =	vst.add.f32.msk $0xffff, v0  }
0x28b: {  	v0 =	vld [tilespmem:s14+$0x10060]  }
0x28c: {  	[tilespmem:s14+$0x0] =	vst.add.f32.msk $0xffff, v1  }
0x28d: {  	[tilespmem:s14+$0x10] =	vst.add.f32.msk $0xffff, v2  }
0x28e: {  	[tilespmem:s14+$0x20] =	vst.add.f32.msk $0xffff, v3  }
0x28f: {  	[tilespmem:s14+$0x30] =	vst.add.f32.msk $0xffff, v4  }
0x290: {  	[tilespmem:s14+$0x40] =	vst.add.f32.msk $0xffff, v5  }
0x291: {  	s15 =	simm.s32 $0x0;
	s16 =	sadd.s32 $0x1000, s12;
	[tilespmem:s14+$0x50] =	vst.add.f32.msk $0xffff, v6  }
.LBB2_51:
0x292: {  	s15 =	sadd.s32 $0x80, s15;
	[tilespmem:s14+$0x60] =	vst.add.f32.msk $0xffff, v0;
	s14 =	sshra.s32 s16, $0x2  }
0x293: {  	v0 =	vld [tilespmem:s14+$0x10070];
	p0 =	slt.u32 s15, $0x380  }
0x294: {  	v1 =	vld [tilespmem:s14+$0x10000]  }
0x295: {  	v2 =	vld [tilespmem:s14+$0x10010]  }
0x296: {  	v3 =	vld [tilespmem:s14+$0x10020]  }
0x297: {  	v4 =	vld [tilespmem:s14+$0x10030]  }
0x298: {  	[tilespmem:s14+$0x70] =	vst.add.f32.msk $0xffff, v0  }
0x299: {  	v5 =	vld [tilespmem:s14+$0x10040]  }
0x29a: {  	v6 =	vld [tilespmem:s14+$0x10050]  }
0x29b: {  	v0 =	vld [tilespmem:s14+$0x10060]  }
0x29c: {  	[tilespmem:s14+$0x0] =	vst.add.f32.msk $0xffff, v1  }
.Ltmp24:
0x29d: {  	[tilespmem:s14+$0x10] =	vst.add.f32.msk $0xffff, v2;
	(pc) =	sbr.rel @p0 .LBB2_51-.Ltmp24, $4  }
0x29e: {  	[tilespmem:s14+$0x20] =	vst.add.f32.msk $0xffff, v3  }
0x29f: {  	[tilespmem:s14+$0x30] =	vst.add.f32.msk $0xffff, v4  }
0x2a0: {  	[tilespmem:s14+$0x40] =	vst.add.f32.msk $0xffff, v5  }
0x2a1: {  	s16 =	sadd.s32 $0x1000, s16;
	[tilespmem:s14+$0x50] =	vst.add.f32.msk $0xffff, v6  }
0x2a2: {  	s13 =	sadd.s32 $0x1, s13  }
0x2a3: {  	p0 =	sne.s32 s13, $0x8  }
.Ltmp25:
0x2a4: {  	_ = 	snop;
	(pc) =	sbr.rel @p0 .LBB2_50-.Ltmp25, $2  }
0x2a5: {  	_ =	sdelay $0x2  }
0x2a6: {  	[tilespmem:s14+$0x60] =	vst.add.f32.msk $0xffff, v0;
	s12 =	sadd.s32 $0x200, s12  }
0x2a7: {  	s12 =	rddreg [dreg:$0x14];
	s13 =	simm.s32 $0x2000  }
0x2a8: {  	[hbm4b:s12+s1] =	stream.linear.scatter [tilespmem:s1], [sflag:$0x4], $0x2000, $0x38;
	[tilespmem:$0x1C000] =	vst v63  }
0x2a9: {  	s14 =	simm.s32 $0x10070;
	s15 =	simm.s32 $0x40;
	s12 =	simm.s32 $0x8  }
.LBB2_54:
0x2aa: {  	s16 =	sshll.u32 s13, $0x2  }
0x2ab: {  	s16 =	sand.u32 $0xFFFF8000, s16  }
0x2ac: {  	s16 =	sshra.s32 s16, $0x2  }
0x2ad: {  	v0 =	vmov s16;
	_ =	sdelay $0x4  }
0x2ae: {  	v1 =	vld.idx.msk [tilespmem:v0+s14+$0x0 ss:$0x1], $0xffff  }
0x2af: {  	v2 =	vld.idx.msk [tilespmem:v0+s14+$0xFFFFFFA0 ss:$0x1], $0xffff  }
0x2b0: {  	v3 =	vld.idx.msk [tilespmem:v0+s14+$0xFFFFFFB0 ss:$0x1], $0xffff  }
0x2b1: {  	v4 =	vld.idx.msk [tilespmem:v0+s14+$0xFFFFFFC0 ss:$0x1], $0xffff  }
0x2b2: {  	v5 =	vld.idx.msk [tilespmem:v0+s14+$0xFFFFFFD0 ss:$0x1], $0xffff  }
0x2b3: {  	v6 =	vld.idx.msk [tilespmem:v0+s14+$0xFFFFFFE0 ss:$0x1], $0xffff  }
0x2b4: {  	s18 =	sadd.s32 s16, s15;
	v7 =	vld.idx.msk [tilespmem:v0+s14+$0xFFFFFF90 ss:$0x1], $0xffff  }
0x2b5: {  	[tilespmem:s18+$0x30] =	vst.add.f32.msk $0xffff, v1  }
0x2b6: {  	v1 =	vld.idx.msk [tilespmem:v0+s14+$0xFFFFFFF0 ss:$0x1], $0xffff  }
0x2b7: {  	[tilespmem:s18+$0xFFFFFFD0] =	vst.add.f32.msk $0xffff, v2  }
0x2b8: {  	[tilespmem:s18+$0xFFFFFFE0] =	vst.add.f32.msk $0xffff, v3  }
0x2b9: {  	[tilespmem:s18+$0xFFFFFFF0] =	vst.add.f32.msk $0xffff, v4  }
0x2ba: {  	[tilespmem:s18+$0x0] =	vst.add.f32.msk $0xffff, v5  }
0x2bb: {  	[tilespmem:s18+$0x10] =	vst.add.f32.msk $0xffff, v6  }
0x2bc: {  	[tilespmem:s18+$0xFFFFFFC0] =	vst.add.f32.msk $0xffff, v7  }
0x2bd: {  	s17 =	simm.s32 $0x0;
	s19 =	smov.u32 s15;
	[tilespmem:s18+$0x20] =	vst.add.f32.msk $0xffff, v1;
	s18 =	sadd.s32 $0x400, s14  }
.LBB2_55:
0x2be: {  	v1 =	vld.idx.msk [tilespmem:v0+s18+$0x0 ss:$0x1], $0xffff;
	s17 =	sadd.s32 $0x80, s17  }
0x2bf: {  	v2 =	vld.idx.msk [tilespmem:v0+s18+$0xFFFFFFA0 ss:$0x1], $0xffff;
	p0 =	slt.u32 s17, $0x380  }
0x2c0: {  	v3 =	vld.idx.msk [tilespmem:v0+s18+$0xFFFFFFB0 ss:$0x1], $0xffff  }
0x2c1: {  	v4 =	vld.idx.msk [tilespmem:v0+s18+$0xFFFFFFC0 ss:$0x1], $0xffff  }
0x2c2: {  	s19 =	sadd.s32 $0x400, s19;
	v5 =	vld.idx.msk [tilespmem:v0+s18+$0xFFFFFFD0 ss:$0x1], $0xffff  }
0x2c3: {  	s20 =	sadd.s32 s16, s19;
	v6 =	vld.idx.msk [tilespmem:v0+s18+$0xFFFFFFE0 ss:$0x1], $0xffff  }
0x2c4: {  	[tilespmem:s20+$0x30] =	vst.add.f32.msk $0xffff, v1  }
0x2c5: {  	v1 =	vld.idx.msk [tilespmem:v0+s18+$0xFFFFFFF0 ss:$0x1], $0xffff  }
0x2c6: {  	v7 =	vld.idx.msk [tilespmem:v0+s18+$0xFFFFFF90 ss:$0x1], $0xffff  }
0x2c7: {  	[tilespmem:s20+$0xFFFFFFD0] =	vst.add.f32.msk $0xffff, v2  }
0x2c8: {  	[tilespmem:s20+$0xFFFFFFE0] =	vst.add.f32.msk $0xffff, v3  }
.Ltmp26:
0x2c9: {  	[tilespmem:s20+$0xFFFFFFF0] =	vst.add.f32.msk $0xffff, v4;
	(pc) =	sbr.rel @p0 .LBB2_55-.Ltmp26, $4  }
0x2ca: {  	[tilespmem:s20+$0x0] =	vst.add.f32.msk $0xffff, v5  }
0x2cb: {  	[tilespmem:s20+$0x10] =	vst.add.f32.msk $0xffff, v6  }
0x2cc: {  	[tilespmem:s20+$0xFFFFFFC0] =	vst.add.f32.msk $0xffff, v7  }
0x2cd: {  	s18 =	sadd.s32 $0x400, s18;
	[tilespmem:s20+$0x20] =	vst.add.f32.msk $0xffff, v1  }
0x2ce: {  	s12 =	sadd.s32 $0x1, s12  }
0x2cf: {  	p0 =	sne.s32 s12, $0x10  }
.Ltmp27:
0x2d0: {  	_ = 	snop;
	(pc) =	sbr.rel @p0 .LBB2_54-.Ltmp27, $2  }
0x2d1: {  	_ =	sdelay $0x2  }
0x2d2: {  	s13 =	sadd.s32 $0x400, s13;
	s14 =	sadd.s32 $0x80, s14;
	s15 =	sadd.s32 $0x80, s15  }
0x2d3: {  	s13 =	sld [smem:$0x7F5];
	_ =	sdelay $0x1  }
0x2d4: {  	s12 =	simm.s32 $0x0  }
0x2d5: {  	[hbm4b:s13+s12] =	stream.linear.scatter [tilespmem:s29], [sflag:$0x4], $0x2000, $0x38;
	[tilespmem:$0x1C000] =	vst v63  }
0x2d6: {  	_ =	swait.ge [sflag:s7], $0x2000  }
0x2d7: {  	[sflag:s7] =	ssyncset.done $0x0  }
0x2d8: {  	[sflag:s7] =	ssyncadd.s32 $0xFFFFE000  }
0x2d9: {  	_ =	swait.ge [sflag:s7], $0x2000  }
0x2da: {  	[sflag:s7] =	ssyncset.done $0x0  }
0x2db: {  	s23 =	rddreg [dreg:$0x16];
	[sflag:s7] =	ssyncadd.s32 $0xFFFFE000  }
0x2dc: {  	[tilespmem:s30], [sflag:$0x3] =	stream.linear.gather [hbm4b:s23+s12], $0x4000, $0x38;
	[tilespmem:$0x1C000] =	vst v63  }
0x2dd: {  	_ =	swait.ge [sflag:s31], $0x4000  }
0x2de: {  	[sflag:s31] =	ssyncset.done $0x0  }
0x2df: {  	s13 =	simm.s32 $0x0;
	[sflag:s31] =	ssyncadd.s32 $0xFFFFC000  }
.LBB2_58:
0x2e0: {  	s14 =	sshra.s32 s12, $0x2  }
0x2e1: {  	v0 =	vld [tilespmem:s14+$0x10070]  }
0x2e2: {  	v1 =	vld [tilespmem:s14+$0x10000]  }
0x2e3: {  	v2 =	vld [tilespmem:s14+$0x10010]  }
0x2e4: {  	v3 =	vld [tilespmem:s14+$0x10020]  }
0x2e5: {  	v4 =	vld [tilespmem:s14+$0x10030]  }
0x2e6: {  	v5 =	vld [tilespmem:s14+$0x10040]  }
0x2e7: {  	v6 =	vld [tilespmem:s14+$0x10050]  }
0x2e8: {  	[tilespmem:s14+$0x4070] =	vst.add.f32.msk $0xffff, v0  }
0x2e9: {  	v0 =	vld [tilespmem:s14+$0x10060]  }
0x2ea: {  	[tilespmem:s14+$0x4000] =	vst.add.f32.msk $0xffff, v1  }
0x2eb: {  	[tilespmem:s14+$0x4010] =	vst.add.f32.msk $0xffff, v2  }
0x2ec: {  	[tilespmem:s14+$0x4020] =	vst.add.f32.msk $0xffff, v3  }
0x2ed: {  	[tilespmem:s14+$0x4030] =	vst.add.f32.msk $0xffff, v4  }
0x2ee: {  	[tilespmem:s14+$0x4040] =	vst.add.f32.msk $0xffff, v5  }
0x2ef: {  	s15 =	simm.s32 $0x0;
	s16 =	sadd.s32 $0x1000, s12;
	[tilespmem:s14+$0x4050] =	vst.add.f32.msk $0xffff, v6  }
.LBB2_59:
0x2f0: {  	s15 =	sadd.s32 $0x80, s15;
	[tilespmem:s14+$0x4060] =	vst.add.f32.msk $0xffff, v0;
	s14 =	sshra.s32 s16, $0x2  }
0x2f1: {  	v0 =	vld [tilespmem:s14+$0x10070];
	p0 =	slt.u32 s15, $0x380  }
0x2f2: {  	v1 =	vld [tilespmem:s14+$0x10000]  }
0x2f3: {  	v2 =	vld [tilespmem:s14+$0x10010]  }
0x2f4: {  	v3 =	vld [tilespmem:s14+$0x10020]  }
0x2f5: {  	v4 =	vld [tilespmem:s14+$0x10030]  }
0x2f6: {  	[tilespmem:s14+$0x4070] =	vst.add.f32.msk $0xffff, v0  }
0x2f7: {  	v5 =	vld [tilespmem:s14+$0x10040]  }
0x2f8: {  	v6 =	vld [tilespmem:s14+$0x10050]  }
0x2f9: {  	v0 =	vld [tilespmem:s14+$0x10060]  }
0x2fa: {  	[tilespmem:s14+$0x4000] =	vst.add.f32.msk $0xffff, v1  }
.Ltmp28:
0x2fb: {  	[tilespmem:s14+$0x4010] =	vst.add.f32.msk $0xffff, v2;
	(pc) =	sbr.rel @p0 .LBB2_59-.Ltmp28, $4  }
0x2fc: {  	[tilespmem:s14+$0x4020] =	vst.add.f32.msk $0xffff, v3  }
0x2fd: {  	[tilespmem:s14+$0x4030] =	vst.add.f32.msk $0xffff, v4  }
0x2fe: {  	[tilespmem:s14+$0x4040] =	vst.add.f32.msk $0xffff, v5  }
0x2ff: {  	s16 =	sadd.s32 $0x1000, s16;
	[tilespmem:s14+$0x4050] =	vst.add.f32.msk $0xffff, v6  }
0x300: {  	s13 =	sadd.s32 $0x1, s13  }
0x301: {  	p0 =	sne.s32 s13, $0x8  }
.Ltmp29:
0x302: {  	_ = 	snop;
	(pc) =	sbr.rel @p0 .LBB2_58-.Ltmp29, $2  }
0x303: {  	_ =	sdelay $0x2  }
0x304: {  	[tilespmem:s14+$0x4060] =	vst.add.f32.msk $0xffff, v0;
	s12 =	sadd.s32 $0x200, s12  }
0x305: {  	s12 =	simm.s32 $0x0;
	s13 =	rddreg [dreg:$0x15]  }
0x306: {  	[hbm4b:s13+s12] =	stream.linear.scatter [tilespmem:s25], [sflag:$0x5], $0x2000, $0x38;
	[tilespmem:$0x1C000] =	vst v63  }
0x307: {  	s14 =	simm.s32 $0x2000;
	s15 =	simm.s32 $0x10070;
	s13 =	simm.s32 $0x8  }
.LBB2_62:
0x308: {  	s16 =	sshll.u32 s14, $0x2  }
0x309: {  	s16 =	sand.u32 $0xFFFF8000, s16  }
0x30a: {  	s16 =	sshra.s32 s16, $0x2  }
0x30b: {  	v0 =	vmov s16;
	_ =	sdelay $0x4  }
0x30c: {  	v1 =	vld.idx.msk [tilespmem:v0+s15+$0x0 ss:$0x1], $0xffff  }
0x30d: {  	v2 =	vld.idx.msk [tilespmem:v0+s15+$0xFFFFFFA0 ss:$0x1], $0xffff  }
0x30e: {  	v3 =	vld.idx.msk [tilespmem:v0+s15+$0xFFFFFFB0 ss:$0x1], $0xffff  }
0x30f: {  	v4 =	vld.idx.msk [tilespmem:v0+s15+$0xFFFFFFC0 ss:$0x1], $0xffff  }
0x310: {  	v5 =	vld.idx.msk [tilespmem:v0+s15+$0xFFFFFFD0 ss:$0x1], $0xffff  }
0x311: {  	v6 =	vld.idx.msk [tilespmem:v0+s15+$0xFFFFFFE0 ss:$0x1], $0xffff  }
0x312: {  	s18 =	sadd.s32 s16, s12;
	v7 =	vld.idx.msk [tilespmem:v0+s15+$0xFFFFFF90 ss:$0x1], $0xffff  }
0x313: {  	[tilespmem:s18+$0x4070] =	vst.add.f32.msk $0xffff, v1  }
0x314: {  	v1 =	vld.idx.msk [tilespmem:v0+s15+$0xFFFFFFF0 ss:$0x1], $0xffff  }
0x315: {  	[tilespmem:s18+$0x4010] =	vst.add.f32.msk $0xffff, v2  }
0x316: {  	[tilespmem:s18+$0x4020] =	vst.add.f32.msk $0xffff, v3  }
0x317: {  	[tilespmem:s18+$0x4030] =	vst.add.f32.msk $0xffff, v4  }
0x318: {  	[tilespmem:s18+$0x4040] =	vst.add.f32.msk $0xffff, v5  }
0x319: {  	[tilespmem:s18+$0x4050] =	vst.add.f32.msk $0xffff, v6  }
0x31a: {  	[tilespmem:s18+$0x4000] =	vst.add.f32.msk $0xffff, v7  }
0x31b: {  	s17 =	simm.s32 $0x0;
	s19 =	smov.u32 s12;
	[tilespmem:s18+$0x4060] =	vst.add.f32.msk $0xffff, v1;
	s18 =	sadd.s32 $0x400, s15  }
.LBB2_63:
0x31c: {  	v1 =	vld.idx.msk [tilespmem:v0+s18+$0x0 ss:$0x1], $0xffff;
	s17 =	sadd.s32 $0x80, s17  }
0x31d: {  	v2 =	vld.idx.msk [tilespmem:v0+s18+$0xFFFFFFA0 ss:$0x1], $0xffff;
	p0 =	slt.u32 s17, $0x380  }
0x31e: {  	v3 =	vld.idx.msk [tilespmem:v0+s18+$0xFFFFFFB0 ss:$0x1], $0xffff  }
0x31f: {  	v4 =	vld.idx.msk [tilespmem:v0+s18+$0xFFFFFFC0 ss:$0x1], $0xffff  }
0x320: {  	s19 =	sadd.s32 $0x400, s19;
	v5 =	vld.idx.msk [tilespmem:v0+s18+$0xFFFFFFD0 ss:$0x1], $0xffff  }
0x321: {  	s20 =	sadd.s32 s16, s19;
	v6 =	vld.idx.msk [tilespmem:v0+s18+$0xFFFFFFE0 ss:$0x1], $0xffff  }
0x322: {  	[tilespmem:s20+$0x4070] =	vst.add.f32.msk $0xffff, v1  }
0x323: {  	v1 =	vld.idx.msk [tilespmem:v0+s18+$0xFFFFFFF0 ss:$0x1], $0xffff  }
0x324: {  	v7 =	vld.idx.msk [tilespmem:v0+s18+$0xFFFFFF90 ss:$0x1], $0xffff  }
0x325: {  	[tilespmem:s20+$0x4010] =	vst.add.f32.msk $0xffff, v2  }
0x326: {  	[tilespmem:s20+$0x4020] =	vst.add.f32.msk $0xffff, v3  }
.Ltmp30:
0x327: {  	[tilespmem:s20+$0x4030] =	vst.add.f32.msk $0xffff, v4;
	(pc) =	sbr.rel @p0 .LBB2_63-.Ltmp30, $4  }
0x328: {  	[tilespmem:s20+$0x4040] =	vst.add.f32.msk $0xffff, v5  }
0x329: {  	[tilespmem:s20+$0x4050] =	vst.add.f32.msk $0xffff, v6  }
0x32a: {  	[tilespmem:s20+$0x4000] =	vst.add.f32.msk $0xffff, v7  }
0x32b: {  	s18 =	sadd.s32 $0x400, s18;
	[tilespmem:s20+$0x4060] =	vst.add.f32.msk $0xffff, v1  }
0x32c: {  	s13 =	sadd.s32 $0x1, s13  }
0x32d: {  	p0 =	sne.s32 s13, $0x10  }
.Ltmp31:
0x32e: {  	_ = 	snop;
	(pc) =	sbr.rel @p0 .LBB2_62-.Ltmp31, $2  }
0x32f: {  	_ =	sdelay $0x2  }
0x330: {  	s14 =	sadd.s32 $0x400, s14;
	s15 =	sadd.s32 $0x80, s15;
	s12 =	sadd.s32 $0x80, s12  }
0x331: {  	s13 =	sld [smem:$0x7F6];
	_ =	sdelay $0x1  }
0x332: {  	s12 =	simm.s32 $0x0  }
0x333: {  	[hbm4b:s13+s12] =	stream.linear.scatter [tilespmem:s0], [sflag:$0x5], $0x2000, $0x38;
	[tilespmem:$0x1C000] =	vst v63  }
0x334: {  	_ =	swait.ge [sflag:s2], $0x2000  }
0x335: {  	[sflag:s2] =	ssyncset.done $0x0  }
0x336: {  	[sflag:s2] =	ssyncadd.s32 $0xFFFFE000  }
0x337: {  	_ =	swait.ge [sflag:s2], $0x2000  }
0x338: {  	[sflag:s2] =	ssyncset.done $0x0  }
0x339: {  	s23 =	rddreg [dreg:$0x18];
	[sflag:s2] =	ssyncadd.s32 $0xFFFFE000  }
0x33a: {  	[tilespmem:s12], [sflag:$0x1] =	stream.linear.gather [hbm4b:s23+s12], $0x4000, $0x38;
	[tilespmem:$0x1C000] =	vst v63  }
0x33b: {  	_ =	swait.ge [sflag:s9], $0x4000  }
0x33c: {  	[sflag:s9] =	ssyncset.done $0x0  }
0x33d: {  	[sflag:s9] =	ssyncadd.s32 $0xFFFFC000  }
0x33e: {  	_ =	swait.ge [sflag:s4], $0x4000  }
0x33f: {  	[sflag:s4] =	ssyncset.done $0x0  }
0x340: {  	s13 =	simm.s32 $0x0;
	[sflag:s4] =	ssyncadd.s32 $0xFFFFC000  }
.LBB2_66:
0x341: {  	s14 =	sshra.s32 s12, $0x2  }
0x342: {  	v0 =	vld [tilespmem:s14+$0x14070]  }
0x343: {  	v1 =	vld [tilespmem:s14+$0x14000]  }
0x344: {  	v2 =	vld [tilespmem:s14+$0x14010]  }
0x345: {  	v3 =	vld [tilespmem:s14+$0x14020]  }
0x346: {  	v4 =	vld [tilespmem:s14+$0x14030]  }
0x347: {  	v5 =	vld [tilespmem:s14+$0x14040]  }
0x348: {  	v6 =	vld [tilespmem:s14+$0x14050]  }
0x349: {  	[tilespmem:s14+$0x8070] =	vst.add.f32.msk $0xffff, v0  }
0x34a: {  	v0 =	vld [tilespmem:s14+$0x14060]  }
0x34b: {  	[tilespmem:s14+$0x8000] =	vst.add.f32.msk $0xffff, v1  }
0x34c: {  	[tilespmem:s14+$0x8010] =	vst.add.f32.msk $0xffff, v2  }
0x34d: {  	[tilespmem:s14+$0x8020] =	vst.add.f32.msk $0xffff, v3  }
0x34e: {  	[tilespmem:s14+$0x8030] =	vst.add.f32.msk $0xffff, v4  }
0x34f: {  	[tilespmem:s14+$0x8040] =	vst.add.f32.msk $0xffff, v5  }
0x350: {  	s15 =	simm.s32 $0x0;
	s16 =	sadd.s32 $0x1000, s12;
	[tilespmem:s14+$0x8050] =	vst.add.f32.msk $0xffff, v6  }
.LBB2_67:
0x351: {  	s15 =	sadd.s32 $0x80, s15;
	[tilespmem:s14+$0x8060] =	vst.add.f32.msk $0xffff, v0;
	s14 =	sshra.s32 s16, $0x2  }
0x352: {  	v0 =	vld [tilespmem:s14+$0x14070];
	p0 =	slt.u32 s15, $0x380  }
0x353: {  	v1 =	vld [tilespmem:s14+$0x14000]  }
0x354: {  	v2 =	vld [tilespmem:s14+$0x14010]  }
0x355: {  	v3 =	vld [tilespmem:s14+$0x14020]  }
0x356: {  	v4 =	vld [tilespmem:s14+$0x14030]  }
0x357: {  	[tilespmem:s14+$0x8070] =	vst.add.f32.msk $0xffff, v0  }
0x358: {  	v5 =	vld [tilespmem:s14+$0x14040]  }
0x359: {  	v6 =	vld [tilespmem:s14+$0x14050]  }
0x35a: {  	v0 =	vld [tilespmem:s14+$0x14060]  }
0x35b: {  	[tilespmem:s14+$0x8000] =	vst.add.f32.msk $0xffff, v1  }
.Ltmp32:
0x35c: {  	[tilespmem:s14+$0x8010] =	vst.add.f32.msk $0xffff, v2;
	(pc) =	sbr.rel @p0 .LBB2_67-.Ltmp32, $4  }
0x35d: {  	[tilespmem:s14+$0x8020] =	vst.add.f32.msk $0xffff, v3  }
0x35e: {  	[tilespmem:s14+$0x8030] =	vst.add.f32.msk $0xffff, v4  }
0x35f: {  	[tilespmem:s14+$0x8040] =	vst.add.f32.msk $0xffff, v5  }
0x360: {  	s16 =	sadd.s32 $0x1000, s16;
	[tilespmem:s14+$0x8050] =	vst.add.f32.msk $0xffff, v6  }
0x361: {  	s13 =	sadd.s32 $0x1, s13  }
0x362: {  	p0 =	sne.s32 s13, $0x8  }
.Ltmp33:
0x363: {  	_ = 	snop;
	(pc) =	sbr.rel @p0 .LBB2_66-.Ltmp33, $2  }
0x364: {  	_ =	sdelay $0x2  }
0x365: {  	[tilespmem:s14+$0x8060] =	vst.add.f32.msk $0xffff, v0;
	s12 =	sadd.s32 $0x200, s12  }
0x366: {  	s12 =	simm.s32 $0x0;
	s13 =	rddreg [dreg:$0x17]  }
0x367: {  	[hbm4b:s13+s12] =	stream.linear.scatter [tilespmem:s30], [sflag:$0x6], $0x2000, $0x38;
	[tilespmem:$0x1C000] =	vst v63  }
0x368: {  	s14 =	simm.s32 $0x2000;
	s15 =	simm.s32 $0x14070;
	s13 =	simm.s32 $0x8  }
.LBB2_70:
0x369: {  	s16 =	sshll.u32 s14, $0x2  }
0x36a: {  	s16 =	sand.u32 $0xFFFF8000, s16  }
0x36b: {  	s16 =	sshra.s32 s16, $0x2  }
0x36c: {  	v0 =	vmov s16;
	_ =	sdelay $0x4  }
0x36d: {  	v1 =	vld.idx.msk [tilespmem:v0+s15+$0x0 ss:$0x1], $0xffff  }
0x36e: {  	v2 =	vld.idx.msk [tilespmem:v0+s15+$0xFFFFFFA0 ss:$0x1], $0xffff  }
0x36f: {  	v3 =	vld.idx.msk [tilespmem:v0+s15+$0xFFFFFFB0 ss:$0x1], $0xffff  }
0x370: {  	v4 =	vld.idx.msk [tilespmem:v0+s15+$0xFFFFFFC0 ss:$0x1], $0xffff  }
0x371: {  	v5 =	vld.idx.msk [tilespmem:v0+s15+$0xFFFFFFD0 ss:$0x1], $0xffff  }
0x372: {  	v6 =	vld.idx.msk [tilespmem:v0+s15+$0xFFFFFFE0 ss:$0x1], $0xffff  }
0x373: {  	s18 =	sadd.s32 s16, s12;
	v7 =	vld.idx.msk [tilespmem:v0+s15+$0xFFFFFF90 ss:$0x1], $0xffff  }
0x374: {  	[tilespmem:s18+$0x8070] =	vst.add.f32.msk $0xffff, v1  }
0x375: {  	v1 =	vld.idx.msk [tilespmem:v0+s15+$0xFFFFFFF0 ss:$0x1], $0xffff  }
0x376: {  	[tilespmem:s18+$0x8010] =	vst.add.f32.msk $0xffff, v2  }
0x377: {  	[tilespmem:s18+$0x8020] =	vst.add.f32.msk $0xffff, v3  }
0x378: {  	[tilespmem:s18+$0x8030] =	vst.add.f32.msk $0xffff, v4  }
0x379: {  	[tilespmem:s18+$0x8040] =	vst.add.f32.msk $0xffff, v5  }
0x37a: {  	[tilespmem:s18+$0x8050] =	vst.add.f32.msk $0xffff, v6  }
0x37b: {  	[tilespmem:s18+$0x8000] =	vst.add.f32.msk $0xffff, v7  }
0x37c: {  	s17 =	simm.s32 $0x0;
	s19 =	smov.u32 s12;
	[tilespmem:s18+$0x8060] =	vst.add.f32.msk $0xffff, v1;
	s18 =	sadd.s32 $0x400, s15  }
.LBB2_71:
0x37d: {  	v1 =	vld.idx.msk [tilespmem:v0+s18+$0x0 ss:$0x1], $0xffff;
	s17 =	sadd.s32 $0x80, s17  }
0x37e: {  	v2 =	vld.idx.msk [tilespmem:v0+s18+$0xFFFFFFA0 ss:$0x1], $0xffff;
	p0 =	slt.u32 s17, $0x380  }
0x37f: {  	v3 =	vld.idx.msk [tilespmem:v0+s18+$0xFFFFFFB0 ss:$0x1], $0xffff  }
0x380: {  	v4 =	vld.idx.msk [tilespmem:v0+s18+$0xFFFFFFC0 ss:$0x1], $0xffff  }
0x381: {  	s19 =	sadd.s32 $0x400, s19;
	v5 =	vld.idx.msk [tilespmem:v0+s18+$0xFFFFFFD0 ss:$0x1], $0xffff  }
0x382: {  	s20 =	sadd.s32 s16, s19;
	v6 =	vld.idx.msk [tilespmem:v0+s18+$0xFFFFFFE0 ss:$0x1], $0xffff  }
0x383: {  	[tilespmem:s20+$0x8070] =	vst.add.f32.msk $0xffff, v1  }
0x384: {  	v1 =	vld.idx.msk [tilespmem:v0+s18+$0xFFFFFFF0 ss:$0x1], $0xffff  }
0x385: {  	v7 =	vld.idx.msk [tilespmem:v0+s18+$0xFFFFFF90 ss:$0x1], $0xffff  }
0x386: {  	[tilespmem:s20+$0x8010] =	vst.add.f32.msk $0xffff, v2  }
0x387: {  	[tilespmem:s20+$0x8020] =	vst.add.f32.msk $0xffff, v3  }
.Ltmp34:
0x388: {  	[tilespmem:s20+$0x8030] =	vst.add.f32.msk $0xffff, v4;
	(pc) =	sbr.rel @p0 .LBB2_71-.Ltmp34, $4  }
0x389: {  	[tilespmem:s20+$0x8040] =	vst.add.f32.msk $0xffff, v5  }
0x38a: {  	[tilespmem:s20+$0x8050] =	vst.add.f32.msk $0xffff, v6  }
0x38b: {  	[tilespmem:s20+$0x8000] =	vst.add.f32.msk $0xffff, v7  }
0x38c: {  	s18 =	sadd.s32 $0x400, s18;
	[tilespmem:s20+$0x8060] =	vst.add.f32.msk $0xffff, v1  }
0x38d: {  	s13 =	sadd.s32 $0x1, s13  }
0x38e: {  	p0 =	sne.s32 s13, $0x10  }
.Ltmp35:
0x38f: {  	_ = 	snop;
	(pc) =	sbr.rel @p0 .LBB2_70-.Ltmp35, $2  }
0x390: {  	_ =	sdelay $0x2  }
0x391: {  	s14 =	sadd.s32 $0x400, s14;
	s15 =	sadd.s32 $0x80, s15;
	s12 =	sadd.s32 $0x80, s12  }
0x392: {  	s13 =	sld [smem:$0x7F7];
	_ =	sdelay $0x1  }
0x393: {  	s12 =	simm.s32 $0x0  }
0x394: {  	[hbm4b:s13+s12] =	stream.linear.scatter [tilespmem:s5], [sflag:$0x6], $0x2000, $0x38;
	[tilespmem:$0x1C000] =	vst v63  }
0x395: {  	_ =	swait.ge [sflag:s6], $0x2000  }
0x396: {  	[sflag:s6] =	ssyncset.done $0x0  }
0x397: {  	[sflag:s6] =	ssyncadd.s32 $0xFFFFE000  }
0x398: {  	_ =	swait.ge [sflag:s6], $0x2000  }
0x399: {  	[sflag:s6] =	ssyncset.done $0x0  }
0x39a: {  	s23 =	rddreg [dreg:$0x1a];
	[sflag:s6] =	ssyncadd.s32 $0xFFFFE000  }
0x39b: {  	[tilespmem:s25], [sflag:$0x2] =	stream.linear.gather [hbm4b:s23+s12], $0x4000, $0x38;
	[tilespmem:$0x1C000] =	vst v63  }
0x39c: {  	_ =	swait.ge [sflag:s28], $0x4000  }
0x39d: {  	[sflag:s28] =	ssyncset.done $0x0  }
0x39e: {  	s13 =	simm.s32 $0x0;
	[sflag:s28] =	ssyncadd.s32 $0xFFFFC000  }
.LBB2_74:
0x39f: {  	s14 =	sshra.s32 s12, $0x2  }
0x3a0: {  	v0 =	vld [tilespmem:s14+$0x14070]  }
0x3a1: {  	v1 =	vld [tilespmem:s14+$0x14000]  }
0x3a2: {  	v2 =	vld [tilespmem:s14+$0x14010]  }
0x3a3: {  	v3 =	vld [tilespmem:s14+$0x14020]  }
0x3a4: {  	v4 =	vld [tilespmem:s14+$0x14030]  }
0x3a5: {  	v5 =	vld [tilespmem:s14+$0x14040]  }
0x3a6: {  	v6 =	vld [tilespmem:s14+$0x14050]  }
0x3a7: {  	[tilespmem:s14+$0x70] =	vst.add.f32.msk $0xffff, v0  }
0x3a8: {  	v0 =	vld [tilespmem:s14+$0x14060]  }
0x3a9: {  	[tilespmem:s14+$0x0] =	vst.add.f32.msk $0xffff, v1  }
0x3aa: {  	[tilespmem:s14+$0x10] =	vst.add.f32.msk $0xffff, v2  }
0x3ab: {  	[tilespmem:s14+$0x20] =	vst.add.f32.msk $0xffff, v3  }
0x3ac: {  	[tilespmem:s14+$0x30] =	vst.add.f32.msk $0xffff, v4  }
0x3ad: {  	[tilespmem:s14+$0x40] =	vst.add.f32.msk $0xffff, v5  }
0x3ae: {  	s15 =	simm.s32 $0x0;
	s16 =	sadd.s32 $0x1000, s12;
	[tilespmem:s14+$0x50] =	vst.add.f32.msk $0xffff, v6  }
.LBB2_75:
0x3af: {  	s15 =	sadd.s32 $0x80, s15;
	[tilespmem:s14+$0x60] =	vst.add.f32.msk $0xffff, v0;
	s14 =	sshra.s32 s16, $0x2  }
0x3b0: {  	v0 =	vld [tilespmem:s14+$0x14070];
	p0 =	slt.u32 s15, $0x380  }
0x3b1: {  	v1 =	vld [tilespmem:s14+$0x14000]  }
0x3b2: {  	v2 =	vld [tilespmem:s14+$0x14010]  }
0x3b3: {  	v3 =	vld [tilespmem:s14+$0x14020]  }
0x3b4: {  	v4 =	vld [tilespmem:s14+$0x14030]  }
0x3b5: {  	[tilespmem:s14+$0x70] =	vst.add.f32.msk $0xffff, v0  }
0x3b6: {  	v5 =	vld [tilespmem:s14+$0x14040]  }
0x3b7: {  	v6 =	vld [tilespmem:s14+$0x14050]  }
0x3b8: {  	v0 =	vld [tilespmem:s14+$0x14060]  }
0x3b9: {  	[tilespmem:s14+$0x0] =	vst.add.f32.msk $0xffff, v1  }
.Ltmp36:
0x3ba: {  	[tilespmem:s14+$0x10] =	vst.add.f32.msk $0xffff, v2;
	(pc) =	sbr.rel @p0 .LBB2_75-.Ltmp36, $4  }
0x3bb: {  	[tilespmem:s14+$0x20] =	vst.add.f32.msk $0xffff, v3  }
0x3bc: {  	[tilespmem:s14+$0x30] =	vst.add.f32.msk $0xffff, v4  }
0x3bd: {  	[tilespmem:s14+$0x40] =	vst.add.f32.msk $0xffff, v5  }
0x3be: {  	s16 =	sadd.s32 $0x1000, s16;
	[tilespmem:s14+$0x50] =	vst.add.f32.msk $0xffff, v6  }
0x3bf: {  	s13 =	sadd.s32 $0x1, s13  }
0x3c0: {  	p0 =	sne.s32 s13, $0x8  }
.Ltmp37:
0x3c1: {  	_ = 	snop;
	(pc) =	sbr.rel @p0 .LBB2_74-.Ltmp37, $2  }
0x3c2: {  	_ =	sdelay $0x2  }
0x3c3: {  	[tilespmem:s14+$0x60] =	vst.add.f32.msk $0xffff, v0;
	s12 =	sadd.s32 $0x200, s12  }
0x3c4: {  	s12 =	rddreg [dreg:$0x19];
	s13 =	simm.s32 $0x2000  }
0x3c5: {  	[hbm4b:s12+s1] =	stream.linear.scatter [tilespmem:s1], [sflag:$0x4], $0x2000, $0x38;
	[tilespmem:$0x1C000] =	vst v63  }
0x3c6: {  	s14 =	simm.s32 $0x14070;
	s15 =	simm.s32 $0x40;
	s12 =	simm.s32 $0x8  }
.LBB2_78:
0x3c7: {  	s16 =	sshll.u32 s13, $0x2  }
0x3c8: {  	s16 =	sand.u32 $0xFFFF8000, s16  }
0x3c9: {  	s16 =	sshra.s32 s16, $0x2  }
0x3ca: {  	v0 =	vmov s16;
	_ =	sdelay $0x4  }
0x3cb: {  	v1 =	vld.idx.msk [tilespmem:v0+s14+$0x0 ss:$0x1], $0xffff  }
0x3cc: {  	v2 =	vld.idx.msk [tilespmem:v0+s14+$0xFFFFFFA0 ss:$0x1], $0xffff  }
0x3cd: {  	v3 =	vld.idx.msk [tilespmem:v0+s14+$0xFFFFFFB0 ss:$0x1], $0xffff  }
0x3ce: {  	v4 =	vld.idx.msk [tilespmem:v0+s14+$0xFFFFFFC0 ss:$0x1], $0xffff  }
0x3cf: {  	v5 =	vld.idx.msk [tilespmem:v0+s14+$0xFFFFFFD0 ss:$0x1], $0xffff  }
0x3d0: {  	v6 =	vld.idx.msk [tilespmem:v0+s14+$0xFFFFFFE0 ss:$0x1], $0xffff  }
0x3d1: {  	s18 =	sadd.s32 s16, s15;
	v7 =	vld.idx.msk [tilespmem:v0+s14+$0xFFFFFF90 ss:$0x1], $0xffff  }
0x3d2: {  	[tilespmem:s18+$0x30] =	vst.add.f32.msk $0xffff, v1  }
0x3d3: {  	v1 =	vld.idx.msk [tilespmem:v0+s14+$0xFFFFFFF0 ss:$0x1], $0xffff  }
0x3d4: {  	[tilespmem:s18+$0xFFFFFFD0] =	vst.add.f32.msk $0xffff, v2  }
0x3d5: {  	[tilespmem:s18+$0xFFFFFFE0] =	vst.add.f32.msk $0xffff, v3  }
0x3d6: {  	[tilespmem:s18+$0xFFFFFFF0] =	vst.add.f32.msk $0xffff, v4  }
0x3d7: {  	[tilespmem:s18+$0x0] =	vst.add.f32.msk $0xffff, v5  }
0x3d8: {  	[tilespmem:s18+$0x10] =	vst.add.f32.msk $0xffff, v6  }
0x3d9: {  	[tilespmem:s18+$0xFFFFFFC0] =	vst.add.f32.msk $0xffff, v7  }
0x3da: {  	s17 =	simm.s32 $0x0;
	s19 =	smov.u32 s15;
	[tilespmem:s18+$0x20] =	vst.add.f32.msk $0xffff, v1;
	s18 =	sadd.s32 $0x400, s14  }
.LBB2_79:
0x3db: {  	v1 =	vld.idx.msk [tilespmem:v0+s18+$0x0 ss:$0x1], $0xffff;
	s17 =	sadd.s32 $0x80, s17  }
0x3dc: {  	v2 =	vld.idx.msk [tilespmem:v0+s18+$0xFFFFFFA0 ss:$0x1], $0xffff;
	p0 =	slt.u32 s17, $0x380  }
0x3dd: {  	v3 =	vld.idx.msk [tilespmem:v0+s18+$0xFFFFFFB0 ss:$0x1], $0xffff  }
0x3de: {  	v4 =	vld.idx.msk [tilespmem:v0+s18+$0xFFFFFFC0 ss:$0x1], $0xffff  }
0x3df: {  	s19 =	sadd.s32 $0x400, s19;
	v5 =	vld.idx.msk [tilespmem:v0+s18+$0xFFFFFFD0 ss:$0x1], $0xffff  }
0x3e0: {  	s20 =	sadd.s32 s16, s19;
	v6 =	vld.idx.msk [tilespmem:v0+s18+$0xFFFFFFE0 ss:$0x1], $0xffff  }
0x3e1: {  	[tilespmem:s20+$0x30] =	vst.add.f32.msk $0xffff, v1  }
0x3e2: {  	v1 =	vld.idx.msk [tilespmem:v0+s18+$0xFFFFFFF0 ss:$0x1], $0xffff  }
0x3e3: {  	v7 =	vld.idx.msk [tilespmem:v0+s18+$0xFFFFFF90 ss:$0x1], $0xffff  }
0x3e4: {  	[tilespmem:s20+$0xFFFFFFD0] =	vst.add.f32.msk $0xffff, v2  }
0x3e5: {  	[tilespmem:s20+$0xFFFFFFE0] =	vst.add.f32.msk $0xffff, v3  }
.Ltmp38:
0x3e6: {  	[tilespmem:s20+$0xFFFFFFF0] =	vst.add.f32.msk $0xffff, v4;
	(pc) =	sbr.rel @p0 .LBB2_79-.Ltmp38, $4  }
0x3e7: {  	[tilespmem:s20+$0x0] =	vst.add.f32.msk $0xffff, v5  }
0x3e8: {  	[tilespmem:s20+$0x10] =	vst.add.f32.msk $0xffff, v6  }
0x3e9: {  	[tilespmem:s20+$0xFFFFFFC0] =	vst.add.f32.msk $0xffff, v7  }
0x3ea: {  	s18 =	sadd.s32 $0x400, s18;
	[tilespmem:s20+$0x20] =	vst.add.f32.msk $0xffff, v1  }
0x3eb: {  	s12 =	sadd.s32 $0x1, s12  }
0x3ec: {  	p0 =	sne.s32 s12, $0x10  }
.Ltmp39:
0x3ed: {  	_ = 	snop;
	(pc) =	sbr.rel @p0 .LBB2_78-.Ltmp39, $2  }
0x3ee: {  	_ =	sdelay $0x2  }
0x3ef: {  	s13 =	sadd.s32 $0x400, s13;
	s14 =	sadd.s32 $0x80, s14;
	s15 =	sadd.s32 $0x80, s15  }
0x3f0: {  	s13 =	sld [smem:$0x7F8];
	_ =	sdelay $0x1  }
0x3f1: {  	s12 =	simm.s32 $0x0  }
0x3f2: {  	[hbm4b:s13+s12] =	stream.linear.scatter [tilespmem:s29], [sflag:$0x4], $0x2000, $0x38;
	[tilespmem:$0x1C000] =	vst v63  }
0x3f3: {  	_ =	swait.ge [sflag:s7], $0x2000  }
0x3f4: {  	[sflag:s7] =	ssyncset.done $0x0  }
0x3f5: {  	[sflag:s7] =	ssyncadd.s32 $0xFFFFE000  }
0x3f6: {  	_ =	swait.ge [sflag:s7], $0x2000  }
0x3f7: {  	[sflag:s7] =	ssyncset.done $0x0  }
0x3f8: {  	s23 =	rddreg [dreg:$0x1c];
	[sflag:s7] =	ssyncadd.s32 $0xFFFFE000  }
0x3f9: {  	[tilespmem:s30], [sflag:$0x3] =	stream.linear.gather [hbm4b:s23+s12], $0x4000, $0x38;
	[tilespmem:$0x1C000] =	vst v63  }
0x3fa: {  	_ =	swait.ge [sflag:s31], $0x4000  }
0x3fb: {  	[sflag:s31] =	ssyncset.done $0x0  }
0x3fc: {  	s13 =	simm.s32 $0x0;
	[sflag:s31] =	ssyncadd.s32 $0xFFFFC000  }
.LBB2_82:
0x3fd: {  	s14 =	sshra.s32 s12, $0x2  }
0x3fe: {  	v0 =	vld [tilespmem:s14+$0x14070]  }
0x3ff: {  	v1 =	vld [tilespmem:s14+$0x14000]  }
0x400: {  	v2 =	vld [tilespmem:s14+$0x14010]  }
0x401: {  	v3 =	vld [tilespmem:s14+$0x14020]  }
0x402: {  	v4 =	vld [tilespmem:s14+$0x14030]  }
0x403: {  	v5 =	vld [tilespmem:s14+$0x14040]  }
0x404: {  	v6 =	vld [tilespmem:s14+$0x14050]  }
0x405: {  	[tilespmem:s14+$0x4070] =	vst.add.f32.msk $0xffff, v0  }
0x406: {  	v0 =	vld [tilespmem:s14+$0x14060]  }
0x407: {  	[tilespmem:s14+$0x4000] =	vst.add.f32.msk $0xffff, v1  }
0x408: {  	[tilespmem:s14+$0x4010] =	vst.add.f32.msk $0xffff, v2  }
0x409: {  	[tilespmem:s14+$0x4020] =	vst.add.f32.msk $0xffff, v3  }
0x40a: {  	[tilespmem:s14+$0x4030] =	vst.add.f32.msk $0xffff, v4  }
0x40b: {  	[tilespmem:s14+$0x4040] =	vst.add.f32.msk $0xffff, v5  }
0x40c: {  	s15 =	simm.s32 $0x0;
	s16 =	sadd.s32 $0x1000, s12;
	[tilespmem:s14+$0x4050] =	vst.add.f32.msk $0xffff, v6  }
.LBB2_83:
0x40d: {  	s15 =	sadd.s32 $0x80, s15;
	[tilespmem:s14+$0x4060] =	vst.add.f32.msk $0xffff, v0;
	s14 =	sshra.s32 s16, $0x2  }
0x40e: {  	v0 =	vld [tilespmem:s14+$0x14070];
	p0 =	slt.u32 s15, $0x380  }
0x40f: {  	v1 =	vld [tilespmem:s14+$0x14000]  }
0x410: {  	v2 =	vld [tilespmem:s14+$0x14010]  }
0x411: {  	v3 =	vld [tilespmem:s14+$0x14020]  }
0x412: {  	v4 =	vld [tilespmem:s14+$0x14030]  }
0x413: {  	[tilespmem:s14+$0x4070] =	vst.add.f32.msk $0xffff, v0  }
0x414: {  	v5 =	vld [tilespmem:s14+$0x14040]  }
0x415: {  	v6 =	vld [tilespmem:s14+$0x14050]  }
0x416: {  	v0 =	vld [tilespmem:s14+$0x14060]  }
0x417: {  	[tilespmem:s14+$0x4000] =	vst.add.f32.msk $0xffff, v1  }
.Ltmp40:
0x418: {  	[tilespmem:s14+$0x4010] =	vst.add.f32.msk $0xffff, v2;
	(pc) =	sbr.rel @p0 .LBB2_83-.Ltmp40, $4  }
0x419: {  	[tilespmem:s14+$0x4020] =	vst.add.f32.msk $0xffff, v3  }
0x41a: {  	[tilespmem:s14+$0x4030] =	vst.add.f32.msk $0xffff, v4  }
0x41b: {  	[tilespmem:s14+$0x4040] =	vst.add.f32.msk $0xffff, v5  }
0x41c: {  	s16 =	sadd.s32 $0x1000, s16;
	[tilespmem:s14+$0x4050] =	vst.add.f32.msk $0xffff, v6  }
0x41d: {  	s13 =	sadd.s32 $0x1, s13  }
0x41e: {  	p0 =	sne.s32 s13, $0x8  }
.Ltmp41:
0x41f: {  	_ = 	snop;
	(pc) =	sbr.rel @p0 .LBB2_82-.Ltmp41, $2  }
0x420: {  	_ =	sdelay $0x2  }
0x421: {  	[tilespmem:s14+$0x4060] =	vst.add.f32.msk $0xffff, v0;
	s12 =	sadd.s32 $0x200, s12  }
0x422: {  	s12 =	simm.s32 $0x0;
	s13 =	rddreg [dreg:$0x1b];
	s14 =	simm.s32 $0x2000  }
0x423: {  	[hbm4b:s13+s12] =	stream.linear.scatter [tilespmem:s25], [sflag:$0x5], $0x2000, $0x38;
	[tilespmem:$0x1C000] =	vst v63  }
0x424: {  	s15 =	simm.s32 $0xC000;
	s16 =	simm.s32 $0x4040;
	s13 =	simm.s32 $0x8  }
.LBB2_86:
0x425: {  	s17 =	sshll.u32 s14, $0x2  }
0x426: {  	s17 =	sand.u32 $0xFFFF8000, s17  }
0x427: {  	s17 =	sshra.s32 s17, $0x2  }
0x428: {  	v0 =	vmov s17;
	_ =	sdelay $0x4  }
0x429: {  	v1 =	vld.idx.msk [tilespmem:v0+s15+$0x8070 ss:$0x1], $0xffff  }
0x42a: {  	v2 =	vld.idx.msk [tilespmem:v0+s15+$0x8010 ss:$0x1], $0xffff  }
0x42b: {  	v3 =	vld.idx.msk [tilespmem:v0+s15+$0x8020 ss:$0x1], $0xffff  }
0x42c: {  	v4 =	vld.idx.msk [tilespmem:v0+s15+$0x8030 ss:$0x1], $0xffff  }
0x42d: {  	v5 =	vld.idx.msk [tilespmem:v0+s15+$0x8040 ss:$0x1], $0xffff  }
0x42e: {  	v6 =	vld.idx.msk [tilespmem:v0+s15+$0x8050 ss:$0x1], $0xffff  }
0x42f: {  	s19 =	sadd.s32 s17, s12;
	v7 =	vld.idx.msk [tilespmem:v0+s15+$0x8000 ss:$0x1], $0xffff  }
0x430: {  	[tilespmem:s19+$0x4070] =	vst.add.f32.msk $0xffff, v1  }
0x431: {  	v1 =	vld.idx.msk [tilespmem:v0+s15+$0x8060 ss:$0x1], $0xffff  }
0x432: {  	[tilespmem:s19+$0x4010] =	vst.add.f32.msk $0xffff, v2  }
0x433: {  	[tilespmem:s19+$0x4020] =	vst.add.f32.msk $0xffff, v3  }
0x434: {  	s18 =	sadd.s32 s17, s16;
	[tilespmem:s19+$0x4030] =	vst.add.f32.msk $0xffff, v4  }
0x435: {  	[tilespmem:s18+$0x0] =	vst.add.f32.msk $0xffff, v5  }
0x436: {  	[tilespmem:s19+$0x4050] =	vst.add.f32.msk $0xffff, v6  }
0x437: {  	s20 =	smov.u32 s12;
	[tilespmem:s19+$0x4000] =	vst.add.f32.msk $0xffff, v7  }
0x438: {  	s21 =	smov.u32 s16;
	s18 =	simm.s32 $0x0;
	[tilespmem:s19+$0x4060] =	vst.add.f32.msk $0xffff, v1;
	s19 =	sadd.s32 $0x400, s15  }
.LBB2_87:
0x439: {  	v1 =	vld.idx.msk [tilespmem:v0+s19+$0x8070 ss:$0x1], $0xffff;
	s18 =	sadd.s32 $0x80, s18  }
0x43a: {  	v2 =	vld.idx.msk [tilespmem:v0+s19+$0x8010 ss:$0x1], $0xffff;
	p0 =	slt.u32 s18, $0x380  }
0x43b: {  	v3 =	vld.idx.msk [tilespmem:v0+s19+$0x8020 ss:$0x1], $0xffff  }
0x43c: {  	v4 =	vld.idx.msk [tilespmem:v0+s19+$0x8030 ss:$0x1], $0xffff  }
0x43d: {  	s20 =	sadd.s32 $0x400, s20;
	v5 =	vld.idx.msk [tilespmem:v0+s19+$0x8040 ss:$0x1], $0xffff  }
0x43e: {  	s22 =	sadd.s32 s17, s20;
	v6 =	vld.idx.msk [tilespmem:v0+s19+$0x8050 ss:$0x1], $0xffff  }
0x43f: {  	[tilespmem:s22+$0x4070] =	vst.add.f32.msk $0xffff, v1  }
0x440: {  	v1 =	vld.idx.msk [tilespmem:v0+s19+$0x8060 ss:$0x1], $0xffff  }
0x441: {  	v7 =	vld.idx.msk [tilespmem:v0+s19+$0x8000 ss:$0x1], $0xffff  }
0x442: {  	[tilespmem:s22+$0x4010] =	vst.add.f32.msk $0xffff, v2  }
0x443: {  	s21 =	sadd.s32 $0x400, s21;
	[tilespmem:s22+$0x4020] =	vst.add.f32.msk $0xffff, v3  }
.Ltmp42:
0x444: {  	s23 =	sadd.s32 s17, s21;
	[tilespmem:s22+$0x4030] =	vst.add.f32.msk $0xffff, v4;
	(pc) =	sbr.rel @p0 .LBB2_87-.Ltmp42, $4  }
0x445: {  	[tilespmem:s23+$0x0] =	vst.add.f32.msk $0xffff, v5  }
0x446: {  	[tilespmem:s22+$0x4050] =	vst.add.f32.msk $0xffff, v6  }
0x447: {  	[tilespmem:s22+$0x4000] =	vst.add.f32.msk $0xffff, v7  }
0x448: {  	s19 =	sadd.s32 $0x400, s19;
	[tilespmem:s22+$0x4060] =	vst.add.f32.msk $0xffff, v1  }
0x449: {  	s13 =	sadd.s32 $0x1, s13  }
0x44a: {  	p0 =	sne.s32 s13, $0x10  }
.Ltmp43:
0x44b: {  	_ = 	snop;
	(pc) =	sbr.rel @p0 .LBB2_86-.Ltmp43, $3  }
0x44c: {  	_ =	sdelay $0x1  }
0x44d: {  	s14 =	sadd.s32 $0x400, s14  }
0x44e: {  	s15 =	sadd.s32 $0x80, s15;
	s12 =	sadd.s32 $0x80, s12;
	s16 =	sadd.s32 $0x80, s16  }
0x44f: {  	s13 =	sld [smem:$0x7F9];
	_ =	sdelay $0x1  }
0x450: {  	s12 =	simm.s32 $0x0  }
0x451: {  	[hbm4b:s13+s12] =	stream.linear.scatter [tilespmem:s0], [sflag:$0x5], $0x2000, $0x38;
	[tilespmem:$0x1C000] =	vst v63  }
0x452: {  	_ =	swait.ge [sflag:s2], $0x2000  }
0x453: {  	[sflag:s2] =	ssyncset.done $0x0  }
0x454: {  	[sflag:s2] =	ssyncadd.s32 $0xFFFFE000  }
0x455: {  	_ =	swait.ge [sflag:s2], $0x2000  }
0x456: {  	[sflag:s2] =	ssyncset.done $0x0  }
0x457: {  	s23 =	rddreg [dreg:$0x1e];
	[sflag:s2] =	ssyncadd.s32 $0xFFFFE000  }
0x458: {  	[tilespmem:s12], [sflag:$0x1] =	stream.linear.gather [hbm4b:s23+s12], $0x4000, $0x38;
	[tilespmem:$0x1C000] =	vst v63  }
0x459: {  	_ =	swait.ge [sflag:s4], $0x4000  }
0x45a: {  	[sflag:s4] =	ssyncset.done $0x0  }
0x45b: {  	s13 =	simm.s32 $0x0;
	[sflag:s4] =	ssyncadd.s32 $0xFFFFC000  }
.LBB2_90:
0x45c: {  	s14 =	sshra.s32 s12, $0x2  }
0x45d: {  	v0 =	vld [tilespmem:s14+$0x14070]  }
0x45e: {  	v1 =	vld [tilespmem:s14+$0x14000]  }
0x45f: {  	v2 =	vld [tilespmem:s14+$0x14010]  }
0x460: {  	v3 =	vld [tilespmem:s14+$0x14020]  }
0x461: {  	v4 =	vld [tilespmem:s14+$0x14030]  }
0x462: {  	v5 =	vld [tilespmem:s14+$0x14040]  }
0x463: {  	v6 =	vld [tilespmem:s14+$0x14050]  }
0x464: {  	[tilespmem:s14+$0x8070] =	vst.add.f32.msk $0xffff, v0  }
0x465: {  	v0 =	vld [tilespmem:s14+$0x14060]  }
0x466: {  	[tilespmem:s14+$0x8000] =	vst.add.f32.msk $0xffff, v1  }
0x467: {  	[tilespmem:s14+$0x8010] =	vst.add.f32.msk $0xffff, v2  }
0x468: {  	[tilespmem:s14+$0x8020] =	vst.add.f32.msk $0xffff, v3  }
0x469: {  	[tilespmem:s14+$0x8030] =	vst.add.f32.msk $0xffff, v4  }
0x46a: {  	[tilespmem:s14+$0x8040] =	vst.add.f32.msk $0xffff, v5  }
0x46b: {  	s15 =	simm.s32 $0x0;
	s16 =	sadd.s32 $0x1000, s12;
	[tilespmem:s14+$0x8050] =	vst.add.f32.msk $0xffff, v6  }
.LBB2_91:
0x46c: {  	s15 =	sadd.s32 $0x80, s15;
	[tilespmem:s14+$0x8060] =	vst.add.f32.msk $0xffff, v0;
	s14 =	sshra.s32 s16, $0x2  }
0x46d: {  	v0 =	vld [tilespmem:s14+$0x14070];
	p0 =	slt.u32 s15, $0x380  }
0x46e: {  	v1 =	vld [tilespmem:s14+$0x14000]  }
0x46f: {  	v2 =	vld [tilespmem:s14+$0x14010]  }
0x470: {  	v3 =	vld [tilespmem:s14+$0x14020]  }
0x471: {  	v4 =	vld [tilespmem:s14+$0x14030]  }
0x472: {  	[tilespmem:s14+$0x8070] =	vst.add.f32.msk $0xffff, v0  }
0x473: {  	v5 =	vld [tilespmem:s14+$0x14040]  }
0x474: {  	v6 =	vld [tilespmem:s14+$0x14050]  }
0x475: {  	v0 =	vld [tilespmem:s14+$0x14060]  }
0x476: {  	[tilespmem:s14+$0x8000] =	vst.add.f32.msk $0xffff, v1  }
.Ltmp44:
0x477: {  	[tilespmem:s14+$0x8010] =	vst.add.f32.msk $0xffff, v2;
	(pc) =	sbr.rel @p0 .LBB2_91-.Ltmp44, $4  }
0x478: {  	[tilespmem:s14+$0x8020] =	vst.add.f32.msk $0xffff, v3  }
0x479: {  	[tilespmem:s14+$0x8030] =	vst.add.f32.msk $0xffff, v4  }
0x47a: {  	[tilespmem:s14+$0x8040] =	vst.add.f32.msk $0xffff, v5  }
0x47b: {  	s16 =	sadd.s32 $0x1000, s16;
	[tilespmem:s14+$0x8050] =	vst.add.f32.msk $0xffff, v6  }
0x47c: {  	s13 =	sadd.s32 $0x1, s13  }
0x47d: {  	p0 =	sne.s32 s13, $0x8  }
.Ltmp45:
0x47e: {  	_ = 	snop;
	(pc) =	sbr.rel @p0 .LBB2_90-.Ltmp45, $2  }
0x47f: {  	_ =	sdelay $0x2  }
0x480: {  	[tilespmem:s14+$0x8060] =	vst.add.f32.msk $0xffff, v0;
	s12 =	sadd.s32 $0x200, s12  }
0x481: {  	s12 =	simm.s32 $0x0;
	s13 =	rddreg [dreg:$0x1d]  }
0x482: {  	[hbm4b:s13+s12] =	stream.linear.scatter [tilespmem:s30], [sflag:$0x6], $0x2000, $0x38;
	[tilespmem:$0x1C000] =	vst v63  }
0x483: {  	s14 =	simm.s32 $0x2000;
	s15 =	simm.s32 $0x14070;
	s13 =	simm.s32 $0x8  }
.LBB2_94:
0x484: {  	s16 =	sshll.u32 s14, $0x2  }
0x485: {  	s16 =	sand.u32 $0xFFFF8000, s16  }
0x486: {  	s16 =	sshra.s32 s16, $0x2  }
0x487: {  	v0 =	vmov s16;
	_ =	sdelay $0x4  }
0x488: {  	v1 =	vld.idx.msk [tilespmem:v0+s15+$0x0 ss:$0x1], $0xffff  }
0x489: {  	v2 =	vld.idx.msk [tilespmem:v0+s15+$0xFFFFFFA0 ss:$0x1], $0xffff  }
0x48a: {  	v3 =	vld.idx.msk [tilespmem:v0+s15+$0xFFFFFFB0 ss:$0x1], $0xffff  }
0x48b: {  	v4 =	vld.idx.msk [tilespmem:v0+s15+$0xFFFFFFC0 ss:$0x1], $0xffff  }
0x48c: {  	v5 =	vld.idx.msk [tilespmem:v0+s15+$0xFFFFFFD0 ss:$0x1], $0xffff  }
0x48d: {  	v6 =	vld.idx.msk [tilespmem:v0+s15+$0xFFFFFFE0 ss:$0x1], $0xffff  }
0x48e: {  	s18 =	sadd.s32 s16, s12;
	v7 =	vld.idx.msk [tilespmem:v0+s15+$0xFFFFFF90 ss:$0x1], $0xffff  }
0x48f: {  	[tilespmem:s18+$0x8070] =	vst.add.f32.msk $0xffff, v1  }
0x490: {  	v1 =	vld.idx.msk [tilespmem:v0+s15+$0xFFFFFFF0 ss:$0x1], $0xffff  }
0x491: {  	[tilespmem:s18+$0x8010] =	vst.add.f32.msk $0xffff, v2  }
0x492: {  	[tilespmem:s18+$0x8020] =	vst.add.f32.msk $0xffff, v3  }
0x493: {  	[tilespmem:s18+$0x8030] =	vst.add.f32.msk $0xffff, v4  }
0x494: {  	[tilespmem:s18+$0x8040] =	vst.add.f32.msk $0xffff, v5  }
0x495: {  	[tilespmem:s18+$0x8050] =	vst.add.f32.msk $0xffff, v6  }
0x496: {  	[tilespmem:s18+$0x8000] =	vst.add.f32.msk $0xffff, v7  }
0x497: {  	s17 =	simm.s32 $0x0;
	s19 =	smov.u32 s12;
	[tilespmem:s18+$0x8060] =	vst.add.f32.msk $0xffff, v1;
	s18 =	sadd.s32 $0x400, s15  }
.LBB2_95:
0x498: {  	v1 =	vld.idx.msk [tilespmem:v0+s18+$0x0 ss:$0x1], $0xffff;
	s17 =	sadd.s32 $0x80, s17  }
0x499: {  	v2 =	vld.idx.msk [tilespmem:v0+s18+$0xFFFFFFA0 ss:$0x1], $0xffff;
	p0 =	slt.u32 s17, $0x380  }
0x49a: {  	v3 =	vld.idx.msk [tilespmem:v0+s18+$0xFFFFFFB0 ss:$0x1], $0xffff  }
0x49b: {  	v4 =	vld.idx.msk [tilespmem:v0+s18+$0xFFFFFFC0 ss:$0x1], $0xffff  }
0x49c: {  	s19 =	sadd.s32 $0x400, s19;
	v5 =	vld.idx.msk [tilespmem:v0+s18+$0xFFFFFFD0 ss:$0x1], $0xffff  }
0x49d: {  	s20 =	sadd.s32 s16, s19;
	v6 =	vld.idx.msk [tilespmem:v0+s18+$0xFFFFFFE0 ss:$0x1], $0xffff  }
0x49e: {  	[tilespmem:s20+$0x8070] =	vst.add.f32.msk $0xffff, v1  }
0x49f: {  	v1 =	vld.idx.msk [tilespmem:v0+s18+$0xFFFFFFF0 ss:$0x1], $0xffff  }
0x4a0: {  	v7 =	vld.idx.msk [tilespmem:v0+s18+$0xFFFFFF90 ss:$0x1], $0xffff  }
0x4a1: {  	[tilespmem:s20+$0x8010] =	vst.add.f32.msk $0xffff, v2  }
0x4a2: {  	[tilespmem:s20+$0x8020] =	vst.add.f32.msk $0xffff, v3  }
.Ltmp46:
0x4a3: {  	[tilespmem:s20+$0x8030] =	vst.add.f32.msk $0xffff, v4;
	(pc) =	sbr.rel @p0 .LBB2_95-.Ltmp46, $4  }
0x4a4: {  	[tilespmem:s20+$0x8040] =	vst.add.f32.msk $0xffff, v5  }
0x4a5: {  	[tilespmem:s20+$0x8050] =	vst.add.f32.msk $0xffff, v6  }
0x4a6: {  	[tilespmem:s20+$0x8000] =	vst.add.f32.msk $0xffff, v7  }
0x4a7: {  	s18 =	sadd.s32 $0x400, s18;
	[tilespmem:s20+$0x8060] =	vst.add.f32.msk $0xffff, v1  }
0x4a8: {  	s13 =	sadd.s32 $0x1, s13  }
0x4a9: {  	p0 =	sne.s32 s13, $0x10  }
.Ltmp47:
0x4aa: {  	_ = 	snop;
	(pc) =	sbr.rel @p0 .LBB2_94-.Ltmp47, $2  }
0x4ab: {  	_ =	sdelay $0x2  }
0x4ac: {  	s14 =	sadd.s32 $0x400, s14;
	s15 =	sadd.s32 $0x80, s15;
	s12 =	sadd.s32 $0x80, s12  }
0x4ad: {  	s13 =	sld [smem:$0x7FA];
	_ =	sdelay $0x1  }
0x4ae: {  	s12 =	simm.s32 $0x0  }
0x4af: {  	[hbm4b:s13+s12] =	stream.linear.scatter [tilespmem:s5], [sflag:$0x6], $0x2000, $0x38;
	[tilespmem:$0x1C000] =	vst v63  }
0x4b0: {  	_ =	swait.ge [sflag:s6], $0x2000  }
0x4b1: {  	[sflag:s6] =	ssyncset.done $0x0  }
0x4b2: {  	[sflag:s6] =	ssyncadd.s32 $0xFFFFE000  }
0x4b3: {  	_ =	swait.ge [sflag:s6], $0x2000  }
0x4b4: {  	s23 =	sld [smem:$0x7E7]  }
0x4b5: {  	[sflag:s6] =	ssyncset.done $0x0  }
0x4b6: {  	[sflag:s6] =	ssyncadd.s32 $0xFFFFE000  }
0x4b7: {  	[tilespmem:s25], [sflag:$0x2] =	stream.linear.gather [hbm4b:s23+s12], $0x4000, $0x38;
	[tilespmem:$0x1C000] =	vst v63  }
0x4b8: {  	_ =	swait.ge [sflag:s10], $0x4000  }
0x4b9: {  	[sflag:s10] =	ssyncset.done $0x0  }
0x4ba: {  	[sflag:s10] =	ssyncadd.s32 $0xFFFFC000  }
0x4bb: {  	_ =	swait.ge [sflag:s28], $0x4000  }
0x4bc: {  	[sflag:s28] =	ssyncset.done $0x0  }
0x4bd: {  	s13 =	simm.s32 $0x0;
	[sflag:s28] =	ssyncadd.s32 $0xFFFFC000  }
.LBB2_98:
0x4be: {  	s14 =	sshra.s32 s12, $0x2  }
0x4bf: {  	v0 =	vld [tilespmem:s14+$0x18070]  }
0x4c0: {  	v1 =	vld [tilespmem:s14+$0x18000]  }
0x4c1: {  	v2 =	vld [tilespmem:s14+$0x18010]  }
0x4c2: {  	v3 =	vld [tilespmem:s14+$0x18020]  }
0x4c3: {  	v4 =	vld [tilespmem:s14+$0x18030]  }
0x4c4: {  	v5 =	vld [tilespmem:s14+$0x18040]  }
0x4c5: {  	v6 =	vld [tilespmem:s14+$0x18050]  }
0x4c6: {  	[tilespmem:s14+$0x70] =	vst.add.f32.msk $0xffff, v0  }
0x4c7: {  	v0 =	vld [tilespmem:s14+$0x18060]  }
0x4c8: {  	[tilespmem:s14+$0x0] =	vst.add.f32.msk $0xffff, v1  }
0x4c9: {  	[tilespmem:s14+$0x10] =	vst.add.f32.msk $0xffff, v2  }
0x4ca: {  	[tilespmem:s14+$0x20] =	vst.add.f32.msk $0xffff, v3  }
0x4cb: {  	[tilespmem:s14+$0x30] =	vst.add.f32.msk $0xffff, v4  }
0x4cc: {  	[tilespmem:s14+$0x40] =	vst.add.f32.msk $0xffff, v5  }
0x4cd: {  	s15 =	simm.s32 $0x0;
	s16 =	sadd.s32 $0x1000, s12;
	[tilespmem:s14+$0x50] =	vst.add.f32.msk $0xffff, v6  }
.LBB2_99:
0x4ce: {  	s15 =	sadd.s32 $0x80, s15;
	[tilespmem:s14+$0x60] =	vst.add.f32.msk $0xffff, v0;
	s14 =	sshra.s32 s16, $0x2  }
0x4cf: {  	v0 =	vld [tilespmem:s14+$0x18070];
	p0 =	slt.u32 s15, $0x380  }
0x4d0: {  	v1 =	vld [tilespmem:s14+$0x18000]  }
0x4d1: {  	v2 =	vld [tilespmem:s14+$0x18010]  }
0x4d2: {  	v3 =	vld [tilespmem:s14+$0x18020]  }
0x4d3: {  	v4 =	vld [tilespmem:s14+$0x18030]  }
0x4d4: {  	[tilespmem:s14+$0x70] =	vst.add.f32.msk $0xffff, v0  }
0x4d5: {  	v5 =	vld [tilespmem:s14+$0x18040]  }
0x4d6: {  	v6 =	vld [tilespmem:s14+$0x18050]  }
0x4d7: {  	v0 =	vld [tilespmem:s14+$0x18060]  }
0x4d8: {  	[tilespmem:s14+$0x0] =	vst.add.f32.msk $0xffff, v1  }
.Ltmp48:
0x4d9: {  	[tilespmem:s14+$0x10] =	vst.add.f32.msk $0xffff, v2;
	(pc) =	sbr.rel @p0 .LBB2_99-.Ltmp48, $4  }
0x4da: {  	[tilespmem:s14+$0x20] =	vst.add.f32.msk $0xffff, v3  }
0x4db: {  	[tilespmem:s14+$0x30] =	vst.add.f32.msk $0xffff, v4  }
0x4dc: {  	[tilespmem:s14+$0x40] =	vst.add.f32.msk $0xffff, v5  }
0x4dd: {  	s16 =	sadd.s32 $0x1000, s16;
	[tilespmem:s14+$0x50] =	vst.add.f32.msk $0xffff, v6  }
0x4de: {  	s13 =	sadd.s32 $0x1, s13  }
0x4df: {  	p0 =	sne.s32 s13, $0x8  }
.Ltmp49:
0x4e0: {  	_ = 	snop;
	(pc) =	sbr.rel @p0 .LBB2_98-.Ltmp49, $2  }
0x4e1: {  	_ =	sdelay $0x2  }
0x4e2: {  	[tilespmem:s14+$0x60] =	vst.add.f32.msk $0xffff, v0;
	s12 =	sadd.s32 $0x200, s12  }
0x4e3: {  	s12 =	rddreg [dreg:$0x1f];
	s13 =	simm.s32 $0x2000  }
0x4e4: {  	[hbm4b:s12+s1] =	stream.linear.scatter [tilespmem:s1], [sflag:$0x4], $0x2000, $0x38;
	[tilespmem:$0x1C000] =	vst v63  }
0x4e5: {  	s14 =	simm.s32 $0x18070;
	s15 =	simm.s32 $0x40;
	s12 =	simm.s32 $0x8  }
.LBB2_102:
0x4e6: {  	s16 =	sshll.u32 s13, $0x2  }
0x4e7: {  	s16 =	sand.u32 $0xFFFF8000, s16  }
0x4e8: {  	s16 =	sshra.s32 s16, $0x2  }
0x4e9: {  	v0 =	vmov s16;
	_ =	sdelay $0x4  }
0x4ea: {  	v1 =	vld.idx.msk [tilespmem:v0+s14+$0x0 ss:$0x1], $0xffff  }
0x4eb: {  	v2 =	vld.idx.msk [tilespmem:v0+s14+$0xFFFFFFA0 ss:$0x1], $0xffff  }
0x4ec: {  	v3 =	vld.idx.msk [tilespmem:v0+s14+$0xFFFFFFB0 ss:$0x1], $0xffff  }
0x4ed: {  	v4 =	vld.idx.msk [tilespmem:v0+s14+$0xFFFFFFC0 ss:$0x1], $0xffff  }
0x4ee: {  	v5 =	vld.idx.msk [tilespmem:v0+s14+$0xFFFFFFD0 ss:$0x1], $0xffff  }
0x4ef: {  	v6 =	vld.idx.msk [tilespmem:v0+s14+$0xFFFFFFE0 ss:$0x1], $0xffff  }
0x4f0: {  	s18 =	sadd.s32 s16, s15;
	v7 =	vld.idx.msk [tilespmem:v0+s14+$0xFFFFFF90 ss:$0x1], $0xffff  }
0x4f1: {  	[tilespmem:s18+$0x30] =	vst.add.f32.msk $0xffff, v1  }
0x4f2: {  	v1 =	vld.idx.msk [tilespmem:v0+s14+$0xFFFFFFF0 ss:$0x1], $0xffff  }
0x4f3: {  	[tilespmem:s18+$0xFFFFFFD0] =	vst.add.f32.msk $0xffff, v2  }
0x4f4: {  	[tilespmem:s18+$0xFFFFFFE0] =	vst.add.f32.msk $0xffff, v3  }
0x4f5: {  	[tilespmem:s18+$0xFFFFFFF0] =	vst.add.f32.msk $0xffff, v4  }
0x4f6: {  	[tilespmem:s18+$0x0] =	vst.add.f32.msk $0xffff, v5  }
0x4f7: {  	[tilespmem:s18+$0x10] =	vst.add.f32.msk $0xffff, v6  }
0x4f8: {  	[tilespmem:s18+$0xFFFFFFC0] =	vst.add.f32.msk $0xffff, v7  }
0x4f9: {  	s17 =	simm.s32 $0x0;
	s19 =	smov.u32 s15;
	[tilespmem:s18+$0x20] =	vst.add.f32.msk $0xffff, v1;
	s18 =	sadd.s32 $0x400, s14  }
.LBB2_103:
0x4fa: {  	v1 =	vld.idx.msk [tilespmem:v0+s18+$0x0 ss:$0x1], $0xffff;
	s17 =	sadd.s32 $0x80, s17  }
0x4fb: {  	v2 =	vld.idx.msk [tilespmem:v0+s18+$0xFFFFFFA0 ss:$0x1], $0xffff;
	p0 =	slt.u32 s17, $0x380  }
0x4fc: {  	v3 =	vld.idx.msk [tilespmem:v0+s18+$0xFFFFFFB0 ss:$0x1], $0xffff  }
0x4fd: {  	v4 =	vld.idx.msk [tilespmem:v0+s18+$0xFFFFFFC0 ss:$0x1], $0xffff  }
0x4fe: {  	s19 =	sadd.s32 $0x400, s19;
	v5 =	vld.idx.msk [tilespmem:v0+s18+$0xFFFFFFD0 ss:$0x1], $0xffff  }
0x4ff: {  	s20 =	sadd.s32 s16, s19;
	v6 =	vld.idx.msk [tilespmem:v0+s18+$0xFFFFFFE0 ss:$0x1], $0xffff  }
0x500: {  	[tilespmem:s20+$0x30] =	vst.add.f32.msk $0xffff, v1  }
0x501: {  	v1 =	vld.idx.msk [tilespmem:v0+s18+$0xFFFFFFF0 ss:$0x1], $0xffff  }
0x502: {  	v7 =	vld.idx.msk [tilespmem:v0+s18+$0xFFFFFF90 ss:$0x1], $0xffff  }
0x503: {  	[tilespmem:s20+$0xFFFFFFD0] =	vst.add.f32.msk $0xffff, v2  }
0x504: {  	[tilespmem:s20+$0xFFFFFFE0] =	vst.add.f32.msk $0xffff, v3  }
.Ltmp50:
0x505: {  	[tilespmem:s20+$0xFFFFFFF0] =	vst.add.f32.msk $0xffff, v4;
	(pc) =	sbr.rel @p0 .LBB2_103-.Ltmp50, $4  }
0x506: {  	[tilespmem:s20+$0x0] =	vst.add.f32.msk $0xffff, v5  }
0x507: {  	[tilespmem:s20+$0x10] =	vst.add.f32.msk $0xffff, v6  }
0x508: {  	[tilespmem:s20+$0xFFFFFFC0] =	vst.add.f32.msk $0xffff, v7  }
0x509: {  	s18 =	sadd.s32 $0x400, s18;
	[tilespmem:s20+$0x20] =	vst.add.f32.msk $0xffff, v1  }
0x50a: {  	s12 =	sadd.s32 $0x1, s12  }
0x50b: {  	p0 =	sne.s32 s12, $0x10  }
.Ltmp51:
0x50c: {  	_ = 	snop;
	(pc) =	sbr.rel @p0 .LBB2_102-.Ltmp51, $2  }
0x50d: {  	_ =	sdelay $0x2  }
0x50e: {  	s13 =	sadd.s32 $0x400, s13;
	s14 =	sadd.s32 $0x80, s14;
	s15 =	sadd.s32 $0x80, s15  }
0x50f: {  	s13 =	sld [smem:$0x7FB];
	_ =	sdelay $0x1  }
0x510: {  	s12 =	simm.s32 $0x0  }
0x511: {  	[hbm4b:s13+s12] =	stream.linear.scatter [tilespmem:s29], [sflag:$0x4], $0x2000, $0x38;
	[tilespmem:$0x1C000] =	vst v63  }
0x512: {  	_ =	swait.ge [sflag:s7], $0x2000  }
0x513: {  	[sflag:s7] =	ssyncset.done $0x0  }
0x514: {  	[sflag:s7] =	ssyncadd.s32 $0xFFFFE000  }
0x515: {  	_ =	swait.ge [sflag:s7], $0x2000  }
0x516: {  	s23 =	sld [smem:$0x7EA]  }
0x517: {  	[sflag:s7] =	ssyncset.done $0x0  }
0x518: {  	[sflag:s7] =	ssyncadd.s32 $0xFFFFE000  }
0x519: {  	[tilespmem:s30], [sflag:$0x3] =	stream.linear.gather [hbm4b:s23+s12], $0x4000, $0x38;
	[tilespmem:$0x1C000] =	vst v63  }
0x51a: {  	_ =	swait.ge [sflag:s31], $0x4000  }
0x51b: {  	[sflag:s31] =	ssyncset.done $0x0  }
0x51c: {  	s13 =	simm.s32 $0x0;
	[sflag:s31] =	ssyncadd.s32 $0xFFFFC000  }
.LBB2_106:
0x51d: {  	s14 =	sshra.s32 s12, $0x2  }
0x51e: {  	v0 =	vld [tilespmem:s14+$0x18070]  }
0x51f: {  	v1 =	vld [tilespmem:s14+$0x18000]  }
0x520: {  	v2 =	vld [tilespmem:s14+$0x18010]  }
0x521: {  	v3 =	vld [tilespmem:s14+$0x18020]  }
0x522: {  	v4 =	vld [tilespmem:s14+$0x18030]  }
0x523: {  	v5 =	vld [tilespmem:s14+$0x18040]  }
0x524: {  	v6 =	vld [tilespmem:s14+$0x18050]  }
0x525: {  	[tilespmem:s14+$0x4070] =	vst.add.f32.msk $0xffff, v0  }
0x526: {  	v0 =	vld [tilespmem:s14+$0x18060]  }
0x527: {  	[tilespmem:s14+$0x4000] =	vst.add.f32.msk $0xffff, v1  }
0x528: {  	[tilespmem:s14+$0x4010] =	vst.add.f32.msk $0xffff, v2  }
0x529: {  	[tilespmem:s14+$0x4020] =	vst.add.f32.msk $0xffff, v3  }
0x52a: {  	[tilespmem:s14+$0x4030] =	vst.add.f32.msk $0xffff, v4  }
0x52b: {  	[tilespmem:s14+$0x4040] =	vst.add.f32.msk $0xffff, v5  }
0x52c: {  	s15 =	simm.s32 $0x0;
	s16 =	sadd.s32 $0x1000, s12;
	[tilespmem:s14+$0x4050] =	vst.add.f32.msk $0xffff, v6  }
.LBB2_107:
0x52d: {  	s15 =	sadd.s32 $0x80, s15;
	[tilespmem:s14+$0x4060] =	vst.add.f32.msk $0xffff, v0;
	s14 =	sshra.s32 s16, $0x2  }
0x52e: {  	v0 =	vld [tilespmem:s14+$0x18070];
	p0 =	slt.u32 s15, $0x380  }
0x52f: {  	v1 =	vld [tilespmem:s14+$0x18000]  }
0x530: {  	v2 =	vld [tilespmem:s14+$0x18010]  }
0x531: {  	v3 =	vld [tilespmem:s14+$0x18020]  }
0x532: {  	v4 =	vld [tilespmem:s14+$0x18030]  }
0x533: {  	[tilespmem:s14+$0x4070] =	vst.add.f32.msk $0xffff, v0  }
0x534: {  	v5 =	vld [tilespmem:s14+$0x18040]  }
0x535: {  	v6 =	vld [tilespmem:s14+$0x18050]  }
0x536: {  	v0 =	vld [tilespmem:s14+$0x18060]  }
0x537: {  	[tilespmem:s14+$0x4000] =	vst.add.f32.msk $0xffff, v1  }
.Ltmp52:
0x538: {  	[tilespmem:s14+$0x4010] =	vst.add.f32.msk $0xffff, v2;
	(pc) =	sbr.rel @p0 .LBB2_107-.Ltmp52, $4  }
0x539: {  	[tilespmem:s14+$0x4020] =	vst.add.f32.msk $0xffff, v3  }
0x53a: {  	[tilespmem:s14+$0x4030] =	vst.add.f32.msk $0xffff, v4  }
0x53b: {  	[tilespmem:s14+$0x4040] =	vst.add.f32.msk $0xffff, v5  }
0x53c: {  	s16 =	sadd.s32 $0x1000, s16;
	[tilespmem:s14+$0x4050] =	vst.add.f32.msk $0xffff, v6  }
0x53d: {  	s13 =	sadd.s32 $0x1, s13  }
0x53e: {  	p0 =	sne.s32 s13, $0x8  }
.Ltmp53:
0x53f: {  	_ = 	snop;
	(pc) =	sbr.rel @p0 .LBB2_106-.Ltmp53, $2  }
0x540: {  	_ =	sdelay $0x2  }
0x541: {  	[tilespmem:s14+$0x4060] =	vst.add.f32.msk $0xffff, v0;
	s12 =	sadd.s32 $0x200, s12  }
0x542: {  	s13 =	sld [smem:$0x7E8];
	_ =	sdelay $0x1  }
0x543: {  	s12 =	simm.s32 $0x4000  }
0x544: {  	[hbm4b:s13+s1] =	stream.linear.scatter [tilespmem:s12], [sflag:$0x5], $0x2000, $0x38;
	[tilespmem:$0x1C000] =	vst v63  }
0x545: {  	s14 =	simm.s32 $0x2000;
	s15 =	simm.s32 $0x18070;
	s13 =	simm.s32 $0x8  }
.LBB2_110:
0x546: {  	s16 =	sshll.u32 s14, $0x2  }
0x547: {  	s16 =	sand.u32 $0xFFFF8000, s16  }
0x548: {  	s16 =	sshra.s32 s16, $0x2  }
0x549: {  	v0 =	vmov s16;
	_ =	sdelay $0x4  }
0x54a: {  	v1 =	vld.idx.msk [tilespmem:v0+s15+$0x0 ss:$0x1], $0xffff  }
0x54b: {  	v2 =	vld.idx.msk [tilespmem:v0+s15+$0xFFFFFFA0 ss:$0x1], $0xffff  }
0x54c: {  	v3 =	vld.idx.msk [tilespmem:v0+s15+$0xFFFFFFB0 ss:$0x1], $0xffff  }
0x54d: {  	v4 =	vld.idx.msk [tilespmem:v0+s15+$0xFFFFFFC0 ss:$0x1], $0xffff  }
0x54e: {  	v5 =	vld.idx.msk [tilespmem:v0+s15+$0xFFFFFFD0 ss:$0x1], $0xffff  }
0x54f: {  	v6 =	vld.idx.msk [tilespmem:v0+s15+$0xFFFFFFE0 ss:$0x1], $0xffff  }
0x550: {  	s18 =	sadd.s32 s16, s12;
	v7 =	vld.idx.msk [tilespmem:v0+s15+$0xFFFFFF90 ss:$0x1], $0xffff  }
0x551: {  	[tilespmem:s18+$0x70] =	vst.add.f32.msk $0xffff, v1  }
0x552: {  	v1 =	vld.idx.msk [tilespmem:v0+s15+$0xFFFFFFF0 ss:$0x1], $0xffff  }
0x553: {  	[tilespmem:s18+$0x10] =	vst.add.f32.msk $0xffff, v2  }
0x554: {  	[tilespmem:s18+$0x20] =	vst.add.f32.msk $0xffff, v3  }
0x555: {  	[tilespmem:s18+$0x30] =	vst.add.f32.msk $0xffff, v4  }
0x556: {  	[tilespmem:s18+$0x40] =	vst.add.f32.msk $0xffff, v5  }
0x557: {  	[tilespmem:s18+$0x50] =	vst.add.f32.msk $0xffff, v6  }
0x558: {  	[tilespmem:s18+$0x0] =	vst.add.f32.msk $0xffff, v7  }
0x559: {  	s17 =	simm.s32 $0x0;
	s19 =	smov.u32 s12;
	[tilespmem:s18+$0x60] =	vst.add.f32.msk $0xffff, v1;
	s18 =	sadd.s32 $0x400, s15  }
.LBB2_111:
0x55a: {  	v1 =	vld.idx.msk [tilespmem:v0+s18+$0x0 ss:$0x1], $0xffff;
	s17 =	sadd.s32 $0x80, s17  }
0x55b: {  	v2 =	vld.idx.msk [tilespmem:v0+s18+$0xFFFFFFA0 ss:$0x1], $0xffff;
	p0 =	slt.u32 s17, $0x380  }
0x55c: {  	v3 =	vld.idx.msk [tilespmem:v0+s18+$0xFFFFFFB0 ss:$0x1], $0xffff  }
0x55d: {  	v4 =	vld.idx.msk [tilespmem:v0+s18+$0xFFFFFFC0 ss:$0x1], $0xffff  }
0x55e: {  	s19 =	sadd.s32 $0x400, s19;
	v5 =	vld.idx.msk [tilespmem:v0+s18+$0xFFFFFFD0 ss:$0x1], $0xffff  }
0x55f: {  	s20 =	sadd.s32 s16, s19;
	v6 =	vld.idx.msk [tilespmem:v0+s18+$0xFFFFFFE0 ss:$0x1], $0xffff  }
0x560: {  	[tilespmem:s20+$0x70] =	vst.add.f32.msk $0xffff, v1  }
0x561: {  	v1 =	vld.idx.msk [tilespmem:v0+s18+$0xFFFFFFF0 ss:$0x1], $0xffff  }
0x562: {  	v7 =	vld.idx.msk [tilespmem:v0+s18+$0xFFFFFF90 ss:$0x1], $0xffff  }
0x563: {  	[tilespmem:s20+$0x10] =	vst.add.f32.msk $0xffff, v2  }
0x564: {  	[tilespmem:s20+$0x20] =	vst.add.f32.msk $0xffff, v3  }
.Ltmp54:
0x565: {  	[tilespmem:s20+$0x30] =	vst.add.f32.msk $0xffff, v4;
	(pc) =	sbr.rel @p0 .LBB2_111-.Ltmp54, $4  }
0x566: {  	[tilespmem:s20+$0x40] =	vst.add.f32.msk $0xffff, v5  }
0x567: {  	[tilespmem:s20+$0x50] =	vst.add.f32.msk $0xffff, v6  }
0x568: {  	[tilespmem:s20+$0x0] =	vst.add.f32.msk $0xffff, v7  }
0x569: {  	s18 =	sadd.s32 $0x400, s18;
	[tilespmem:s20+$0x60] =	vst.add.f32.msk $0xffff, v1  }
0x56a: {  	s13 =	sadd.s32 $0x1, s13  }
0x56b: {  	p0 =	sne.s32 s13, $0x10  }
.Ltmp55:
0x56c: {  	_ = 	snop;
	(pc) =	sbr.rel @p0 .LBB2_110-.Ltmp55, $2  }
0x56d: {  	_ =	sdelay $0x2  }
0x56e: {  	s14 =	sadd.s32 $0x400, s14;
	s15 =	sadd.s32 $0x80, s15;
	s12 =	sadd.s32 $0x80, s12  }
0x56f: {  	s13 =	sld [smem:$0x7FC];
	_ =	sdelay $0x1  }
0x570: {  	s12 =	simm.s32 $0x0  }
0x571: {  	[hbm4b:s13+s12] =	stream.linear.scatter [tilespmem:s0], [sflag:$0x5], $0x2000, $0x38;
	[tilespmem:$0x1C000] =	vst v63  }
0x572: {  	_ =	swait.ge [sflag:s2], $0x2000  }
0x573: {  	[sflag:s2] =	ssyncset.done $0x0  }
0x574: {  	[sflag:s2] =	ssyncadd.s32 $0xFFFFE000  }
0x575: {  	_ =	swait.ge [sflag:s2], $0x2000  }
0x576: {  	s23 =	sld [smem:$0x7EB]  }
0x577: {  	[sflag:s2] =	ssyncset.done $0x0  }
0x578: {  	[sflag:s2] =	ssyncadd.s32 $0xFFFFE000  }
0x579: {  	[tilespmem:s12], [sflag:$0x1] =	stream.linear.gather [hbm4b:s23+s12], $0x4000, $0x38;
	[tilespmem:$0x1C000] =	vst v63  }
0x57a: {  	_ =	swait.ge [sflag:s4], $0x4000  }
0x57b: {  	[sflag:s4] =	ssyncset.done $0x0  }
0x57c: {  	s13 =	simm.s32 $0x0;
	[sflag:s4] =	ssyncadd.s32 $0xFFFFC000  }
.LBB2_114:
0x57d: {  	s14 =	sshra.s32 s12, $0x2  }
0x57e: {  	v0 =	vld [tilespmem:s14+$0x18070]  }
0x57f: {  	v1 =	vld [tilespmem:s14+$0x18000]  }
0x580: {  	v2 =	vld [tilespmem:s14+$0x18010]  }
0x581: {  	v3 =	vld [tilespmem:s14+$0x18020]  }
0x582: {  	v4 =	vld [tilespmem:s14+$0x18030]  }
0x583: {  	v5 =	vld [tilespmem:s14+$0x18040]  }
0x584: {  	v6 =	vld [tilespmem:s14+$0x18050]  }
0x585: {  	[tilespmem:s14+$0x8070] =	vst.add.f32.msk $0xffff, v0  }
0x586: {  	v0 =	vld [tilespmem:s14+$0x18060]  }
0x587: {  	[tilespmem:s14+$0x8000] =	vst.add.f32.msk $0xffff, v1  }
0x588: {  	[tilespmem:s14+$0x8010] =	vst.add.f32.msk $0xffff, v2  }
0x589: {  	[tilespmem:s14+$0x8020] =	vst.add.f32.msk $0xffff, v3  }
0x58a: {  	[tilespmem:s14+$0x8030] =	vst.add.f32.msk $0xffff, v4  }
0x58b: {  	[tilespmem:s14+$0x8040] =	vst.add.f32.msk $0xffff, v5  }
0x58c: {  	s15 =	simm.s32 $0x0;
	s16 =	sadd.s32 $0x1000, s12;
	[tilespmem:s14+$0x8050] =	vst.add.f32.msk $0xffff, v6  }
.LBB2_115:
0x58d: {  	s15 =	sadd.s32 $0x80, s15;
	[tilespmem:s14+$0x8060] =	vst.add.f32.msk $0xffff, v0;
	s14 =	sshra.s32 s16, $0x2  }
0x58e: {  	v0 =	vld [tilespmem:s14+$0x18070];
	p0 =	slt.u32 s15, $0x380  }
0x58f: {  	v1 =	vld [tilespmem:s14+$0x18000]  }
0x590: {  	v2 =	vld [tilespmem:s14+$0x18010]  }
0x591: {  	v3 =	vld [tilespmem:s14+$0x18020]  }
0x592: {  	v4 =	vld [tilespmem:s14+$0x18030]  }
0x593: {  	[tilespmem:s14+$0x8070] =	vst.add.f32.msk $0xffff, v0  }
0x594: {  	v5 =	vld [tilespmem:s14+$0x18040]  }
0x595: {  	v6 =	vld [tilespmem:s14+$0x18050]  }
0x596: {  	v0 =	vld [tilespmem:s14+$0x18060]  }
0x597: {  	[tilespmem:s14+$0x8000] =	vst.add.f32.msk $0xffff, v1  }
.Ltmp56:
0x598: {  	[tilespmem:s14+$0x8010] =	vst.add.f32.msk $0xffff, v2;
	(pc) =	sbr.rel @p0 .LBB2_115-.Ltmp56, $4  }
0x599: {  	[tilespmem:s14+$0x8020] =	vst.add.f32.msk $0xffff, v3  }
0x59a: {  	[tilespmem:s14+$0x8030] =	vst.add.f32.msk $0xffff, v4  }
0x59b: {  	[tilespmem:s14+$0x8040] =	vst.add.f32.msk $0xffff, v5  }
0x59c: {  	s16 =	sadd.s32 $0x1000, s16;
	[tilespmem:s14+$0x8050] =	vst.add.f32.msk $0xffff, v6  }
0x59d: {  	s13 =	sadd.s32 $0x1, s13  }
0x59e: {  	p0 =	sne.s32 s13, $0x8  }
.Ltmp57:
0x59f: {  	_ = 	snop;
	(pc) =	sbr.rel @p0 .LBB2_114-.Ltmp57, $2  }
0x5a0: {  	_ =	sdelay $0x2  }
0x5a1: {  	[tilespmem:s14+$0x8060] =	vst.add.f32.msk $0xffff, v0;
	s12 =	sadd.s32 $0x200, s12  }
0x5a2: {  	s12 =	sld [smem:$0x7EC];
	_ =	sdelay $0x1  }
0x5a3: {  	s13 =	simm.s32 $0x2000  }
0x5a4: {  	[hbm4b:s12+s1] =	stream.linear.scatter [tilespmem:s30], [sflag:$0x6], $0x2000, $0x38;
	[tilespmem:$0x1C000] =	vst v63  }
0x5a5: {  	s14 =	simm.s32 $0x18070;
	s15 =	simm.s32 $0x8070;
	s12 =	simm.s32 $0x8  }
.LBB2_118:
0x5a6: {  	s16 =	sshll.u32 s13, $0x2  }
0x5a7: {  	s16 =	sand.u32 $0xFFFF8000, s16  }
0x5a8: {  	s16 =	sshra.s32 s16, $0x2  }
0x5a9: {  	v0 =	vmov s16;
	_ =	sdelay $0x4  }
0x5aa: {  	v1 =	vld.idx.msk [tilespmem:v0+s14+$0x0 ss:$0x1], $0xffff  }
0x5ab: {  	v2 =	vld.idx.msk [tilespmem:v0+s14+$0xFFFFFFA0 ss:$0x1], $0xffff  }
0x5ac: {  	v3 =	vld.idx.msk [tilespmem:v0+s14+$0xFFFFFFB0 ss:$0x1], $0xffff  }
0x5ad: {  	v4 =	vld.idx.msk [tilespmem:v0+s14+$0xFFFFFFC0 ss:$0x1], $0xffff  }
0x5ae: {  	v5 =	vld.idx.msk [tilespmem:v0+s14+$0xFFFFFFD0 ss:$0x1], $0xffff  }
0x5af: {  	v6 =	vld.idx.msk [tilespmem:v0+s14+$0xFFFFFFE0 ss:$0x1], $0xffff  }
0x5b0: {  	s18 =	sadd.s32 s16, s15;
	v7 =	vld.idx.msk [tilespmem:v0+s14+$0xFFFFFF90 ss:$0x1], $0xffff  }
0x5b1: {  	[tilespmem:s18+$0x0] =	vst.add.f32.msk $0xffff, v1  }
0x5b2: {  	v1 =	vld.idx.msk [tilespmem:v0+s14+$0xFFFFFFF0 ss:$0x1], $0xffff  }
0x5b3: {  	[tilespmem:s18+$0xFFFFFFA0] =	vst.add.f32.msk $0xffff, v2  }
0x5b4: {  	[tilespmem:s18+$0xFFFFFFB0] =	vst.add.f32.msk $0xffff, v3  }
0x5b5: {  	[tilespmem:s18+$0xFFFFFFC0] =	vst.add.f32.msk $0xffff, v4  }
0x5b6: {  	[tilespmem:s18+$0xFFFFFFD0] =	vst.add.f32.msk $0xffff, v5  }
0x5b7: {  	[tilespmem:s18+$0xFFFFFFE0] =	vst.add.f32.msk $0xffff, v6  }
0x5b8: {  	[tilespmem:s18+$0xFFFFFF90] =	vst.add.f32.msk $0xffff, v7  }
0x5b9: {  	s17 =	simm.s32 $0x0;
	s19 =	smov.u32 s15;
	[tilespmem:s18+$0xFFFFFFF0] =	vst.add.f32.msk $0xffff, v1;
	s18 =	sadd.s32 $0x400, s14  }
.LBB2_119:
0x5ba: {  	v1 =	vld.idx.msk [tilespmem:v0+s18+$0x0 ss:$0x1], $0xffff;
	s17 =	sadd.s32 $0x80, s17  }
0x5bb: {  	v2 =	vld.idx.msk [tilespmem:v0+s18+$0xFFFFFFA0 ss:$0x1], $0xffff;
	p0 =	slt.u32 s17, $0x380  }
0x5bc: {  	v3 =	vld.idx.msk [tilespmem:v0+s18+$0xFFFFFFB0 ss:$0x1], $0xffff  }
0x5bd: {  	v4 =	vld.idx.msk [tilespmem:v0+s18+$0xFFFFFFC0 ss:$0x1], $0xffff  }
0x5be: {  	s19 =	sadd.s32 $0x400, s19;
	v5 =	vld.idx.msk [tilespmem:v0+s18+$0xFFFFFFD0 ss:$0x1], $0xffff  }
0x5bf: {  	s20 =	sadd.s32 s16, s19;
	v6 =	vld.idx.msk [tilespmem:v0+s18+$0xFFFFFFE0 ss:$0x1], $0xffff  }
0x5c0: {  	[tilespmem:s20+$0x0] =	vst.add.f32.msk $0xffff, v1  }
0x5c1: {  	v1 =	vld.idx.msk [tilespmem:v0+s18+$0xFFFFFFF0 ss:$0x1], $0xffff  }
0x5c2: {  	v7 =	vld.idx.msk [tilespmem:v0+s18+$0xFFFFFF90 ss:$0x1], $0xffff  }
0x5c3: {  	[tilespmem:s20+$0xFFFFFFA0] =	vst.add.f32.msk $0xffff, v2  }
0x5c4: {  	[tilespmem:s20+$0xFFFFFFB0] =	vst.add.f32.msk $0xffff, v3  }
.Ltmp58:
0x5c5: {  	[tilespmem:s20+$0xFFFFFFC0] =	vst.add.f32.msk $0xffff, v4;
	(pc) =	sbr.rel @p0 .LBB2_119-.Ltmp58, $4  }
0x5c6: {  	[tilespmem:s20+$0xFFFFFFD0] =	vst.add.f32.msk $0xffff, v5  }
0x5c7: {  	[tilespmem:s20+$0xFFFFFFE0] =	vst.add.f32.msk $0xffff, v6  }
0x5c8: {  	[tilespmem:s20+$0xFFFFFF90] =	vst.add.f32.msk $0xffff, v7  }
0x5c9: {  	s18 =	sadd.s32 $0x400, s18;
	[tilespmem:s20+$0xFFFFFFF0] =	vst.add.f32.msk $0xffff, v1  }
0x5ca: {  	s12 =	sadd.s32 $0x1, s12  }
0x5cb: {  	p0 =	sne.s32 s12, $0x10  }
.Ltmp59:
0x5cc: {  	_ = 	snop;
	(pc) =	sbr.rel @p0 .LBB2_118-.Ltmp59, $2  }
0x5cd: {  	_ =	sdelay $0x2  }
0x5ce: {  	s13 =	sadd.s32 $0x400, s13;
	s14 =	sadd.s32 $0x80, s14;
	s15 =	sadd.s32 $0x80, s15  }
0x5cf: {  	s13 =	sld [smem:$0x7FD];
	_ =	sdelay $0x1  }
0x5d0: {  	s12 =	simm.s32 $0x0  }
0x5d1: {  	[hbm4b:s13+s12] =	stream.linear.scatter [tilespmem:s5], [sflag:$0x6], $0x2000, $0x38;
	[tilespmem:$0x1C000] =	vst v63  }
0x5d2: {  	_ =	swait.ge [sflag:s28], $0x4000  }
0x5d3: {  	[sflag:s28] =	ssyncset.done $0x0  }
0x5d4: {  	s13 =	simm.s32 $0x0;
	[sflag:s28] =	ssyncadd.s32 $0xFFFFC000  }
.LBB2_122:
0x5d5: {  	s14 =	sshra.s32 s12, $0x2  }
0x5d6: {  	v0 =	vld [tilespmem:s14+$0x18070]  }
0x5d7: {  	v1 =	vld [tilespmem:s14+$0x18000]  }
0x5d8: {  	v2 =	vld [tilespmem:s14+$0x18010]  }
0x5d9: {  	v3 =	vld [tilespmem:s14+$0x18020]  }
0x5da: {  	v4 =	vld [tilespmem:s14+$0x18030]  }
0x5db: {  	v5 =	vld [tilespmem:s14+$0x18040]  }
0x5dc: {  	v6 =	vld [tilespmem:s14+$0x18050]  }
0x5dd: {  	[tilespmem:s14+$0x70] =	vst.add.f32.msk $0xffff, v0  }
0x5de: {  	v0 =	vld [tilespmem:s14+$0x18060]  }
0x5df: {  	[tilespmem:s14+$0x0] =	vst.add.f32.msk $0xffff, v1  }
0x5e0: {  	[tilespmem:s14+$0x10] =	vst.add.f32.msk $0xffff, v2  }
0x5e1: {  	[tilespmem:s14+$0x20] =	vst.add.f32.msk $0xffff, v3  }
0x5e2: {  	[tilespmem:s14+$0x30] =	vst.add.f32.msk $0xffff, v4  }
0x5e3: {  	[tilespmem:s14+$0x40] =	vst.add.f32.msk $0xffff, v5  }
0x5e4: {  	s15 =	simm.s32 $0x0;
	s16 =	sadd.s32 $0x1000, s12;
	[tilespmem:s14+$0x50] =	vst.add.f32.msk $0xffff, v6  }
.LBB2_123:
0x5e5: {  	s15 =	sadd.s32 $0x80, s15;
	[tilespmem:s14+$0x60] =	vst.add.f32.msk $0xffff, v0;
	s14 =	sshra.s32 s16, $0x2  }
0x5e6: {  	v0 =	vld [tilespmem:s14+$0x18070];
	p0 =	slt.u32 s15, $0x380  }
0x5e7: {  	v1 =	vld [tilespmem:s14+$0x18000]  }
0x5e8: {  	v2 =	vld [tilespmem:s14+$0x18010]  }
0x5e9: {  	v3 =	vld [tilespmem:s14+$0x18020]  }
0x5ea: {  	v4 =	vld [tilespmem:s14+$0x18030]  }
0x5eb: {  	[tilespmem:s14+$0x70] =	vst.add.f32.msk $0xffff, v0  }
0x5ec: {  	v5 =	vld [tilespmem:s14+$0x18040]  }
0x5ed: {  	v6 =	vld [tilespmem:s14+$0x18050]  }
0x5ee: {  	v0 =	vld [tilespmem:s14+$0x18060]  }
0x5ef: {  	[tilespmem:s14+$0x0] =	vst.add.f32.msk $0xffff, v1  }
.Ltmp60:
0x5f0: {  	[tilespmem:s14+$0x10] =	vst.add.f32.msk $0xffff, v2;
	(pc) =	sbr.rel @p0 .LBB2_123-.Ltmp60, $4  }
0x5f1: {  	[tilespmem:s14+$0x20] =	vst.add.f32.msk $0xffff, v3  }
0x5f2: {  	[tilespmem:s14+$0x30] =	vst.add.f32.msk $0xffff, v4  }
0x5f3: {  	[tilespmem:s14+$0x40] =	vst.add.f32.msk $0xffff, v5  }
0x5f4: {  	s16 =	sadd.s32 $0x1000, s16;
	[tilespmem:s14+$0x50] =	vst.add.f32.msk $0xffff, v6  }
0x5f5: {  	s13 =	sadd.s32 $0x1, s13  }
0x5f6: {  	p0 =	sne.s32 s13, $0x8  }
.Ltmp61:
0x5f7: {  	_ = 	snop;
	(pc) =	sbr.rel @p0 .LBB2_122-.Ltmp61, $2  }
0x5f8: {  	_ =	sdelay $0x2  }
0x5f9: {  	[tilespmem:s14+$0x60] =	vst.add.f32.msk $0xffff, v0;
	s12 =	sadd.s32 $0x200, s12  }
0x5fa: {  	s12 =	sld [smem:$0x7ED];
	_ =	sdelay $0x1  }
0x5fb: {  	s13 =	simm.s32 $0x2000  }
0x5fc: {  	[hbm4b:s12+s1] =	stream.linear.scatter [tilespmem:s1], [sflag:$0x4], $0x2000, $0x38;
	[tilespmem:$0x1C000] =	vst v63  }
0x5fd: {  	s14 =	simm.s32 $0x18070;
	s15 =	simm.s32 $0x40;
	s12 =	simm.s32 $0x8  }
.LBB2_126:
0x5fe: {  	s16 =	sshll.u32 s13, $0x2  }
0x5ff: {  	s16 =	sand.u32 $0xFFFF8000, s16  }
0x600: {  	s16 =	sshra.s32 s16, $0x2  }
0x601: {  	v0 =	vmov s16;
	_ =	sdelay $0x4  }
0x602: {  	v1 =	vld.idx.msk [tilespmem:v0+s14+$0x0 ss:$0x1], $0xffff  }
0x603: {  	v2 =	vld.idx.msk [tilespmem:v0+s14+$0xFFFFFFA0 ss:$0x1], $0xffff  }
0x604: {  	v3 =	vld.idx.msk [tilespmem:v0+s14+$0xFFFFFFB0 ss:$0x1], $0xffff  }
0x605: {  	v4 =	vld.idx.msk [tilespmem:v0+s14+$0xFFFFFFC0 ss:$0x1], $0xffff  }
0x606: {  	v5 =	vld.idx.msk [tilespmem:v0+s14+$0xFFFFFFD0 ss:$0x1], $0xffff  }
0x607: {  	v6 =	vld.idx.msk [tilespmem:v0+s14+$0xFFFFFFE0 ss:$0x1], $0xffff  }
0x608: {  	s18 =	sadd.s32 s16, s15;
	v7 =	vld.idx.msk [tilespmem:v0+s14+$0xFFFFFF90 ss:$0x1], $0xffff  }
0x609: {  	[tilespmem:s18+$0x30] =	vst.add.f32.msk $0xffff, v1  }
0x60a: {  	v1 =	vld.idx.msk [tilespmem:v0+s14+$0xFFFFFFF0 ss:$0x1], $0xffff  }
0x60b: {  	[tilespmem:s18+$0xFFFFFFD0] =	vst.add.f32.msk $0xffff, v2  }
0x60c: {  	[tilespmem:s18+$0xFFFFFFE0] =	vst.add.f32.msk $0xffff, v3  }
0x60d: {  	[tilespmem:s18+$0xFFFFFFF0] =	vst.add.f32.msk $0xffff, v4  }
0x60e: {  	[tilespmem:s18+$0x0] =	vst.add.f32.msk $0xffff, v5  }
0x60f: {  	[tilespmem:s18+$0x10] =	vst.add.f32.msk $0xffff, v6  }
0x610: {  	[tilespmem:s18+$0xFFFFFFC0] =	vst.add.f32.msk $0xffff, v7  }
0x611: {  	s17 =	simm.s32 $0x0;
	s19 =	smov.u32 s15;
	[tilespmem:s18+$0x20] =	vst.add.f32.msk $0xffff, v1;
	s18 =	sadd.s32 $0x400, s14  }
.LBB2_127:
0x612: {  	v1 =	vld.idx.msk [tilespmem:v0+s18+$0x0 ss:$0x1], $0xffff;
	s17 =	sadd.s32 $0x80, s17  }
0x613: {  	v2 =	vld.idx.msk [tilespmem:v0+s18+$0xFFFFFFA0 ss:$0x1], $0xffff;
	p0 =	slt.u32 s17, $0x380  }
0x614: {  	v3 =	vld.idx.msk [tilespmem:v0+s18+$0xFFFFFFB0 ss:$0x1], $0xffff  }
0x615: {  	v4 =	vld.idx.msk [tilespmem:v0+s18+$0xFFFFFFC0 ss:$0x1], $0xffff  }
0x616: {  	s19 =	sadd.s32 $0x400, s19;
	v5 =	vld.idx.msk [tilespmem:v0+s18+$0xFFFFFFD0 ss:$0x1], $0xffff  }
0x617: {  	s20 =	sadd.s32 s16, s19;
	v6 =	vld.idx.msk [tilespmem:v0+s18+$0xFFFFFFE0 ss:$0x1], $0xffff  }
0x618: {  	[tilespmem:s20+$0x30] =	vst.add.f32.msk $0xffff, v1  }
0x619: {  	v1 =	vld.idx.msk [tilespmem:v0+s18+$0xFFFFFFF0 ss:$0x1], $0xffff  }
0x61a: {  	v7 =	vld.idx.msk [tilespmem:v0+s18+$0xFFFFFF90 ss:$0x1], $0xffff  }
0x61b: {  	[tilespmem:s20+$0xFFFFFFD0] =	vst.add.f32.msk $0xffff, v2  }
0x61c: {  	[tilespmem:s20+$0xFFFFFFE0] =	vst.add.f32.msk $0xffff, v3  }
.Ltmp62:
0x61d: {  	[tilespmem:s20+$0xFFFFFFF0] =	vst.add.f32.msk $0xffff, v4;
	(pc) =	sbr.rel @p0 .LBB2_127-.Ltmp62, $4  }
0x61e: {  	[tilespmem:s20+$0x0] =	vst.add.f32.msk $0xffff, v5  }
0x61f: {  	[tilespmem:s20+$0x10] =	vst.add.f32.msk $0xffff, v6  }
0x620: {  	[tilespmem:s20+$0xFFFFFFC0] =	vst.add.f32.msk $0xffff, v7  }
0x621: {  	s18 =	sadd.s32 $0x400, s18;
	[tilespmem:s20+$0x20] =	vst.add.f32.msk $0xffff, v1  }
0x622: {  	s12 =	sadd.s32 $0x1, s12  }
0x623: {  	p0 =	sne.s32 s12, $0x10  }
.Ltmp63:
0x624: {  	_ = 	snop;
	(pc) =	sbr.rel @p0 .LBB2_126-.Ltmp63, $2  }
0x625: {  	_ =	sdelay $0x2  }
0x626: {  	s13 =	sadd.s32 $0x400, s13;
	s14 =	sadd.s32 $0x80, s14;
	s15 =	sadd.s32 $0x80, s15  }
0x627: {  	[hbm4b:s24+s1] =	stream.linear.scatter [tilespmem:s29], [sflag:$0x4], $0x2000, $0x38;
	[tilespmem:$0x1C000] =	vst v63  }
0x628: {  	_ =	swait.ge [sflag:s6], $0x2000  }
0x629: {  	[sflag:s6] =	ssyncset.done $0x0  }
0x62a: {  	[sflag:s6] =	ssyncadd.s32 $0xFFFFE000  }
0x62b: {  	_ =	swait.ge [sflag:s6], $0x2000  }
0x62c: {  	[sflag:s6] =	ssyncset.done $0x0  }
0x62d: {  	[sflag:s6] =	ssyncadd.s32 $0xFFFFE000  }
0x62e: {  	_ =	swait.ge [sflag:s7], $0x2000  }
0x62f: {  	[sflag:s7] =	ssyncset.done $0x0  }
0x630: {  	[sflag:s7] =	ssyncadd.s32 $0xFFFFE000  }
0x631: {  	_ =	swait.ge [sflag:s7], $0x2000  }
0x632: {  	[sflag:s7] =	ssyncset.done $0x0  }
0x633: {  	[sflag:s7] =	ssyncadd.s32 $0xFFFFE000  }
0x634: {  	_ =	swait.ge [sflag:s2], $0x2000  }
0x635: {  	[sflag:s2] =	ssyncset.done $0x0  }
0x636: {  	[sflag:s2] =	ssyncadd.s32 $0xFFFFE000  }
0x637: {  	_ =	swait.ge [sflag:s2], $0x2000  }
0x638: {  	s12 =	sld [smem:$0x7EE];
	_ =	sdelay $0x1  }
0x639: {  	s11 =	sadd.s32 $0x1, s11  }
0x63a: {  	p0 =	sne.s32 s11, s12  }
.Ltmp64:
0x63b: {  	_ = 	snop;
	(pc) =	sbr.rel @p0 .LBB2_1-.Ltmp64, $3  }
0x63c: {  	_ =	sdelay $0x1  }
0x63d: {  	[sflag:s2] =	ssyncset.done $0x0  }
0x63e: {  	[sflag:s2] =	ssyncadd.s32 $0xFFFFE000  }
0x63f: {  	_ =	sfence.sel $0x180000  }
0x640: {  	[bflag:$0x0] =	sbarrier.arrive $0xFFFF  }
0x641: {  	_ =	strace $0x90000047  }
0x642: {  	s0 =	stileid.u32;
	[bflag:$0x2] =	sbarrier.arrive $0xFFFF  }
0x643: {  	p0 =	sne.s32 s0, $0x0;
	s0 =	rddreg [dreg:$0x3]  }
0x644: {  	s0 =	sadd.s32 @!p0 $0x100000, s0  }
0x645: {  	[sflag:s0] =	ssyncadd.tile.s32 @!p0 $0x1;
	_ =	shalt  }
.Lfunc_end2:
_tile_overlayer_lowered:
.L_overlay_start_2:
0x646: {  	(tag) =	ssettag $0x2  }
0x647: {  	s0 =	rddreg [dreg:$0x0];
	s2 =	stileid.u32  }
0x648: {  	s1 =	rddreg [dreg:$0x1];
	p0 =	sne.s32 s2, $0x0  }
0x649: {  	s3 =	rddreg [dreg:$0x2];
	[bflag:$0x3] =	sbarrier.arrive $0xFFFF;
	s2 =	simm.s32 @!p0 $0x1C0B  }
0x64a: {  	[timem:s3], [sflag:s2] =	dma.local @!p0 [hbm:s0], s1  }
0x64b: {  	s0 =	simm.s32 @!p0 $0xB  }
0x64c: {  	_ =	swait.ge @!p0 [sflag:s0], s1  }
0x64d: {  	s1 =	ssub.s32 @!p0 $0x0, s1;
	[sflag:s0] =	ssyncset.done @!p0 $0x0  }
0x64e: {  	[sflag:s0] =	ssyncadd.s32 @!p0 s1  }
0x64f: {  	[bflag:$0x3] =	sbarrier.arrive $0xFFFF  }
0x650: {  	_ =	shalt  }

</sc_bundles>
